<compile_context>
chip_gen: v7x
topology: tpu7x:2x2x1
jax: 0.10.2.dev20260603
libtpu: 0.0.44.dev20260713+nightly
codegen_flags: <defaults>
</compile_context>

<pallas_src>
import functools

import jax
import jax.numpy as jnp
from jax import lax
from jax.experimental import pallas as pl
from jax.experimental.pallas import tpu as pltpu
from jax.experimental.pallas import tpu_sc as plsc

BATCH = 16384
DIM = 32
NC = 2
NS = 16
LANES = 16
NW = NC * NS
BPW = BATCH // NW
CH = 128
NCHUNK = BPW // CH
LINE = 128

TBLK = 32768
GRP = TBLK // 4
TSH = 15
GSH = 13

_mesh = plsc.VectorSubcoreMesh(core_axis_name="c", subcore_axis_name="s")


def _transpose_body(tab_t_ref, out_ref):
    y = tab_t_ref[...].T
    out_ref[...] = jnp.concatenate(
        [y[c * GRP:(c + 1) * GRP, :] for c in range(4)], axis=1)


def _to_lines(tab_t):
    n = tab_t.shape[1]
    grid = pl.cdiv(n, TBLK)
    return pl.pallas_call(
        _transpose_body,
        grid=(grid,),
        in_specs=[pl.BlockSpec((DIM, TBLK), lambda g: (0, g))],
        out_specs=pl.BlockSpec((GRP, LINE), lambda g: (g, 0)),
        out_shape=jax.ShapeDtypeStruct((grid * GRP, LINE), jnp.float32),
    )(tab_t)


def _line_of(r):
    return (lax.shift_left(lax.shift_right_logical(r, TSH), GSH)
            | (r & (GRP - 1)))


def _colbase_of(r):
    return lax.shift_left(lax.shift_right_logical(r, GSH) & 3, 5)


@functools.partial(
    pl.kernel,
    out_type=jax.ShapeDtypeStruct((BATCH,), jnp.float32),
    mesh=_mesh,
    compiler_params=pltpu.CompilerParams(needs_layout_passes=False),
    scratch_types=[
        pltpu.VMEM((NCHUNK, CH), jnp.int32),
        pltpu.VMEM((NCHUNK, CH), jnp.int32),
        pltpu.VMEM((NCHUNK, CH), jnp.int32),
        pltpu.VMEM((NCHUNK, CH), jnp.int32),
        pltpu.VMEM((2, CH, LINE), jnp.float32),
        pltpu.VMEM((2, CH, LINE), jnp.float32),
        pltpu.VMEM((BPW,), jnp.float32),
        pltpu.SemaphoreType.DMA,
        pltpu.SemaphoreType.DMA,
        pltpu.SemaphoreType.DMA,
        pltpu.SemaphoreType.DMA,
        pltpu.SemaphoreType.DMA,
    ],
)
def _mf_sc(user_hbm, item_hbm, utab_hbm, itab_hbm, out_hbm,
           uidx_v, iidx_v, ugidx_v, igidx_v, ubuf, ibuf, res_v,
           sem_idx, sem_u0, sem_u1, sem_i0, sem_i1):
    wid = lax.axis_index("s") * NC + lax.axis_index("c")
    base = wid * BPW

    idx_copies = []
    for j in range(NCHUNK):
        off = base + j * CH
        idx_copies.append(pltpu.async_copy(
            user_hbm.at[pl.ds(off, CH)], uidx_v.at[j], sem_idx))
        idx_copies.append(pltpu.async_copy(
            item_hbm.at[pl.ds(off, CH)], iidx_v.at[j], sem_idx))
    for c in idx_copies:
        c.wait()

    lane = lax.iota(jnp.int32, LANES)
    for j in range(NCHUNK):
        jf = jnp.full((LANES,), j, jnp.int32)
        for q in range(CH // LANES):
            kq = lane + q * LANES
            ru = plsc.load_gather(uidx_v, [jf, kq])
            ri = plsc.load_gather(iidx_v, [jf, kq])
            plsc.store_scatter(ugidx_v, [jf, kq], _line_of(ru))
            plsc.store_scatter(igidx_v, [jf, kq], _line_of(ri))

    sem_u = (sem_u0, sem_u1)
    sem_i = (sem_i0, sem_i1)

    def fire(j):
        s = j & 1
        return (pltpu.async_copy(utab_hbm.at[ugidx_v.at[j]], ubuf.at[s],
                                 sem_u[s]),
                pltpu.async_copy(itab_hbm.at[igidx_v.at[j]], ibuf.at[s],
                                 sem_i[s]))

    pending = fire(0)
    for j in range(NCHUNK):
        cu_, ci_ = pending
        if j + 1 < NCHUNK:
            nxt = fire(j + 1)
        cu_.wait()
        ci_.wait()
        if j + 1 < NCHUNK:
            pending = nxt

        s = j & 1
        ub2 = ubuf.at[s]
        ib2 = ibuf.at[s]
        jf = jnp.full((LANES,), j, jnp.int32)

        def qbody(q, carry, ub2=ub2, ib2=ib2, jf=jf):
            kq = lane + q * LANES
            ru = plsc.load_gather(uidx_v, [jf, kq])
            ri = plsc.load_gather(iidx_v, [jf, kq])
            ucol = _colbase_of(ru)
            icol = _colbase_of(ri)
            acc = jnp.zeros((LANES,), jnp.float32)
            for d in range(DIM):
                u = plsc.load_gather(ub2, [kq, ucol + d])
                v = plsc.load_gather(ib2, [kq, icol + d])
                acc = acc + u * v
            plsc.store_scatter(res_v, [jf * CH + kq], acc)
            return carry

        lax.fori_loop(0, CH // LANES, qbody, 0)

    pltpu.sync_copy(res_v, out_hbm.at[pl.ds(base, BPW)])


def kernel(user, item, user_emb_table, item_emb_table):
    utab = _to_lines(user_emb_table.T)
    itab = _to_lines(item_emb_table.T)
    return _mf_sc(user.astype(jnp.int32), item.astype(jnp.int32),
                  utab, itab)

# --- scband reference (transcript-rebuilt; emitter-appended) ---
"""Pipeline reference for scband-mfmodel-30623116821296 (READ-ONLY COPY).

The authoritative reference and input builder live on the scoring server;
editing this copy changes nothing except your own understanding.
"""

import jax, jax.numpy as jnp
import numpy as np
import math

USER_NUM = 1000000
ITEM_NUM = 1000000
DIM = 32
BATCH = 16384

def setup_inputs(seed: int = 0) -> dict:
    key = jax.random.key(seed)
    k_u, k_i, k_ue, k_ie = jax.random.split(key, 4)
    stdv = 1.0 / math.sqrt(DIM)
    user = jax.random.randint(k_u, (BATCH,), 0, USER_NUM, dtype=jnp.int64 if jax.config.read('jax_enable_x64') else jnp.int32)
    item = jax.random.randint(k_i, (BATCH,), 0, ITEM_NUM, dtype=jnp.int64 if jax.config.read('jax_enable_x64') else jnp.int32)
    user_emb_table = jax.random.normal(k_ue, (USER_NUM, DIM), dtype=jnp.float32) * stdv
    item_emb_table = jax.random.normal(k_ie, (ITEM_NUM, DIM), dtype=jnp.float32) * stdv
    return {"user": user, "item": item, "user_emb_table": user_emb_table, "item_emb_table": item_emb_table}

def reference(user, item, user_emb_table, item_emb_table):
    # data['user'].int() / data['item'].int() -> cast indices to int32
    user_idx = user.astype(jnp.int32)
    item_idx = item.astype(jnp.int32)
    user_emb = jnp.take(user_emb_table, user_idx, axis=0)
    item_emb = jnp.take(item_emb_table, item_idx, axis=0)
    return (user_emb * item_emb).sum(-1)

if __name__ == "__main__":
    import jax
    _d = setup_inputs()
    print(jax.jit(kernel)(*tuple(_d.values())))

</pallas_src>

<mosaic_0001>
#map = affine_map<(d0, d1) -> (0)>
#map1 = affine_map<(d0, d1) -> (0, 0)>
module attributes {stable_mosaic.version = 14 : i64} {
  func.func @_mf_sc(%arg0: i32, %arg1: i32, %arg2: memref<16384xi32, #tpu.memory_space<hbm>>, %arg3: memref<16384xi32, #tpu.memory_space<hbm>>, %arg4: memref<253952x128xf32, #tpu.memory_space<hbm>>, %arg5: memref<253952x128xf32, #tpu.memory_space<hbm>>, %arg6: memref<16384xf32, #tpu.memory_space<hbm>>, %arg7: memref<4x128xi32, #tpu.memory_space<vmem>>, %arg8: memref<4x128xi32, #tpu.memory_space<vmem>>, %arg9: memref<4x128xi32, #tpu.memory_space<vmem>>, %arg10: memref<4x128xi32, #tpu.memory_space<vmem>>, %arg11: memref<2x128x128xf32, #tpu.memory_space<vmem>>, %arg12: memref<2x128x128xf32, #tpu.memory_space<vmem>>, %arg13: memref<512xf32, #tpu.memory_space<vmem>>, %arg14: memref<!tpu.dma_semaphore, #tpu.memory_space<semaphore_mem>>, %arg15: memref<!tpu.dma_semaphore, #tpu.memory_space<semaphore_mem>>, %arg16: memref<!tpu.dma_semaphore, #tpu.memory_space<semaphore_mem>>, %arg17: memref<!tpu.dma_semaphore, #tpu.memory_space<semaphore_mem>>, %arg18: memref<!tpu.dma_semaphore, #tpu.memory_space<semaphore_mem>>) attributes {dimension_semantics = [#tpu.dimension_semantics<core_parallel>, #tpu.dimension_semantics<subcore_parallel>], iteration_bounds = array<i64: 2, 16>, scalar_prefetch = 0 : i64, scratch_operands = 12 : i64, tpu.core_type = #tpu.core_type<sc_vector_subcore>, window_params = [{transform_indices = #map}, {transform_indices = #map}, {transform_indices = #map1}, {transform_indices = #map1}, {transform_indices = #map}]} {
    %mul3A = arith.constant 2 : i32
    %mul3A_0 = arith.muli %arg1, %mul3A : i32
    %add3A = arith.addi %mul3A_0, %arg0 : i32
    %mul3A_1 = arith.constant 512 : i32
    %mul3A_2 = arith.muli %add3A, %mul3A_1 : i32
    %add3A_3 = arith.constant 0 : i32
    %add3A_4 = arith.addi %mul3A_2, %add3A_3 : i32
    %dma_start3A = arith.constant 0 : i32
    %dma_start3A_5 = arith.constant 0 : i32
    %dma_start3A_6 = tpu.memref_slice %arg7[%dma_start3A, %dma_start3A_5] : memref<4x128xi32, #tpu.memory_space<vmem>> -> memref<1x128xi32, #tpu.memory_space<vmem>>
    %dma_start3A_7 = tpu.memref_squeeze %dma_start3A_6 : memref<1x128xi32, #tpu.memory_space<vmem>> -> memref<128xi32, #tpu.memory_space<vmem>>
    %dma_start3A_8 = tpu.memref_slice %arg2[%add3A_4] : memref<16384xi32, #tpu.memory_space<hbm>> -> memref<128xi32, #tpu.memory_space<hbm>>
    %dma_start3A_9 = arith.constant 0 : i32
    %dma_start3A_10 = tpu.memref_slice %arg7[%dma_start3A, %dma_start3A_9] : memref<4x128xi32, #tpu.memory_space<vmem>> -> memref<1x128xi32, #tpu.memory_space<vmem>>
    %dma_start3A_11 = tpu.memref_squeeze %dma_start3A_10 : memref<1x128xi32, #tpu.memory_space<vmem>> -> memref<128xi32, #tpu.memory_space<vmem>>
    %dma_start3A_12 = tpu.memref_slice %arg2[%add3A_4] : memref<16384xi32, #tpu.memory_space<hbm>> -> memref<128xi32, #tpu.memory_space<hbm>>
    tpu.enqueue_dma source(%dma_start3A_12 : memref<128xi32, #tpu.memory_space<hbm>>) target(%dma_start3A_11 : memref<128xi32, #tpu.memory_space<vmem>>) target_semaphore(%arg14 : memref<!tpu.dma_semaphore, #tpu.memory_space<semaphore_mem>>)
    %dma_start3A_13 = arith.constant 0 : i32
    %dma_start3A_14 = arith.constant 0 : i32
    %dma_start3A_15 = tpu.memref_slice %arg8[%dma_start3A_13, %dma_start3A_14] : memref<4x128xi32, #tpu.memory_space<vmem>> -> memref<1x128xi32, #tpu.memory_space<vmem>>
    %dma_start3A_16 = tpu.memref_squeeze %dma_start3A_15 : memref<1x128xi32, #tpu.memory_space<vmem>> -> memref<128xi32, #tpu.memory_space<vmem>>
    %dma_start3A_17 = tpu.memref_slice %arg3[%add3A_4] : memref<16384xi32, #tpu.memory_space<hbm>> -> memref<128xi32, #tpu.memory_space<hbm>>
    %dma_start3A_18 = arith.constant 0 : i32
    %dma_start3A_19 = tpu.memref_slice %arg8[%dma_start3A_13, %dma_start3A_18] : memref<4x128xi32, #tpu.memory_space<vmem>> -> memref<1x128xi32, #tpu.memory_space<vmem>>
    %dma_start3A_20 = tpu.memref_squeeze %dma_start3A_19 : memref<1x128xi32, #tpu.memory_space<vmem>> -> memref<128xi32, #tpu.memory_space<vmem>>
    %dma_start3A_21 = tpu.memref_slice %arg3[%add3A_4] : memref<16384xi32, #tpu.memory_space<hbm>> -> memref<128xi32, #tpu.memory_space<hbm>>
    tpu.enqueue_dma source(%dma_start3A_21 : memref<128xi32, #tpu.memory_space<hbm>>) target(%dma_start3A_20 : memref<128xi32, #tpu.memory_space<vmem>>) target_semaphore(%arg14 : memref<!tpu.dma_semaphore, #tpu.memory_space<semaphore_mem>>)
    %add3A_22 = arith.constant 128 : i32
    %add3A_23 = arith.addi %mul3A_2, %add3A_22 : i32
    %dma_start3A_24 = arith.constant 1 : i32
    %dma_start3A_25 = arith.constant 0 : i32
    %dma_start3A_26 = tpu.memref_slice %arg7[%dma_start3A_24, %dma_start3A_25] : memref<4x128xi32, #tpu.memory_space<vmem>> -> memref<1x128xi32, #tpu.memory_space<vmem>>
    %dma_start3A_27 = tpu.memref_squeeze %dma_start3A_26 : memref<1x128xi32, #tpu.memory_space<vmem>> -> memref<128xi32, #tpu.memory_space<vmem>>
    %dma_start3A_28 = tpu.memref_slice %arg2[%add3A_23] : memref<16384xi32, #tpu.memory_space<hbm>> -> memref<128xi32, #tpu.memory_space<hbm>>
    %dma_start3A_29 = arith.constant 0 : i32
    %dma_start3A_30 = tpu.memref_slice %arg7[%dma_start3A_24, %dma_start3A_29] : memref<4x128xi32, #tpu.memory_space<vmem>> -> memref<1x128xi32, #tpu.memory_space<vmem>>
    %dma_start3A_31 = tpu.memref_squeeze %dma_start3A_30 : memref<1x128xi32, #tpu.memory_space<vmem>> -> memref<128xi32, #tpu.memory_space<vmem>>
    %dma_start3A_32 = tpu.memref_slice %arg2[%add3A_23] : memref<16384xi32, #tpu.memory_space<hbm>> -> memref<128xi32, #tpu.memory_space<hbm>>
    tpu.enqueue_dma source(%dma_start3A_32 : memref<128xi32, #tpu.memory_space<hbm>>) target(%dma_start3A_31 : memref<128xi32, #tpu.memory_space<vmem>>) target_semaphore(%arg14 : memref<!tpu.dma_semaphore, #tpu.memory_space<semaphore_mem>>)
    %dma_start3A_33 = arith.constant 1 : i32
    %dma_start3A_34 = arith.constant 0 : i32
    %dma_start3A_35 = tpu.memref_slice %arg8[%dma_start3A_33, %dma_start3A_34] : memref<4x128xi32, #tpu.memory_space<vmem>> -> memref<1x128xi32, #tpu.memory_space<vmem>>
    %dma_start3A_36 = tpu.memref_squeeze %dma_start3A_35 : memref<1x128xi32, #tpu.memory_space<vmem>> -> memref<128xi32, #tpu.memory_space<vmem>>
    %dma_start3A_37 = tpu.memref_slice %arg3[%add3A_23] : memref<16384xi32, #tpu.memory_space<hbm>> -> memref<128xi32, #tpu.memory_space<hbm>>
    %dma_start3A_38 = arith.constant 0 : i32
    %dma_start3A_39 = tpu.memref_slice %arg8[%dma_start3A_33, %dma_start3A_38] : memref<4x128xi32, #tpu.memory_space<vmem>> -> memref<1x128xi32, #tpu.memory_space<vmem>>
    %dma_start3A_40 = tpu.memref_squeeze %dma_start3A_39 : memref<1x128xi32, #tpu.memory_space<vmem>> -> memref<128xi32, #tpu.memory_space<vmem>>
    %dma_start3A_41 = tpu.memref_slice %arg3[%add3A_23] : memref<16384xi32, #tpu.memory_space<hbm>> -> memref<128xi32, #tpu.memory_space<hbm>>
    tpu.enqueue_dma source(%dma_start3A_41 : memref<128xi32, #tpu.memory_space<hbm>>) target(%dma_start3A_40 : memref<128xi32, #tpu.memory_space<vmem>>) target_semaphore(%arg14 : memref<!tpu.dma_semaphore, #tpu.memory_space<semaphore_mem>>)
    %add3A_42 = arith.constant 256 : i32
    %add3A_43 = arith.addi %mul3A_2, %add3A_42 : i32
    %dma_start3A_44 = arith.constant 2 : i32
    %dma_start3A_45 = arith.constant 0 : i32
    %dma_start3A_46 = tpu.memref_slice %arg7[%dma_start3A_44, %dma_start3A_45] : memref<4x128xi32, #tpu.memory_space<vmem>> -> memref<1x128xi32, #tpu.memory_space<vmem>>
    %dma_start3A_47 = tpu.memref_squeeze %dma_start3A_46 : memref<1x128xi32, #tpu.memory_space<vmem>> -> memref<128xi32, #tpu.memory_space<vmem>>
    %dma_start3A_48 = tpu.memref_slice %arg2[%add3A_43] : memref<16384xi32, #tpu.memory_space<hbm>> -> memref<128xi32, #tpu.memory_space<hbm>>
    %dma_start3A_49 = arith.constant 0 : i32
    %dma_start3A_50 = tpu.memref_slice %arg7[%dma_start3A_44, %dma_start3A_49] : memref<4x128xi32, #tpu.memory_space<vmem>> -> memref<1x128xi32, #tpu.memory_space<vmem>>
    %dma_start3A_51 = tpu.memref_squeeze %dma_start3A_50 : memref<1x128xi32, #tpu.memory_space<vmem>> -> memref<128xi32, #tpu.memory_space<vmem>>
    %dma_start3A_52 = tpu.memref_slice %arg2[%add3A_43] : memref<16384xi32, #tpu.memory_space<hbm>> -> memref<128xi32, #tpu.memory_space<hbm>>
    tpu.enqueue_dma source(%dma_start3A_52 : memref<128xi32, #tpu.memory_space<hbm>>) target(%dma_start3A_51 : memref<128xi32, #tpu.memory_space<vmem>>) target_semaphore(%arg14 : memref<!tpu.dma_semaphore, #tpu.memory_space<semaphore_mem>>)
    %dma_start3A_53 = arith.constant 2 : i32
    %dma_start3A_54 = arith.constant 0 : i32
    %dma_start3A_55 = tpu.memref_slice %arg8[%dma_start3A_53, %dma_start3A_54] : memref<4x128xi32, #tpu.memory_space<vmem>> -> memref<1x128xi32, #tpu.memory_space<vmem>>
    %dma_start3A_56 = tpu.memref_squeeze %dma_start3A_55 : memref<1x128xi32, #tpu.memory_space<vmem>> -> memref<128xi32, #tpu.memory_space<vmem>>
    %dma_start3A_57 = tpu.memref_slice %arg3[%add3A_43] : memref<16384xi32, #tpu.memory_space<hbm>> -> memref<128xi32, #tpu.memory_space<hbm>>
    %dma_start3A_58 = arith.constant 0 : i32
    %dma_start3A_59 = tpu.memref_slice %arg8[%dma_start3A_53, %dma_start3A_58] : memref<4x128xi32, #tpu.memory_space<vmem>> -> memref<1x128xi32, #tpu.memory_space<vmem>>
    %dma_start3A_60 = tpu.memref_squeeze %dma_start3A_59 : memref<1x128xi32, #tpu.memory_space<vmem>> -> memref<128xi32, #tpu.memory_space<vmem>>
    %dma_start3A_61 = tpu.memref_slice %arg3[%add3A_43] : memref<16384xi32, #tpu.memory_space<hbm>> -> memref<128xi32, #tpu.memory_space<hbm>>
    tpu.enqueue_dma source(%dma_start3A_61 : memref<128xi32, #tpu.memory_space<hbm>>) target(%dma_start3A_60 : memref<128xi32, #tpu.memory_space<vmem>>) target_semaphore(%arg14 : memref<!tpu.dma_semaphore, #tpu.memory_space<semaphore_mem>>)
    %add3A_62 = arith.constant 384 : i32
    %add3A_63 = arith.addi %mul3A_2, %add3A_62 : i32
    %dma_start3A_64 = arith.constant 3 : i32
    %dma_start3A_65 = arith.constant 0 : i32
    %dma_start3A_66 = tpu.memref_slice %arg7[%dma_start3A_64, %dma_start3A_65] : memref<4x128xi32, #tpu.memory_space<vmem>> -> memref<1x128xi32, #tpu.memory_space<vmem>>
    %dma_start3A_67 = tpu.memref_squeeze %dma_start3A_66 : memref<1x128xi32, #tpu.memory_space<vmem>> -> memref<128xi32, #tpu.memory_space<vmem>>
    %dma_start3A_68 = tpu.memref_slice %arg2[%add3A_63] : memref<16384xi32, #tpu.memory_space<hbm>> -> memref<128xi32, #tpu.memory_space<hbm>>
    %dma_start3A_69 = arith.constant 0 : i32
    %dma_start3A_70 = tpu.memref_slice %arg7[%dma_start3A_64, %dma_start3A_69] : memref<4x128xi32, #tpu.memory_space<vmem>> -> memref<1x128xi32, #tpu.memory_space<vmem>>
    %dma_start3A_71 = tpu.memref_squeeze %dma_start3A_70 : memref<1x128xi32, #tpu.memory_space<vmem>> -> memref<128xi32, #tpu.memory_space<vmem>>
    %dma_start3A_72 = tpu.memref_slice %arg2[%add3A_63] : memref<16384xi32, #tpu.memory_space<hbm>> -> memref<128xi32, #tpu.memory_space<hbm>>
    tpu.enqueue_dma source(%dma_start3A_72 : memref<128xi32, #tpu.memory_space<hbm>>) target(%dma_start3A_71 : memref<128xi32, #tpu.memory_space<vmem>>) target_semaphore(%arg14 : memref<!tpu.dma_semaphore, #tpu.memory_space<semaphore_mem>>)
    %dma_start3A_73 = arith.constant 3 : i32
    %dma_start3A_74 = arith.constant 0 : i32
    %dma_start3A_75 = tpu.memref_slice %arg8[%dma_start3A_73, %dma_start3A_74] : memref<4x128xi32, #tpu.memory_space<vmem>> -> memref<1x128xi32, #tpu.memory_space<vmem>>
    %dma_start3A_76 = tpu.memref_squeeze %dma_start3A_75 : memref<1x128xi32, #tpu.memory_space<vmem>> -> memref<128xi32, #tpu.memory_space<vmem>>
    %dma_start3A_77 = tpu.memref_slice %arg3[%add3A_63] : memref<16384xi32, #tpu.memory_space<hbm>> -> memref<128xi32, #tpu.memory_space<hbm>>
    %dma_start3A_78 = arith.constant 0 : i32
    %dma_start3A_79 = tpu.memref_slice %arg8[%dma_start3A_73, %dma_start3A_78] : memref<4x128xi32, #tpu.memory_space<vmem>> -> memref<1x128xi32, #tpu.memory_space<vmem>>
    %dma_start3A_80 = tpu.memref_squeeze %dma_start3A_79 : memref<1x128xi32, #tpu.memory_space<vmem>> -> memref<128xi32, #tpu.memory_space<vmem>>
    %dma_start3A_81 = tpu.memref_slice %arg3[%add3A_63] : memref<16384xi32, #tpu.memory_space<hbm>> -> memref<128xi32, #tpu.memory_space<hbm>>
    tpu.enqueue_dma source(%dma_start3A_81 : memref<128xi32, #tpu.memory_space<hbm>>) target(%dma_start3A_80 : memref<128xi32, #tpu.memory_space<vmem>>) target_semaphore(%arg14 : memref<!tpu.dma_semaphore, #tpu.memory_space<semaphore_mem>>)
    %dma_wait3A = arith.constant 0 : i32
    %dma_wait3A_82 = arith.constant 0 : i32
    %dma_wait3A_83 = tpu.memref_slice %arg7[%dma_wait3A, %dma_wait3A_82] : memref<4x128xi32, #tpu.memory_space<vmem>> -> memref<1x128xi32, #tpu.memory_space<vmem>>
    %dma_wait3A_84 = tpu.memref_squeeze %dma_wait3A_83 : memref<1x128xi32, #tpu.memory_space<vmem>> -> memref<128xi32, #tpu.memory_space<vmem>>
    %dma_wait3A_85 = tpu.memref_slice %arg2[%add3A_4] : memref<16384xi32, #tpu.memory_space<hbm>> -> memref<128xi32, #tpu.memory_space<hbm>>
    %dma_wait3A_86 = arith.constant 0 : i32
    %dma_wait3A_87 = tpu.memref_slice %arg7[%dma_wait3A, %dma_wait3A_86] : memref<4x128xi32, #tpu.memory_space<vmem>> -> memref<1x128xi32, #tpu.memory_space<vmem>>
    %dma_wait3A_88 = tpu.memref_squeeze %dma_wait3A_87 : memref<1x128xi32, #tpu.memory_space<vmem>> -> memref<128xi32, #tpu.memory_space<vmem>>
    %dma_wait3A_89 = tpu.memref_slice %arg2[%add3A_4] : memref<16384xi32, #tpu.memory_space<hbm>> -> memref<128xi32, #tpu.memory_space<hbm>>
    tpu.wait_dma2 semaphore(%arg14 : memref<!tpu.dma_semaphore, #tpu.memory_space<semaphore_mem>>) src(%dma_wait3A_89 : memref<128xi32, #tpu.memory_space<hbm>>) dst(%dma_wait3A_88 : memref<128xi32, #tpu.memory_space<vmem>>)
    %dma_wait3A_90 = arith.constant 0 : i32
    %dma_wait3A_91 = arith.constant 0 : i32
    %dma_wait3A_92 = tpu.memref_slice %arg8[%dma_wait3A_90, %dma_wait3A_91] : memref<4x128xi32, #tpu.memory_space<vmem>> -> memref<1x128xi32, #tpu.memory_space<vmem>>
    %dma_wait3A_93 = tpu.memref_squeeze %dma_wait3A_92 : memref<1x128xi32, #tpu.memory_space<vmem>> -> memref<128xi32, #tpu.memory_space<vmem>>
    %dma_wait3A_94 = tpu.memref_slice %arg3[%add3A_4] : memref<16384xi32, #tpu.memory_space<hbm>> -> memref<128xi32, #tpu.memory_space<hbm>>
    %dma_wait3A_95 = arith.constant 0 : i32
    %dma_wait3A_96 = tpu.memref_slice %arg8[%dma_wait3A_90, %dma_wait3A_95] : memref<4x128xi32, #tpu.memory_space<vmem>> -> memref<1x128xi32, #tpu.memory_space<vmem>>
    %dma_wait3A_97 = tpu.memref_squeeze %dma_wait3A_96 : memref<1x128xi32, #tpu.memory_space<vmem>> -> memref<128xi32, #tpu.memory_space<vmem>>
    %dma_wait3A_98 = tpu.memref_slice %arg3[%add3A_4] : memref<16384xi32, #tpu.memory_space<hbm>> -> memref<128xi32, #tpu.memory_space<hbm>>
    tpu.wait_dma2 semaphore(%arg14 : memref<!tpu.dma_semaphore, #tpu.memory_space<semaphore_mem>>) src(%dma_wait3A_98 : memref<128xi32, #tpu.memory_space<hbm>>) dst(%dma_wait3A_97 : memref<128xi32, #tpu.memory_space<vmem>>)
    %dma_wait3A_99 = arith.constant 1 : i32
    %dma_wait3A_100 = arith.constant 0 : i32
    %dma_wait3A_101 = tpu.memref_slice %arg7[%dma_wait3A_99, %dma_wait3A_100] : memref<4x128xi32, #tpu.memory_space<vmem>> -> memref<1x128xi32, #tpu.memory_space<vmem>>
    %dma_wait3A_102 = tpu.memref_squeeze %dma_wait3A_101 : memref<1x128xi32, #tpu.memory_space<vmem>> -> memref<128xi32, #tpu.memory_space<vmem>>
    %dma_wait3A_103 = tpu.memref_slice %arg2[%add3A_23] : memref<16384xi32, #tpu.memory_space<hbm>> -> memref<128xi32, #tpu.memory_space<hbm>>
    %dma_wait3A_104 = arith.constant 0 : i32
    %dma_wait3A_105 = tpu.memref_slice %arg7[%dma_wait3A_99, %dma_wait3A_104] : memref<4x128xi32, #tpu.memory_space<vmem>> -> memref<1x128xi32, #tpu.memory_space<vmem>>
    %dma_wait3A_106 = tpu.memref_squeeze %dma_wait3A_105 : memref<1x128xi32, #tpu.memory_space<vmem>> -> memref<128xi32, #tpu.memory_space<vmem>>
    %dma_wait3A_107 = tpu.memref_slice %arg2[%add3A_23] : memref<16384xi32, #tpu.memory_space<hbm>> -> memref<128xi32, #tpu.memory_space<hbm>>
    tpu.wait_dma2 semaphore(%arg14 : memref<!tpu.dma_semaphore, #tpu.memory_space<semaphore_mem>>) src(%dma_wait3A_107 : memref<128xi32, #tpu.memory_space<hbm>>) dst(%dma_wait3A_106 : memref<128xi32, #tpu.memory_space<vmem>>)
    %dma_wait3A_108 = arith.constant 1 : i32
    %dma_wait3A_109 = arith.constant 0 : i32
    %dma_wait3A_110 = tpu.memref_slice %arg8[%dma_wait3A_108, %dma_wait3A_109] : memref<4x128xi32, #tpu.memory_space<vmem>> -> memref<1x128xi32, #tpu.memory_space<vmem>>
    %dma_wait3A_111 = tpu.memref_squeeze %dma_wait3A_110 : memref<1x128xi32, #tpu.memory_space<vmem>> -> memref<128xi32, #tpu.memory_space<vmem>>
    %dma_wait3A_112 = tpu.memref_slice %arg3[%add3A_23] : memref<16384xi32, #tpu.memory_space<hbm>> -> memref<128xi32, #tpu.memory_space<hbm>>
    %dma_wait3A_113 = arith.constant 0 : i32
    %dma_wait3A_114 = tpu.memref_slice %arg8[%dma_wait3A_108, %dma_wait3A_113] : memref<4x128xi32, #tpu.memory_space<vmem>> -> memref<1x128xi32, #tpu.memory_space<vmem>>
    %dma_wait3A_115 = tpu.memref_squeeze %dma_wait3A_114 : memref<1x128xi32, #tpu.memory_space<vmem>> -> memref<128xi32, #tpu.memory_space<vmem>>
    %dma_wait3A_116 = tpu.memref_slice %arg3[%add3A_23] : memref<16384xi32, #tpu.memory_space<hbm>> -> memref<128xi32, #tpu.memory_space<hbm>>
    tpu.wait_dma2 semaphore(%arg14 : memref<!tpu.dma_semaphore, #tpu.memory_space<semaphore_mem>>) src(%dma_wait3A_116 : memref<128xi32, #tpu.memory_space<hbm>>) dst(%dma_wait3A_115 : memref<128xi32, #tpu.memory_space<vmem>>)
    %dma_wait3A_117 = arith.constant 2 : i32
    %dma_wait3A_118 = arith.constant 0 : i32
    %dma_wait3A_119 = tpu.memref_slice %arg7[%dma_wait3A_117, %dma_wait3A_118] : memref<4x128xi32, #tpu.memory_space<vmem>> -> memref<1x128xi32, #tpu.memory_space<vmem>>
    %dma_wait3A_120 = tpu.memref_squeeze %dma_wait3A_119 : memref<1x128xi32, #tpu.memory_space<vmem>> -> memref<128xi32, #tpu.memory_space<vmem>>
    %dma_wait3A_121 = tpu.memref_slice %arg2[%add3A_43] : memref<16384xi32, #tpu.memory_space<hbm>> -> memref<128xi32, #tpu.memory_space<hbm>>
    %dma_wait3A_122 = arith.constant 0 : i32
    %dma_wait3A_123 = tpu.memref_slice %arg7[%dma_wait3A_117, %dma_wait3A_122] : memref<4x128xi32, #tpu.memory_space<vmem>> -> memref<1x128xi32, #tpu.memory_space<vmem>>
    %dma_wait3A_124 = tpu.memref_squeeze %dma_wait3A_123 : memref<1x128xi32, #tpu.memory_space<vmem>> -> memref<128xi32, #tpu.memory_space<vmem>>
    %dma_wait3A_125 = tpu.memref_slice %arg2[%add3A_43] : memref<16384xi32, #tpu.memory_space<hbm>> -> memref<128xi32, #tpu.memory_space<hbm>>
    tpu.wait_dma2 semaphore(%arg14 : memref<!tpu.dma_semaphore, #tpu.memory_space<semaphore_mem>>) src(%dma_wait3A_125 : memref<128xi32, #tpu.memory_space<hbm>>) dst(%dma_wait3A_124 : memref<128xi32, #tpu.memory_space<vmem>>)
    %dma_wait3A_126 = arith.constant 2 : i32
    %dma_wait3A_127 = arith.constant 0 : i32
    %dma_wait3A_128 = tpu.memref_slice %arg8[%dma_wait3A_126, %dma_wait3A_127] : memref<4x128xi32, #tpu.memory_space<vmem>> -> memref<1x128xi32, #tpu.memory_space<vmem>>
    %dma_wait3A_129 = tpu.memref_squeeze %dma_wait3A_128 : memref<1x128xi32, #tpu.memory_space<vmem>> -> memref<128xi32, #tpu.memory_space<vmem>>
    %dma_wait3A_130 = tpu.memref_slice %arg3[%add3A_43] : memref<16384xi32, #tpu.memory_space<hbm>> -> memref<128xi32, #tpu.memory_space<hbm>>
    %dma_wait3A_131 = arith.constant 0 : i32
    %dma_wait3A_132 = tpu.memref_slice %arg8[%dma_wait3A_126, %dma_wait3A_131] : memref<4x128xi32, #tpu.memory_space<vmem>> -> memref<1x128xi32, #tpu.memory_space<vmem>>
    %dma_wait3A_133 = tpu.memref_squeeze %dma_wait3A_132 : memref<1x128xi32, #tpu.memory_space<vmem>> -> memref<128xi32, #tpu.memory_space<vmem>>
    %dma_wait3A_134 = tpu.memref_slice %arg3[%add3A_43] : memref<16384xi32, #tpu.memory_space<hbm>> -> memref<128xi32, #tpu.memory_space<hbm>>
    tpu.wait_dma2 semaphore(%arg14 : memref<!tpu.dma_semaphore, #tpu.memory_space<semaphore_mem>>) src(%dma_wait3A_134 : memref<128xi32, #tpu.memory_space<hbm>>) dst(%dma_wait3A_133 : memref<128xi32, #tpu.memory_space<vmem>>)
    %dma_wait3A_135 = arith.constant 3 : i32
    %dma_wait3A_136 = arith.constant 0 : i32
    %dma_wait3A_137 = tpu.memref_slice %arg7[%dma_wait3A_135, %dma_wait3A_136] : memref<4x128xi32, #tpu.memory_space<vmem>> -> memref<1x128xi32, #tpu.memory_space<vmem>>
    %dma_wait3A_138 = tpu.memref_squeeze %dma_wait3A_137 : memref<1x128xi32, #tpu.memory_space<vmem>> -> memref<128xi32, #tpu.memory_space<vmem>>
    %dma_wait3A_139 = tpu.memref_slice %arg2[%add3A_63] : memref<16384xi32, #tpu.memory_space<hbm>> -> memref<128xi32, #tpu.memory_space<hbm>>
    %dma_wait3A_140 = arith.constant 0 : i32
    %dma_wait3A_141 = tpu.memref_slice %arg7[%dma_wait3A_135, %dma_wait3A_140] : memref<4x128xi32, #tpu.memory_space<vmem>> -> memref<1x128xi32, #tpu.memory_space<vmem>>
    %dma_wait3A_142 = tpu.memref_squeeze %dma_wait3A_141 : memref<1x128xi32, #tpu.memory_space<vmem>> -> memref<128xi32, #tpu.memory_space<vmem>>
    %dma_wait3A_143 = tpu.memref_slice %arg2[%add3A_63] : memref<16384xi32, #tpu.memory_space<hbm>> -> memref<128xi32, #tpu.memory_space<hbm>>
    tpu.wait_dma2 semaphore(%arg14 : memref<!tpu.dma_semaphore, #tpu.memory_space<semaphore_mem>>) src(%dma_wait3A_143 : memref<128xi32, #tpu.memory_space<hbm>>) dst(%dma_wait3A_142 : memref<128xi32, #tpu.memory_space<vmem>>)
    %dma_wait3A_144 = arith.constant 3 : i32
    %dma_wait3A_145 = arith.constant 0 : i32
    %dma_wait3A_146 = tpu.memref_slice %arg8[%dma_wait3A_144, %dma_wait3A_145] : memref<4x128xi32, #tpu.memory_space<vmem>> -> memref<1x128xi32, #tpu.memory_space<vmem>>
    %dma_wait3A_147 = tpu.memref_squeeze %dma_wait3A_146 : memref<1x128xi32, #tpu.memory_space<vmem>> -> memref<128xi32, #tpu.memory_space<vmem>>
    %dma_wait3A_148 = tpu.memref_slice %arg3[%add3A_63] : memref<16384xi32, #tpu.memory_space<hbm>> -> memref<128xi32, #tpu.memory_space<hbm>>
    %dma_wait3A_149 = arith.constant 0 : i32
    %dma_wait3A_150 = tpu.memref_slice %arg8[%dma_wait3A_144, %dma_wait3A_149] : memref<4x128xi32, #tpu.memory_space<vmem>> -> memref<1x128xi32, #tpu.memory_space<vmem>>
    %dma_wait3A_151 = tpu.memref_squeeze %dma_wait3A_150 : memref<1x128xi32, #tpu.memory_space<vmem>> -> memref<128xi32, #tpu.memory_space<vmem>>
    %dma_wait3A_152 = tpu.memref_slice %arg3[%add3A_63] : memref<16384xi32, #tpu.memory_space<hbm>> -> memref<128xi32, #tpu.memory_space<hbm>>
    tpu.wait_dma2 semaphore(%arg14 : memref<!tpu.dma_semaphore, #tpu.memory_space<semaphore_mem>>) src(%dma_wait3A_152 : memref<128xi32, #tpu.memory_space<hbm>>) dst(%dma_wait3A_151 : memref<128xi32, #tpu.memory_space<vmem>>)
    %iota3A = tpu.iota {dimensions = array<i32: 0>} : vector<16xi32>
    %broadcast_in_dim3A = arith.constant 0 : i32
    %broadcast_in_dim3A_153 = vector.broadcast %broadcast_in_dim3A : i32 to vector<16xi32>
    %add3A_154 = arith.constant 0 : i32
    %add3A_155 = vector.broadcast %add3A_154 : i32 to vector<16xi32>
    %add3A_156 = arith.addi %iota3A, %add3A_155 : vector<16xi32>
    %gather3A = tpu.vector_load_idx %arg7[%broadcast_in_dim3A_153, %add3A_156] : memref<4x128xi32, #tpu.memory_space<vmem>>[vector<16xi32>, vector<16xi32>], vector<16xi32>,
    %gather3A_157 = tpu.vector_load_idx %arg8[%broadcast_in_dim3A_153, %add3A_156] : memref<4x128xi32, #tpu.memory_space<vmem>>[vector<16xi32>, vector<16xi32>], vector<16xi32>,
    %shift_right_logical3A = arith.constant 15 : i32
    %shift_right_logical3A_158 = vector.broadcast %shift_right_logical3A : i32 to vector<16xi32>
    %shift_right_logical3A_159 = arith.shrui %gather3A, %shift_right_logical3A_158 : vector<16xi32>
    %shift_left3A = arith.constant 13 : i32
    %shift_left3A_160 = vector.broadcast %shift_left3A : i32 to vector<16xi32>
    %shift_left3A_161 = arith.shli %shift_right_logical3A_159, %shift_left3A_160 : vector<16xi32>
    %and3A = arith.constant 8191 : i32
    %and3A_162 = vector.broadcast %and3A : i32 to vector<16xi32>
    %and3A_163 = arith.andi %gather3A, %and3A_162 : vector<16xi32>
    %or3A = arith.ori %shift_left3A_161, %and3A_163 : vector<16xi32>
    tpu.vector_store_idx %arg9[%broadcast_in_dim3A_153, %add3A_156], %or3A : memref<4x128xi32, #tpu.memory_space<vmem>>[vector<16xi32>, vector<16xi32>], vector<16xi32>,
    %shift_right_logical3A_164 = arith.constant 15 : i32
    %shift_right_logical3A_165 = vector.broadcast %shift_right_logical3A_164 : i32 to vector<16xi32>
    %shift_right_logical3A_166 = arith.shrui %gather3A_157, %shift_right_logical3A_165 : vector<16xi32>
    %shift_left3A_167 = arith.constant 13 : i32
    %shift_left3A_168 = vector.broadcast %shift_left3A_167 : i32 to vector<16xi32>
    %shift_left3A_169 = arith.shli %shift_right_logical3A_166, %shift_left3A_168 : vector<16xi32>
    %and3A_170 = arith.constant 8191 : i32
    %and3A_171 = vector.broadcast %and3A_170 : i32 to vector<16xi32>
    %and3A_172 = arith.andi %gather3A_157, %and3A_171 : vector<16xi32>
    %or3A_173 = arith.ori %shift_left3A_169, %and3A_172 : vector<16xi32>
    tpu.vector_store_idx %arg10[%broadcast_in_dim3A_153, %add3A_156], %or3A_173 : memref<4x128xi32, #tpu.memory_space<vmem>>[vector<16xi32>, vector<16xi32>], vector<16xi32>,
    %add3A_174 = arith.constant 16 : i32
    %add3A_175 = vector.broadcast %add3A_174 : i32 to vector<16xi32>
    %add3A_176 = arith.addi %iota3A, %add3A_175 : vector<16xi32>
    %gather3A_177 = tpu.vector_load_idx %arg7[%broadcast_in_dim3A_153, %add3A_176] : memref<4x128xi32, #tpu.memory_space<vmem>>[vector<16xi32>, vector<16xi32>], vector<16xi32>,
    %gather3A_178 = tpu.vector_load_idx %arg8[%broadcast_in_dim3A_153, %add3A_176] : memref<4x128xi32, #tpu.memory_space<vmem>>[vector<16xi32>, vector<16xi32>], vector<16xi32>,
    %shift_right_logical3A_179 = arith.constant 15 : i32
    %shift_right_logical3A_180 = vector.broadcast %shift_right_logical3A_179 : i32 to vector<16xi32>
    %shift_right_logical3A_181 = arith.shrui %gather3A_177, %shift_right_logical3A_180 : vector<16xi32>
    %shift_left3A_182 = arith.constant 13 : i32
    %shift_left3A_183 = vector.broadcast %shift_left3A_182 : i32 to vector<16xi32>
    %shift_left3A_184 = arith.shli %shift_right_logical3A_181, %shift_left3A_183 : vector<16xi32>
    %and3A_185 = arith.constant 8191 : i32
    %and3A_186 = vector.broadcast %and3A_185 : i32 to vector<16xi32>
    %and3A_187 = arith.andi %gather3A_177, %and3A_186 : vector<16xi32>
    %or3A_188 = arith.ori %shift_left3A_184, %and3A_187 : vector<16xi32>
    tpu.vector_store_idx %arg9[%broadcast_in_dim3A_153, %add3A_176], %or3A_188 : memref<4x128xi32, #tpu.memory_space<vmem>>[vector<16xi32>, vector<16xi32>], vector<16xi32>,
    %shift_right_logical3A_189 = arith.constant 15 : i32
    %shift_right_logical3A_190 = vector.broadcast %shift_right_logical3A_189 : i32 to vector<16xi32>
    %shift_right_logical3A_191 = arith.shrui %gather3A_178, %shift_right_logical3A_190 : vector<16xi32>
    %shift_left3A_192 = arith.constant 13 : i32
    %shift_left3A_193 = vector.broadcast %shift_left3A_192 : i32 to vector<16xi32>
    %shift_left3A_194 = arith.shli %shift_right_logical3A_191, %shift_left3A_193 : vector<16xi32>
    %and3A_195 = arith.constant 8191 : i32
    %and3A_196 = vector.broadcast %and3A_195 : i32 to vector<16xi32>
    %and3A_197 = arith.andi %gather3A_178, %and3A_196 : vector<16xi32>
    %or3A_198 = arith.ori %shift_left3A_194, %and3A_197 : vector<16xi32>
    tpu.vector_store_idx %arg10[%broadcast_in_dim3A_153, %add3A_176], %or3A_198 : memref<4x128xi32, #tpu.memory_space<vmem>>[vector<16xi32>, vector<16xi32>], vector<16xi32>,
    %add3A_199 = arith.constant 32 : i32
    %add3A_200 = vector.broadcast %add3A_199 : i32 to vector<16xi32>
    %add3A_201 = arith.addi %iota3A, %add3A_200 : vector<16xi32>
    %gather3A_202 = tpu.vector_load_idx %arg7[%broadcast_in_dim3A_153, %add3A_201] : memref<4x128xi32, #tpu.memory_space<vmem>>[vector<16xi32>, vector<16xi32>], vector<16xi32>,
    %gather3A_203 = tpu.vector_load_idx %arg8[%broadcast_in_dim3A_153, %add3A_201] : memref<4x128xi32, #tpu.memory_space<vmem>>[vector<16xi32>, vector<16xi32>], vector<16xi32>,
    %shift_right_logical3A_204 = arith.constant 15 : i32
    %shift_right_logical3A_205 = vector.broadcast %shift_right_logical3A_204 : i32 to vector<16xi32>
    %shift_right_logical3A_206 = arith.shrui %gather3A_202, %shift_right_logical3A_205 : vector<16xi32>
    %shift_left3A_207 = arith.constant 13 : i32
    %shift_left3A_208 = vector.broadcast %shift_left3A_207 : i32 to vector<16xi32>
    %shift_left3A_209 = arith.shli %shift_right_logical3A_206, %shift_left3A_208 : vector<16xi32>
    %and3A_210 = arith.constant 8191 : i32
    %and3A_211 = vector.broadcast %and3A_210 : i32 to vector<16xi32>
    %and3A_212 = arith.andi %gather3A_202, %and3A_211 : vector<16xi32>
    %or3A_213 = arith.ori %shift_left3A_209, %and3A_212 : vector<16xi32>
    tpu.vector_store_idx %arg9[%broadcast_in_dim3A_153, %add3A_201], %or3A_213 : memref<4x128xi32, #tpu.memory_space<vmem>>[vector<16xi32>, vector<16xi32>], vector<16xi32>,
    %shift_right_logical3A_214 = arith.constant 15 : i32
    %shift_right_logical3A_215 = vector.broadcast %shift_right_logical3A_214 : i32 to vector<16xi32>
    %shift_right_logical3A_216 = arith.shrui %gather3A_203, %shift_right_logical3A_215 : vector<16xi32>
    %shift_left3A_217 = arith.constant 13 : i32
    %shift_left3A_218 = vector.broadcast %shift_left3A_217 : i32 to vector<16xi32>
    %shift_left3A_219 = arith.shli %shift_right_logical3A_216, %shift_left3A_218 : vector<16xi32>
    %and3A_220 = arith.constant 8191 : i32
    %and3A_221 = vector.broadcast %and3A_220 : i32 to vector<16xi32>
    %and3A_222 = arith.andi %gather3A_203, %and3A_221 : vector<16xi32>
    %or3A_223 = arith.ori %shift_left3A_219, %and3A_222 : vector<16xi32>
    tpu.vector_store_idx %arg10[%broadcast_in_dim3A_153, %add3A_201], %or3A_223 : memref<4x128xi32, #tpu.memory_space<vmem>>[vector<16xi32>, vector<16xi32>], vector<16xi32>,
    %add3A_224 = arith.constant 48 : i32
    %add3A_225 = vector.broadcast %add3A_224 : i32 to vector<16xi32>
    %add3A_226 = arith.addi %iota3A, %add3A_225 : vector<16xi32>
    %gather3A_227 = tpu.vector_load_idx %arg7[%broadcast_in_dim3A_153, %add3A_226] : memref<4x128xi32, #tpu.memory_space<vmem>>[vector<16xi32>, vector<16xi32>], vector<16xi32>,
    %gather3A_228 = tpu.vector_load_idx %arg8[%broadcast_in_dim3A_153, %add3A_226] : memref<4x128xi32, #tpu.memory_space<vmem>>[vector<16xi32>, vector<16xi32>], vector<16xi32>,
    %shift_right_logical3A_229 = arith.constant 15 : i32
    %shift_right_logical3A_230 = vector.broadcast %shift_right_logical3A_229 : i32 to vector<16xi32>
    %shift_right_logical3A_231 = arith.shrui %gather3A_227, %shift_right_logical3A_230 : vector<16xi32>
    %shift_left3A_232 = arith.constant 13 : i32
    %shift_left3A_233 = vector.broadcast %shift_left3A_232 : i32 to vector<16xi32>
    %shift_left3A_234 = arith.shli %shift_right_logical3A_231, %shift_left3A_233 : vector<16xi32>
    %and3A_235 = arith.constant 8191 : i32
    %and3A_236 = vector.broadcast %and3A_235 : i32 to vector<16xi32>
    %and3A_237 = arith.andi %gather3A_227, %and3A_236 : vector<16xi32>
    %or3A_238 = arith.ori %shift_left3A_234, %and3A_237 : vector<16xi32>
    tpu.vector_store_idx %arg9[%broadcast_in_dim3A_153, %add3A_226], %or3A_238 : memref<4x128xi32, #tpu.memory_space<vmem>>[vector<16xi32>, vector<16xi32>], vector<16xi32>,
    %shift_right_logical3A_239 = arith.constant 15 : i32
    %shift_right_logical3A_240 = vector.broadcast %shift_right_logical3A_239 : i32 to vector<16xi32>
    %shift_right_logical3A_241 = arith.shrui %gather3A_228, %shift_right_logical3A_240 : vector<16xi32>
    %shift_left3A_242 = arith.constant 13 : i32
    %shift_left3A_243 = vector.broadcast %shift_left3A_242 : i32 to vector<16xi32>
    %shift_left3A_244 = arith.shli %shift_right_logical3A_241, %shift_left3A_243 : vector<16xi32>
    %and3A_245 = arith.constant 8191 : i32
    %and3A_246 = vector.broadcast %and3A_245 : i32 to vector<16xi32>
    %and3A_247 = arith.andi %gather3A_228, %and3A_246 : vector<16xi32>
    %or3A_248 = arith.ori %shift_left3A_244, %and3A_247 : vector<16xi32>
    tpu.vector_store_idx %arg10[%broadcast_in_dim3A_153, %add3A_226], %or3A_248 : memref<4x128xi32, #tpu.memory_space<vmem>>[vector<16xi32>, vector<16xi32>], vector<16xi32>,
    %add3A_249 = arith.constant 64 : i32
    %add3A_250 = vector.broadcast %add3A_249 : i32 to vector<16xi32>
    %add3A_251 = arith.addi %iota3A, %add3A_250 : vector<16xi32>
    %gather3A_252 = tpu.vector_load_idx %arg7[%broadcast_in_dim3A_153, %add3A_251] : memref<4x128xi32, #tpu.memory_space<vmem>>[vector<16xi32>, vector<16xi32>], vector<16xi32>,
    %gather3A_253 = tpu.vector_load_idx %arg8[%broadcast_in_dim3A_153, %add3A_251] : memref<4x128xi32, #tpu.memory_space<vmem>>[vector<16xi32>, vector<16xi32>], vector<16xi32>,
    %shift_right_logical3A_254 = arith.constant 15 : i32
    %shift_right_logical3A_255 = vector.broadcast %shift_right_logical3A_254 : i32 to vector<16xi32>
    %shift_right_logical3A_256 = arith.shrui %gather3A_252, %shift_right_logical3A_255 : vector<16xi32>
    %shift_left3A_257 = arith.constant 13 : i32
    %shift_left3A_258 = vector.broadcast %shift_left3A_257 : i32 to vector<16xi32>
    %shift_left3A_259 = arith.shli %shift_right_logical3A_256, %shift_left3A_258 : vector<16xi32>
    %and3A_260 = arith.constant 8191 : i32
    %and3A_261 = vector.broadcast %and3A_260 : i32 to vector<16xi32>
    %and3A_262 = arith.andi %gather3A_252, %and3A_261 : vector<16xi32>
    %or3A_263 = arith.ori %shift_left3A_259, %and3A_262 : vector<16xi32>
    tpu.vector_store_idx %arg9[%broadcast_in_dim3A_153, %add3A_251], %or3A_263 : memref<4x128xi32, #tpu.memory_space<vmem>>[vector<16xi32>, vector<16xi32>], vector<16xi32>,
    %shift_right_logical3A_264 = arith.constant 15 : i32
    %shift_right_logical3A_265 = vector.broadcast %shift_right_logical3A_264 : i32 to vector<16xi32>
    %shift_right_logical3A_266 = arith.shrui %gather3A_253, %shift_right_logical3A_265 : vector<16xi32>
    %shift_left3A_267 = arith.constant 13 : i32
    %shift_left3A_268 = vector.broadcast %shift_left3A_267 : i32 to vector<16xi32>
    %shift_left3A_269 = arith.shli %shift_right_logical3A_266, %shift_left3A_268 : vector<16xi32>
    %and3A_270 = arith.constant 8191 : i32
    %and3A_271 = vector.broadcast %and3A_270 : i32 to vector<16xi32>
    %and3A_272 = arith.andi %gather3A_253, %and3A_271 : vector<16xi32>
    %or3A_273 = arith.ori %shift_left3A_269, %and3A_272 : vector<16xi32>
    tpu.vector_store_idx %arg10[%broadcast_in_dim3A_153, %add3A_251], %or3A_273 : memref<4x128xi32, #tpu.memory_space<vmem>>[vector<16xi32>, vector<16xi32>], vector<16xi32>,
    %add3A_274 = arith.constant 80 : i32
    %add3A_275 = vector.broadcast %add3A_274 : i32 to vector<16xi32>
    %add3A_276 = arith.addi %iota3A, %add3A_275 : vector<16xi32>
    %gather3A_277 = tpu.vector_load_idx %arg7[%broadcast_in_dim3A_153, %add3A_276] : memref<4x128xi32, #tpu.memory_space<vmem>>[vector<16xi32>, vector<16xi32>], vector<16xi32>,
    %gather3A_278 = tpu.vector_load_idx %arg8[%broadcast_in_dim3A_153, %add3A_276] : memref<4x128xi32, #tpu.memory_space<vmem>>[vector<16xi32>, vector<16xi32>], vector<16xi32>,
    %shift_right_logical3A_279 = arith.constant 15 : i32
    %shift_right_logical3A_280 = vector.broadcast %shift_right_logical3A_279 : i32 to vector<16xi32>
    %shift_right_logical3A_281 = arith.shrui %gather3A_277, %shift_right_logical3A_280 : vector<16xi32>
    %shift_left3A_282 = arith.constant 13 : i32
    %shift_left3A_283 = vector.broadcast %shift_left3A_282 : i32 to vector<16xi32>
    %shift_left3A_284 = arith.shli %shift_right_logical3A_281, %shift_left3A_283 : vector<16xi32>
    %and3A_285 = arith.constant 8191 : i32
    %and3A_286 = vector.broadcast %and3A_285 : i32 to vector<16xi32>
    %and3A_287 = arith.andi %gather3A_277, %and3A_286 : vector<16xi32>
    %or3A_288 = arith.ori %shift_left3A_284, %and3A_287 : vector<16xi32>
    tpu.vector_store_idx %arg9[%broadcast_in_dim3A_153, %add3A_276], %or3A_288 : memref<4x128xi32, #tpu.memory_space<vmem>>[vector<16xi32>, vector<16xi32>], vector<16xi32>,
    %shift_right_logical3A_289 = arith.constant 15 : i32
    %shift_right_logical3A_290 = vector.broadcast %shift_right_logical3A_289 : i32 to vector<16xi32>
    %shift_right_logical3A_291 = arith.shrui %gather3A_278, %shift_right_logical3A_290 : vector<16xi32>
    %shift_left3A_292 = arith.constant 13 : i32
    %shift_left3A_293 = vector.broadcast %shift_left3A_292 : i32 to vector<16xi32>
    %shift_left3A_294 = arith.shli %shift_right_logical3A_291, %shift_left3A_293 : vector<16xi32>
    %and3A_295 = arith.constant 8191 : i32
    %and3A_296 = vector.broadcast %and3A_295 : i32 to vector<16xi32>
    %and3A_297 = arith.andi %gather3A_278, %and3A_296 : vector<16xi32>
    %or3A_298 = arith.ori %shift_left3A_294, %and3A_297 : vector<16xi32>
    tpu.vector_store_idx %arg10[%broadcast_in_dim3A_153, %add3A_276], %or3A_298 : memref<4x128xi32, #tpu.memory_space<vmem>>[vector<16xi32>, vector<16xi32>], vector<16xi32>,
    %add3A_299 = arith.constant 96 : i32
    %add3A_300 = vector.broadcast %add3A_299 : i32 to vector<16xi32>
    %add3A_301 = arith.addi %iota3A, %add3A_300 : vector<16xi32>
    %gather3A_302 = tpu.vector_load_idx %arg7[%broadcast_in_dim3A_153, %add3A_301] : memref<4x128xi32, #tpu.memory_space<vmem>>[vector<16xi32>, vector<16xi32>], vector<16xi32>,
    %gather3A_303 = tpu.vector_load_idx %arg8[%broadcast_in_dim3A_153, %add3A_301] : memref<4x128xi32, #tpu.memory_space<vmem>>[vector<16xi32>, vector<16xi32>], vector<16xi32>,
    %shift_right_logical3A_304 = arith.constant 15 : i32
    %shift_right_logical3A_305 = vector.broadcast %shift_right_logical3A_304 : i32 to vector<16xi32>
    %shift_right_logical3A_306 = arith.shrui %gather3A_302, %shift_right_logical3A_305 : vector<16xi32>
    %shift_left3A_307 = arith.constant 13 : i32
    %shift_left3A_308 = vector.broadcast %shift_left3A_307 : i32 to vector<16xi32>
    %shift_left3A_309 = arith.shli %shift_right_logical3A_306, %shift_left3A_308 : vector<16xi32>
    %and3A_310 = arith.constant 8191 : i32
    %and3A_311 = vector.broadcast %and3A_310 : i32 to vector<16xi32>
    %and3A_312 = arith.andi %gather3A_302, %and3A_311 : vector<16xi32>
    %or3A_313 = arith.ori %shift_left3A_309, %and3A_312 : vector<16xi32>
    tpu.vector_store_idx %arg9[%broadcast_in_dim3A_153, %add3A_301], %or3A_313 : memref<4x128xi32, #tpu.memory_space<vmem>>[vector<16xi32>, vector<16xi32>], vector<16xi32>,
    %shift_right_logical3A_314 = arith.constant 15 : i32
    %shift_right_logical3A_315 = vector.broadcast %shift_right_logical3A_314 : i32 to vector<16xi32>
    %shift_right_logical3A_316 = arith.shrui %gather3A_303, %shift_right_logical3A_315 : vector<16xi32>
    %shift_left3A_317 = arith.constant 13 : i32
    %shift_left3A_318 = vector.broadcast %shift_left3A_317 : i32 to vector<16xi32>
    %shift_left3A_319 = arith.shli %shift_right_logical3A_316, %shift_left3A_318 : vector<16xi32>
    %and3A_320 = arith.constant 8191 : i32
    %and3A_321 = vector.broadcast %and3A_320 : i32 to vector<16xi32>
    %and3A_322 = arith.andi %gather3A_303, %and3A_321 : vector<16xi32>
    %or3A_323 = arith.ori %shift_left3A_319, %and3A_322 : vector<16xi32>
    tpu.vector_store_idx %arg10[%broadcast_in_dim3A_153, %add3A_301], %or3A_323 : memref<4x128xi32, #tpu.memory_space<vmem>>[vector<16xi32>, vector<16xi32>], vector<16xi32>,
    %add3A_324 = arith.constant 112 : i32
    %add3A_325 = vector.broadcast %add3A_324 : i32 to vector<16xi32>
    %add3A_326 = arith.addi %iota3A, %add3A_325 : vector<16xi32>
    %gather3A_327 = tpu.vector_load_idx %arg7[%broadcast_in_dim3A_153, %add3A_326] : memref<4x128xi32, #tpu.memory_space<vmem>>[vector<16xi32>, vector<16xi32>], vector<16xi32>,
    %gather3A_328 = tpu.vector_load_idx %arg8[%broadcast_in_dim3A_153, %add3A_326] : memref<4x128xi32, #tpu.memory_space<vmem>>[vector<16xi32>, vector<16xi32>], vector<16xi32>,
    %shift_right_logical3A_329 = arith.constant 15 : i32
    %shift_right_logical3A_330 = vector.broadcast %shift_right_logical3A_329 : i32 to vector<16xi32>
    %shift_right_logical3A_331 = arith.shrui %gather3A_327, %shift_right_logical3A_330 : vector<16xi32>
    %shift_left3A_332 = arith.constant 13 : i32
    %shift_left3A_333 = vector.broadcast %shift_left3A_332 : i32 to vector<16xi32>
    %shift_left3A_334 = arith.shli %shift_right_logical3A_331, %shift_left3A_333 : vector<16xi32>
    %and3A_335 = arith.constant 8191 : i32
    %and3A_336 = vector.broadcast %and3A_335 : i32 to vector<16xi32>
    %and3A_337 = arith.andi %gather3A_327, %and3A_336 : vector<16xi32>
    %or3A_338 = arith.ori %shift_left3A_334, %and3A_337 : vector<16xi32>
    tpu.vector_store_idx %arg9[%broadcast_in_dim3A_153, %add3A_326], %or3A_338 : memref<4x128xi32, #tpu.memory_space<vmem>>[vector<16xi32>, vector<16xi32>], vector<16xi32>,
    %shift_right_logical3A_339 = arith.constant 15 : i32
    %shift_right_logical3A_340 = vector.broadcast %shift_right_logical3A_339 : i32 to vector<16xi32>
    %shift_right_logical3A_341 = arith.shrui %gather3A_328, %shift_right_logical3A_340 : vector<16xi32>
    %shift_left3A_342 = arith.constant 13 : i32
    %shift_left3A_343 = vector.broadcast %shift_left3A_342 : i32 to vector<16xi32>
    %shift_left3A_344 = arith.shli %shift_right_logical3A_341, %shift_left3A_343 : vector<16xi32>
    %and3A_345 = arith.constant 8191 : i32
    %and3A_346 = vector.broadcast %and3A_345 : i32 to vector<16xi32>
    %and3A_347 = arith.andi %gather3A_328, %and3A_346 : vector<16xi32>
    %or3A_348 = arith.ori %shift_left3A_344, %and3A_347 : vector<16xi32>
    tpu.vector_store_idx %arg10[%broadcast_in_dim3A_153, %add3A_326], %or3A_348 : memref<4x128xi32, #tpu.memory_space<vmem>>[vector<16xi32>, vector<16xi32>], vector<16xi32>,
    %broadcast_in_dim3A_349 = arith.constant 1 : i32
    %broadcast_in_dim3A_350 = vector.broadcast %broadcast_in_dim3A_349 : i32 to vector<16xi32>
    %add3A_351 = arith.constant 0 : i32
    %add3A_352 = vector.broadcast %add3A_351 : i32 to vector<16xi32>
    %add3A_353 = arith.addi %iota3A, %add3A_352 : vector<16xi32>
    %gather3A_354 = tpu.vector_load_idx %arg7[%broadcast_in_dim3A_350, %add3A_353] : memref<4x128xi32, #tpu.memory_space<vmem>>[vector<16xi32>, vector<16xi32>], vector<16xi32>,
    %gather3A_355 = tpu.vector_load_idx %arg8[%broadcast_in_dim3A_350, %add3A_353] : memref<4x128xi32, #tpu.memory_space<vmem>>[vector<16xi32>, vector<16xi32>], vector<16xi32>,
    %shift_right_logical3A_356 = arith.constant 15 : i32
    %shift_right_logical3A_357 = vector.broadcast %shift_right_logical3A_356 : i32 to vector<16xi32>
    %shift_right_logical3A_358 = arith.shrui %gather3A_354, %shift_right_logical3A_357 : vector<16xi32>
    %shift_left3A_359 = arith.constant 13 : i32
    %shift_left3A_360 = vector.broadcast %shift_left3A_359 : i32 to vector<16xi32>
    %shift_left3A_361 = arith.shli %shift_right_logical3A_358, %shift_left3A_360 : vector<16xi32>
    %and3A_362 = arith.constant 8191 : i32
    %and3A_363 = vector.broadcast %and3A_362 : i32 to vector<16xi32>
    %and3A_364 = arith.andi %gather3A_354, %and3A_363 : vector<16xi32>
    %or3A_365 = arith.ori %shift_left3A_361, %and3A_364 : vector<16xi32>
    tpu.vector_store_idx %arg9[%broadcast_in_dim3A_350, %add3A_353], %or3A_365 : memref<4x128xi32, #tpu.memory_space<vmem>>[vector<16xi32>, vector<16xi32>], vector<16xi32>,
    %shift_right_logical3A_366 = arith.constant 15 : i32
    %shift_right_logical3A_367 = vector.broadcast %shift_right_logical3A_366 : i32 to vector<16xi32>
    %shift_right_logical3A_368 = arith.shrui %gather3A_355, %shift_right_logical3A_367 : vector<16xi32>
    %shift_left3A_369 = arith.constant 13 : i32
    %shift_left3A_370 = vector.broadcast %shift_left3A_369 : i32 to vector<16xi32>
    %shift_left3A_371 = arith.shli %shift_right_logical3A_368, %shift_left3A_370 : vector<16xi32>
    %and3A_372 = arith.constant 8191 : i32
    %and3A_373 = vector.broadcast %and3A_372 : i32 to vector<16xi32>
    %and3A_374 = arith.andi %gather3A_355, %and3A_373 : vector<16xi32>
    %or3A_375 = arith.ori %shift_left3A_371, %and3A_374 : vector<16xi32>
    tpu.vector_store_idx %arg10[%broadcast_in_dim3A_350, %add3A_353], %or3A_375 : memref<4x128xi32, #tpu.memory_space<vmem>>[vector<16xi32>, vector<16xi32>], vector<16xi32>,
    %add3A_376 = arith.constant 16 : i32
    %add3A_377 = vector.broadcast %add3A_376 : i32 to vector<16xi32>
    %add3A_378 = arith.addi %iota3A, %add3A_377 : vector<16xi32>
    %gather3A_379 = tpu.vector_load_idx %arg7[%broadcast_in_dim3A_350, %add3A_378] : memref<4x128xi32, #tpu.memory_space<vmem>>[vector<16xi32>, vector<16xi32>], vector<16xi32>,
    %gather3A_380 = tpu.vector_load_idx %arg8[%broadcast_in_dim3A_350, %add3A_378] : memref<4x128xi32, #tpu.memory_space<vmem>>[vector<16xi32>, vector<16xi32>], vector<16xi32>,
    %shift_right_logical3A_381 = arith.constant 15 : i32
    %shift_right_logical3A_382 = vector.broadcast %shift_right_logical3A_381 : i32 to vector<16xi32>
    %shift_right_logical3A_383 = arith.shrui %gather3A_379, %shift_right_logical3A_382 : vector<16xi32>
    %shift_left3A_384 = arith.constant 13 : i32
    %shift_left3A_385 = vector.broadcast %shift_left3A_384 : i32 to vector<16xi32>
    %shift_left3A_386 = arith.shli %shift_right_logical3A_383, %shift_left3A_385 : vector<16xi32>
    %and3A_387 = arith.constant 8191 : i32
    %and3A_388 = vector.broadcast %and3A_387 : i32 to vector<16xi32>
    %and3A_389 = arith.andi %gather3A_379, %and3A_388 : vector<16xi32>
    %or3A_390 = arith.ori %shift_left3A_386, %and3A_389 : vector<16xi32>
    tpu.vector_store_idx %arg9[%broadcast_in_dim3A_350, %add3A_378], %or3A_390 : memref<4x128xi32, #tpu.memory_space<vmem>>[vector<16xi32>, vector<16xi32>], vector<16xi32>,
    %shift_right_logical3A_391 = arith.constant 15 : i32
    %shift_right_logical3A_392 = vector.broadcast %shift_right_logical3A_391 : i32 to vector<16xi32>
    %shift_right_logical3A_393 = arith.shrui %gather3A_380, %shift_right_logical3A_392 : vector<16xi32>
    %shift_left3A_394 = arith.constant 13 : i32
    %shift_left3A_395 = vector.broadcast %shift_left3A_394 : i32 to vector<16xi32>
    %shift_left3A_396 = arith.shli %shift_right_logical3A_393, %shift_left3A_395 : vector<16xi32>
    %and3A_397 = arith.constant 8191 : i32
    %and3A_398 = vector.broadcast %and3A_397 : i32 to vector<16xi32>
    %and3A_399 = arith.andi %gather3A_380, %and3A_398 : vector<16xi32>
    %or3A_400 = arith.ori %shift_left3A_396, %and3A_399 : vector<16xi32>
    tpu.vector_store_idx %arg10[%broadcast_in_dim3A_350, %add3A_378], %or3A_400 : memref<4x128xi32, #tpu.memory_space<vmem>>[vector<16xi32>, vector<16xi32>], vector<16xi32>,
    %add3A_401 = arith.constant 32 : i32
    %add3A_402 = vector.broadcast %add3A_401 : i32 to vector<16xi32>
    %add3A_403 = arith.addi %iota3A, %add3A_402 : vector<16xi32>
    %gather3A_404 = tpu.vector_load_idx %arg7[%broadcast_in_dim3A_350, %add3A_403] : memref<4x128xi32, #tpu.memory_space<vmem>>[vector<16xi32>, vector<16xi32>], vector<16xi32>,
    %gather3A_405 = tpu.vector_load_idx %arg8[%broadcast_in_dim3A_350, %add3A_403] : memref<4x128xi32, #tpu.memory_space<vmem>>[vector<16xi32>, vector<16xi32>], vector<16xi32>,
    %shift_right_logical3A_406 = arith.constant 15 : i32
    %shift_right_logical3A_407 = vector.broadcast %shift_right_logical3A_406 : i32 to vector<16xi32>
    %shift_right_logical3A_408 = arith.shrui %gather3A_404, %shift_right_logical3A_407 : vector<16xi32>
    %shift_left3A_409 = arith.constant 13 : i32
    %shift_left3A_410 = vector.broadcast %shift_left3A_409 : i32 to vector<16xi32>
    %shift_left3A_411 = arith.shli %shift_right_logical3A_408, %shift_left3A_410 : vector<16xi32>
    %and3A_412 = arith.constant 8191 : i32
    %and3A_413 = vector.broadcast %and3A_412 : i32 to vector<16xi32>
    %and3A_414 = arith.andi %gather3A_404, %and3A_413 : vector<16xi32>
    %or3A_415 = arith.ori %shift_left3A_411, %and3A_414 : vector<16xi32>
    tpu.vector_store_idx %arg9[%broadcast_in_dim3A_350, %add3A_403], %or3A_415 : memref<4x128xi32, #tpu.memory_space<vmem>>[vector<16xi32>, vector<16xi32>], vector<16xi32>,
    %shift_right_logical3A_416 = arith.constant 15 : i32
    %shift_right_logical3A_417 = vector.broadcast %shift_right_logical3A_416 : i32 to vector<16xi32>
    %shift_right_logical3A_418 = arith.shrui %gather3A_405, %shift_right_logical3A_417 : vector<16xi32>
    %shift_left3A_419 = arith.constant 13 : i32
    %shift_left3A_420 = vector.broadcast %shift_left3A_419 : i32 to vector<16xi32>
    %shift_left3A_421 = arith.shli %shift_right_logical3A_418, %shift_left3A_420 : vector<16xi32>
    %and3A_422 = arith.constant 8191 : i32
    %and3A_423 = vector.broadcast %and3A_422 : i32 to vector<16xi32>
    %and3A_424 = arith.andi %gather3A_405, %and3A_423 : vector<16xi32>
    %or3A_425 = arith.ori %shift_left3A_421, %and3A_424 : vector<16xi32>
    tpu.vector_store_idx %arg10[%broadcast_in_dim3A_350, %add3A_403], %or3A_425 : memref<4x128xi32, #tpu.memory_space<vmem>>[vector<16xi32>, vector<16xi32>], vector<16xi32>,
    %add3A_426 = arith.constant 48 : i32
    %add3A_427 = vector.broadcast %add3A_426 : i32 to vector<16xi32>
    %add3A_428 = arith.addi %iota3A, %add3A_427 : vector<16xi32>
    %gather3A_429 = tpu.vector_load_idx %arg7[%broadcast_in_dim3A_350, %add3A_428] : memref<4x128xi32, #tpu.memory_space<vmem>>[vector<16xi32>, vector<16xi32>], vector<16xi32>,
    %gather3A_430 = tpu.vector_load_idx %arg8[%broadcast_in_dim3A_350, %add3A_428] : memref<4x128xi32, #tpu.memory_space<vmem>>[vector<16xi32>, vector<16xi32>], vector<16xi32>,
    %shift_right_logical3A_431 = arith.constant 15 : i32
    %shift_right_logical3A_432 = vector.broadcast %shift_right_logical3A_431 : i32 to vector<16xi32>
    %shift_right_logical3A_433 = arith.shrui %gather3A_429, %shift_right_logical3A_432 : vector<16xi32>
    %shift_left3A_434 = arith.constant 13 : i32
    %shift_left3A_435 = vector.broadcast %shift_left3A_434 : i32 to vector<16xi32>
    %shift_left3A_436 = arith.shli %shift_right_logical3A_433, %shift_left3A_435 : vector<16xi32>
    %and3A_437 = arith.constant 8191 : i32
    %and3A_438 = vector.broadcast %and3A_437 : i32 to vector<16xi32>
    %and3A_439 = arith.andi %gather3A_429, %and3A_438 : vector<16xi32>
    %or3A_440 = arith.ori %shift_left3A_436, %and3A_439 : vector<16xi32>
    tpu.vector_store_idx %arg9[%broadcast_in_dim3A_350, %add3A_428], %or3A_440 : memref<4x128xi32, #tpu.memory_space<vmem>>[vector<16xi32>, vector<16xi32>], vector<16xi32>,
    %shift_right_logical3A_441 = arith.constant 15 : i32
    %shift_right_logical3A_442 = vector.broadcast %shift_right_logical3A_441 : i32 to vector<16xi32>
    %shift_right_logical3A_443 = arith.shrui %gather3A_430, %shift_right_logical3A_442 : vector<16xi32>
    %shift_left3A_444 = arith.constant 13 : i32
    %shift_left3A_445 = vector.broadcast %shift_left3A_444 : i32 to vector<16xi32>
    %shift_left3A_446 = arith.shli %shift_right_logical3A_443, %shift_left3A_445 : vector<16xi32>
    %and3A_447 = arith.constant 8191 : i32
    %and3A_448 = vector.broadcast %and3A_447 : i32 to vector<16xi32>
    %and3A_449 = arith.andi %gather3A_430, %and3A_448 : vector<16xi32>
    %or3A_450 = arith.ori %shift_left3A_446, %and3A_449 : vector<16xi32>
    tpu.vector_store_idx %arg10[%broadcast_in_dim3A_350, %add3A_428], %or3A_450 : memref<4x128xi32, #tpu.memory_space<vmem>>[vector<16xi32>, vector<16xi32>], vector<16xi32>,
    %add3A_451 = arith.constant 64 : i32
    %add3A_452 = vector.broadcast %add3A_451 : i32 to vector<16xi32>
    %add3A_453 = arith.addi %iota3A, %add3A_452 : vector<16xi32>
    %gather3A_454 = tpu.vector_load_idx %arg7[%broadcast_in_dim3A_350, %add3A_453] : memref<4x128xi32, #tpu.memory_space<vmem>>[vector<16xi32>, vector<16xi32>], vector<16xi32>,
    %gather3A_455 = tpu.vector_load_idx %arg8[%broadcast_in_dim3A_350, %add3A_453] : memref<4x128xi32, #tpu.memory_space<vmem>>[vector<16xi32>, vector<16xi32>], vector<16xi32>,
    %shift_right_logical3A_456 = arith.constant 15 : i32
    %shift_right_logical3A_457 = vector.broadcast %shift_right_logical3A_456 : i32 to vector<16xi32>
    %shift_right_logical3A_458 = arith.shrui %gather3A_454, %shift_right_logical3A_457 : vector<16xi32>
    %shift_left3A_459 = arith.constant 13 : i32
    %shift_left3A_460 = vector.broadcast %shift_left3A_459 : i32 to vector<16xi32>
    %shift_left3A_461 = arith.shli %shift_right_logical3A_458, %shift_left3A_460 : vector<16xi32>
    %and3A_462 = arith.constant 8191 : i32
    %and3A_463 = vector.broadcast %and3A_462 : i32 to vector<16xi32>
    %and3A_464 = arith.andi %gather3A_454, %and3A_463 : vector<16xi32>
    %or3A_465 = arith.ori %shift_left3A_461, %and3A_464 : vector<16xi32>
    tpu.vector_store_idx %arg9[%broadcast_in_dim3A_350, %add3A_453], %or3A_465 : memref<4x128xi32, #tpu.memory_space<vmem>>[vector<16xi32>, vector<16xi32>], vector<16xi32>,
    %shift_right_logical3A_466 = arith.constant 15 : i32
    %shift_right_logical3A_467 = vector.broadcast %shift_right_logical3A_466 : i32 to vector<16xi32>
    %shift_right_logical3A_468 = arith.shrui %gather3A_455, %shift_right_logical3A_467 : vector<16xi32>
    %shift_left3A_469 = arith.constant 13 : i32
    %shift_left3A_470 = vector.broadcast %shift_left3A_469 : i32 to vector<16xi32>
    %shift_left3A_471 = arith.shli %shift_right_logical3A_468, %shift_left3A_470 : vector<16xi32>
    %and3A_472 = arith.constant 8191 : i32
    %and3A_473 = vector.broadcast %and3A_472 : i32 to vector<16xi32>
    %and3A_474 = arith.andi %gather3A_455, %and3A_473 : vector<16xi32>
    %or3A_475 = arith.ori %shift_left3A_471, %and3A_474 : vector<16xi32>
    tpu.vector_store_idx %arg10[%broadcast_in_dim3A_350, %add3A_453], %or3A_475 : memref<4x128xi32, #tpu.memory_space<vmem>>[vector<16xi32>, vector<16xi32>], vector<16xi32>,
    %add3A_476 = arith.constant 80 : i32
    %add3A_477 = vector.broadcast %add3A_476 : i32 to vector<16xi32>
    %add3A_478 = arith.addi %iota3A, %add3A_477 : vector<16xi32>
    %gather3A_479 = tpu.vector_load_idx %arg7[%broadcast_in_dim3A_350, %add3A_478] : memref<4x128xi32, #tpu.memory_space<vmem>>[vector<16xi32>, vector<16xi32>], vector<16xi32>,
    %gather3A_480 = tpu.vector_load_idx %arg8[%broadcast_in_dim3A_350, %add3A_478] : memref<4x128xi32, #tpu.memory_space<vmem>>[vector<16xi32>, vector<16xi32>], vector<16xi32>,
    %shift_right_logical3A_481 = arith.constant 15 : i32
    %shift_right_logical3A_482 = vector.broadcast %shift_right_logical3A_481 : i32 to vector<16xi32>
    %shift_right_logical3A_483 = arith.shrui %gather3A_479, %shift_right_logical3A_482 : vector<16xi32>
    %shift_left3A_484 = arith.constant 13 : i32
    %shift_left3A_485 = vector.broadcast %shift_left3A_484 : i32 to vector<16xi32>
    %shift_left3A_486 = arith.shli %shift_right_logical3A_483, %shift_left3A_485 : vector<16xi32>
    %and3A_487 = arith.constant 8191 : i32
    %and3A_488 = vector.broadcast %and3A_487 : i32 to vector<16xi32>
    %and3A_489 = arith.andi %gather3A_479, %and3A_488 : vector<16xi32>
    %or3A_490 = arith.ori %shift_left3A_486, %and3A_489 : vector<16xi32>
    tpu.vector_store_idx %arg9[%broadcast_in_dim3A_350, %add3A_478], %or3A_490 : memref<4x128xi32, #tpu.memory_space<vmem>>[vector<16xi32>, vector<16xi32>], vector<16xi32>,
    %shift_right_logical3A_491 = arith.constant 15 : i32
    %shift_right_logical3A_492 = vector.broadcast %shift_right_logical3A_491 : i32 to vector<16xi32>
    %shift_right_logical3A_493 = arith.shrui %gather3A_480, %shift_right_logical3A_492 : vector<16xi32>
    %shift_left3A_494 = arith.constant 13 : i32
    %shift_left3A_495 = vector.broadcast %shift_left3A_494 : i32 to vector<16xi32>
    %shift_left3A_496 = arith.shli %shift_right_logical3A_493, %shift_left3A_495 : vector<16xi32>
    %and3A_497 = arith.constant 8191 : i32
    %and3A_498 = vector.broadcast %and3A_497 : i32 to vector<16xi32>
    %and3A_499 = arith.andi %gather3A_480, %and3A_498 : vector<16xi32>
    %or3A_500 = arith.ori %shift_left3A_496, %and3A_499 : vector<16xi32>
    tpu.vector_store_idx %arg10[%broadcast_in_dim3A_350, %add3A_478], %or3A_500 : memref<4x128xi32, #tpu.memory_space<vmem>>[vector<16xi32>, vector<16xi32>], vector<16xi32>,
    %add3A_501 = arith.constant 96 : i32
    %add3A_502 = vector.broadcast %add3A_501 : i32 to vector<16xi32>
    %add3A_503 = arith.addi %iota3A, %add3A_502 : vector<16xi32>
    %gather3A_504 = tpu.vector_load_idx %arg7[%broadcast_in_dim3A_350, %add3A_503] : memref<4x128xi32, #tpu.memory_space<vmem>>[vector<16xi32>, vector<16xi32>], vector<16xi32>,
    %gather3A_505 = tpu.vector_load_idx %arg8[%broadcast_in_dim3A_350, %add3A_503] : memref<4x128xi32, #tpu.memory_space<vmem>>[vector<16xi32>, vector<16xi32>], vector<16xi32>,
    %shift_right_logical3A_506 = arith.constant 15 : i32
    %shift_right_logical3A_507 = vector.broadcast %shift_right_logical3A_506 : i32 to vector<16xi32>
    %shift_right_logical3A_508 = arith.shrui %gather3A_504, %shift_right_logical3A_507 : vector<16xi32>
    %shift_left3A_509 = arith.constant 13 : i32
    %shift_left3A_510 = vector.broadcast %shift_left3A_509 : i32 to vector<16xi32>
    %shift_left3A_511 = arith.shli %shift_right_logical3A_508, %shift_left3A_510 : vector<16xi32>
    %and3A_512 = arith.constant 8191 : i32
    %and3A_513 = vector.broadcast %and3A_512 : i32 to vector<16xi32>
    %and3A_514 = arith.andi %gather3A_504, %and3A_513 : vector<16xi32>
    %or3A_515 = arith.ori %shift_left3A_511, %and3A_514 : vector<16xi32>
    tpu.vector_store_idx %arg9[%broadcast_in_dim3A_350, %add3A_503], %or3A_515 : memref<4x128xi32, #tpu.memory_space<vmem>>[vector<16xi32>, vector<16xi32>], vector<16xi32>,
    %shift_right_logical3A_516 = arith.constant 15 : i32
    %shift_right_logical3A_517 = vector.broadcast %shift_right_logical3A_516 : i32 to vector<16xi32>
    %shift_right_logical3A_518 = arith.shrui %gather3A_505, %shift_right_logical3A_517 : vector<16xi32>
    %shift_left3A_519 = arith.constant 13 : i32
    %shift_left3A_520 = vector.broadcast %shift_left3A_519 : i32 to vector<16xi32>
    %shift_left3A_521 = arith.shli %shift_right_logical3A_518, %shift_left3A_520 : vector<16xi32>
    %and3A_522 = arith.constant 8191 : i32
    %and3A_523 = vector.broadcast %and3A_522 : i32 to vector<16xi32>
    %and3A_524 = arith.andi %gather3A_505, %and3A_523 : vector<16xi32>
    %or3A_525 = arith.ori %shift_left3A_521, %and3A_524 : vector<16xi32>
    tpu.vector_store_idx %arg10[%broadcast_in_dim3A_350, %add3A_503], %or3A_525 : memref<4x128xi32, #tpu.memory_space<vmem>>[vector<16xi32>, vector<16xi32>], vector<16xi32>,
    %add3A_526 = arith.constant 112 : i32
    %add3A_527 = vector.broadcast %add3A_526 : i32 to vector<16xi32>
    %add3A_528 = arith.addi %iota3A, %add3A_527 : vector<16xi32>
    %gather3A_529 = tpu.vector_load_idx %arg7[%broadcast_in_dim3A_350, %add3A_528] : memref<4x128xi32, #tpu.memory_space<vmem>>[vector<16xi32>, vector<16xi32>], vector<16xi32>,
    %gather3A_530 = tpu.vector_load_idx %arg8[%broadcast_in_dim3A_350, %add3A_528] : memref<4x128xi32, #tpu.memory_space<vmem>>[vector<16xi32>, vector<16xi32>], vector<16xi32>,
    %shift_right_logical3A_531 = arith.constant 15 : i32
    %shift_right_logical3A_532 = vector.broadcast %shift_right_logical3A_531 : i32 to vector<16xi32>
    %shift_right_logical3A_533 = arith.shrui %gather3A_529, %shift_right_logical3A_532 : vector<16xi32>
    %shift_left3A_534 = arith.constant 13 : i32
    %shift_left3A_535 = vector.broadcast %shift_left3A_534 : i32 to vector<16xi32>
    %shift_left3A_536 = arith.shli %shift_right_logical3A_533, %shift_left3A_535 : vector<16xi32>
    %and3A_537 = arith.constant 8191 : i32
    %and3A_538 = vector.broadcast %and3A_537 : i32 to vector<16xi32>
    %and3A_539 = arith.andi %gather3A_529, %and3A_538 : vector<16xi32>
    %or3A_540 = arith.ori %shift_left3A_536, %and3A_539 : vector<16xi32>
    tpu.vector_store_idx %arg9[%broadcast_in_dim3A_350, %add3A_528], %or3A_540 : memref<4x128xi32, #tpu.memory_space<vmem>>[vector<16xi32>, vector<16xi32>], vector<16xi32>,
    %shift_right_logical3A_541 = arith.constant 15 : i32
    %shift_right_logical3A_542 = vector.broadcast %shift_right_logical3A_541 : i32 to vector<16xi32>
    %shift_right_logical3A_543 = arith.shrui %gather3A_530, %shift_right_logical3A_542 : vector<16xi32>
    %shift_left3A_544 = arith.constant 13 : i32
    %shift_left3A_545 = vector.broadcast %shift_left3A_544 : i32 to vector<16xi32>
    %shift_left3A_546 = arith.shli %shift_right_logical3A_543, %shift_left3A_545 : vector<16xi32>
    %and3A_547 = arith.constant 8191 : i32
    %and3A_548 = vector.broadcast %and3A_547 : i32 to vector<16xi32>
    %and3A_549 = arith.andi %gather3A_530, %and3A_548 : vector<16xi32>
    %or3A_550 = arith.ori %shift_left3A_546, %and3A_549 : vector<16xi32>
    tpu.vector_store_idx %arg10[%broadcast_in_dim3A_350, %add3A_528], %or3A_550 : memref<4x128xi32, #tpu.memory_space<vmem>>[vector<16xi32>, vector<16xi32>], vector<16xi32>,
    %broadcast_in_dim3A_551 = arith.constant 2 : i32
    %broadcast_in_dim3A_552 = vector.broadcast %broadcast_in_dim3A_551 : i32 to vector<16xi32>
    %add3A_553 = arith.constant 0 : i32
    %add3A_554 = vector.broadcast %add3A_553 : i32 to vector<16xi32>
    %add3A_555 = arith.addi %iota3A, %add3A_554 : vector<16xi32>
    %gather3A_556 = tpu.vector_load_idx %arg7[%broadcast_in_dim3A_552, %add3A_555] : memref<4x128xi32, #tpu.memory_space<vmem>>[vector<16xi32>, vector<16xi32>], vector<16xi32>,
    %gather3A_557 = tpu.vector_load_idx %arg8[%broadcast_in_dim3A_552, %add3A_555] : memref<4x128xi32, #tpu.memory_space<vmem>>[vector<16xi32>, vector<16xi32>], vector<16xi32>,
    %shift_right_logical3A_558 = arith.constant 15 : i32
    %shift_right_logical3A_559 = vector.broadcast %shift_right_logical3A_558 : i32 to vector<16xi32>
    %shift_right_logical3A_560 = arith.shrui %gather3A_556, %shift_right_logical3A_559 : vector<16xi32>
    %shift_left3A_561 = arith.constant 13 : i32
    %shift_left3A_562 = vector.broadcast %shift_left3A_561 : i32 to vector<16xi32>
    %shift_left3A_563 = arith.shli %shift_right_logical3A_560, %shift_left3A_562 : vector<16xi32>
    %and3A_564 = arith.constant 8191 : i32
    %and3A_565 = vector.broadcast %and3A_564 : i32 to vector<16xi32>
    %and3A_566 = arith.andi %gather3A_556, %and3A_565 : vector<16xi32>
    %or3A_567 = arith.ori %shift_left3A_563, %and3A_566 : vector<16xi32>
    tpu.vector_store_idx %arg9[%broadcast_in_dim3A_552, %add3A_555], %or3A_567 : memref<4x128xi32, #tpu.memory_space<vmem>>[vector<16xi32>, vector<16xi32>], vector<16xi32>,
    %shift_right_logical3A_568 = arith.constant 15 : i32
    %shift_right_logical3A_569 = vector.broadcast %shift_right_logical3A_568 : i32 to vector<16xi32>
    %shift_right_logical3A_570 = arith.shrui %gather3A_557, %shift_right_logical3A_569 : vector<16xi32>
    %shift_left3A_571 = arith.constant 13 : i32
    %shift_left3A_572 = vector.broadcast %shift_left3A_571 : i32 to vector<16xi32>
    %shift_left3A_573 = arith.shli %shift_right_logical3A_570, %shift_left3A_572 : vector<16xi32>
    %and3A_574 = arith.constant 8191 : i32
    %and3A_575 = vector.broadcast %and3A_574 : i32 to vector<16xi32>
    %and3A_576 = arith.andi %gather3A_557, %and3A_575 : vector<16xi32>
    %or3A_577 = arith.ori %shift_left3A_573, %and3A_576 : vector<16xi32>
    tpu.vector_store_idx %arg10[%broadcast_in_dim3A_552, %add3A_555], %or3A_577 : memref<4x128xi32, #tpu.memory_space<vmem>>[vector<16xi32>, vector<16xi32>], vector<16xi32>,
    %add3A_578 = arith.constant 16 : i32
    %add3A_579 = vector.broadcast %add3A_578 : i32 to vector<16xi32>
    %add3A_580 = arith.addi %iota3A, %add3A_579 : vector<16xi32>
    %gather3A_581 = tpu.vector_load_idx %arg7[%broadcast_in_dim3A_552, %add3A_580] : memref<4x128xi32, #tpu.memory_space<vmem>>[vector<16xi32>, vector<16xi32>], vector<16xi32>,
    %gather3A_582 = tpu.vector_load_idx %arg8[%broadcast_in_dim3A_552, %add3A_580] : memref<4x128xi32, #tpu.memory_space<vmem>>[vector<16xi32>, vector<16xi32>], vector<16xi32>,
    %shift_right_logical3A_583 = arith.constant 15 : i32
    %shift_right_logical3A_584 = vector.broadcast %shift_right_logical3A_583 : i32 to vector<16xi32>
    %shift_right_logical3A_585 = arith.shrui %gather3A_581, %shift_right_logical3A_584 : vector<16xi32>
    %shift_left3A_586 = arith.constant 13 : i32
    %shift_left3A_587 = vector.broadcast %shift_left3A_586 : i32 to vector<16xi32>
    %shift_left3A_588 = arith.shli %shift_right_logical3A_585, %shift_left3A_587 : vector<16xi32>
    %and3A_589 = arith.constant 8191 : i32
    %and3A_590 = vector.broadcast %and3A_589 : i32 to vector<16xi32>
    %and3A_591 = arith.andi %gather3A_581, %and3A_590 : vector<16xi32>
    %or3A_592 = arith.ori %shift_left3A_588, %and3A_591 : vector<16xi32>
    tpu.vector_store_idx %arg9[%broadcast_in_dim3A_552, %add3A_580], %or3A_592 : memref<4x128xi32, #tpu.memory_space<vmem>>[vector<16xi32>, vector<16xi32>], vector<16xi32>,
    %shift_right_logical3A_593 = arith.constant 15 : i32
    %shift_right_logical3A_594 = vector.broadcast %shift_right_logical3A_593 : i32 to vector<16xi32>
    %shift_right_logical3A_595 = arith.shrui %gather3A_582, %shift_right_logical3A_594 : vector<16xi32>
    %shift_left3A_596 = arith.constant 13 : i32
    %shift_left3A_597 = vector.broadcast %shift_left3A_596 : i32 to vector<16xi32>
    %shift_left3A_598 = arith.shli %shift_right_logical3A_595, %shift_left3A_597 : vector<16xi32>
    %and3A_599 = arith.constant 8191 : i32
    %and3A_600 = vector.broadcast %and3A_599 : i32 to vector<16xi32>
    %and3A_601 = arith.andi %gather3A_582, %and3A_600 : vector<16xi32>
    %or3A_602 = arith.ori %shift_left3A_598, %and3A_601 : vector<16xi32>
    tpu.vector_store_idx %arg10[%broadcast_in_dim3A_552, %add3A_580], %or3A_602 : memref<4x128xi32, #tpu.memory_space<vmem>>[vector<16xi32>, vector<16xi32>], vector<16xi32>,
    %add3A_603 = arith.constant 32 : i32
    %add3A_604 = vector.broadcast %add3A_603 : i32 to vector<16xi32>
    %add3A_605 = arith.addi %iota3A, %add3A_604 : vector<16xi32>
    %gather3A_606 = tpu.vector_load_idx %arg7[%broadcast_in_dim3A_552, %add3A_605] : memref<4x128xi32, #tpu.memory_space<vmem>>[vector<16xi32>, vector<16xi32>], vector<16xi32>,
    %gather3A_607 = tpu.vector_load_idx %arg8[%broadcast_in_dim3A_552, %add3A_605] : memref<4x128xi32, #tpu.memory_space<vmem>>[vector<16xi32>, vector<16xi32>], vector<16xi32>,
    %shift_right_logical3A_608 = arith.constant 15 : i32
    %shift_right_logical3A_609 = vector.broadcast %shift_right_logical3A_608 : i32 to vector<16xi32>
    %shift_right_logical3A_610 = arith.shrui %gather3A_606, %shift_right_logical3A_609 : vector<16xi32>
    %shift_left3A_611 = arith.constant 13 : i32
    %shift_left3A_612 = vector.broadcast %shift_left3A_611 : i32 to vector<16xi32>
    %shift_left3A_613 = arith.shli %shift_right_logical3A_610, %shift_left3A_612 : vector<16xi32>
    %and3A_614 = arith.constant 8191 : i32
    %and3A_615 = vector.broadcast %and3A_614 : i32 to vector<16xi32>
    %and3A_616 = arith.andi %gather3A_606, %and3A_615 : vector<16xi32>
    %or3A_617 = arith.ori %shift_left3A_613, %and3A_616 : vector<16xi32>
    tpu.vector_store_idx %arg9[%broadcast_in_dim3A_552, %add3A_605], %or3A_617 : memref<4x128xi32, #tpu.memory_space<vmem>>[vector<16xi32>, vector<16xi32>], vector<16xi32>,
    %shift_right_logical3A_618 = arith.constant 15 : i32
    %shift_right_logical3A_619 = vector.broadcast %shift_right_logical3A_618 : i32 to vector<16xi32>
    %shift_right_logical3A_620 = arith.shrui %gather3A_607, %shift_right_logical3A_619 : vector<16xi32>
    %shift_left3A_621 = arith.constant 13 : i32
    %shift_left3A_622 = vector.broadcast %shift_left3A_621 : i32 to vector<16xi32>
    %shift_left3A_623 = arith.shli %shift_right_logical3A_620, %shift_left3A_622 : vector<16xi32>
    %and3A_624 = arith.constant 8191 : i32
    %and3A_625 = vector.broadcast %and3A_624 : i32 to vector<16xi32>
    %and3A_626 = arith.andi %gather3A_607, %and3A_625 : vector<16xi32>
    %or3A_627 = arith.ori %shift_left3A_623, %and3A_626 : vector<16xi32>
    tpu.vector_store_idx %arg10[%broadcast_in_dim3A_552, %add3A_605], %or3A_627 : memref<4x128xi32, #tpu.memory_space<vmem>>[vector<16xi32>, vector<16xi32>], vector<16xi32>,
    %add3A_628 = arith.constant 48 : i32
    %add3A_629 = vector.broadcast %add3A_628 : i32 to vector<16xi32>
    %add3A_630 = arith.addi %iota3A, %add3A_629 : vector<16xi32>
    %gather3A_631 = tpu.vector_load_idx %arg7[%broadcast_in_dim3A_552, %add3A_630] : memref<4x128xi32, #tpu.memory_space<vmem>>[vector<16xi32>, vector<16xi32>], vector<16xi32>,
    %gather3A_632 = tpu.vector_load_idx %arg8[%broadcast_in_dim3A_552, %add3A_630] : memref<4x128xi32, #tpu.memory_space<vmem>>[vector<16xi32>, vector<16xi32>], vector<16xi32>,
    %shift_right_logical3A_633 = arith.constant 15 : i32
    %shift_right_logical3A_634 = vector.broadcast %shift_right_logical3A_633 : i32 to vector<16xi32>
    %shift_right_logical3A_635 = arith.shrui %gather3A_631, %shift_right_logical3A_634 : vector<16xi32>
    %shift_left3A_636 = arith.constant 13 : i32
    %shift_left3A_637 = vector.broadcast %shift_left3A_636 : i32 to vector<16xi32>
    %shift_left3A_638 = arith.shli %shift_right_logical3A_635, %shift_left3A_637 : vector<16xi32>
    %and3A_639 = arith.constant 8191 : i32
    %and3A_640 = vector.broadcast %and3A_639 : i32 to vector<16xi32>
    %and3A_641 = arith.andi %gather3A_631, %and3A_640 : vector<16xi32>
    %or3A_642 = arith.ori %shift_left3A_638, %and3A_641 : vector<16xi32>
    tpu.vector_store_idx %arg9[%broadcast_in_dim3A_552, %add3A_630], %or3A_642 : memref<4x128xi32, #tpu.memory_space<vmem>>[vector<16xi32>, vector<16xi32>], vector<16xi32>,
    %shift_right_logical3A_643 = arith.constant 15 : i32
    %shift_right_logical3A_644 = vector.broadcast %shift_right_logical3A_643 : i32 to vector<16xi32>
    %shift_right_logical3A_645 = arith.shrui %gather3A_632, %shift_right_logical3A_644 : vector<16xi32>
    %shift_left3A_646 = arith.constant 13 : i32
    %shift_left3A_647 = vector.broadcast %shift_left3A_646 : i32 to vector<16xi32>
    %shift_left3A_648 = arith.shli %shift_right_logical3A_645, %shift_left3A_647 : vector<16xi32>
    %and3A_649 = arith.constant 8191 : i32
    %and3A_650 = vector.broadcast %and3A_649 : i32 to vector<16xi32>
    %and3A_651 = arith.andi %gather3A_632, %and3A_650 : vector<16xi32>
    %or3A_652 = arith.ori %shift_left3A_648, %and3A_651 : vector<16xi32>
    tpu.vector_store_idx %arg10[%broadcast_in_dim3A_552, %add3A_630], %or3A_652 : memref<4x128xi32, #tpu.memory_space<vmem>>[vector<16xi32>, vector<16xi32>], vector<16xi32>,
    %add3A_653 = arith.constant 64 : i32
    %add3A_654 = vector.broadcast %add3A_653 : i32 to vector<16xi32>
    %add3A_655 = arith.addi %iota3A, %add3A_654 : vector<16xi32>
    %gather3A_656 = tpu.vector_load_idx %arg7[%broadcast_in_dim3A_552, %add3A_655] : memref<4x128xi32, #tpu.memory_space<vmem>>[vector<16xi32>, vector<16xi32>], vector<16xi32>,
    %gather3A_657 = tpu.vector_load_idx %arg8[%broadcast_in_dim3A_552, %add3A_655] : memref<4x128xi32, #tpu.memory_space<vmem>>[vector<16xi32>, vector<16xi32>], vector<16xi32>,
    %shift_right_logical3A_658 = arith.constant 15 : i32
    %shift_right_logical3A_659 = vector.broadcast %shift_right_logical3A_658 : i32 to vector<16xi32>
    %shift_right_logical3A_660 = arith.shrui %gather3A_656, %shift_right_logical3A_659 : vector<16xi32>
    %shift_left3A_661 = arith.constant 13 : i32
    %shift_left3A_662 = vector.broadcast %shift_left3A_661 : i32 to vector<16xi32>
    %shift_left3A_663 = arith.shli %shift_right_logical3A_660, %shift_left3A_662 : vector<16xi32>
    %and3A_664 = arith.constant 8191 : i32
    %and3A_665 = vector.broadcast %and3A_664 : i32 to vector<16xi32>
    %and3A_666 = arith.andi %gather3A_656, %and3A_665 : vector<16xi32>
    %or3A_667 = arith.ori %shift_left3A_663, %and3A_666 : vector<16xi32>
    tpu.vector_store_idx %arg9[%broadcast_in_dim3A_552, %add3A_655], %or3A_667 : memref<4x128xi32, #tpu.memory_space<vmem>>[vector<16xi32>, vector<16xi32>], vector<16xi32>,
    %shift_right_logical3A_668 = arith.constant 15 : i32
    %shift_right_logical3A_669 = vector.broadcast %shift_right_logical3A_668 : i32 to vector<16xi32>
    %shift_right_logical3A_670 = arith.shrui %gather3A_657, %shift_right_logical3A_669 : vector<16xi32>
    %shift_left3A_671 = arith.constant 13 : i32
    %shift_left3A_672 = vector.broadcast %shift_left3A_671 : i32 to vector<16xi32>
    %shift_left3A_673 = arith.shli %shift_right_logical3A_670, %shift_left3A_672 : vector<16xi32>
    %and3A_674 = arith.constant 8191 : i32
    %and3A_675 = vector.broadcast %and3A_674 : i32 to vector<16xi32>
    %and3A_676 = arith.andi %gather3A_657, %and3A_675 : vector<16xi32>
    %or3A_677 = arith.ori %shift_left3A_673, %and3A_676 : vector<16xi32>
    tpu.vector_store_idx %arg10[%broadcast_in_dim3A_552, %add3A_655], %or3A_677 : memref<4x128xi32, #tpu.memory_space<vmem>>[vector<16xi32>, vector<16xi32>], vector<16xi32>,
    %add3A_678 = arith.constant 80 : i32
    %add3A_679 = vector.broadcast %add3A_678 : i32 to vector<16xi32>
    %add3A_680 = arith.addi %iota3A, %add3A_679 : vector<16xi32>
    %gather3A_681 = tpu.vector_load_idx %arg7[%broadcast_in_dim3A_552, %add3A_680] : memref<4x128xi32, #tpu.memory_space<vmem>>[vector<16xi32>, vector<16xi32>], vector<16xi32>,
    %gather3A_682 = tpu.vector_load_idx %arg8[%broadcast_in_dim3A_552, %add3A_680] : memref<4x128xi32, #tpu.memory_space<vmem>>[vector<16xi32>, vector<16xi32>], vector<16xi32>,
    %shift_right_logical3A_683 = arith.constant 15 : i32
    %shift_right_logical3A_684 = vector.broadcast %shift_right_logical3A_683 : i32 to vector<16xi32>
    %shift_right_logical3A_685 = arith.shrui %gather3A_681, %shift_right_logical3A_684 : vector<16xi32>
    %shift_left3A_686 = arith.constant 13 : i32
    %shift_left3A_687 = vector.broadcast %shift_left3A_686 : i32 to vector<16xi32>
    %shift_left3A_688 = arith.shli %shift_right_logical3A_685, %shift_left3A_687 : vector<16xi32>
    %and3A_689 = arith.constant 8191 : i32
    %and3A_690 = vector.broadcast %and3A_689 : i32 to vector<16xi32>
    %and3A_691 = arith.andi %gather3A_681, %and3A_690 : vector<16xi32>
    %or3A_692 = arith.ori %shift_left3A_688, %and3A_691 : vector<16xi32>
    tpu.vector_store_idx %arg9[%broadcast_in_dim3A_552, %add3A_680], %or3A_692 : memref<4x128xi32, #tpu.memory_space<vmem>>[vector<16xi32>, vector<16xi32>], vector<16xi32>,
    %shift_right_logical3A_693 = arith.constant 15 : i32
    %shift_right_logical3A_694 = vector.broadcast %shift_right_logical3A_693 : i32 to vector<16xi32>
    %shift_right_logical3A_695 = arith.shrui %gather3A_682, %shift_right_logical3A_694 : vector<16xi32>
    %shift_left3A_696 = arith.constant 13 : i32
    %shift_left3A_697 = vector.broadcast %shift_left3A_696 : i32 to vector<16xi32>
    %shift_left3A_698 = arith.shli %shift_right_logical3A_695, %shift_left3A_697 : vector<16xi32>
    %and3A_699 = arith.constant 8191 : i32
    %and3A_700 = vector.broadcast %and3A_699 : i32 to vector<16xi32>
    %and3A_701 = arith.andi %gather3A_682, %and3A_700 : vector<16xi32>
    %or3A_702 = arith.ori %shift_left3A_698, %and3A_701 : vector<16xi32>
    tpu.vector_store_idx %arg10[%broadcast_in_dim3A_552, %add3A_680], %or3A_702 : memref<4x128xi32, #tpu.memory_space<vmem>>[vector<16xi32>, vector<16xi32>], vector<16xi32>,
    %add3A_703 = arith.constant 96 : i32
    %add3A_704 = vector.broadcast %add3A_703 : i32 to vector<16xi32>
    %add3A_705 = arith.addi %iota3A, %add3A_704 : vector<16xi32>
    %gather3A_706 = tpu.vector_load_idx %arg7[%broadcast_in_dim3A_552, %add3A_705] : memref<4x128xi32, #tpu.memory_space<vmem>>[vector<16xi32>, vector<16xi32>], vector<16xi32>,
    %gather3A_707 = tpu.vector_load_idx %arg8[%broadcast_in_dim3A_552, %add3A_705] : memref<4x128xi32, #tpu.memory_space<vmem>>[vector<16xi32>, vector<16xi32>], vector<16xi32>,
    %shift_right_logical3A_708 = arith.constant 15 : i32
    %shift_right_logical3A_709 = vector.broadcast %shift_right_logical3A_708 : i32 to vector<16xi32>
    %shift_right_logical3A_710 = arith.shrui %gather3A_706, %shift_right_logical3A_709 : vector<16xi32>
    %shift_left3A_711 = arith.constant 13 : i32
    %shift_left3A_712 = vector.broadcast %shift_left3A_711 : i32 to vector<16xi32>
    %shift_left3A_713 = arith.shli %shift_right_logical3A_710, %shift_left3A_712 : vector<16xi32>
    %and3A_714 = arith.constant 8191 : i32
    %and3A_715 = vector.broadcast %and3A_714 : i32 to vector<16xi32>
    %and3A_716 = arith.andi %gather3A_706, %and3A_715 : vector<16xi32>
    %or3A_717 = arith.ori %shift_left3A_713, %and3A_716 : vector<16xi32>
    tpu.vector_store_idx %arg9[%broadcast_in_dim3A_552, %add3A_705], %or3A_717 : memref<4x128xi32, #tpu.memory_space<vmem>>[vector<16xi32>, vector<16xi32>], vector<16xi32>,
    %shift_right_logical3A_718 = arith.constant 15 : i32
    %shift_right_logical3A_719 = vector.broadcast %shift_right_logical3A_718 : i32 to vector<16xi32>
    %shift_right_logical3A_720 = arith.shrui %gather3A_707, %shift_right_logical3A_719 : vector<16xi32>
    %shift_left3A_721 = arith.constant 13 : i32
    %shift_left3A_722 = vector.broadcast %shift_left3A_721 : i32 to vector<16xi32>
    %shift_left3A_723 = arith.shli %shift_right_logical3A_720, %shift_left3A_722 : vector<16xi32>
    %and3A_724 = arith.constant 8191 : i32
    %and3A_725 = vector.broadcast %and3A_724 : i32 to vector<16xi32>
    %and3A_726 = arith.andi %gather3A_707, %and3A_725 : vector<16xi32>
    %or3A_727 = arith.ori %shift_left3A_723, %and3A_726 : vector<16xi32>
    tpu.vector_store_idx %arg10[%broadcast_in_dim3A_552, %add3A_705], %or3A_727 : memref<4x128xi32, #tpu.memory_space<vmem>>[vector<16xi32>, vector<16xi32>], vector<16xi32>,
    %add3A_728 = arith.constant 112 : i32
    %add3A_729 = vector.broadcast %add3A_728 : i32 to vector<16xi32>
    %add3A_730 = arith.addi %iota3A, %add3A_729 : vector<16xi32>
    %gather3A_731 = tpu.vector_load_idx %arg7[%broadcast_in_dim3A_552, %add3A_730] : memref<4x128xi32, #tpu.memory_space<vmem>>[vector<16xi32>, vector<16xi32>], vector<16xi32>,
    %gather3A_732 = tpu.vector_load_idx %arg8[%broadcast_in_dim3A_552, %add3A_730] : memref<4x128xi32, #tpu.memory_space<vmem>>[vector<16xi32>, vector<16xi32>], vector<16xi32>,
    %shift_right_logical3A_733 = arith.constant 15 : i32
    %shift_right_logical3A_734 = vector.broadcast %shift_right_logical3A_733 : i32 to vector<16xi32>
    %shift_right_logical3A_735 = arith.shrui %gather3A_731, %shift_right_logical3A_734 : vector<16xi32>
    %shift_left3A_736 = arith.constant 13 : i32
    %shift_left3A_737 = vector.broadcast %shift_left3A_736 : i32 to vector<16xi32>
    %shift_left3A_738 = arith.shli %shift_right_logical3A_735, %shift_left3A_737 : vector<16xi32>
    %and3A_739 = arith.constant 8191 : i32
    %and3A_740 = vector.broadcast %and3A_739 : i32 to vector<16xi32>
    %and3A_741 = arith.andi %gather3A_731, %and3A_740 : vector<16xi32>
    %or3A_742 = arith.ori %shift_left3A_738, %and3A_741 : vector<16xi32>
    tpu.vector_store_idx %arg9[%broadcast_in_dim3A_552, %add3A_730], %or3A_742 : memref<4x128xi32, #tpu.memory_space<vmem>>[vector<16xi32>, vector<16xi32>], vector<16xi32>,
    %shift_right_logical3A_743 = arith.constant 15 : i32
    %shift_right_logical3A_744 = vector.broadcast %shift_right_logical3A_743 : i32 to vector<16xi32>
    %shift_right_logical3A_745 = arith.shrui %gather3A_732, %shift_right_logical3A_744 : vector<16xi32>
    %shift_left3A_746 = arith.constant 13 : i32
    %shift_left3A_747 = vector.broadcast %shift_left3A_746 : i32 to vector<16xi32>
    %shift_left3A_748 = arith.shli %shift_right_logical3A_745, %shift_left3A_747 : vector<16xi32>
    %and3A_749 = arith.constant 8191 : i32
    %and3A_750 = vector.broadcast %and3A_749 : i32 to vector<16xi32>
    %and3A_751 = arith.andi %gather3A_732, %and3A_750 : vector<16xi32>
    %or3A_752 = arith.ori %shift_left3A_748, %and3A_751 : vector<16xi32>
    tpu.vector_store_idx %arg10[%broadcast_in_dim3A_552, %add3A_730], %or3A_752 : memref<4x128xi32, #tpu.memory_space<vmem>>[vector<16xi32>, vector<16xi32>], vector<16xi32>,
    %broadcast_in_dim3A_753 = arith.constant 3 : i32
    %broadcast_in_dim3A_754 = vector.broadcast %broadcast_in_dim3A_753 : i32 to vector<16xi32>
    %add3A_755 = arith.constant 0 : i32
    %add3A_756 = vector.broadcast %add3A_755 : i32 to vector<16xi32>
    %add3A_757 = arith.addi %iota3A, %add3A_756 : vector<16xi32>
    %gather3A_758 = tpu.vector_load_idx %arg7[%broadcast_in_dim3A_754, %add3A_757] : memref<4x128xi32, #tpu.memory_space<vmem>>[vector<16xi32>, vector<16xi32>], vector<16xi32>,
    %gather3A_759 = tpu.vector_load_idx %arg8[%broadcast_in_dim3A_754, %add3A_757] : memref<4x128xi32, #tpu.memory_space<vmem>>[vector<16xi32>, vector<16xi32>], vector<16xi32>,
    %shift_right_logical3A_760 = arith.constant 15 : i32
    %shift_right_logical3A_761 = vector.broadcast %shift_right_logical3A_760 : i32 to vector<16xi32>
    %shift_right_logical3A_762 = arith.shrui %gather3A_758, %shift_right_logical3A_761 : vector<16xi32>
    %shift_left3A_763 = arith.constant 13 : i32
    %shift_left3A_764 = vector.broadcast %shift_left3A_763 : i32 to vector<16xi32>
    %shift_left3A_765 = arith.shli %shift_right_logical3A_762, %shift_left3A_764 : vector<16xi32>
    %and3A_766 = arith.constant 8191 : i32
    %and3A_767 = vector.broadcast %and3A_766 : i32 to vector<16xi32>
    %and3A_768 = arith.andi %gather3A_758, %and3A_767 : vector<16xi32>
    %or3A_769 = arith.ori %shift_left3A_765, %and3A_768 : vector<16xi32>
    tpu.vector_store_idx %arg9[%broadcast_in_dim3A_754, %add3A_757], %or3A_769 : memref<4x128xi32, #tpu.memory_space<vmem>>[vector<16xi32>, vector<16xi32>], vector<16xi32>,
    %shift_right_logical3A_770 = arith.constant 15 : i32
    %shift_right_logical3A_771 = vector.broadcast %shift_right_logical3A_770 : i32 to vector<16xi32>
    %shift_right_logical3A_772 = arith.shrui %gather3A_759, %shift_right_logical3A_771 : vector<16xi32>
    %shift_left3A_773 = arith.constant 13 : i32
    %shift_left3A_774 = vector.broadcast %shift_left3A_773 : i32 to vector<16xi32>
    %shift_left3A_775 = arith.shli %shift_right_logical3A_772, %shift_left3A_774 : vector<16xi32>
    %and3A_776 = arith.constant 8191 : i32
    %and3A_777 = vector.broadcast %and3A_776 : i32 to vector<16xi32>
    %and3A_778 = arith.andi %gather3A_759, %and3A_777 : vector<16xi32>
    %or3A_779 = arith.ori %shift_left3A_775, %and3A_778 : vector<16xi32>
    tpu.vector_store_idx %arg10[%broadcast_in_dim3A_754, %add3A_757], %or3A_779 : memref<4x128xi32, #tpu.memory_space<vmem>>[vector<16xi32>, vector<16xi32>], vector<16xi32>,
    %add3A_780 = arith.constant 16 : i32
    %add3A_781 = vector.broadcast %add3A_780 : i32 to vector<16xi32>
    %add3A_782 = arith.addi %iota3A, %add3A_781 : vector<16xi32>
    %gather3A_783 = tpu.vector_load_idx %arg7[%broadcast_in_dim3A_754, %add3A_782] : memref<4x128xi32, #tpu.memory_space<vmem>>[vector<16xi32>, vector<16xi32>], vector<16xi32>,
    %gather3A_784 = tpu.vector_load_idx %arg8[%broadcast_in_dim3A_754, %add3A_782] : memref<4x128xi32, #tpu.memory_space<vmem>>[vector<16xi32>, vector<16xi32>], vector<16xi32>,
    %shift_right_logical3A_785 = arith.constant 15 : i32
    %shift_right_logical3A_786 = vector.broadcast %shift_right_logical3A_785 : i32 to vector<16xi32>
    %shift_right_logical3A_787 = arith.shrui %gather3A_783, %shift_right_logical3A_786 : vector<16xi32>
    %shift_left3A_788 = arith.constant 13 : i32
    %shift_left3A_789 = vector.broadcast %shift_left3A_788 : i32 to vector<16xi32>
    %shift_left3A_790 = arith.shli %shift_right_logical3A_787, %shift_left3A_789 : vector<16xi32>
    %and3A_791 = arith.constant 8191 : i32
    %and3A_792 = vector.broadcast %and3A_791 : i32 to vector<16xi32>
    %and3A_793 = arith.andi %gather3A_783, %and3A_792 : vector<16xi32>
    %or3A_794 = arith.ori %shift_left3A_790, %and3A_793 : vector<16xi32>
    tpu.vector_store_idx %arg9[%broadcast_in_dim3A_754, %add3A_782], %or3A_794 : memref<4x128xi32, #tpu.memory_space<vmem>>[vector<16xi32>, vector<16xi32>], vector<16xi32>,
    %shift_right_logical3A_795 = arith.constant 15 : i32
    %shift_right_logical3A_796 = vector.broadcast %shift_right_logical3A_795 : i32 to vector<16xi32>
    %shift_right_logical3A_797 = arith.shrui %gather3A_784, %shift_right_logical3A_796 : vector<16xi32>
    %shift_left3A_798 = arith.constant 13 : i32
    %shift_left3A_799 = vector.broadcast %shift_left3A_798 : i32 to vector<16xi32>
    %shift_left3A_800 = arith.shli %shift_right_logical3A_797, %shift_left3A_799 : vector<16xi32>
    %and3A_801 = arith.constant 8191 : i32
    %and3A_802 = vector.broadcast %and3A_801 : i32 to vector<16xi32>
    %and3A_803 = arith.andi %gather3A_784, %and3A_802 : vector<16xi32>
    %or3A_804 = arith.ori %shift_left3A_800, %and3A_803 : vector<16xi32>
    tpu.vector_store_idx %arg10[%broadcast_in_dim3A_754, %add3A_782], %or3A_804 : memref<4x128xi32, #tpu.memory_space<vmem>>[vector<16xi32>, vector<16xi32>], vector<16xi32>,
    %add3A_805 = arith.constant 32 : i32
    %add3A_806 = vector.broadcast %add3A_805 : i32 to vector<16xi32>
    %add3A_807 = arith.addi %iota3A, %add3A_806 : vector<16xi32>
    %gather3A_808 = tpu.vector_load_idx %arg7[%broadcast_in_dim3A_754, %add3A_807] : memref<4x128xi32, #tpu.memory_space<vmem>>[vector<16xi32>, vector<16xi32>], vector<16xi32>,
    %gather3A_809 = tpu.vector_load_idx %arg8[%broadcast_in_dim3A_754, %add3A_807] : memref<4x128xi32, #tpu.memory_space<vmem>>[vector<16xi32>, vector<16xi32>], vector<16xi32>,
    %shift_right_logical3A_810 = arith.constant 15 : i32
    %shift_right_logical3A_811 = vector.broadcast %shift_right_logical3A_810 : i32 to vector<16xi32>
    %shift_right_logical3A_812 = arith.shrui %gather3A_808, %shift_right_logical3A_811 : vector<16xi32>
    %shift_left3A_813 = arith.constant 13 : i32
    %shift_left3A_814 = vector.broadcast %shift_left3A_813 : i32 to vector<16xi32>
    %shift_left3A_815 = arith.shli %shift_right_logical3A_812, %shift_left3A_814 : vector<16xi32>
    %and3A_816 = arith.constant 8191 : i32
    %and3A_817 = vector.broadcast %and3A_816 : i32 to vector<16xi32>
    %and3A_818 = arith.andi %gather3A_808, %and3A_817 : vector<16xi32>
    %or3A_819 = arith.ori %shift_left3A_815, %and3A_818 : vector<16xi32>
    tpu.vector_store_idx %arg9[%broadcast_in_dim3A_754, %add3A_807], %or3A_819 : memref<4x128xi32, #tpu.memory_space<vmem>>[vector<16xi32>, vector<16xi32>], vector<16xi32>,
    %shift_right_logical3A_820 = arith.constant 15 : i32
    %shift_right_logical3A_821 = vector.broadcast %shift_right_logical3A_820 : i32 to vector<16xi32>
    %shift_right_logical3A_822 = arith.shrui %gather3A_809, %shift_right_logical3A_821 : vector<16xi32>
    %shift_left3A_823 = arith.constant 13 : i32
    %shift_left3A_824 = vector.broadcast %shift_left3A_823 : i32 to vector<16xi32>
    %shift_left3A_825 = arith.shli %shift_right_logical3A_822, %shift_left3A_824 : vector<16xi32>
    %and3A_826 = arith.constant 8191 : i32
    %and3A_827 = vector.broadcast %and3A_826 : i32 to vector<16xi32>
    %and3A_828 = arith.andi %gather3A_809, %and3A_827 : vector<16xi32>
    %or3A_829 = arith.ori %shift_left3A_825, %and3A_828 : vector<16xi32>
    tpu.vector_store_idx %arg10[%broadcast_in_dim3A_754, %add3A_807], %or3A_829 : memref<4x128xi32, #tpu.memory_space<vmem>>[vector<16xi32>, vector<16xi32>], vector<16xi32>,
    %add3A_830 = arith.constant 48 : i32
    %add3A_831 = vector.broadcast %add3A_830 : i32 to vector<16xi32>
    %add3A_832 = arith.addi %iota3A, %add3A_831 : vector<16xi32>
    %gather3A_833 = tpu.vector_load_idx %arg7[%broadcast_in_dim3A_754, %add3A_832] : memref<4x128xi32, #tpu.memory_space<vmem>>[vector<16xi32>, vector<16xi32>], vector<16xi32>,
    %gather3A_834 = tpu.vector_load_idx %arg8[%broadcast_in_dim3A_754, %add3A_832] : memref<4x128xi32, #tpu.memory_space<vmem>>[vector<16xi32>, vector<16xi32>], vector<16xi32>,
    %shift_right_logical3A_835 = arith.constant 15 : i32
    %shift_right_logical3A_836 = vector.broadcast %shift_right_logical3A_835 : i32 to vector<16xi32>
    %shift_right_logical3A_837 = arith.shrui %gather3A_833, %shift_right_logical3A_836 : vector<16xi32>
    %shift_left3A_838 = arith.constant 13 : i32
    %shift_left3A_839 = vector.broadcast %shift_left3A_838 : i32 to vector<16xi32>
    %shift_left3A_840 = arith.shli %shift_right_logical3A_837, %shift_left3A_839 : vector<16xi32>
    %and3A_841 = arith.constant 8191 : i32
    %and3A_842 = vector.broadcast %and3A_841 : i32 to vector<16xi32>
    %and3A_843 = arith.andi %gather3A_833, %and3A_842 : vector<16xi32>
    %or3A_844 = arith.ori %shift_left3A_840, %and3A_843 : vector<16xi32>
    tpu.vector_store_idx %arg9[%broadcast_in_dim3A_754, %add3A_832], %or3A_844 : memref<4x128xi32, #tpu.memory_space<vmem>>[vector<16xi32>, vector<16xi32>], vector<16xi32>,
    %shift_right_logical3A_845 = arith.constant 15 : i32
    %shift_right_logical3A_846 = vector.broadcast %shift_right_logical3A_845 : i32 to vector<16xi32>
    %shift_right_logical3A_847 = arith.shrui %gather3A_834, %shift_right_logical3A_846 : vector<16xi32>
    %shift_left3A_848 = arith.constant 13 : i32
    %shift_left3A_849 = vector.broadcast %shift_left3A_848 : i32 to vector<16xi32>
    %shift_left3A_850 = arith.shli %shift_right_logical3A_847, %shift_left3A_849 : vector<16xi32>
    %and3A_851 = arith.constant 8191 : i32
    %and3A_852 = vector.broadcast %and3A_851 : i32 to vector<16xi32>
    %and3A_853 = arith.andi %gather3A_834, %and3A_852 : vector<16xi32>
    %or3A_854 = arith.ori %shift_left3A_850, %and3A_853 : vector<16xi32>
    tpu.vector_store_idx %arg10[%broadcast_in_dim3A_754, %add3A_832], %or3A_854 : memref<4x128xi32, #tpu.memory_space<vmem>>[vector<16xi32>, vector<16xi32>], vector<16xi32>,
    %add3A_855 = arith.constant 64 : i32
    %add3A_856 = vector.broadcast %add3A_855 : i32 to vector<16xi32>
    %add3A_857 = arith.addi %iota3A, %add3A_856 : vector<16xi32>
    %gather3A_858 = tpu.vector_load_idx %arg7[%broadcast_in_dim3A_754, %add3A_857] : memref<4x128xi32, #tpu.memory_space<vmem>>[vector<16xi32>, vector<16xi32>], vector<16xi32>,
    %gather3A_859 = tpu.vector_load_idx %arg8[%broadcast_in_dim3A_754, %add3A_857] : memref<4x128xi32, #tpu.memory_space<vmem>>[vector<16xi32>, vector<16xi32>], vector<16xi32>,
    %shift_right_logical3A_860 = arith.constant 15 : i32
    %shift_right_logical3A_861 = vector.broadcast %shift_right_logical3A_860 : i32 to vector<16xi32>
    %shift_right_logical3A_862 = arith.shrui %gather3A_858, %shift_right_logical3A_861 : vector<16xi32>
    %shift_left3A_863 = arith.constant 13 : i32
    %shift_left3A_864 = vector.broadcast %shift_left3A_863 : i32 to vector<16xi32>
    %shift_left3A_865 = arith.shli %shift_right_logical3A_862, %shift_left3A_864 : vector<16xi32>
    %and3A_866 = arith.constant 8191 : i32
    %and3A_867 = vector.broadcast %and3A_866 : i32 to vector<16xi32>
    %and3A_868 = arith.andi %gather3A_858, %and3A_867 : vector<16xi32>
    %or3A_869 = arith.ori %shift_left3A_865, %and3A_868 : vector<16xi32>
    tpu.vector_store_idx %arg9[%broadcast_in_dim3A_754, %add3A_857], %or3A_869 : memref<4x128xi32, #tpu.memory_space<vmem>>[vector<16xi32>, vector<16xi32>], vector<16xi32>,
    %shift_right_logical3A_870 = arith.constant 15 : i32
    %shift_right_logical3A_871 = vector.broadcast %shift_right_logical3A_870 : i32 to vector<16xi32>
    %shift_right_logical3A_872 = arith.shrui %gather3A_859, %shift_right_logical3A_871 : vector<16xi32>
    %shift_left3A_873 = arith.constant 13 : i32
    %shift_left3A_874 = vector.broadcast %shift_left3A_873 : i32 to vector<16xi32>
    %shift_left3A_875 = arith.shli %shift_right_logical3A_872, %shift_left3A_874 : vector<16xi32>
    %and3A_876 = arith.constant 8191 : i32
    %and3A_877 = vector.broadcast %and3A_876 : i32 to vector<16xi32>
    %and3A_878 = arith.andi %gather3A_859, %and3A_877 : vector<16xi32>
    %or3A_879 = arith.ori %shift_left3A_875, %and3A_878 : vector<16xi32>
    tpu.vector_store_idx %arg10[%broadcast_in_dim3A_754, %add3A_857], %or3A_879 : memref<4x128xi32, #tpu.memory_space<vmem>>[vector<16xi32>, vector<16xi32>], vector<16xi32>,
    %add3A_880 = arith.constant 80 : i32
    %add3A_881 = vector.broadcast %add3A_880 : i32 to vector<16xi32>
    %add3A_882 = arith.addi %iota3A, %add3A_881 : vector<16xi32>
    %gather3A_883 = tpu.vector_load_idx %arg7[%broadcast_in_dim3A_754, %add3A_882] : memref<4x128xi32, #tpu.memory_space<vmem>>[vector<16xi32>, vector<16xi32>], vector<16xi32>,
    %gather3A_884 = tpu.vector_load_idx %arg8[%broadcast_in_dim3A_754, %add3A_882] : memref<4x128xi32, #tpu.memory_space<vmem>>[vector<16xi32>, vector<16xi32>], vector<16xi32>,
    %shift_right_logical3A_885 = arith.constant 15 : i32
    %shift_right_logical3A_886 = vector.broadcast %shift_right_logical3A_885 : i32 to vector<16xi32>
    %shift_right_logical3A_887 = arith.shrui %gather3A_883, %shift_right_logical3A_886 : vector<16xi32>
    %shift_left3A_888 = arith.constant 13 : i32
    %shift_left3A_889 = vector.broadcast %shift_left3A_888 : i32 to vector<16xi32>
    %shift_left3A_890 = arith.shli %shift_right_logical3A_887, %shift_left3A_889 : vector<16xi32>
    %and3A_891 = arith.constant 8191 : i32
    %and3A_892 = vector.broadcast %and3A_891 : i32 to vector<16xi32>
    %and3A_893 = arith.andi %gather3A_883, %and3A_892 : vector<16xi32>
    %or3A_894 = arith.ori %shift_left3A_890, %and3A_893 : vector<16xi32>
    tpu.vector_store_idx %arg9[%broadcast_in_dim3A_754, %add3A_882], %or3A_894 : memref<4x128xi32, #tpu.memory_space<vmem>>[vector<16xi32>, vector<16xi32>], vector<16xi32>,
    %shift_right_logical3A_895 = arith.constant 15 : i32
    %shift_right_logical3A_896 = vector.broadcast %shift_right_logical3A_895 : i32 to vector<16xi32>
    %shift_right_logical3A_897 = arith.shrui %gather3A_884, %shift_right_logical3A_896 : vector<16xi32>
    %shift_left3A_898 = arith.constant 13 : i32
    %shift_left3A_899 = vector.broadcast %shift_left3A_898 : i32 to vector<16xi32>
    %shift_left3A_900 = arith.shli %shift_right_logical3A_897, %shift_left3A_899 : vector<16xi32>
    %and3A_901 = arith.constant 8191 : i32
    %and3A_902 = vector.broadcast %and3A_901 : i32 to vector<16xi32>
    %and3A_903 = arith.andi %gather3A_884, %and3A_902 : vector<16xi32>
    %or3A_904 = arith.ori %shift_left3A_900, %and3A_903 : vector<16xi32>
    tpu.vector_store_idx %arg10[%broadcast_in_dim3A_754, %add3A_882], %or3A_904 : memref<4x128xi32, #tpu.memory_space<vmem>>[vector<16xi32>, vector<16xi32>], vector<16xi32>,
    %add3A_905 = arith.constant 96 : i32
    %add3A_906 = vector.broadcast %add3A_905 : i32 to vector<16xi32>
    %add3A_907 = arith.addi %iota3A, %add3A_906 : vector<16xi32>
    %gather3A_908 = tpu.vector_load_idx %arg7[%broadcast_in_dim3A_754, %add3A_907] : memref<4x128xi32, #tpu.memory_space<vmem>>[vector<16xi32>, vector<16xi32>], vector<16xi32>,
    %gather3A_909 = tpu.vector_load_idx %arg8[%broadcast_in_dim3A_754, %add3A_907] : memref<4x128xi32, #tpu.memory_space<vmem>>[vector<16xi32>, vector<16xi32>], vector<16xi32>,
    %shift_right_logical3A_910 = arith.constant 15 : i32
    %shift_right_logical3A_911 = vector.broadcast %shift_right_logical3A_910 : i32 to vector<16xi32>
    %shift_right_logical3A_912 = arith.shrui %gather3A_908, %shift_right_logical3A_911 : vector<16xi32>
    %shift_left3A_913 = arith.constant 13 : i32
    %shift_left3A_914 = vector.broadcast %shift_left3A_913 : i32 to vector<16xi32>
    %shift_left3A_915 = arith.shli %shift_right_logical3A_912, %shift_left3A_914 : vector<16xi32>
    %and3A_916 = arith.constant 8191 : i32
    %and3A_917 = vector.broadcast %and3A_916 : i32 to vector<16xi32>
    %and3A_918 = arith.andi %gather3A_908, %and3A_917 : vector<16xi32>
    %or3A_919 = arith.ori %shift_left3A_915, %and3A_918 : vector<16xi32>
    tpu.vector_store_idx %arg9[%broadcast_in_dim3A_754, %add3A_907], %or3A_919 : memref<4x128xi32, #tpu.memory_space<vmem>>[vector<16xi32>, vector<16xi32>], vector<16xi32>,
    %shift_right_logical3A_920 = arith.constant 15 : i32
    %shift_right_logical3A_921 = vector.broadcast %shift_right_logical3A_920 : i32 to vector<16xi32>
    %shift_right_logical3A_922 = arith.shrui %gather3A_909, %shift_right_logical3A_921 : vector<16xi32>
    %shift_left3A_923 = arith.constant 13 : i32
    %shift_left3A_924 = vector.broadcast %shift_left3A_923 : i32 to vector<16xi32>
    %shift_left3A_925 = arith.shli %shift_right_logical3A_922, %shift_left3A_924 : vector<16xi32>
    %and3A_926 = arith.constant 8191 : i32
    %and3A_927 = vector.broadcast %and3A_926 : i32 to vector<16xi32>
    %and3A_928 = arith.andi %gather3A_909, %and3A_927 : vector<16xi32>
    %or3A_929 = arith.ori %shift_left3A_925, %and3A_928 : vector<16xi32>
    tpu.vector_store_idx %arg10[%broadcast_in_dim3A_754, %add3A_907], %or3A_929 : memref<4x128xi32, #tpu.memory_space<vmem>>[vector<16xi32>, vector<16xi32>], vector<16xi32>,
    %add3A_930 = arith.constant 112 : i32
    %add3A_931 = vector.broadcast %add3A_930 : i32 to vector<16xi32>
    %add3A_932 = arith.addi %iota3A, %add3A_931 : vector<16xi32>
    %gather3A_933 = tpu.vector_load_idx %arg7[%broadcast_in_dim3A_754, %add3A_932] : memref<4x128xi32, #tpu.memory_space<vmem>>[vector<16xi32>, vector<16xi32>], vector<16xi32>,
    %gather3A_934 = tpu.vector_load_idx %arg8[%broadcast_in_dim3A_754, %add3A_932] : memref<4x128xi32, #tpu.memory_space<vmem>>[vector<16xi32>, vector<16xi32>], vector<16xi32>,
    %shift_right_logical3A_935 = arith.constant 15 : i32
    %shift_right_logical3A_936 = vector.broadcast %shift_right_logical3A_935 : i32 to vector<16xi32>
    %shift_right_logical3A_937 = arith.shrui %gather3A_933, %shift_right_logical3A_936 : vector<16xi32>
    %shift_left3A_938 = arith.constant 13 : i32
    %shift_left3A_939 = vector.broadcast %shift_left3A_938 : i32 to vector<16xi32>
    %shift_left3A_940 = arith.shli %shift_right_logical3A_937, %shift_left3A_939 : vector<16xi32>
    %and3A_941 = arith.constant 8191 : i32
    %and3A_942 = vector.broadcast %and3A_941 : i32 to vector<16xi32>
    %and3A_943 = arith.andi %gather3A_933, %and3A_942 : vector<16xi32>
    %or3A_944 = arith.ori %shift_left3A_940, %and3A_943 : vector<16xi32>
    tpu.vector_store_idx %arg9[%broadcast_in_dim3A_754, %add3A_932], %or3A_944 : memref<4x128xi32, #tpu.memory_space<vmem>>[vector<16xi32>, vector<16xi32>], vector<16xi32>,
    %shift_right_logical3A_945 = arith.constant 15 : i32
    %shift_right_logical3A_946 = vector.broadcast %shift_right_logical3A_945 : i32 to vector<16xi32>
    %shift_right_logical3A_947 = arith.shrui %gather3A_934, %shift_right_logical3A_946 : vector<16xi32>
    %shift_left3A_948 = arith.constant 13 : i32
    %shift_left3A_949 = vector.broadcast %shift_left3A_948 : i32 to vector<16xi32>
    %shift_left3A_950 = arith.shli %shift_right_logical3A_947, %shift_left3A_949 : vector<16xi32>
    %and3A_951 = arith.constant 8191 : i32
    %and3A_952 = vector.broadcast %and3A_951 : i32 to vector<16xi32>
    %and3A_953 = arith.andi %gather3A_934, %and3A_952 : vector<16xi32>
    %or3A_954 = arith.ori %shift_left3A_950, %and3A_953 : vector<16xi32>
    tpu.vector_store_idx %arg10[%broadcast_in_dim3A_754, %add3A_932], %or3A_954 : memref<4x128xi32, #tpu.memory_space<vmem>>[vector<16xi32>, vector<16xi32>], vector<16xi32>,
    %dma_start3A_955 = arith.constant 0 : i32
    %dma_start3A_956 = arith.constant 0 : i32
    %dma_start3A_957 = arith.constant 0 : i32
    %dma_start3A_958 = arith.constant 0 : i32
    %dma_start3A_959 = tpu.memref_slice %arg11[%dma_start3A_956, %dma_start3A_957, %dma_start3A_958] : memref<2x128x128xf32, #tpu.memory_space<vmem>> -> memref<1x128x128xf32, #tpu.memory_space<vmem>>
    %dma_start3A_960 = tpu.memref_squeeze %dma_start3A_959 : memref<1x128x128xf32, #tpu.memory_space<vmem>> -> memref<128x128xf32, #tpu.memory_space<vmem>>
    %dma_start3A_961 = arith.constant 0 : i32
    %dma_start3A_962 = tpu.memref_slice %arg9[%dma_start3A_955, %dma_start3A_961] : memref<4x128xi32, #tpu.memory_space<vmem>> -> memref<1x128xi32, #tpu.memory_space<vmem>>
    %dma_start3A_963 = tpu.memref_squeeze %dma_start3A_962 : memref<1x128xi32, #tpu.memory_space<vmem>> -> memref<128xi32, #tpu.memory_space<vmem>>
    %dma_start3A_964 = arith.constant 0 : i32
    %dma_start3A_965 = arith.constant 0 : i32
    %dma_start3A_966 = tpu.memref_slice %arg4[%dma_start3A_964, %dma_start3A_965] : memref<253952x128xf32, #tpu.memory_space<hbm>> -> memref<253952x128xf32, #tpu.memory_space<hbm>>
    tpu.enqueue_indirect_dma source(%dma_start3A_966 : memref<253952x128xf32, #tpu.memory_space<hbm>>) target(%dma_start3A_960 : memref<128x128xf32, #tpu.memory_space<vmem>>) offsets(%dma_start3A_963 : memref<128xi32, #tpu.memory_space<vmem>>) semaphore(%arg15 : memref<!tpu.dma_semaphore, #tpu.memory_space<semaphore_mem>>)
    %dma_start3A_967 = arith.constant 0 : i32
    %dma_start3A_968 = arith.constant 0 : i32
    %dma_start3A_969 = arith.constant 0 : i32
    %dma_start3A_970 = arith.constant 0 : i32
    %dma_start3A_971 = tpu.memref_slice %arg12[%dma_start3A_968, %dma_start3A_969, %dma_start3A_970] : memref<2x128x128xf32, #tpu.memory_space<vmem>> -> memref<1x128x128xf32, #tpu.memory_space<vmem>>
    %dma_start3A_972 = tpu.memref_squeeze %dma_start3A_971 : memref<1x128x128xf32, #tpu.memory_space<vmem>> -> memref<128x128xf32, #tpu.memory_space<vmem>>
    %dma_start3A_973 = arith.constant 0 : i32
    %dma_start3A_974 = tpu.memref_slice %arg10[%dma_start3A_967, %dma_start3A_973] : memref<4x128xi32, #tpu.memory_space<vmem>> -> memref<1x128xi32, #tpu.memory_space<vmem>>
    %dma_start3A_975 = tpu.memref_squeeze %dma_start3A_974 : memref<1x128xi32, #tpu.memory_space<vmem>> -> memref<128xi32, #tpu.memory_space<vmem>>
    %dma_start3A_976 = arith.constant 0 : i32
    %dma_start3A_977 = arith.constant 0 : i32
    %dma_start3A_978 = tpu.memref_slice %arg5[%dma_start3A_976, %dma_start3A_977] : memref<253952x128xf32, #tpu.memory_space<hbm>> -> memref<253952x128xf32, #tpu.memory_space<hbm>>
    tpu.enqueue_indirect_dma source(%dma_start3A_978 : memref<253952x128xf32, #tpu.memory_space<hbm>>) target(%dma_start3A_972 : memref<128x128xf32, #tpu.memory_space<vmem>>) offsets(%dma_start3A_975 : memref<128xi32, #tpu.memory_space<vmem>>) semaphore(%arg17 : memref<!tpu.dma_semaphore, #tpu.memory_space<semaphore_mem>>)
    %dma_start3A_979 = arith.constant 1 : i32
    %dma_start3A_980 = arith.constant 1 : i32
    %dma_start3A_981 = arith.constant 0 : i32
    %dma_start3A_982 = arith.constant 0 : i32
    %dma_start3A_983 = tpu.memref_slice %arg11[%dma_start3A_980, %dma_start3A_981, %dma_start3A_982] : memref<2x128x128xf32, #tpu.memory_space<vmem>> -> memref<1x128x128xf32, #tpu.memory_space<vmem>>
    %dma_start3A_984 = tpu.memref_squeeze %dma_start3A_983 : memref<1x128x128xf32, #tpu.memory_space<vmem>> -> memref<128x128xf32, #tpu.memory_space<vmem>>
    %dma_start3A_985 = arith.constant 0 : i32
    %dma_start3A_986 = tpu.memref_slice %arg9[%dma_start3A_979, %dma_start3A_985] : memref<4x128xi32, #tpu.memory_space<vmem>> -> memref<1x128xi32, #tpu.memory_space<vmem>>
    %dma_start3A_987 = tpu.memref_squeeze %dma_start3A_986 : memref<1x128xi32, #tpu.memory_space<vmem>> -> memref<128xi32, #tpu.memory_space<vmem>>
    %dma_start3A_988 = arith.constant 0 : i32
    %dma_start3A_989 = arith.constant 0 : i32
    %dma_start3A_990 = tpu.memref_slice %arg4[%dma_start3A_988, %dma_start3A_989] : memref<253952x128xf32, #tpu.memory_space<hbm>> -> memref<253952x128xf32, #tpu.memory_space<hbm>>
    tpu.enqueue_indirect_dma source(%dma_start3A_990 : memref<253952x128xf32, #tpu.memory_space<hbm>>) target(%dma_start3A_984 : memref<128x128xf32, #tpu.memory_space<vmem>>) offsets(%dma_start3A_987 : memref<128xi32, #tpu.memory_space<vmem>>) semaphore(%arg16 : memref<!tpu.dma_semaphore, #tpu.memory_space<semaphore_mem>>)
    %dma_start3A_991 = arith.constant 1 : i32
    %dma_start3A_992 = arith.constant 1 : i32
    %dma_start3A_993 = arith.constant 0 : i32
    %dma_start3A_994 = arith.constant 0 : i32
    %dma_start3A_995 = tpu.memref_slice %arg12[%dma_start3A_992, %dma_start3A_993, %dma_start3A_994] : memref<2x128x128xf32, #tpu.memory_space<vmem>> -> memref<1x128x128xf32, #tpu.memory_space<vmem>>
    %dma_start3A_996 = tpu.memref_squeeze %dma_start3A_995 : memref<1x128x128xf32, #tpu.memory_space<vmem>> -> memref<128x128xf32, #tpu.memory_space<vmem>>
    %dma_start3A_997 = arith.constant 0 : i32
    %dma_start3A_998 = tpu.memref_slice %arg10[%dma_start3A_991, %dma_start3A_997] : memref<4x128xi32, #tpu.memory_space<vmem>> -> memref<1x128xi32, #tpu.memory_space<vmem>>
    %dma_start3A_999 = tpu.memref_squeeze %dma_start3A_998 : memref<1x128xi32, #tpu.memory_space<vmem>> -> memref<128xi32, #tpu.memory_space<vmem>>
    %dma_start3A_1000 = arith.constant 0 : i32
    %dma_start3A_1001 = arith.constant 0 : i32
    %dma_start3A_1002 = tpu.memref_slice %arg5[%dma_start3A_1000, %dma_start3A_1001] : memref<253952x128xf32, #tpu.memory_space<hbm>> -> memref<253952x128xf32, #tpu.memory_space<hbm>>
    tpu.enqueue_indirect_dma source(%dma_start3A_1002 : memref<253952x128xf32, #tpu.memory_space<hbm>>) target(%dma_start3A_996 : memref<128x128xf32, #tpu.memory_space<vmem>>) offsets(%dma_start3A_999 : memref<128xi32, #tpu.memory_space<vmem>>) semaphore(%arg18 : memref<!tpu.dma_semaphore, #tpu.memory_space<semaphore_mem>>)
    %dma_wait3A_1003 = arith.constant 0 : i32
    %dma_wait3A_1004 = arith.constant 0 : i32
    %dma_wait3A_1005 = arith.constant 0 : i32
    %dma_wait3A_1006 = arith.constant 0 : i32
    %dma_wait3A_1007 = tpu.memref_slice %arg11[%dma_wait3A_1004, %dma_wait3A_1005, %dma_wait3A_1006] : memref<2x128x128xf32, #tpu.memory_space<vmem>> -> memref<1x128x128xf32, #tpu.memory_space<vmem>>
    %dma_wait3A_1008 = tpu.memref_squeeze %dma_wait3A_1007 : memref<1x128x128xf32, #tpu.memory_space<vmem>> -> memref<128x128xf32, #tpu.memory_space<vmem>>
    %dma_wait3A_1009 = arith.constant 0 : i32
    %dma_wait3A_1010 = tpu.memref_slice %arg9[%dma_wait3A_1003, %dma_wait3A_1009] : memref<4x128xi32, #tpu.memory_space<vmem>> -> memref<1x128xi32, #tpu.memory_space<vmem>>
    %dma_wait3A_1011 = tpu.memref_squeeze %dma_wait3A_1010 : memref<1x128xi32, #tpu.memory_space<vmem>> -> memref<128xi32, #tpu.memory_space<vmem>>
    %dma_wait3A_1012 = arith.constant 0 : i32
    %dma_wait3A_1013 = arith.constant 0 : i32
    %dma_wait3A_1014 = tpu.memref_slice %arg4[%dma_wait3A_1012, %dma_wait3A_1013] : memref<253952x128xf32, #tpu.memory_space<hbm>> -> memref<253952x128xf32, #tpu.memory_space<hbm>>
    tpu.wait_indirect_dma semaphore(%arg15 : memref<!tpu.dma_semaphore, #tpu.memory_space<semaphore_mem>>) src(%dma_wait3A_1014 : memref<253952x128xf32, #tpu.memory_space<hbm>>) dst(%dma_wait3A_1008 : memref<128x128xf32, #tpu.memory_space<vmem>>)
    %dma_wait3A_1015 = arith.constant 0 : i32
    %dma_wait3A_1016 = arith.constant 0 : i32
    %dma_wait3A_1017 = arith.constant 0 : i32
    %dma_wait3A_1018 = arith.constant 0 : i32
    %dma_wait3A_1019 = tpu.memref_slice %arg12[%dma_wait3A_1016, %dma_wait3A_1017, %dma_wait3A_1018] : memref<2x128x128xf32, #tpu.memory_space<vmem>> -> memref<1x128x128xf32, #tpu.memory_space<vmem>>
    %dma_wait3A_1020 = tpu.memref_squeeze %dma_wait3A_1019 : memref<1x128x128xf32, #tpu.memory_space<vmem>> -> memref<128x128xf32, #tpu.memory_space<vmem>>
    %dma_wait3A_1021 = arith.constant 0 : i32
    %dma_wait3A_1022 = tpu.memref_slice %arg10[%dma_wait3A_1015, %dma_wait3A_1021] : memref<4x128xi32, #tpu.memory_space<vmem>> -> memref<1x128xi32, #tpu.memory_space<vmem>>
    %dma_wait3A_1023 = tpu.memref_squeeze %dma_wait3A_1022 : memref<1x128xi32, #tpu.memory_space<vmem>> -> memref<128xi32, #tpu.memory_space<vmem>>
    %dma_wait3A_1024 = arith.constant 0 : i32
    %dma_wait3A_1025 = arith.constant 0 : i32
    %dma_wait3A_1026 = tpu.memref_slice %arg5[%dma_wait3A_1024, %dma_wait3A_1025] : memref<253952x128xf32, #tpu.memory_space<hbm>> -> memref<253952x128xf32, #tpu.memory_space<hbm>>
    tpu.wait_indirect_dma semaphore(%arg17 : memref<!tpu.dma_semaphore, #tpu.memory_space<semaphore_mem>>) src(%dma_wait3A_1026 : memref<253952x128xf32, #tpu.memory_space<hbm>>) dst(%dma_wait3A_1020 : memref<128x128xf32, #tpu.memory_space<vmem>>)
    %broadcast_in_dim3A_1027 = arith.constant 0 : i32
    %broadcast_in_dim3A_1028 = vector.broadcast %broadcast_in_dim3A_1027 : i32 to vector<16xi32>
    %scan3A = arith.constant 0 : i32
    %scan3A_1029 = arith.constant 0 : i32
    %scan3A_1030 = arith.constant 0 : i32
    %scan3A_1031 = arith.constant 0 : i32
    %scan3A_1032 = arith.constant 8 : i32
    %scan3A_1033 = arith.addi %scan3A_1031, %scan3A_1032 : i32
    %scan3A_1034 = arith.constant 1 : i32
    scf.for %scan3A_1186 = %scan3A_1031 to %scan3A_1033 step %scan3A_1034  : i32 {
      %mul3A_1187 = arith.constant 16 : i32
      %mul3A_1188 = arith.muli %scan3A_1186, %mul3A_1187 : i32
      %add3A_1189 = vector.broadcast %mul3A_1188 : i32 to vector<16xi32>
      %add3A_1190 = arith.addi %iota3A, %add3A_1189 : vector<16xi32>
      %gather3A_1191 = tpu.vector_load_idx %arg7[%broadcast_in_dim3A_1028, %add3A_1190] : memref<4x128xi32, #tpu.memory_space<vmem>>[vector<16xi32>, vector<16xi32>], vector<16xi32>,
      %gather3A_1192 = tpu.vector_load_idx %arg8[%broadcast_in_dim3A_1028, %add3A_1190] : memref<4x128xi32, #tpu.memory_space<vmem>>[vector<16xi32>, vector<16xi32>], vector<16xi32>,
      %shift_right_logical3A_1193 = arith.constant 13 : i32
      %shift_right_logical3A_1194 = vector.broadcast %shift_right_logical3A_1193 : i32 to vector<16xi32>
      %shift_right_logical3A_1195 = arith.shrui %gather3A_1191, %shift_right_logical3A_1194 : vector<16xi32>
      %and3A_1196 = arith.constant 3 : i32
      %and3A_1197 = vector.broadcast %and3A_1196 : i32 to vector<16xi32>
      %and3A_1198 = arith.andi %shift_right_logical3A_1195, %and3A_1197 : vector<16xi32>
      %shift_left3A_1199 = arith.constant 5 : i32
      %shift_left3A_1200 = vector.broadcast %shift_left3A_1199 : i32 to vector<16xi32>
      %shift_left3A_1201 = arith.shli %and3A_1198, %shift_left3A_1200 : vector<16xi32>
      %shift_right_logical3A_1202 = arith.constant 13 : i32
      %shift_right_logical3A_1203 = vector.broadcast %shift_right_logical3A_1202 : i32 to vector<16xi32>
      %shift_right_logical3A_1204 = arith.shrui %gather3A_1192, %shift_right_logical3A_1203 : vector<16xi32>
      %and3A_1205 = arith.constant 3 : i32
      %and3A_1206 = vector.broadcast %and3A_1205 : i32 to vector<16xi32>
      %and3A_1207 = arith.andi %shift_right_logical3A_1204, %and3A_1206 : vector<16xi32>
      %shift_left3A_1208 = arith.constant 5 : i32
      %shift_left3A_1209 = vector.broadcast %shift_left3A_1208 : i32 to vector<16xi32>
      %shift_left3A_1210 = arith.shli %and3A_1207, %shift_left3A_1209 : vector<16xi32>
      %broadcast_in_dim3A_1211 = arith.constant 0.000000e+00 : f32
      %broadcast_in_dim3A_1212 = vector.broadcast %broadcast_in_dim3A_1211 : f32 to vector<16xf32>
      %add3A_1213 = arith.constant 0 : i32
      %add3A_1214 = vector.broadcast %add3A_1213 : i32 to vector<16xi32>
      %add3A_1215 = arith.addi %shift_left3A_1201, %add3A_1214 : vector<16xi32>
      %gather3A_1216 = arith.constant 0 : i32
      %gather3A_1217 = arith.constant 0 : i32
      %gather3A_1218 = tpu.memref_slice %arg11[%scan3A_1029, %gather3A_1216, %gather3A_1217] : memref<2x128x128xf32, #tpu.memory_space<vmem>> -> memref<1x128x128xf32, #tpu.memory_space<vmem>>
      %gather3A_1219 = tpu.memref_squeeze %gather3A_1218 : memref<1x128x128xf32, #tpu.memory_space<vmem>> -> memref<128x128xf32, #tpu.memory_space<vmem>>
      %gather3A_1220 = tpu.vector_load_idx %gather3A_1219[%add3A_1190, %add3A_1215] : memref<128x128xf32, #tpu.memory_space<vmem>>[vector<16xi32>, vector<16xi32>], vector<16xf32>,
      %add3A_1221 = arith.constant 0 : i32
      %add3A_1222 = vector.broadcast %add3A_1221 : i32 to vector<16xi32>
      %add3A_1223 = arith.addi %shift_left3A_1210, %add3A_1222 : vector<16xi32>
      %gather3A_1224 = arith.constant 0 : i32
      %gather3A_1225 = arith.constant 0 : i32
      %gather3A_1226 = tpu.memref_slice %arg12[%scan3A_1030, %gather3A_1224, %gather3A_1225] : memref<2x128x128xf32, #tpu.memory_space<vmem>> -> memref<1x128x128xf32, #tpu.memory_space<vmem>>
      %gather3A_1227 = tpu.memref_squeeze %gather3A_1226 : memref<1x128x128xf32, #tpu.memory_space<vmem>> -> memref<128x128xf32, #tpu.memory_space<vmem>>
      %gather3A_1228 = tpu.vector_load_idx %gather3A_1227[%add3A_1190, %add3A_1223] : memref<128x128xf32, #tpu.memory_space<vmem>>[vector<16xi32>, vector<16xi32>], vector<16xf32>,
      %mul3A_1229 = arith.mulf %gather3A_1220, %gather3A_1228 : vector<16xf32>
      %add3A_1230 = arith.addf %broadcast_in_dim3A_1212, %mul3A_1229 : vector<16xf32>
      %add3A_1231 = arith.constant 1 : i32
      %add3A_1232 = vector.broadcast %add3A_1231 : i32 to vector<16xi32>
      %add3A_1233 = arith.addi %shift_left3A_1201, %add3A_1232 : vector<16xi32>
      %gather3A_1234 = arith.constant 0 : i32
      %gather3A_1235 = arith.constant 0 : i32
      %gather3A_1236 = tpu.memref_slice %arg11[%scan3A_1029, %gather3A_1234, %gather3A_1235] : memref<2x128x128xf32, #tpu.memory_space<vmem>> -> memref<1x128x128xf32, #tpu.memory_space<vmem>>
      %gather3A_1237 = tpu.memref_squeeze %gather3A_1236 : memref<1x128x128xf32, #tpu.memory_space<vmem>> -> memref<128x128xf32, #tpu.memory_space<vmem>>
      %gather3A_1238 = tpu.vector_load_idx %gather3A_1237[%add3A_1190, %add3A_1233] : memref<128x128xf32, #tpu.memory_space<vmem>>[vector<16xi32>, vector<16xi32>], vector<16xf32>,
      %add3A_1239 = arith.constant 1 : i32
      %add3A_1240 = vector.broadcast %add3A_1239 : i32 to vector<16xi32>
      %add3A_1241 = arith.addi %shift_left3A_1210, %add3A_1240 : vector<16xi32>
      %gather3A_1242 = arith.constant 0 : i32
      %gather3A_1243 = arith.constant 0 : i32
      %gather3A_1244 = tpu.memref_slice %arg12[%scan3A_1030, %gather3A_1242, %gather3A_1243] : memref<2x128x128xf32, #tpu.memory_space<vmem>> -> memref<1x128x128xf32, #tpu.memory_space<vmem>>
      %gather3A_1245 = tpu.memref_squeeze %gather3A_1244 : memref<1x128x128xf32, #tpu.memory_space<vmem>> -> memref<128x128xf32, #tpu.memory_space<vmem>>
      %gather3A_1246 = tpu.vector_load_idx %gather3A_1245[%add3A_1190, %add3A_1241] : memref<128x128xf32, #tpu.memory_space<vmem>>[vector<16xi32>, vector<16xi32>], vector<16xf32>,
      %mul3A_1247 = arith.mulf %gather3A_1238, %gather3A_1246 : vector<16xf32>
      %add3A_1248 = arith.addf %add3A_1230, %mul3A_1247 : vector<16xf32>
      %add3A_1249 = arith.constant 2 : i32
      %add3A_1250 = vector.broadcast %add3A_1249 : i32 to vector<16xi32>
      %add3A_1251 = arith.addi %shift_left3A_1201, %add3A_1250 : vector<16xi32>
      %gather3A_1252 = arith.constant 0 : i32
      %gather3A_1253 = arith.constant 0 : i32
      %gather3A_1254 = tpu.memref_slice %arg11[%scan3A_1029, %gather3A_1252, %gather3A_1253] : memref<2x128x128xf32, #tpu.memory_space<vmem>> -> memref<1x128x128xf32, #tpu.memory_space<vmem>>
      %gather3A_1255 = tpu.memref_squeeze %gather3A_1254 : memref<1x128x128xf32, #tpu.memory_space<vmem>> -> memref<128x128xf32, #tpu.memory_space<vmem>>
      %gather3A_1256 = tpu.vector_load_idx %gather3A_1255[%add3A_1190, %add3A_1251] : memref<128x128xf32, #tpu.memory_space<vmem>>[vector<16xi32>, vector<16xi32>], vector<16xf32>,
      %add3A_1257 = arith.constant 2 : i32
      %add3A_1258 = vector.broadcast %add3A_1257 : i32 to vector<16xi32>
      %add3A_1259 = arith.addi %shift_left3A_1210, %add3A_1258 : vector<16xi32>
      %gather3A_1260 = arith.constant 0 : i32
      %gather3A_1261 = arith.constant 0 : i32
      %gather3A_1262 = tpu.memref_slice %arg12[%scan3A_1030, %gather3A_1260, %gather3A_1261] : memref<2x128x128xf32, #tpu.memory_space<vmem>> -> memref<1x128x128xf32, #tpu.memory_space<vmem>>
      %gather3A_1263 = tpu.memref_squeeze %gather3A_1262 : memref<1x128x128xf32, #tpu.memory_space<vmem>> -> memref<128x128xf32, #tpu.memory_space<vmem>>
      %gather3A_1264 = tpu.vector_load_idx %gather3A_1263[%add3A_1190, %add3A_1259] : memref<128x128xf32, #tpu.memory_space<vmem>>[vector<16xi32>, vector<16xi32>], vector<16xf32>,
      %mul3A_1265 = arith.mulf %gather3A_1256, %gather3A_1264 : vector<16xf32>
      %add3A_1266 = arith.addf %add3A_1248, %mul3A_1265 : vector<16xf32>
      %add3A_1267 = arith.constant 3 : i32
      %add3A_1268 = vector.broadcast %add3A_1267 : i32 to vector<16xi32>
      %add3A_1269 = arith.addi %shift_left3A_1201, %add3A_1268 : vector<16xi32>
      %gather3A_1270 = arith.constant 0 : i32
      %gather3A_1271 = arith.constant 0 : i32
      %gather3A_1272 = tpu.memref_slice %arg11[%scan3A_1029, %gather3A_1270, %gather3A_1271] : memref<2x128x128xf32, #tpu.memory_space<vmem>> -> memref<1x128x128xf32, #tpu.memory_space<vmem>>
      %gather3A_1273 = tpu.memref_squeeze %gather3A_1272 : memref<1x128x128xf32, #tpu.memory_space<vmem>> -> memref<128x128xf32, #tpu.memory_space<vmem>>
      %gather3A_1274 = tpu.vector_load_idx %gather3A_1273[%add3A_1190, %add3A_1269] : memref<128x128xf32, #tpu.memory_space<vmem>>[vector<16xi32>, vector<16xi32>], vector<16xf32>,
      %add3A_1275 = arith.constant 3 : i32
      %add3A_1276 = vector.broadcast %add3A_1275 : i32 to vector<16xi32>
      %add3A_1277 = arith.addi %shift_left3A_1210, %add3A_1276 : vector<16xi32>
      %gather3A_1278 = arith.constant 0 : i32
      %gather3A_1279 = arith.constant 0 : i32
      %gather3A_1280 = tpu.memref_slice %arg12[%scan3A_1030, %gather3A_1278, %gather3A_1279] : memref<2x128x128xf32, #tpu.memory_space<vmem>> -> memref<1x128x128xf32, #tpu.memory_space<vmem>>
      %gather3A_1281 = tpu.memref_squeeze %gather3A_1280 : memref<1x128x128xf32, #tpu.memory_space<vmem>> -> memref<128x128xf32, #tpu.memory_space<vmem>>
      %gather3A_1282 = tpu.vector_load_idx %gather3A_1281[%add3A_1190, %add3A_1277] : memref<128x128xf32, #tpu.memory_space<vmem>>[vector<16xi32>, vector<16xi32>], vector<16xf32>,
      %mul3A_1283 = arith.mulf %gather3A_1274, %gather3A_1282 : vector<16xf32>
      %add3A_1284 = arith.addf %add3A_1266, %mul3A_1283 : vector<16xf32>
      %add3A_1285 = arith.constant 4 : i32
      %add3A_1286 = vector.broadcast %add3A_1285 : i32 to vector<16xi32>
      %add3A_1287 = arith.addi %shift_left3A_1201, %add3A_1286 : vector<16xi32>
      %gather3A_1288 = arith.constant 0 : i32
      %gather3A_1289 = arith.constant 0 : i32
      %gather3A_1290 = tpu.memref_slice %arg11[%scan3A_1029, %gather3A_1288, %gather3A_1289] : memref<2x128x128xf32, #tpu.memory_space<vmem>> -> memref<1x128x128xf32, #tpu.memory_space<vmem>>
      %gather3A_1291 = tpu.memref_squeeze %gather3A_1290 : memref<1x128x128xf32, #tpu.memory_space<vmem>> -> memref<128x128xf32, #tpu.memory_space<vmem>>
      %gather3A_1292 = tpu.vector_load_idx %gather3A_1291[%add3A_1190, %add3A_1287] : memref<128x128xf32, #tpu.memory_space<vmem>>[vector<16xi32>, vector<16xi32>], vector<16xf32>,
      %add3A_1293 = arith.constant 4 : i32
      %add3A_1294 = vector.broadcast %add3A_1293 : i32 to vector<16xi32>
      %add3A_1295 = arith.addi %shift_left3A_1210, %add3A_1294 : vector<16xi32>
      %gather3A_1296 = arith.constant 0 : i32
      %gather3A_1297 = arith.constant 0 : i32
      %gather3A_1298 = tpu.memref_slice %arg12[%scan3A_1030, %gather3A_1296, %gather3A_1297] : memref<2x128x128xf32, #tpu.memory_space<vmem>> -> memref<1x128x128xf32, #tpu.memory_space<vmem>>
      %gather3A_1299 = tpu.memref_squeeze %gather3A_1298 : memref<1x128x128xf32, #tpu.memory_space<vmem>> -> memref<128x128xf32, #tpu.memory_space<vmem>>
      %gather3A_1300 = tpu.vector_load_idx %gather3A_1299[%add3A_1190, %add3A_1295] : memref<128x128xf32, #tpu.memory_space<vmem>>[vector<16xi32>, vector<16xi32>], vector<16xf32>,
      %mul3A_1301 = arith.mulf %gather3A_1292, %gather3A_1300 : vector<16xf32>
      %add3A_1302 = arith.addf %add3A_1284, %mul3A_1301 : vector<16xf32>
      %add3A_1303 = arith.constant 5 : i32
      %add3A_1304 = vector.broadcast %add3A_1303 : i32 to vector<16xi32>
      %add3A_1305 = arith.addi %shift_left3A_1201, %add3A_1304 : vector<16xi32>
      %gather3A_1306 = arith.constant 0 : i32
      %gather3A_1307 = arith.constant 0 : i32
      %gather3A_1308 = tpu.memref_slice %arg11[%scan3A_1029, %gather3A_1306, %gather3A_1307] : memref<2x128x128xf32, #tpu.memory_space<vmem>> -> memref<1x128x128xf32, #tpu.memory_space<vmem>>
      %gather3A_1309 = tpu.memref_squeeze %gather3A_1308 : memref<1x128x128xf32, #tpu.memory_space<vmem>> -> memref<128x128xf32, #tpu.memory_space<vmem>>
      %gather3A_1310 = tpu.vector_load_idx %gather3A_1309[%add3A_1190, %add3A_1305] : memref<128x128xf32, #tpu.memory_space<vmem>>[vector<16xi32>, vector<16xi32>], vector<16xf32>,
      %add3A_1311 = arith.constant 5 : i32
      %add3A_1312 = vector.broadcast %add3A_1311 : i32 to vector<16xi32>
      %add3A_1313 = arith.addi %shift_left3A_1210, %add3A_1312 : vector<16xi32>
      %gather3A_1314 = arith.constant 0 : i32
      %gather3A_1315 = arith.constant 0 : i32
      %gather3A_1316 = tpu.memref_slice %arg12[%scan3A_1030, %gather3A_1314, %gather3A_1315] : memref<2x128x128xf32, #tpu.memory_space<vmem>> -> memref<1x128x128xf32, #tpu.memory_space<vmem>>
      %gather3A_1317 = tpu.memref_squeeze %gather3A_1316 : memref<1x128x128xf32, #tpu.memory_space<vmem>> -> memref<128x128xf32, #tpu.memory_space<vmem>>
      %gather3A_1318 = tpu.vector_load_idx %gather3A_1317[%add3A_1190, %add3A_1313] : memref<128x128xf32, #tpu.memory_space<vmem>>[vector<16xi32>, vector<16xi32>], vector<16xf32>,
      %mul3A_1319 = arith.mulf %gather3A_1310, %gather3A_1318 : vector<16xf32>
      %add3A_1320 = arith.addf %add3A_1302, %mul3A_1319 : vector<16xf32>
      %add3A_1321 = arith.constant 6 : i32
      %add3A_1322 = vector.broadcast %add3A_1321 : i32 to vector<16xi32>
      %add3A_1323 = arith.addi %shift_left3A_1201, %add3A_1322 : vector<16xi32>
      %gather3A_1324 = arith.constant 0 : i32
      %gather3A_1325 = arith.constant 0 : i32
      %gather3A_1326 = tpu.memref_slice %arg11[%scan3A_1029, %gather3A_1324, %gather3A_1325] : memref<2x128x128xf32, #tpu.memory_space<vmem>> -> memref<1x128x128xf32, #tpu.memory_space<vmem>>
      %gather3A_1327 = tpu.memref_squeeze %gather3A_1326 : memref<1x128x128xf32, #tpu.memory_space<vmem>> -> memref<128x128xf32, #tpu.memory_space<vmem>>
      %gather3A_1328 = tpu.vector_load_idx %gather3A_1327[%add3A_1190, %add3A_1323] : memref<128x128xf32, #tpu.memory_space<vmem>>[vector<16xi32>, vector<16xi32>], vector<16xf32>,
      %add3A_1329 = arith.constant 6 : i32
      %add3A_1330 = vector.broadcast %add3A_1329 : i32 to vector<16xi32>
      %add3A_1331 = arith.addi %shift_left3A_1210, %add3A_1330 : vector<16xi32>
      %gather3A_1332 = arith.constant 0 : i32
      %gather3A_1333 = arith.constant 0 : i32
      %gather3A_1334 = tpu.memref_slice %arg12[%scan3A_1030, %gather3A_1332, %gather3A_1333] : memref<2x128x128xf32, #tpu.memory_space<vmem>> -> memref<1x128x128xf32, #tpu.memory_space<vmem>>
      %gather3A_1335 = tpu.memref_squeeze %gather3A_1334 : memref<1x128x128xf32, #tpu.memory_space<vmem>> -> memref<128x128xf32, #tpu.memory_space<vmem>>
      %gather3A_1336 = tpu.vector_load_idx %gather3A_1335[%add3A_1190, %add3A_1331] : memref<128x128xf32, #tpu.memory_space<vmem>>[vector<16xi32>, vector<16xi32>], vector<16xf32>,
      %mul3A_1337 = arith.mulf %gather3A_1328, %gather3A_1336 : vector<16xf32>
      %add3A_1338 = arith.addf %add3A_1320, %mul3A_1337 : vector<16xf32>
      %add3A_1339 = arith.constant 7 : i32
      %add3A_1340 = vector.broadcast %add3A_1339 : i32 to vector<16xi32>
      %add3A_1341 = arith.addi %shift_left3A_1201, %add3A_1340 : vector<16xi32>
      %gather3A_1342 = arith.constant 0 : i32
      %gather3A_1343 = arith.constant 0 : i32
      %gather3A_1344 = tpu.memref_slice %arg11[%scan3A_1029, %gather3A_1342, %gather3A_1343] : memref<2x128x128xf32, #tpu.memory_space<vmem>> -> memref<1x128x128xf32, #tpu.memory_space<vmem>>
      %gather3A_1345 = tpu.memref_squeeze %gather3A_1344 : memref<1x128x128xf32, #tpu.memory_space<vmem>> -> memref<128x128xf32, #tpu.memory_space<vmem>>
      %gather3A_1346 = tpu.vector_load_idx %gather3A_1345[%add3A_1190, %add3A_1341] : memref<128x128xf32, #tpu.memory_space<vmem>>[vector<16xi32>, vector<16xi32>], vector<16xf32>,
      %add3A_1347 = arith.constant 7 : i32
      %add3A_1348 = vector.broadcast %add3A_1347 : i32 to vector<16xi32>
      %add3A_1349 = arith.addi %shift_left3A_1210, %add3A_1348 : vector<16xi32>
      %gather3A_1350 = arith.constant 0 : i32
      %gather3A_1351 = arith.constant 0 : i32
      %gather3A_1352 = tpu.memref_slice %arg12[%scan3A_1030, %gather3A_1350, %gather3A_1351] : memref<2x128x128xf32, #tpu.memory_space<vmem>> -> memref<1x128x128xf32, #tpu.memory_space<vmem>>
      %gather3A_1353 = tpu.memref_squeeze %gather3A_1352 : memref<1x128x128xf32, #tpu.memory_space<vmem>> -> memref<128x128xf32, #tpu.memory_space<vmem>>
      %gather3A_1354 = tpu.vector_load_idx %gather3A_1353[%add3A_1190, %add3A_1349] : memref<128x128xf32, #tpu.memory_space<vmem>>[vector<16xi32>, vector<16xi32>], vector<16xf32>,
      %mul3A_1355 = arith.mulf %gather3A_1346, %gather3A_1354 : vector<16xf32>
      %add3A_1356 = arith.addf %add3A_1338, %mul3A_1355 : vector<16xf32>
      %add3A_1357 = arith.constant 8 : i32
      %add3A_1358 = vector.broadcast %add3A_1357 : i32 to vector<16xi32>
      %add3A_1359 = arith.addi %shift_left3A_1201, %add3A_1358 : vector<16xi32>
      %gather3A_1360 = arith.constant 0 : i32
      %gather3A_1361 = arith.constant 0 : i32
      %gather3A_1362 = tpu.memref_slice %arg11[%scan3A_1029, %gather3A_1360, %gather3A_1361] : memref<2x128x128xf32, #tpu.memory_space<vmem>> -> memref<1x128x128xf32, #tpu.memory_space<vmem>>
      %gather3A_1363 = tpu.memref_squeeze %gather3A_1362 : memref<1x128x128xf32, #tpu.memory_space<vmem>> -> memref<128x128xf32, #tpu.memory_space<vmem>>
      %gather3A_1364 = tpu.vector_load_idx %gather3A_1363[%add3A_1190, %add3A_1359] : memref<128x128xf32, #tpu.memory_space<vmem>>[vector<16xi32>, vector<16xi32>], vector<16xf32>,
      %add3A_1365 = arith.constant 8 : i32
      %add3A_1366 = vector.broadcast %add3A_1365 : i32 to vector<16xi32>
      %add3A_1367 = arith.addi %shift_left3A_1210, %add3A_1366 : vector<16xi32>
      %gather3A_1368 = arith.constant 0 : i32
      %gather3A_1369 = arith.constant 0 : i32
      %gather3A_1370 = tpu.memref_slice %arg12[%scan3A_1030, %gather3A_1368, %gather3A_1369] : memref<2x128x128xf32, #tpu.memory_space<vmem>> -> memref<1x128x128xf32, #tpu.memory_space<vmem>>
      %gather3A_1371 = tpu.memref_squeeze %gather3A_1370 : memref<1x128x128xf32, #tpu.memory_space<vmem>> -> memref<128x128xf32, #tpu.memory_space<vmem>>
      %gather3A_1372 = tpu.vector_load_idx %gather3A_1371[%add3A_1190, %add3A_1367] : memref<128x128xf32, #tpu.memory_space<vmem>>[vector<16xi32>, vector<16xi32>], vector<16xf32>,
      %mul3A_1373 = arith.mulf %gather3A_1364, %gather3A_1372 : vector<16xf32>
      %add3A_1374 = arith.addf %add3A_1356, %mul3A_1373 : vector<16xf32>
      %add3A_1375 = arith.constant 9 : i32
      %add3A_1376 = vector.broadcast %add3A_1375 : i32 to vector<16xi32>
      %add3A_1377 = arith.addi %shift_left3A_1201, %add3A_1376 : vector<16xi32>
      %gather3A_1378 = arith.constant 0 : i32
      %gather3A_1379 = arith.constant 0 : i32
      %gather3A_1380 = tpu.memref_slice %arg11[%scan3A_1029, %gather3A_1378, %gather3A_1379] : memref<2x128x128xf32, #tpu.memory_space<vmem>> -> memref<1x128x128xf32, #tpu.memory_space<vmem>>
      %gather3A_1381 = tpu.memref_squeeze %gather3A_1380 : memref<1x128x128xf32, #tpu.memory_space<vmem>> -> memref<128x128xf32, #tpu.memory_space<vmem>>
      %gather3A_1382 = tpu.vector_load_idx %gather3A_1381[%add3A_1190, %add3A_1377] : memref<128x128xf32, #tpu.memory_space<vmem>>[vector<16xi32>, vector<16xi32>], vector<16xf32>,
      %add3A_1383 = arith.constant 9 : i32
      %add3A_1384 = vector.broadcast %add3A_1383 : i32 to vector<16xi32>
      %add3A_1385 = arith.addi %shift_left3A_1210, %add3A_1384 : vector<16xi32>
      %gather3A_1386 = arith.constant 0 : i32
      %gather3A_1387 = arith.constant 0 : i32
      %gather3A_1388 = tpu.memref_slice %arg12[%scan3A_1030, %gather3A_1386, %gather3A_1387] : memref<2x128x128xf32, #tpu.memory_space<vmem>> -> memref<1x128x128xf32, #tpu.memory_space<vmem>>
      %gather3A_1389 = tpu.memref_squeeze %gather3A_1388 : memref<1x128x128xf32, #tpu.memory_space<vmem>> -> memref<128x128xf32, #tpu.memory_space<vmem>>
      %gather3A_1390 = tpu.vector_load_idx %gather3A_1389[%add3A_1190, %add3A_1385] : memref<128x128xf32, #tpu.memory_space<vmem>>[vector<16xi32>, vector<16xi32>], vector<16xf32>,
      %mul3A_1391 = arith.mulf %gather3A_1382, %gather3A_1390 : vector<16xf32>
      %add3A_1392 = arith.addf %add3A_1374, %mul3A_1391 : vector<16xf32>
      %add3A_1393 = arith.constant 10 : i32
      %add3A_1394 = vector.broadcast %add3A_1393 : i32 to vector<16xi32>
      %add3A_1395 = arith.addi %shift_left3A_1201, %add3A_1394 : vector<16xi32>
      %gather3A_1396 = arith.constant 0 : i32
      %gather3A_1397 = arith.constant 0 : i32
      %gather3A_1398 = tpu.memref_slice %arg11[%scan3A_1029, %gather3A_1396, %gather3A_1397] : memref<2x128x128xf32, #tpu.memory_space<vmem>> -> memref<1x128x128xf32, #tpu.memory_space<vmem>>
      %gather3A_1399 = tpu.memref_squeeze %gather3A_1398 : memref<1x128x128xf32, #tpu.memory_space<vmem>> -> memref<128x128xf32, #tpu.memory_space<vmem>>
      %gather3A_1400 = tpu.vector_load_idx %gather3A_1399[%add3A_1190, %add3A_1395] : memref<128x128xf32, #tpu.memory_space<vmem>>[vector<16xi32>, vector<16xi32>], vector<16xf32>,
      %add3A_1401 = arith.constant 10 : i32
      %add3A_1402 = vector.broadcast %add3A_1401 : i32 to vector<16xi32>
      %add3A_1403 = arith.addi %shift_left3A_1210, %add3A_1402 : vector<16xi32>
      %gather3A_1404 = arith.constant 0 : i32
      %gather3A_1405 = arith.constant 0 : i32
      %gather3A_1406 = tpu.memref_slice %arg12[%scan3A_1030, %gather3A_1404, %gather3A_1405] : memref<2x128x128xf32, #tpu.memory_space<vmem>> -> memref<1x128x128xf32, #tpu.memory_space<vmem>>
      %gather3A_1407 = tpu.memref_squeeze %gather3A_1406 : memref<1x128x128xf32, #tpu.memory_space<vmem>> -> memref<128x128xf32, #tpu.memory_space<vmem>>
      %gather3A_1408 = tpu.vector_load_idx %gather3A_1407[%add3A_1190, %add3A_1403] : memref<128x128xf32, #tpu.memory_space<vmem>>[vector<16xi32>, vector<16xi32>], vector<16xf32>,
      %mul3A_1409 = arith.mulf %gather3A_1400, %gather3A_1408 : vector<16xf32>
      %add3A_1410 = arith.addf %add3A_1392, %mul3A_1409 : vector<16xf32>
      %add3A_1411 = arith.constant 11 : i32
      %add3A_1412 = vector.broadcast %add3A_1411 : i32 to vector<16xi32>
      %add3A_1413 = arith.addi %shift_left3A_1201, %add3A_1412 : vector<16xi32>
      %gather3A_1414 = arith.constant 0 : i32
      %gather3A_1415 = arith.constant 0 : i32
      %gather3A_1416 = tpu.memref_slice %arg11[%scan3A_1029, %gather3A_1414, %gather3A_1415] : memref<2x128x128xf32, #tpu.memory_space<vmem>> -> memref<1x128x128xf32, #tpu.memory_space<vmem>>
      %gather3A_1417 = tpu.memref_squeeze %gather3A_1416 : memref<1x128x128xf32, #tpu.memory_space<vmem>> -> memref<128x128xf32, #tpu.memory_space<vmem>>
      %gather3A_1418 = tpu.vector_load_idx %gather3A_1417[%add3A_1190, %add3A_1413] : memref<128x128xf32, #tpu.memory_space<vmem>>[vector<16xi32>, vector<16xi32>], vector<16xf32>,
      %add3A_1419 = arith.constant 11 : i32
      %add3A_1420 = vector.broadcast %add3A_1419 : i32 to vector<16xi32>
      %add3A_1421 = arith.addi %shift_left3A_1210, %add3A_1420 : vector<16xi32>
      %gather3A_1422 = arith.constant 0 : i32
      %gather3A_1423 = arith.constant 0 : i32
      %gather3A_1424 = tpu.memref_slice %arg12[%scan3A_1030, %gather3A_1422, %gather3A_1423] : memref<2x128x128xf32, #tpu.memory_space<vmem>> -> memref<1x128x128xf32, #tpu.memory_space<vmem>>
      %gather3A_1425 = tpu.memref_squeeze %gather3A_1424 : memref<1x128x128xf32, #tpu.memory_space<vmem>> -> memref<128x128xf32, #tpu.memory_space<vmem>>
      %gather3A_1426 = tpu.vector_load_idx %gather3A_1425[%add3A_1190, %add3A_1421] : memref<128x128xf32, #tpu.memory_space<vmem>>[vector<16xi32>, vector<16xi32>], vector<16xf32>,
      %mul3A_1427 = arith.mulf %gather3A_1418, %gather3A_1426 : vector<16xf32>
      %add3A_1428 = arith.addf %add3A_1410, %mul3A_1427 : vector<16xf32>
      %add3A_1429 = arith.constant 12 : i32
      %add3A_1430 = vector.broadcast %add3A_1429 : i32 to vector<16xi32>
      %add3A_1431 = arith.addi %shift_left3A_1201, %add3A_1430 : vector<16xi32>
      %gather3A_1432 = arith.constant 0 : i32
      %gather3A_1433 = arith.constant 0 : i32
      %gather3A_1434 = tpu.memref_slice %arg11[%scan3A_1029, %gather3A_1432, %gather3A_1433] : memref<2x128x128xf32, #tpu.memory_space<vmem>> -> memref<1x128x128xf32, #tpu.memory_space<vmem>>
      %gather3A_1435 = tpu.memref_squeeze %gather3A_1434 : memref<1x128x128xf32, #tpu.memory_space<vmem>> -> memref<128x128xf32, #tpu.memory_space<vmem>>
      %gather3A_1436 = tpu.vector_load_idx %gather3A_1435[%add3A_1190, %add3A_1431] : memref<128x128xf32, #tpu.memory_space<vmem>>[vector<16xi32>, vector<16xi32>], vector<16xf32>,
      %add3A_1437 = arith.constant 12 : i32
      %add3A_1438 = vector.broadcast %add3A_1437 : i32 to vector<16xi32>
      %add3A_1439 = arith.addi %shift_left3A_1210, %add3A_1438 : vector<16xi32>
      %gather3A_1440 = arith.constant 0 : i32
      %gather3A_1441 = arith.constant 0 : i32
      %gather3A_1442 = tpu.memref_slice %arg12[%scan3A_1030, %gather3A_1440, %gather3A_1441] : memref<2x128x128xf32, #tpu.memory_space<vmem>> -> memref<1x128x128xf32, #tpu.memory_space<vmem>>
      %gather3A_1443 = tpu.memref_squeeze %gather3A_1442 : memref<1x128x128xf32, #tpu.memory_space<vmem>> -> memref<128x128xf32, #tpu.memory_space<vmem>>
      %gather3A_1444 = tpu.vector_load_idx %gather3A_1443[%add3A_1190, %add3A_1439] : memref<128x128xf32, #tpu.memory_space<vmem>>[vector<16xi32>, vector<16xi32>], vector<16xf32>,
      %mul3A_1445 = arith.mulf %gather3A_1436, %gather3A_1444 : vector<16xf32>
      %add3A_1446 = arith.addf %add3A_1428, %mul3A_1445 : vector<16xf32>
      %add3A_1447 = arith.constant 13 : i32
      %add3A_1448 = vector.broadcast %add3A_1447 : i32 to vector<16xi32>
      %add3A_1449 = arith.addi %shift_left3A_1201, %add3A_1448 : vector<16xi32>
      %gather3A_1450 = arith.constant 0 : i32
      %gather3A_1451 = arith.constant 0 : i32
      %gather3A_1452 = tpu.memref_slice %arg11[%scan3A_1029, %gather3A_1450, %gather3A_1451] : memref<2x128x128xf32, #tpu.memory_space<vmem>> -> memref<1x128x128xf32, #tpu.memory_space<vmem>>
      %gather3A_1453 = tpu.memref_squeeze %gather3A_1452 : memref<1x128x128xf32, #tpu.memory_space<vmem>> -> memref<128x128xf32, #tpu.memory_space<vmem>>
      %gather3A_1454 = tpu.vector_load_idx %gather3A_1453[%add3A_1190, %add3A_1449] : memref<128x128xf32, #tpu.memory_space<vmem>>[vector<16xi32>, vector<16xi32>], vector<16xf32>,
      %add3A_1455 = arith.constant 13 : i32
      %add3A_1456 = vector.broadcast %add3A_1455 : i32 to vector<16xi32>
      %add3A_1457 = arith.addi %shift_left3A_1210, %add3A_1456 : vector<16xi32>
      %gather3A_1458 = arith.constant 0 : i32
      %gather3A_1459 = arith.constant 0 : i32
      %gather3A_1460 = tpu.memref_slice %arg12[%scan3A_1030, %gather3A_1458, %gather3A_1459] : memref<2x128x128xf32, #tpu.memory_space<vmem>> -> memref<1x128x128xf32, #tpu.memory_space<vmem>>
      %gather3A_1461 = tpu.memref_squeeze %gather3A_1460 : memref<1x128x128xf32, #tpu.memory_space<vmem>> -> memref<128x128xf32, #tpu.memory_space<vmem>>
      %gather3A_1462 = tpu.vector_load_idx %gather3A_1461[%add3A_1190, %add3A_1457] : memref<128x128xf32, #tpu.memory_space<vmem>>[vector<16xi32>, vector<16xi32>], vector<16xf32>,
      %mul3A_1463 = arith.mulf %gather3A_1454, %gather3A_1462 : vector<16xf32>
      %add3A_1464 = arith.addf %add3A_1446, %mul3A_1463 : vector<16xf32>
      %add3A_1465 = arith.constant 14 : i32
      %add3A_1466 = vector.broadcast %add3A_1465 : i32 to vector<16xi32>
      %add3A_1467 = arith.addi %shift_left3A_1201, %add3A_1466 : vector<16xi32>
      %gather3A_1468 = arith.constant 0 : i32
      %gather3A_1469 = arith.constant 0 : i32
      %gather3A_1470 = tpu.memref_slice %arg11[%scan3A_1029, %gather3A_1468, %gather3A_1469] : memref<2x128x128xf32, #tpu.memory_space<vmem>> -> memref<1x128x128xf32, #tpu.memory_space<vmem>>
      %gather3A_1471 = tpu.memref_squeeze %gather3A_1470 : memref<1x128x128xf32, #tpu.memory_space<vmem>> -> memref<128x128xf32, #tpu.memory_space<vmem>>
      %gather3A_1472 = tpu.vector_load_idx %gather3A_1471[%add3A_1190, %add3A_1467] : memref<128x128xf32, #tpu.memory_space<vmem>>[vector<16xi32>, vector<16xi32>], vector<16xf32>,
      %add3A_1473 = arith.constant 14 : i32
      %add3A_1474 = vector.broadcast %add3A_1473 : i32 to vector<16xi32>
      %add3A_1475 = arith.addi %shift_left3A_1210, %add3A_1474 : vector<16xi32>
      %gather3A_1476 = arith.constant 0 : i32
      %gather3A_1477 = arith.constant 0 : i32
      %gather3A_1478 = tpu.memref_slice %arg12[%scan3A_1030, %gather3A_1476, %gather3A_1477] : memref<2x128x128xf32, #tpu.memory_space<vmem>> -> memref<1x128x128xf32, #tpu.memory_space<vmem>>
      %gather3A_1479 = tpu.memref_squeeze %gather3A_1478 : memref<1x128x128xf32, #tpu.memory_space<vmem>> -> memref<128x128xf32, #tpu.memory_space<vmem>>
      %gather3A_1480 = tpu.vector_load_idx %gather3A_1479[%add3A_1190, %add3A_1475] : memref<128x128xf32, #tpu.memory_space<vmem>>[vector<16xi32>, vector<16xi32>], vector<16xf32>,
      %mul3A_1481 = arith.mulf %gather3A_1472, %gather3A_1480 : vector<16xf32>
      %add3A_1482 = arith.addf %add3A_1464, %mul3A_1481 : vector<16xf32>
      %add3A_1483 = arith.constant 15 : i32
      %add3A_1484 = vector.broadcast %add3A_1483 : i32 to vector<16xi32>
      %add3A_1485 = arith.addi %shift_left3A_1201, %add3A_1484 : vector<16xi32>
      %gather3A_1486 = arith.constant 0 : i32
      %gather3A_1487 = arith.constant 0 : i32
      %gather3A_1488 = tpu.memref_slice %arg11[%scan3A_1029, %gather3A_1486, %gather3A_1487] : memref<2x128x128xf32, #tpu.memory_space<vmem>> -> memref<1x128x128xf32, #tpu.memory_space<vmem>>
      %gather3A_1489 = tpu.memref_squeeze %gather3A_1488 : memref<1x128x128xf32, #tpu.memory_space<vmem>> -> memref<128x128xf32, #tpu.memory_space<vmem>>
      %gather3A_1490 = tpu.vector_load_idx %gather3A_1489[%add3A_1190, %add3A_1485] : memref<128x128xf32, #tpu.memory_space<vmem>>[vector<16xi32>, vector<16xi32>], vector<16xf32>,
      %add3A_1491 = arith.constant 15 : i32
      %add3A_1492 = vector.broadcast %add3A_1491 : i32 to vector<16xi32>
      %add3A_1493 = arith.addi %shift_left3A_1210, %add3A_1492 : vector<16xi32>
      %gather3A_1494 = arith.constant 0 : i32
      %gather3A_1495 = arith.constant 0 : i32
      %gather3A_1496 = tpu.memref_slice %arg12[%scan3A_1030, %gather3A_1494, %gather3A_1495] : memref<2x128x128xf32, #tpu.memory_space<vmem>> -> memref<1x128x128xf32, #tpu.memory_space<vmem>>
      %gather3A_1497 = tpu.memref_squeeze %gather3A_1496 : memref<1x128x128xf32, #tpu.memory_space<vmem>> -> memref<128x128xf32, #tpu.memory_space<vmem>>
      %gather3A_1498 = tpu.vector_load_idx %gather3A_1497[%add3A_1190, %add3A_1493] : memref<128x128xf32, #tpu.memory_space<vmem>>[vector<16xi32>, vector<16xi32>], vector<16xf32>,
      %mul3A_1499 = arith.mulf %gather3A_1490, %gather3A_1498 : vector<16xf32>
      %add3A_1500 = arith.addf %add3A_1482, %mul3A_1499 : vector<16xf32>
      %add3A_1501 = arith.constant 16 : i32
      %add3A_1502 = vector.broadcast %add3A_1501 : i32 to vector<16xi32>
      %add3A_1503 = arith.addi %shift_left3A_1201, %add3A_1502 : vector<16xi32>
      %gather3A_1504 = arith.constant 0 : i32
      %gather3A_1505 = arith.constant 0 : i32
      %gather3A_1506 = tpu.memref_slice %arg11[%scan3A_1029, %gather3A_1504, %gather3A_1505] : memref<2x128x128xf32, #tpu.memory_space<vmem>> -> memref<1x128x128xf32, #tpu.memory_space<vmem>>
      %gather3A_1507 = tpu.memref_squeeze %gather3A_1506 : memref<1x128x128xf32, #tpu.memory_space<vmem>> -> memref<128x128xf32, #tpu.memory_space<vmem>>
      %gather3A_1508 = tpu.vector_load_idx %gather3A_1507[%add3A_1190, %add3A_1503] : memref<128x128xf32, #tpu.memory_space<vmem>>[vector<16xi32>, vector<16xi32>], vector<16xf32>,
      %add3A_1509 = arith.constant 16 : i32
      %add3A_1510 = vector.broadcast %add3A_1509 : i32 to vector<16xi32>
      %add3A_1511 = arith.addi %shift_left3A_1210, %add3A_1510 : vector<16xi32>
      %gather3A_1512 = arith.constant 0 : i32
      %gather3A_1513 = arith.constant 0 : i32
      %gather3A_1514 = tpu.memref_slice %arg12[%scan3A_1030, %gather3A_1512, %gather3A_1513] : memref<2x128x128xf32, #tpu.memory_space<vmem>> -> memref<1x128x128xf32, #tpu.memory_space<vmem>>
      %gather3A_1515 = tpu.memref_squeeze %gather3A_1514 : memref<1x128x128xf32, #tpu.memory_space<vmem>> -> memref<128x128xf32, #tpu.memory_space<vmem>>
      %gather3A_1516 = tpu.vector_load_idx %gather3A_1515[%add3A_1190, %add3A_1511] : memref<128x128xf32, #tpu.memory_space<vmem>>[vector<16xi32>, vector<16xi32>], vector<16xf32>,
      %mul3A_1517 = arith.mulf %gather3A_1508, %gather3A_1516 : vector<16xf32>
      %add3A_1518 = arith.addf %add3A_1500, %mul3A_1517 : vector<16xf32>
      %add3A_1519 = arith.constant 17 : i32
      %add3A_1520 = vector.broadcast %add3A_1519 : i32 to vector<16xi32>
      %add3A_1521 = arith.addi %shift_left3A_1201, %add3A_1520 : vector<16xi32>
      %gather3A_1522 = arith.constant 0 : i32
      %gather3A_1523 = arith.constant 0 : i32
      %gather3A_1524 = tpu.memref_slice %arg11[%scan3A_1029, %gather3A_1522, %gather3A_1523] : memref<2x128x128xf32, #tpu.memory_space<vmem>> -> memref<1x128x128xf32, #tpu.memory_space<vmem>>
      %gather3A_1525 = tpu.memref_squeeze %gather3A_1524 : memref<1x128x128xf32, #tpu.memory_space<vmem>> -> memref<128x128xf32, #tpu.memory_space<vmem>>
      %gather3A_1526 = tpu.vector_load_idx %gather3A_1525[%add3A_1190, %add3A_1521] : memref<128x128xf32, #tpu.memory_space<vmem>>[vector<16xi32>, vector<16xi32>], vector<16xf32>,
      %add3A_1527 = arith.constant 17 : i32
      %add3A_1528 = vector.broadcast %add3A_1527 : i32 to vector<16xi32>
      %add3A_1529 = arith.addi %shift_left3A_1210, %add3A_1528 : vector<16xi32>
      %gather3A_1530 = arith.constant 0 : i32
      %gather3A_1531 = arith.constant 0 : i32
      %gather3A_1532 = tpu.memref_slice %arg12[%scan3A_1030, %gather3A_1530, %gather3A_1531] : memref<2x128x128xf32, #tpu.memory_space<vmem>> -> memref<1x128x128xf32, #tpu.memory_space<vmem>>
      %gather3A_1533 = tpu.memref_squeeze %gather3A_1532 : memref<1x128x128xf32, #tpu.memory_space<vmem>> -> memref<128x128xf32, #tpu.memory_space<vmem>>
      %gather3A_1534 = tpu.vector_load_idx %gather3A_1533[%add3A_1190, %add3A_1529] : memref<128x128xf32, #tpu.memory_space<vmem>>[vector<16xi32>, vector<16xi32>], vector<16xf32>,
      %mul3A_1535 = arith.mulf %gather3A_1526, %gather3A_1534 : vector<16xf32>
      %add3A_1536 = arith.addf %add3A_1518, %mul3A_1535 : vector<16xf32>
      %add3A_1537 = arith.constant 18 : i32
      %add3A_1538 = vector.broadcast %add3A_1537 : i32 to vector<16xi32>
      %add3A_1539 = arith.addi %shift_left3A_1201, %add3A_1538 : vector<16xi32>
      %gather3A_1540 = arith.constant 0 : i32
      %gather3A_1541 = arith.constant 0 : i32
      %gather3A_1542 = tpu.memref_slice %arg11[%scan3A_1029, %gather3A_1540, %gather3A_1541] : memref<2x128x128xf32, #tpu.memory_space<vmem>> -> memref<1x128x128xf32, #tpu.memory_space<vmem>>
      %gather3A_1543 = tpu.memref_squeeze %gather3A_1542 : memref<1x128x128xf32, #tpu.memory_space<vmem>> -> memref<128x128xf32, #tpu.memory_space<vmem>>
      %gather3A_1544 = tpu.vector_load_idx %gather3A_1543[%add3A_1190, %add3A_1539] : memref<128x128xf32, #tpu.memory_space<vmem>>[vector<16xi32>, vector<16xi32>], vector<16xf32>,
      %add3A_1545 = arith.constant 18 : i32
      %add3A_1546 = vector.broadcast %add3A_1545 : i32 to vector<16xi32>
      %add3A_1547 = arith.addi %shift_left3A_1210, %add3A_1546 : vector<16xi32>
      %gather3A_1548 = arith.constant 0 : i32
      %gather3A_1549 = arith.constant 0 : i32
      %gather3A_1550 = tpu.memref_slice %arg12[%scan3A_1030, %gather3A_1548, %gather3A_1549] : memref<2x128x128xf32, #tpu.memory_space<vmem>> -> memref<1x128x128xf32, #tpu.memory_space<vmem>>
      %gather3A_1551 = tpu.memref_squeeze %gather3A_1550 : memref<1x128x128xf32, #tpu.memory_space<vmem>> -> memref<128x128xf32, #tpu.memory_space<vmem>>
      %gather3A_1552 = tpu.vector_load_idx %gather3A_1551[%add3A_1190, %add3A_1547] : memref<128x128xf32, #tpu.memory_space<vmem>>[vector<16xi32>, vector<16xi32>], vector<16xf32>,
      %mul3A_1553 = arith.mulf %gather3A_1544, %gather3A_1552 : vector<16xf32>
      %add3A_1554 = arith.addf %add3A_1536, %mul3A_1553 : vector<16xf32>
      %add3A_1555 = arith.constant 19 : i32
      %add3A_1556 = vector.broadcast %add3A_1555 : i32 to vector<16xi32>
      %add3A_1557 = arith.addi %shift_left3A_1201, %add3A_1556 : vector<16xi32>
      %gather3A_1558 = arith.constant 0 : i32
      %gather3A_1559 = arith.constant 0 : i32
      %gather3A_1560 = tpu.memref_slice %arg11[%scan3A_1029, %gather3A_1558, %gather3A_1559] : memref<2x128x128xf32, #tpu.memory_space<vmem>> -> memref<1x128x128xf32, #tpu.memory_space<vmem>>
      %gather3A_1561 = tpu.memref_squeeze %gather3A_1560 : memref<1x128x128xf32, #tpu.memory_space<vmem>> -> memref<128x128xf32, #tpu.memory_space<vmem>>
      %gather3A_1562 = tpu.vector_load_idx %gather3A_1561[%add3A_1190, %add3A_1557] : memref<128x128xf32, #tpu.memory_space<vmem>>[vector<16xi32>, vector<16xi32>], vector<16xf32>,
      %add3A_1563 = arith.constant 19 : i32
      %add3A_1564 = vector.broadcast %add3A_1563 : i32 to vector<16xi32>
      %add3A_1565 = arith.addi %shift_left3A_1210, %add3A_1564 : vector<16xi32>
      %gather3A_1566 = arith.constant 0 : i32
      %gather3A_1567 = arith.constant 0 : i32
      %gather3A_1568 = tpu.memref_slice %arg12[%scan3A_1030, %gather3A_1566, %gather3A_1567] : memref<2x128x128xf32, #tpu.memory_space<vmem>> -> memref<1x128x128xf32, #tpu.memory_space<vmem>>
      %gather3A_1569 = tpu.memref_squeeze %gather3A_1568 : memref<1x128x128xf32, #tpu.memory_space<vmem>> -> memref<128x128xf32, #tpu.memory_space<vmem>>
      %gather3A_1570 = tpu.vector_load_idx %gather3A_1569[%add3A_1190, %add3A_1565] : memref<128x128xf32, #tpu.memory_space<vmem>>[vector<16xi32>, vector<16xi32>], vector<16xf32>,
      %mul3A_1571 = arith.mulf %gather3A_1562, %gather3A_1570 : vector<16xf32>
      %add3A_1572 = arith.addf %add3A_1554, %mul3A_1571 : vector<16xf32>
      %add3A_1573 = arith.constant 20 : i32
      %add3A_1574 = vector.broadcast %add3A_1573 : i32 to vector<16xi32>
      %add3A_1575 = arith.addi %shift_left3A_1201, %add3A_1574 : vector<16xi32>
      %gather3A_1576 = arith.constant 0 : i32
      %gather3A_1577 = arith.constant 0 : i32
      %gather3A_1578 = tpu.memref_slice %arg11[%scan3A_1029, %gather3A_1576, %gather3A_1577] : memref<2x128x128xf32, #tpu.memory_space<vmem>> -> memref<1x128x128xf32, #tpu.memory_space<vmem>>
      %gather3A_1579 = tpu.memref_squeeze %gather3A_1578 : memref<1x128x128xf32, #tpu.memory_space<vmem>> -> memref<128x128xf32, #tpu.memory_space<vmem>>
      %gather3A_1580 = tpu.vector_load_idx %gather3A_1579[%add3A_1190, %add3A_1575] : memref<128x128xf32, #tpu.memory_space<vmem>>[vector<16xi32>, vector<16xi32>], vector<16xf32>,
      %add3A_1581 = arith.constant 20 : i32
      %add3A_1582 = vector.broadcast %add3A_1581 : i32 to vector<16xi32>
      %add3A_1583 = arith.addi %shift_left3A_1210, %add3A_1582 : vector<16xi32>
      %gather3A_1584 = arith.constant 0 : i32
      %gather3A_1585 = arith.constant 0 : i32
      %gather3A_1586 = tpu.memref_slice %arg12[%scan3A_1030, %gather3A_1584, %gather3A_1585] : memref<2x128x128xf32, #tpu.memory_space<vmem>> -> memref<1x128x128xf32, #tpu.memory_space<vmem>>
      %gather3A_1587 = tpu.memref_squeeze %gather3A_1586 : memref<1x128x128xf32, #tpu.memory_space<vmem>> -> memref<128x128xf32, #tpu.memory_space<vmem>>
      %gather3A_1588 = tpu.vector_load_idx %gather3A_1587[%add3A_1190, %add3A_1583] : memref<128x128xf32, #tpu.memory_space<vmem>>[vector<16xi32>, vector<16xi32>], vector<16xf32>,
      %mul3A_1589 = arith.mulf %gather3A_1580, %gather3A_1588 : vector<16xf32>
      %add3A_1590 = arith.addf %add3A_1572, %mul3A_1589 : vector<16xf32>
      %add3A_1591 = arith.constant 21 : i32
      %add3A_1592 = vector.broadcast %add3A_1591 : i32 to vector<16xi32>
      %add3A_1593 = arith.addi %shift_left3A_1201, %add3A_1592 : vector<16xi32>
      %gather3A_1594 = arith.constant 0 : i32
      %gather3A_1595 = arith.constant 0 : i32
      %gather3A_1596 = tpu.memref_slice %arg11[%scan3A_1029, %gather3A_1594, %gather3A_1595] : memref<2x128x128xf32, #tpu.memory_space<vmem>> -> memref<1x128x128xf32, #tpu.memory_space<vmem>>
      %gather3A_1597 = tpu.memref_squeeze %gather3A_1596 : memref<1x128x128xf32, #tpu.memory_space<vmem>> -> memref<128x128xf32, #tpu.memory_space<vmem>>
      %gather3A_1598 = tpu.vector_load_idx %gather3A_1597[%add3A_1190, %add3A_1593] : memref<128x128xf32, #tpu.memory_space<vmem>>[vector<16xi32>, vector<16xi32>], vector<16xf32>,
      %add3A_1599 = arith.constant 21 : i32
      %add3A_1600 = vector.broadcast %add3A_1599 : i32 to vector<16xi32>
      %add3A_1601 = arith.addi %shift_left3A_1210, %add3A_1600 : vector<16xi32>
      %gather3A_1602 = arith.constant 0 : i32
      %gather3A_1603 = arith.constant 0 : i32
      %gather3A_1604 = tpu.memref_slice %arg12[%scan3A_1030, %gather3A_1602, %gather3A_1603] : memref<2x128x128xf32, #tpu.memory_space<vmem>> -> memref<1x128x128xf32, #tpu.memory_space<vmem>>
      %gather3A_1605 = tpu.memref_squeeze %gather3A_1604 : memref<1x128x128xf32, #tpu.memory_space<vmem>> -> memref<128x128xf32, #tpu.memory_space<vmem>>
      %gather3A_1606 = tpu.vector_load_idx %gather3A_1605[%add3A_1190, %add3A_1601] : memref<128x128xf32, #tpu.memory_space<vmem>>[vector<16xi32>, vector<16xi32>], vector<16xf32>,
      %mul3A_1607 = arith.mulf %gather3A_1598, %gather3A_1606 : vector<16xf32>
      %add3A_1608 = arith.addf %add3A_1590, %mul3A_1607 : vector<16xf32>
      %add3A_1609 = arith.constant 22 : i32
      %add3A_1610 = vector.broadcast %add3A_1609 : i32 to vector<16xi32>
      %add3A_1611 = arith.addi %shift_left3A_1201, %add3A_1610 : vector<16xi32>
      %gather3A_1612 = arith.constant 0 : i32
      %gather3A_1613 = arith.constant 0 : i32
      %gather3A_1614 = tpu.memref_slice %arg11[%scan3A_1029, %gather3A_1612, %gather3A_1613] : memref<2x128x128xf32, #tpu.memory_space<vmem>> -> memref<1x128x128xf32, #tpu.memory_space<vmem>>
      %gather3A_1615 = tpu.memref_squeeze %gather3A_1614 : memref<1x128x128xf32, #tpu.memory_space<vmem>> -> memref<128x128xf32, #tpu.memory_space<vmem>>
      %gather3A_1616 = tpu.vector_load_idx %gather3A_1615[%add3A_1190, %add3A_1611] : memref<128x128xf32, #tpu.memory_space<vmem>>[vector<16xi32>, vector<16xi32>], vector<16xf32>,
      %add3A_1617 = arith.constant 22 : i32
      %add3A_1618 = vector.broadcast %add3A_1617 : i32 to vector<16xi32>
      %add3A_1619 = arith.addi %shift_left3A_1210, %add3A_1618 : vector<16xi32>
      %gather3A_1620 = arith.constant 0 : i32
      %gather3A_1621 = arith.constant 0 : i32
      %gather3A_1622 = tpu.memref_slice %arg12[%scan3A_1030, %gather3A_1620, %gather3A_1621] : memref<2x128x128xf32, #tpu.memory_space<vmem>> -> memref<1x128x128xf32, #tpu.memory_space<vmem>>
      %gather3A_1623 = tpu.memref_squeeze %gather3A_1622 : memref<1x128x128xf32, #tpu.memory_space<vmem>> -> memref<128x128xf32, #tpu.memory_space<vmem>>
      %gather3A_1624 = tpu.vector_load_idx %gather3A_1623[%add3A_1190, %add3A_1619] : memref<128x128xf32, #tpu.memory_space<vmem>>[vector<16xi32>, vector<16xi32>], vector<16xf32>,
      %mul3A_1625 = arith.mulf %gather3A_1616, %gather3A_1624 : vector<16xf32>
      %add3A_1626 = arith.addf %add3A_1608, %mul3A_1625 : vector<16xf32>
      %add3A_1627 = arith.constant 23 : i32
      %add3A_1628 = vector.broadcast %add3A_1627 : i32 to vector<16xi32>
      %add3A_1629 = arith.addi %shift_left3A_1201, %add3A_1628 : vector<16xi32>
      %gather3A_1630 = arith.constant 0 : i32
      %gather3A_1631 = arith.constant 0 : i32
      %gather3A_1632 = tpu.memref_slice %arg11[%scan3A_1029, %gather3A_1630, %gather3A_1631] : memref<2x128x128xf32, #tpu.memory_space<vmem>> -> memref<1x128x128xf32, #tpu.memory_space<vmem>>
      %gather3A_1633 = tpu.memref_squeeze %gather3A_1632 : memref<1x128x128xf32, #tpu.memory_space<vmem>> -> memref<128x128xf32, #tpu.memory_space<vmem>>
      %gather3A_1634 = tpu.vector_load_idx %gather3A_1633[%add3A_1190, %add3A_1629] : memref<128x128xf32, #tpu.memory_space<vmem>>[vector<16xi32>, vector<16xi32>], vector<16xf32>,
      %add3A_1635 = arith.constant 23 : i32
      %add3A_1636 = vector.broadcast %add3A_1635 : i32 to vector<16xi32>
      %add3A_1637 = arith.addi %shift_left3A_1210, %add3A_1636 : vector<16xi32>
      %gather3A_1638 = arith.constant 0 : i32
      %gather3A_1639 = arith.constant 0 : i32
      %gather3A_1640 = tpu.memref_slice %arg12[%scan3A_1030, %gather3A_1638, %gather3A_1639] : memref<2x128x128xf32, #tpu.memory_space<vmem>> -> memref<1x128x128xf32, #tpu.memory_space<vmem>>
      %gather3A_1641 = tpu.memref_squeeze %gather3A_1640 : memref<1x128x128xf32, #tpu.memory_space<vmem>> -> memref<128x128xf32, #tpu.memory_space<vmem>>
      %gather3A_1642 = tpu.vector_load_idx %gather3A_1641[%add3A_1190, %add3A_1637] : memref<128x128xf32, #tpu.memory_space<vmem>>[vector<16xi32>, vector<16xi32>], vector<16xf32>,
      %mul3A_1643 = arith.mulf %gather3A_1634, %gather3A_1642 : vector<16xf32>
      %add3A_1644 = arith.addf %add3A_1626, %mul3A_1643 : vector<16xf32>
      %add3A_1645 = arith.constant 24 : i32
      %add3A_1646 = vector.broadcast %add3A_1645 : i32 to vector<16xi32>
      %add3A_1647 = arith.addi %shift_left3A_1201, %add3A_1646 : vector<16xi32>
      %gather3A_1648 = arith.constant 0 : i32
      %gather3A_1649 = arith.constant 0 : i32
      %gather3A_1650 = tpu.memref_slice %arg11[%scan3A_1029, %gather3A_1648, %gather3A_1649] : memref<2x128x128xf32, #tpu.memory_space<vmem>> -> memref<1x128x128xf32, #tpu.memory_space<vmem>>
      %gather3A_1651 = tpu.memref_squeeze %gather3A_1650 : memref<1x128x128xf32, #tpu.memory_space<vmem>> -> memref<128x128xf32, #tpu.memory_space<vmem>>
      %gather3A_1652 = tpu.vector_load_idx %gather3A_1651[%add3A_1190, %add3A_1647] : memref<128x128xf32, #tpu.memory_space<vmem>>[vector<16xi32>, vector<16xi32>], vector<16xf32>,
      %add3A_1653 = arith.constant 24 : i32
      %add3A_1654 = vector.broadcast %add3A_1653 : i32 to vector<16xi32>
      %add3A_1655 = arith.addi %shift_left3A_1210, %add3A_1654 : vector<16xi32>
      %gather3A_1656 = arith.constant 0 : i32
      %gather3A_1657 = arith.constant 0 : i32
      %gather3A_1658 = tpu.memref_slice %arg12[%scan3A_1030, %gather3A_1656, %gather3A_1657] : memref<2x128x128xf32, #tpu.memory_space<vmem>> -> memref<1x128x128xf32, #tpu.memory_space<vmem>>
      %gather3A_1659 = tpu.memref_squeeze %gather3A_1658 : memref<1x128x128xf32, #tpu.memory_space<vmem>> -> memref<128x128xf32, #tpu.memory_space<vmem>>
      %gather3A_1660 = tpu.vector_load_idx %gather3A_1659[%add3A_1190, %add3A_1655] : memref<128x128xf32, #tpu.memory_space<vmem>>[vector<16xi32>, vector<16xi32>], vector<16xf32>,
      %mul3A_1661 = arith.mulf %gather3A_1652, %gather3A_1660 : vector<16xf32>
      %add3A_1662 = arith.addf %add3A_1644, %mul3A_1661 : vector<16xf32>
      %add3A_1663 = arith.constant 25 : i32
      %add3A_1664 = vector.broadcast %add3A_1663 : i32 to vector<16xi32>
      %add3A_1665 = arith.addi %shift_left3A_1201, %add3A_1664 : vector<16xi32>
      %gather3A_1666 = arith.constant 0 : i32
      %gather3A_1667 = arith.constant 0 : i32
      %gather3A_1668 = tpu.memref_slice %arg11[%scan3A_1029, %gather3A_1666, %gather3A_1667] : memref<2x128x128xf32, #tpu.memory_space<vmem>> -> memref<1x128x128xf32, #tpu.memory_space<vmem>>
      %gather3A_1669 = tpu.memref_squeeze %gather3A_1668 : memref<1x128x128xf32, #tpu.memory_space<vmem>> -> memref<128x128xf32, #tpu.memory_space<vmem>>
      %gather3A_1670 = tpu.vector_load_idx %gather3A_1669[%add3A_1190, %add3A_1665] : memref<128x128xf32, #tpu.memory_space<vmem>>[vector<16xi32>, vector<16xi32>], vector<16xf32>,
      %add3A_1671 = arith.constant 25 : i32
      %add3A_1672 = vector.broadcast %add3A_1671 : i32 to vector<16xi32>
      %add3A_1673 = arith.addi %shift_left3A_1210, %add3A_1672 : vector<16xi32>
      %gather3A_1674 = arith.constant 0 : i32
      %gather3A_1675 = arith.constant 0 : i32
      %gather3A_1676 = tpu.memref_slice %arg12[%scan3A_1030, %gather3A_1674, %gather3A_1675] : memref<2x128x128xf32, #tpu.memory_space<vmem>> -> memref<1x128x128xf32, #tpu.memory_space<vmem>>
      %gather3A_1677 = tpu.memref_squeeze %gather3A_1676 : memref<1x128x128xf32, #tpu.memory_space<vmem>> -> memref<128x128xf32, #tpu.memory_space<vmem>>
      %gather3A_1678 = tpu.vector_load_idx %gather3A_1677[%add3A_1190, %add3A_1673] : memref<128x128xf32, #tpu.memory_space<vmem>>[vector<16xi32>, vector<16xi32>], vector<16xf32>,
      %mul3A_1679 = arith.mulf %gather3A_1670, %gather3A_1678 : vector<16xf32>
      %add3A_1680 = arith.addf %add3A_1662, %mul3A_1679 : vector<16xf32>
      %add3A_1681 = arith.constant 26 : i32
      %add3A_1682 = vector.broadcast %add3A_1681 : i32 to vector<16xi32>
      %add3A_1683 = arith.addi %shift_left3A_1201, %add3A_1682 : vector<16xi32>
      %gather3A_1684 = arith.constant 0 : i32
      %gather3A_1685 = arith.constant 0 : i32
      %gather3A_1686 = tpu.memref_slice %arg11[%scan3A_1029, %gather3A_1684, %gather3A_1685] : memref<2x128x128xf32, #tpu.memory_space<vmem>> -> memref<1x128x128xf32, #tpu.memory_space<vmem>>
      %gather3A_1687 = tpu.memref_squeeze %gather3A_1686 : memref<1x128x128xf32, #tpu.memory_space<vmem>> -> memref<128x128xf32, #tpu.memory_space<vmem>>
      %gather3A_1688 = tpu.vector_load_idx %gather3A_1687[%add3A_1190, %add3A_1683] : memref<128x128xf32, #tpu.memory_space<vmem>>[vector<16xi32>, vector<16xi32>], vector<16xf32>,
      %add3A_1689 = arith.constant 26 : i32
      %add3A_1690 = vector.broadcast %add3A_1689 : i32 to vector<16xi32>
      %add3A_1691 = arith.addi %shift_left3A_1210, %add3A_1690 : vector<16xi32>
      %gather3A_1692 = arith.constant 0 : i32
      %gather3A_1693 = arith.constant 0 : i32
      %gather3A_1694 = tpu.memref_slice %arg12[%scan3A_1030, %gather3A_1692, %gather3A_1693] : memref<2x128x128xf32, #tpu.memory_space<vmem>> -> memref<1x128x128xf32, #tpu.memory_space<vmem>>
      %gather3A_1695 = tpu.memref_squeeze %gather3A_1694 : memref<1x128x128xf32, #tpu.memory_space<vmem>> -> memref<128x128xf32, #tpu.memory_space<vmem>>
      %gather3A_1696 = tpu.vector_load_idx %gather3A_1695[%add3A_1190, %add3A_1691] : memref<128x128xf32, #tpu.memory_space<vmem>>[vector<16xi32>, vector<16xi32>], vector<16xf32>,
      %mul3A_1697 = arith.mulf %gather3A_1688, %gather3A_1696 : vector<16xf32>
      %add3A_1698 = arith.addf %add3A_1680, %mul3A_1697 : vector<16xf32>
      %add3A_1699 = arith.constant 27 : i32
      %add3A_1700 = vector.broadcast %add3A_1699 : i32 to vector<16xi32>
      %add3A_1701 = arith.addi %shift_left3A_1201, %add3A_1700 : vector<16xi32>
      %gather3A_1702 = arith.constant 0 : i32
      %gather3A_1703 = arith.constant 0 : i32
      %gather3A_1704 = tpu.memref_slice %arg11[%scan3A_1029, %gather3A_1702, %gather3A_1703] : memref<2x128x128xf32, #tpu.memory_space<vmem>> -> memref<1x128x128xf32, #tpu.memory_space<vmem>>
      %gather3A_1705 = tpu.memref_squeeze %gather3A_1704 : memref<1x128x128xf32, #tpu.memory_space<vmem>> -> memref<128x128xf32, #tpu.memory_space<vmem>>
      %gather3A_1706 = tpu.vector_load_idx %gather3A_1705[%add3A_1190, %add3A_1701] : memref<128x128xf32, #tpu.memory_space<vmem>>[vector<16xi32>, vector<16xi32>], vector<16xf32>,
      %add3A_1707 = arith.constant 27 : i32
      %add3A_1708 = vector.broadcast %add3A_1707 : i32 to vector<16xi32>
      %add3A_1709 = arith.addi %shift_left3A_1210, %add3A_1708 : vector<16xi32>
      %gather3A_1710 = arith.constant 0 : i32
      %gather3A_1711 = arith.constant 0 : i32
      %gather3A_1712 = tpu.memref_slice %arg12[%scan3A_1030, %gather3A_1710, %gather3A_1711] : memref<2x128x128xf32, #tpu.memory_space<vmem>> -> memref<1x128x128xf32, #tpu.memory_space<vmem>>
      %gather3A_1713 = tpu.memref_squeeze %gather3A_1712 : memref<1x128x128xf32, #tpu.memory_space<vmem>> -> memref<128x128xf32, #tpu.memory_space<vmem>>
      %gather3A_1714 = tpu.vector_load_idx %gather3A_1713[%add3A_1190, %add3A_1709] : memref<128x128xf32, #tpu.memory_space<vmem>>[vector<16xi32>, vector<16xi32>], vector<16xf32>,
      %mul3A_1715 = arith.mulf %gather3A_1706, %gather3A_1714 : vector<16xf32>
      %add3A_1716 = arith.addf %add3A_1698, %mul3A_1715 : vector<16xf32>
      %add3A_1717 = arith.constant 28 : i32
      %add3A_1718 = vector.broadcast %add3A_1717 : i32 to vector<16xi32>
      %add3A_1719 = arith.addi %shift_left3A_1201, %add3A_1718 : vector<16xi32>
      %gather3A_1720 = arith.constant 0 : i32
      %gather3A_1721 = arith.constant 0 : i32
      %gather3A_1722 = tpu.memref_slice %arg11[%scan3A_1029, %gather3A_1720, %gather3A_1721] : memref<2x128x128xf32, #tpu.memory_space<vmem>> -> memref<1x128x128xf32, #tpu.memory_space<vmem>>
      %gather3A_1723 = tpu.memref_squeeze %gather3A_1722 : memref<1x128x128xf32, #tpu.memory_space<vmem>> -> memref<128x128xf32, #tpu.memory_space<vmem>>
      %gather3A_1724 = tpu.vector_load_idx %gather3A_1723[%add3A_1190, %add3A_1719] : memref<128x128xf32, #tpu.memory_space<vmem>>[vector<16xi32>, vector<16xi32>], vector<16xf32>,
      %add3A_1725 = arith.constant 28 : i32
      %add3A_1726 = vector.broadcast %add3A_1725 : i32 to vector<16xi32>
      %add3A_1727 = arith.addi %shift_left3A_1210, %add3A_1726 : vector<16xi32>
      %gather3A_1728 = arith.constant 0 : i32
      %gather3A_1729 = arith.constant 0 : i32
      %gather3A_1730 = tpu.memref_slice %arg12[%scan3A_1030, %gather3A_1728, %gather3A_1729] : memref<2x128x128xf32, #tpu.memory_space<vmem>> -> memref<1x128x128xf32, #tpu.memory_space<vmem>>
      %gather3A_1731 = tpu.memref_squeeze %gather3A_1730 : memref<1x128x128xf32, #tpu.memory_space<vmem>> -> memref<128x128xf32, #tpu.memory_space<vmem>>
      %gather3A_1732 = tpu.vector_load_idx %gather3A_1731[%add3A_1190, %add3A_1727] : memref<128x128xf32, #tpu.memory_space<vmem>>[vector<16xi32>, vector<16xi32>], vector<16xf32>,
      %mul3A_1733 = arith.mulf %gather3A_1724, %gather3A_1732 : vector<16xf32>
      %add3A_1734 = arith.addf %add3A_1716, %mul3A_1733 : vector<16xf32>
      %add3A_1735 = arith.constant 29 : i32
      %add3A_1736 = vector.broadcast %add3A_1735 : i32 to vector<16xi32>
      %add3A_1737 = arith.addi %shift_left3A_1201, %add3A_1736 : vector<16xi32>
      %gather3A_1738 = arith.constant 0 : i32
      %gather3A_1739 = arith.constant 0 : i32
      %gather3A_1740 = tpu.memref_slice %arg11[%scan3A_1029, %gather3A_1738, %gather3A_1739] : memref<2x128x128xf32, #tpu.memory_space<vmem>> -> memref<1x128x128xf32, #tpu.memory_space<vmem>>
      %gather3A_1741 = tpu.memref_squeeze %gather3A_1740 : memref<1x128x128xf32, #tpu.memory_space<vmem>> -> memref<128x128xf32, #tpu.memory_space<vmem>>
      %gather3A_1742 = tpu.vector_load_idx %gather3A_1741[%add3A_1190, %add3A_1737] : memref<128x128xf32, #tpu.memory_space<vmem>>[vector<16xi32>, vector<16xi32>], vector<16xf32>,
      %add3A_1743 = arith.constant 29 : i32
      %add3A_1744 = vector.broadcast %add3A_1743 : i32 to vector<16xi32>
      %add3A_1745 = arith.addi %shift_left3A_1210, %add3A_1744 : vector<16xi32>
      %gather3A_1746 = arith.constant 0 : i32
      %gather3A_1747 = arith.constant 0 : i32
      %gather3A_1748 = tpu.memref_slice %arg12[%scan3A_1030, %gather3A_1746, %gather3A_1747] : memref<2x128x128xf32, #tpu.memory_space<vmem>> -> memref<1x128x128xf32, #tpu.memory_space<vmem>>
      %gather3A_1749 = tpu.memref_squeeze %gather3A_1748 : memref<1x128x128xf32, #tpu.memory_space<vmem>> -> memref<128x128xf32, #tpu.memory_space<vmem>>
      %gather3A_1750 = tpu.vector_load_idx %gather3A_1749[%add3A_1190, %add3A_1745] : memref<128x128xf32, #tpu.memory_space<vmem>>[vector<16xi32>, vector<16xi32>], vector<16xf32>,
      %mul3A_1751 = arith.mulf %gather3A_1742, %gather3A_1750 : vector<16xf32>
      %add3A_1752 = arith.addf %add3A_1734, %mul3A_1751 : vector<16xf32>
      %add3A_1753 = arith.constant 30 : i32
      %add3A_1754 = vector.broadcast %add3A_1753 : i32 to vector<16xi32>
      %add3A_1755 = arith.addi %shift_left3A_1201, %add3A_1754 : vector<16xi32>
      %gather3A_1756 = arith.constant 0 : i32
      %gather3A_1757 = arith.constant 0 : i32
      %gather3A_1758 = tpu.memref_slice %arg11[%scan3A_1029, %gather3A_1756, %gather3A_1757] : memref<2x128x128xf32, #tpu.memory_space<vmem>> -> memref<1x128x128xf32, #tpu.memory_space<vmem>>
      %gather3A_1759 = tpu.memref_squeeze %gather3A_1758 : memref<1x128x128xf32, #tpu.memory_space<vmem>> -> memref<128x128xf32, #tpu.memory_space<vmem>>
      %gather3A_1760 = tpu.vector_load_idx %gather3A_1759[%add3A_1190, %add3A_1755] : memref<128x128xf32, #tpu.memory_space<vmem>>[vector<16xi32>, vector<16xi32>], vector<16xf32>,
      %add3A_1761 = arith.constant 30 : i32
      %add3A_1762 = vector.broadcast %add3A_1761 : i32 to vector<16xi32>
      %add3A_1763 = arith.addi %shift_left3A_1210, %add3A_1762 : vector<16xi32>
      %gather3A_1764 = arith.constant 0 : i32
      %gather3A_1765 = arith.constant 0 : i32
      %gather3A_1766 = tpu.memref_slice %arg12[%scan3A_1030, %gather3A_1764, %gather3A_1765] : memref<2x128x128xf32, #tpu.memory_space<vmem>> -> memref<1x128x128xf32, #tpu.memory_space<vmem>>
      %gather3A_1767 = tpu.memref_squeeze %gather3A_1766 : memref<1x128x128xf32, #tpu.memory_space<vmem>> -> memref<128x128xf32, #tpu.memory_space<vmem>>
      %gather3A_1768 = tpu.vector_load_idx %gather3A_1767[%add3A_1190, %add3A_1763] : memref<128x128xf32, #tpu.memory_space<vmem>>[vector<16xi32>, vector<16xi32>], vector<16xf32>,
      %mul3A_1769 = arith.mulf %gather3A_1760, %gather3A_1768 : vector<16xf32>
      %add3A_1770 = arith.addf %add3A_1752, %mul3A_1769 : vector<16xf32>
      %add3A_1771 = arith.constant 31 : i32
      %add3A_1772 = vector.broadcast %add3A_1771 : i32 to vector<16xi32>
      %add3A_1773 = arith.addi %shift_left3A_1201, %add3A_1772 : vector<16xi32>
      %gather3A_1774 = arith.constant 0 : i32
      %gather3A_1775 = arith.constant 0 : i32
      %gather3A_1776 = tpu.memref_slice %arg11[%scan3A_1029, %gather3A_1774, %gather3A_1775] : memref<2x128x128xf32, #tpu.memory_space<vmem>> -> memref<1x128x128xf32, #tpu.memory_space<vmem>>
      %gather3A_1777 = tpu.memref_squeeze %gather3A_1776 : memref<1x128x128xf32, #tpu.memory_space<vmem>> -> memref<128x128xf32, #tpu.memory_space<vmem>>
      %gather3A_1778 = tpu.vector_load_idx %gather3A_1777[%add3A_1190, %add3A_1773] : memref<128x128xf32, #tpu.memory_space<vmem>>[vector<16xi32>, vector<16xi32>], vector<16xf32>,
      %add3A_1779 = arith.constant 31 : i32
      %add3A_1780 = vector.broadcast %add3A_1779 : i32 to vector<16xi32>
      %add3A_1781 = arith.addi %shift_left3A_1210, %add3A_1780 : vector<16xi32>
      %gather3A_1782 = arith.constant 0 : i32
      %gather3A_1783 = arith.constant 0 : i32
      %gather3A_1784 = tpu.memref_slice %arg12[%scan3A_1030, %gather3A_1782, %gather3A_1783] : memref<2x128x128xf32, #tpu.memory_space<vmem>> -> memref<1x128x128xf32, #tpu.memory_space<vmem>>
      %gather3A_1785 = tpu.memref_squeeze %gather3A_1784 : memref<1x128x128xf32, #tpu.memory_space<vmem>> -> memref<128x128xf32, #tpu.memory_space<vmem>>
      %gather3A_1786 = tpu.vector_load_idx %gather3A_1785[%add3A_1190, %add3A_1781] : memref<128x128xf32, #tpu.memory_space<vmem>>[vector<16xi32>, vector<16xi32>], vector<16xf32>,
      %mul3A_1787 = arith.mulf %gather3A_1778, %gather3A_1786 : vector<16xf32>
      %add3A_1788 = arith.addf %add3A_1770, %mul3A_1787 : vector<16xf32>
      %mul3A_1789 = arith.constant 128 : i32
      %mul3A_1790 = vector.broadcast %mul3A_1789 : i32 to vector<16xi32>
      %mul3A_1791 = arith.muli %broadcast_in_dim3A_1028, %mul3A_1790 : vector<16xi32>
      %add3A_1792 = arith.addi %mul3A_1791, %add3A_1190 : vector<16xi32>
      tpu.vector_store_idx %arg13[%add3A_1792], %add3A_1788 : memref<512xf32, #tpu.memory_space<vmem>>[vector<16xi32>], vector<16xf32>,
    }
    %scan3A_1035 = arith.constant 8 : i32
    %dma_start3A_1036 = arith.constant 2 : i32
    %dma_start3A_1037 = arith.constant 0 : i32
    %dma_start3A_1038 = arith.constant 0 : i32
    %dma_start3A_1039 = arith.constant 0 : i32
    %dma_start3A_1040 = tpu.memref_slice %arg11[%dma_start3A_1037, %dma_start3A_1038, %dma_start3A_1039] : memref<2x128x128xf32, #tpu.memory_space<vmem>> -> memref<1x128x128xf32, #tpu.memory_space<vmem>>
    %dma_start3A_1041 = tpu.memref_squeeze %dma_start3A_1040 : memref<1x128x128xf32, #tpu.memory_space<vmem>> -> memref<128x128xf32, #tpu.memory_space<vmem>>
    %dma_start3A_1042 = arith.constant 0 : i32
    %dma_start3A_1043 = tpu.memref_slice %arg9[%dma_start3A_1036, %dma_start3A_1042] : memref<4x128xi32, #tpu.memory_space<vmem>> -> memref<1x128xi32, #tpu.memory_space<vmem>>
    %dma_start3A_1044 = tpu.memref_squeeze %dma_start3A_1043 : memref<1x128xi32, #tpu.memory_space<vmem>> -> memref<128xi32, #tpu.memory_space<vmem>>
    %dma_start3A_1045 = arith.constant 0 : i32
    %dma_start3A_1046 = arith.constant 0 : i32
    %dma_start3A_1047 = tpu.memref_slice %arg4[%dma_start3A_1045, %dma_start3A_1046] : memref<253952x128xf32, #tpu.memory_space<hbm>> -> memref<253952x128xf32, #tpu.memory_space<hbm>>
    tpu.enqueue_indirect_dma source(%dma_start3A_1047 : memref<253952x128xf32, #tpu.memory_space<hbm>>) target(%dma_start3A_1041 : memref<128x128xf32, #tpu.memory_space<vmem>>) offsets(%dma_start3A_1044 : memref<128xi32, #tpu.memory_space<vmem>>) semaphore(%arg15 : memref<!tpu.dma_semaphore, #tpu.memory_space<semaphore_mem>>)
    %dma_start3A_1048 = arith.constant 2 : i32
    %dma_start3A_1049 = arith.constant 0 : i32
    %dma_start3A_1050 = arith.constant 0 : i32
    %dma_start3A_1051 = arith.constant 0 : i32
    %dma_start3A_1052 = tpu.memref_slice %arg12[%dma_start3A_1049, %dma_start3A_1050, %dma_start3A_1051] : memref<2x128x128xf32, #tpu.memory_space<vmem>> -> memref<1x128x128xf32, #tpu.memory_space<vmem>>
    %dma_start3A_1053 = tpu.memref_squeeze %dma_start3A_1052 : memref<1x128x128xf32, #tpu.memory_space<vmem>> -> memref<128x128xf32, #tpu.memory_space<vmem>>
    %dma_start3A_1054 = arith.constant 0 : i32
    %dma_start3A_1055 = tpu.memref_slice %arg10[%dma_start3A_1048, %dma_start3A_1054] : memref<4x128xi32, #tpu.memory_space<vmem>> -> memref<1x128xi32, #tpu.memory_space<vmem>>
    %dma_start3A_1056 = tpu.memref_squeeze %dma_start3A_1055 : memref<1x128xi32, #tpu.memory_space<vmem>> -> memref<128xi32, #tpu.memory_space<vmem>>
    %dma_start3A_1057 = arith.constant 0 : i32
    %dma_start3A_1058 = arith.constant 0 : i32
    %dma_start3A_1059 = tpu.memref_slice %arg5[%dma_start3A_1057, %dma_start3A_1058] : memref<253952x128xf32, #tpu.memory_space<hbm>> -> memref<253952x128xf32, #tpu.memory_space<hbm>>
    tpu.enqueue_indirect_dma source(%dma_start3A_1059 : memref<253952x128xf32, #tpu.memory_space<hbm>>) target(%dma_start3A_1053 : memref<128x128xf32, #tpu.memory_space<vmem>>) offsets(%dma_start3A_1056 : memref<128xi32, #tpu.memory_space<vmem>>) semaphore(%arg17 : memref<!tpu.dma_semaphore, #tpu.memory_space<semaphore_mem>>)
    %dma_wait3A_1060 = arith.constant 1 : i32
    %dma_wait3A_1061 = arith.constant 1 : i32
    %dma_wait3A_1062 = arith.constant 0 : i32
    %dma_wait3A_1063 = arith.constant 0 : i32
    %dma_wait3A_1064 = tpu.memref_slice %arg11[%dma_wait3A_1061, %dma_wait3A_1062, %dma_wait3A_1063] : memref<2x128x128xf32, #tpu.memory_space<vmem>> -> memref<1x128x128xf32, #tpu.memory_space<vmem>>
    %dma_wait3A_1065 = tpu.memref_squeeze %dma_wait3A_1064 : memref<1x128x128xf32, #tpu.memory_space<vmem>> -> memref<128x128xf32, #tpu.memory_space<vmem>>
    %dma_wait3A_1066 = arith.constant 0 : i32
    %dma_wait3A_1067 = tpu.memref_slice %arg9[%dma_wait3A_1060, %dma_wait3A_1066] : memref<4x128xi32, #tpu.memory_space<vmem>> -> memref<1x128xi32, #tpu.memory_space<vmem>>
    %dma_wait3A_1068 = tpu.memref_squeeze %dma_wait3A_1067 : memref<1x128xi32, #tpu.memory_space<vmem>> -> memref<128xi32, #tpu.memory_space<vmem>>
    %dma_wait3A_1069 = arith.constant 0 : i32
    %dma_wait3A_1070 = arith.constant 0 : i32
    %dma_wait3A_1071 = tpu.memref_slice %arg4[%dma_wait3A_1069, %dma_wait3A_1070] : memref<253952x128xf32, #tpu.memory_space<hbm>> -> memref<253952x128xf32, #tpu.memory_space<hbm>>
    tpu.wait_indirect_dma semaphore(%arg16 : memref<!tpu.dma_semaphore, #tpu.memory_space<semaphore_mem>>) src(%dma_wait3A_1071 : memref<253952x128xf32, #tpu.memory_space<hbm>>) dst(%dma_wait3A_1065 : memref<128x128xf32, #tpu.memory_space<vmem>>)
    %dma_wait3A_1072 = arith.constant 1 : i32
    %dma_wait3A_1073 = arith.constant 1 : i32
    %dma_wait3A_1074 = arith.constant 0 : i32
    %dma_wait3A_1075 = arith.constant 0 : i32
    %dma_wait3A_1076 = tpu.memref_slice %arg12[%dma_wait3A_1073, %dma_wait3A_1074, %dma_wait3A_1075] : memref<2x128x128xf32, #tpu.memory_space<vmem>> -> memref<1x128x128xf32, #tpu.memory_space<vmem>>
    %dma_wait3A_1077 = tpu.memref_squeeze %dma_wait3A_1076 : memref<1x128x128xf32, #tpu.memory_space<vmem>> -> memref<128x128xf32, #tpu.memory_space<vmem>>
    %dma_wait3A_1078 = arith.constant 0 : i32
    %dma_wait3A_1079 = tpu.memref_slice %arg10[%dma_wait3A_1072, %dma_wait3A_1078] : memref<4x128xi32, #tpu.memory_space<vmem>> -> memref<1x128xi32, #tpu.memory_space<vmem>>
    %dma_wait3A_1080 = tpu.memref_squeeze %dma_wait3A_1079 : memref<1x128xi32, #tpu.memory_space<vmem>> -> memref<128xi32, #tpu.memory_space<vmem>>
    %dma_wait3A_1081 = arith.constant 0 : i32
    %dma_wait3A_1082 = arith.constant 0 : i32
    %dma_wait3A_1083 = tpu.memref_slice %arg5[%dma_wait3A_1081, %dma_wait3A_1082] : memref<253952x128xf32, #tpu.memory_space<hbm>> -> memref<253952x128xf32, #tpu.memory_space<hbm>>
    tpu.wait_indirect_dma semaphore(%arg18 : memref<!tpu.dma_semaphore, #tpu.memory_space<semaphore_mem>>) src(%dma_wait3A_1083 : memref<253952x128xf32, #tpu.memory_space<hbm>>) dst(%dma_wait3A_1077 : memref<128x128xf32, #tpu.memory_space<vmem>>)
    %broadcast_in_dim3A_1084 = arith.constant 1 : i32
    %broadcast_in_dim3A_1085 = vector.broadcast %broadcast_in_dim3A_1084 : i32 to vector<16xi32>
    %scan3A_1086 = arith.constant 0 : i32
    %scan3A_1087 = arith.constant 1 : i32
    %scan3A_1088 = arith.constant 1 : i32
    %scan3A_1089 = arith.constant 0 : i32
    %scan3A_1090 = arith.constant 8 : i32
    %scan3A_1091 = arith.addi %scan3A_1089, %scan3A_1090 : i32
    %scan3A_1092 = arith.constant 1 : i32
    scf.for %scan3A_1186 = %scan3A_1089 to %scan3A_1091 step %scan3A_1092  : i32 {
      %mul3A_1187 = arith.constant 16 : i32
      %mul3A_1188 = arith.muli %scan3A_1186, %mul3A_1187 : i32
      %add3A_1189 = vector.broadcast %mul3A_1188 : i32 to vector<16xi32>
      %add3A_1190 = arith.addi %iota3A, %add3A_1189 : vector<16xi32>
      %gather3A_1191 = tpu.vector_load_idx %arg7[%broadcast_in_dim3A_1085, %add3A_1190] : memref<4x128xi32, #tpu.memory_space<vmem>>[vector<16xi32>, vector<16xi32>], vector<16xi32>,
      %gather3A_1192 = tpu.vector_load_idx %arg8[%broadcast_in_dim3A_1085, %add3A_1190] : memref<4x128xi32, #tpu.memory_space<vmem>>[vector<16xi32>, vector<16xi32>], vector<16xi32>,
      %shift_right_logical3A_1193 = arith.constant 13 : i32
      %shift_right_logical3A_1194 = vector.broadcast %shift_right_logical3A_1193 : i32 to vector<16xi32>
      %shift_right_logical3A_1195 = arith.shrui %gather3A_1191, %shift_right_logical3A_1194 : vector<16xi32>
      %and3A_1196 = arith.constant 3 : i32
      %and3A_1197 = vector.broadcast %and3A_1196 : i32 to vector<16xi32>
      %and3A_1198 = arith.andi %shift_right_logical3A_1195, %and3A_1197 : vector<16xi32>
      %shift_left3A_1199 = arith.constant 5 : i32
      %shift_left3A_1200 = vector.broadcast %shift_left3A_1199 : i32 to vector<16xi32>
      %shift_left3A_1201 = arith.shli %and3A_1198, %shift_left3A_1200 : vector<16xi32>
      %shift_right_logical3A_1202 = arith.constant 13 : i32
      %shift_right_logical3A_1203 = vector.broadcast %shift_right_logical3A_1202 : i32 to vector<16xi32>
      %shift_right_logical3A_1204 = arith.shrui %gather3A_1192, %shift_right_logical3A_1203 : vector<16xi32>
      %and3A_1205 = arith.constant 3 : i32
      %and3A_1206 = vector.broadcast %and3A_1205 : i32 to vector<16xi32>
      %and3A_1207 = arith.andi %shift_right_logical3A_1204, %and3A_1206 : vector<16xi32>
      %shift_left3A_1208 = arith.constant 5 : i32
      %shift_left3A_1209 = vector.broadcast %shift_left3A_1208 : i32 to vector<16xi32>
      %shift_left3A_1210 = arith.shli %and3A_1207, %shift_left3A_1209 : vector<16xi32>
      %broadcast_in_dim3A_1211 = arith.constant 0.000000e+00 : f32
      %broadcast_in_dim3A_1212 = vector.broadcast %broadcast_in_dim3A_1211 : f32 to vector<16xf32>
      %add3A_1213 = arith.constant 0 : i32
      %add3A_1214 = vector.broadcast %add3A_1213 : i32 to vector<16xi32>
      %add3A_1215 = arith.addi %shift_left3A_1201, %add3A_1214 : vector<16xi32>
      %gather3A_1216 = arith.constant 0 : i32
      %gather3A_1217 = arith.constant 0 : i32
      %gather3A_1218 = tpu.memref_slice %arg11[%scan3A_1087, %gather3A_1216, %gather3A_1217] : memref<2x128x128xf32, #tpu.memory_space<vmem>> -> memref<1x128x128xf32, #tpu.memory_space<vmem>>
      %gather3A_1219 = tpu.memref_squeeze %gather3A_1218 : memref<1x128x128xf32, #tpu.memory_space<vmem>> -> memref<128x128xf32, #tpu.memory_space<vmem>>
      %gather3A_1220 = tpu.vector_load_idx %gather3A_1219[%add3A_1190, %add3A_1215] : memref<128x128xf32, #tpu.memory_space<vmem>>[vector<16xi32>, vector<16xi32>], vector<16xf32>,
      %add3A_1221 = arith.constant 0 : i32
      %add3A_1222 = vector.broadcast %add3A_1221 : i32 to vector<16xi32>
      %add3A_1223 = arith.addi %shift_left3A_1210, %add3A_1222 : vector<16xi32>
      %gather3A_1224 = arith.constant 0 : i32
      %gather3A_1225 = arith.constant 0 : i32
      %gather3A_1226 = tpu.memref_slice %arg12[%scan3A_1088, %gather3A_1224, %gather3A_1225] : memref<2x128x128xf32, #tpu.memory_space<vmem>> -> memref<1x128x128xf32, #tpu.memory_space<vmem>>
      %gather3A_1227 = tpu.memref_squeeze %gather3A_1226 : memref<1x128x128xf32, #tpu.memory_space<vmem>> -> memref<128x128xf32, #tpu.memory_space<vmem>>
      %gather3A_1228 = tpu.vector_load_idx %gather3A_1227[%add3A_1190, %add3A_1223] : memref<128x128xf32, #tpu.memory_space<vmem>>[vector<16xi32>, vector<16xi32>], vector<16xf32>,
      %mul3A_1229 = arith.mulf %gather3A_1220, %gather3A_1228 : vector<16xf32>
      %add3A_1230 = arith.addf %broadcast_in_dim3A_1212, %mul3A_1229 : vector<16xf32>
      %add3A_1231 = arith.constant 1 : i32
      %add3A_1232 = vector.broadcast %add3A_1231 : i32 to vector<16xi32>
      %add3A_1233 = arith.addi %shift_left3A_1201, %add3A_1232 : vector<16xi32>
      %gather3A_1234 = arith.constant 0 : i32
      %gather3A_1235 = arith.constant 0 : i32
      %gather3A_1236 = tpu.memref_slice %arg11[%scan3A_1087, %gather3A_1234, %gather3A_1235] : memref<2x128x128xf32, #tpu.memory_space<vmem>> -> memref<1x128x128xf32, #tpu.memory_space<vmem>>
      %gather3A_1237 = tpu.memref_squeeze %gather3A_1236 : memref<1x128x128xf32, #tpu.memory_space<vmem>> -> memref<128x128xf32, #tpu.memory_space<vmem>>
      %gather3A_1238 = tpu.vector_load_idx %gather3A_1237[%add3A_1190, %add3A_1233] : memref<128x128xf32, #tpu.memory_space<vmem>>[vector<16xi32>, vector<16xi32>], vector<16xf32>,
      %add3A_1239 = arith.constant 1 : i32
      %add3A_1240 = vector.broadcast %add3A_1239 : i32 to vector<16xi32>
      %add3A_1241 = arith.addi %shift_left3A_1210, %add3A_1240 : vector<16xi32>
      %gather3A_1242 = arith.constant 0 : i32
      %gather3A_1243 = arith.constant 0 : i32
      %gather3A_1244 = tpu.memref_slice %arg12[%scan3A_1088, %gather3A_1242, %gather3A_1243] : memref<2x128x128xf32, #tpu.memory_space<vmem>> -> memref<1x128x128xf32, #tpu.memory_space<vmem>>
      %gather3A_1245 = tpu.memref_squeeze %gather3A_1244 : memref<1x128x128xf32, #tpu.memory_space<vmem>> -> memref<128x128xf32, #tpu.memory_space<vmem>>
      %gather3A_1246 = tpu.vector_load_idx %gather3A_1245[%add3A_1190, %add3A_1241] : memref<128x128xf32, #tpu.memory_space<vmem>>[vector<16xi32>, vector<16xi32>], vector<16xf32>,
      %mul3A_1247 = arith.mulf %gather3A_1238, %gather3A_1246 : vector<16xf32>
      %add3A_1248 = arith.addf %add3A_1230, %mul3A_1247 : vector<16xf32>
      %add3A_1249 = arith.constant 2 : i32
      %add3A_1250 = vector.broadcast %add3A_1249 : i32 to vector<16xi32>
      %add3A_1251 = arith.addi %shift_left3A_1201, %add3A_1250 : vector<16xi32>
      %gather3A_1252 = arith.constant 0 : i32
      %gather3A_1253 = arith.constant 0 : i32
      %gather3A_1254 = tpu.memref_slice %arg11[%scan3A_1087, %gather3A_1252, %gather3A_1253] : memref<2x128x128xf32, #tpu.memory_space<vmem>> -> memref<1x128x128xf32, #tpu.memory_space<vmem>>
      %gather3A_1255 = tpu.memref_squeeze %gather3A_1254 : memref<1x128x128xf32, #tpu.memory_space<vmem>> -> memref<128x128xf32, #tpu.memory_space<vmem>>
      %gather3A_1256 = tpu.vector_load_idx %gather3A_1255[%add3A_1190, %add3A_1251] : memref<128x128xf32, #tpu.memory_space<vmem>>[vector<16xi32>, vector<16xi32>], vector<16xf32>,
      %add3A_1257 = arith.constant 2 : i32
      %add3A_1258 = vector.broadcast %add3A_1257 : i32 to vector<16xi32>
      %add3A_1259 = arith.addi %shift_left3A_1210, %add3A_1258 : vector<16xi32>
      %gather3A_1260 = arith.constant 0 : i32
      %gather3A_1261 = arith.constant 0 : i32
      %gather3A_1262 = tpu.memref_slice %arg12[%scan3A_1088, %gather3A_1260, %gather3A_1261] : memref<2x128x128xf32, #tpu.memory_space<vmem>> -> memref<1x128x128xf32, #tpu.memory_space<vmem>>
      %gather3A_1263 = tpu.memref_squeeze %gather3A_1262 : memref<1x128x128xf32, #tpu.memory_space<vmem>> -> memref<128x128xf32, #tpu.memory_space<vmem>>
      %gather3A_1264 = tpu.vector_load_idx %gather3A_1263[%add3A_1190, %add3A_1259] : memref<128x128xf32, #tpu.memory_space<vmem>>[vector<16xi32>, vector<16xi32>], vector<16xf32>,
      %mul3A_1265 = arith.mulf %gather3A_1256, %gather3A_1264 : vector<16xf32>
      %add3A_1266 = arith.addf %add3A_1248, %mul3A_1265 : vector<16xf32>
      %add3A_1267 = arith.constant 3 : i32
      %add3A_1268 = vector.broadcast %add3A_1267 : i32 to vector<16xi32>
      %add3A_1269 = arith.addi %shift_left3A_1201, %add3A_1268 : vector<16xi32>
      %gather3A_1270 = arith.constant 0 : i32
      %gather3A_1271 = arith.constant 0 : i32
      %gather3A_1272 = tpu.memref_slice %arg11[%scan3A_1087, %gather3A_1270, %gather3A_1271] : memref<2x128x128xf32, #tpu.memory_space<vmem>> -> memref<1x128x128xf32, #tpu.memory_space<vmem>>
      %gather3A_1273 = tpu.memref_squeeze %gather3A_1272 : memref<1x128x128xf32, #tpu.memory_space<vmem>> -> memref<128x128xf32, #tpu.memory_space<vmem>>
      %gather3A_1274 = tpu.vector_load_idx %gather3A_1273[%add3A_1190, %add3A_1269] : memref<128x128xf32, #tpu.memory_space<vmem>>[vector<16xi32>, vector<16xi32>], vector<16xf32>,
      %add3A_1275 = arith.constant 3 : i32
      %add3A_1276 = vector.broadcast %add3A_1275 : i32 to vector<16xi32>
      %add3A_1277 = arith.addi %shift_left3A_1210, %add3A_1276 : vector<16xi32>
      %gather3A_1278 = arith.constant 0 : i32
      %gather3A_1279 = arith.constant 0 : i32
      %gather3A_1280 = tpu.memref_slice %arg12[%scan3A_1088, %gather3A_1278, %gather3A_1279] : memref<2x128x128xf32, #tpu.memory_space<vmem>> -> memref<1x128x128xf32, #tpu.memory_space<vmem>>
      %gather3A_1281 = tpu.memref_squeeze %gather3A_1280 : memref<1x128x128xf32, #tpu.memory_space<vmem>> -> memref<128x128xf32, #tpu.memory_space<vmem>>
      %gather3A_1282 = tpu.vector_load_idx %gather3A_1281[%add3A_1190, %add3A_1277] : memref<128x128xf32, #tpu.memory_space<vmem>>[vector<16xi32>, vector<16xi32>], vector<16xf32>,
      %mul3A_1283 = arith.mulf %gather3A_1274, %gather3A_1282 : vector<16xf32>
      %add3A_1284 = arith.addf %add3A_1266, %mul3A_1283 : vector<16xf32>
      %add3A_1285 = arith.constant 4 : i32
      %add3A_1286 = vector.broadcast %add3A_1285 : i32 to vector<16xi32>
      %add3A_1287 = arith.addi %shift_left3A_1201, %add3A_1286 : vector<16xi32>
      %gather3A_1288 = arith.constant 0 : i32
      %gather3A_1289 = arith.constant 0 : i32
      %gather3A_1290 = tpu.memref_slice %arg11[%scan3A_1087, %gather3A_1288, %gather3A_1289] : memref<2x128x128xf32, #tpu.memory_space<vmem>> -> memref<1x128x128xf32, #tpu.memory_space<vmem>>
      %gather3A_1291 = tpu.memref_squeeze %gather3A_1290 : memref<1x128x128xf32, #tpu.memory_space<vmem>> -> memref<128x128xf32, #tpu.memory_space<vmem>>
      %gather3A_1292 = tpu.vector_load_idx %gather3A_1291[%add3A_1190, %add3A_1287] : memref<128x128xf32, #tpu.memory_space<vmem>>[vector<16xi32>, vector<16xi32>], vector<16xf32>,
      %add3A_1293 = arith.constant 4 : i32
      %add3A_1294 = vector.broadcast %add3A_1293 : i32 to vector<16xi32>
      %add3A_1295 = arith.addi %shift_left3A_1210, %add3A_1294 : vector<16xi32>
      %gather3A_1296 = arith.constant 0 : i32
      %gather3A_1297 = arith.constant 0 : i32
      %gather3A_1298 = tpu.memref_slice %arg12[%scan3A_1088, %gather3A_1296, %gather3A_1297] : memref<2x128x128xf32, #tpu.memory_space<vmem>> -> memref<1x128x128xf32, #tpu.memory_space<vmem>>
      %gather3A_1299 = tpu.memref_squeeze %gather3A_1298 : memref<1x128x128xf32, #tpu.memory_space<vmem>> -> memref<128x128xf32, #tpu.memory_space<vmem>>
      %gather3A_1300 = tpu.vector_load_idx %gather3A_1299[%add3A_1190, %add3A_1295] : memref<128x128xf32, #tpu.memory_space<vmem>>[vector<16xi32>, vector<16xi32>], vector<16xf32>,
      %mul3A_1301 = arith.mulf %gather3A_1292, %gather3A_1300 : vector<16xf32>
      %add3A_1302 = arith.addf %add3A_1284, %mul3A_1301 : vector<16xf32>
      %add3A_1303 = arith.constant 5 : i32
      %add3A_1304 = vector.broadcast %add3A_1303 : i32 to vector<16xi32>
      %add3A_1305 = arith.addi %shift_left3A_1201, %add3A_1304 : vector<16xi32>
      %gather3A_1306 = arith.constant 0 : i32
      %gather3A_1307 = arith.constant 0 : i32
      %gather3A_1308 = tpu.memref_slice %arg11[%scan3A_1087, %gather3A_1306, %gather3A_1307] : memref<2x128x128xf32, #tpu.memory_space<vmem>> -> memref<1x128x128xf32, #tpu.memory_space<vmem>>
      %gather3A_1309 = tpu.memref_squeeze %gather3A_1308 : memref<1x128x128xf32, #tpu.memory_space<vmem>> -> memref<128x128xf32, #tpu.memory_space<vmem>>
      %gather3A_1310 = tpu.vector_load_idx %gather3A_1309[%add3A_1190, %add3A_1305] : memref<128x128xf32, #tpu.memory_space<vmem>>[vector<16xi32>, vector<16xi32>], vector<16xf32>,
      %add3A_1311 = arith.constant 5 : i32
      %add3A_1312 = vector.broadcast %add3A_1311 : i32 to vector<16xi32>
      %add3A_1313 = arith.addi %shift_left3A_1210, %add3A_1312 : vector<16xi32>
      %gather3A_1314 = arith.constant 0 : i32
      %gather3A_1315 = arith.constant 0 : i32
      %gather3A_1316 = tpu.memref_slice %arg12[%scan3A_1088, %gather3A_1314, %gather3A_1315] : memref<2x128x128xf32, #tpu.memory_space<vmem>> -> memref<1x128x128xf32, #tpu.memory_space<vmem>>
      %gather3A_1317 = tpu.memref_squeeze %gather3A_1316 : memref<1x128x128xf32, #tpu.memory_space<vmem>> -> memref<128x128xf32, #tpu.memory_space<vmem>>
      %gather3A_1318 = tpu.vector_load_idx %gather3A_1317[%add3A_1190, %add3A_1313] : memref<128x128xf32, #tpu.memory_space<vmem>>[vector<16xi32>, vector<16xi32>], vector<16xf32>,
      %mul3A_1319 = arith.mulf %gather3A_1310, %gather3A_1318 : vector<16xf32>
      %add3A_1320 = arith.addf %add3A_1302, %mul3A_1319 : vector<16xf32>
      %add3A_1321 = arith.constant 6 : i32
      %add3A_1322 = vector.broadcast %add3A_1321 : i32 to vector<16xi32>
      %add3A_1323 = arith.addi %shift_left3A_1201, %add3A_1322 : vector<16xi32>
      %gather3A_1324 = arith.constant 0 : i32
      %gather3A_1325 = arith.constant 0 : i32
      %gather3A_1326 = tpu.memref_slice %arg11[%scan3A_1087, %gather3A_1324, %gather3A_1325] : memref<2x128x128xf32, #tpu.memory_space<vmem>> -> memref<1x128x128xf32, #tpu.memory_space<vmem>>
      %gather3A_1327 = tpu.memref_squeeze %gather3A_1326 : memref<1x128x128xf32, #tpu.memory_space<vmem>> -> memref<128x128xf32, #tpu.memory_space<vmem>>
      %gather3A_1328 = tpu.vector_load_idx %gather3A_1327[%add3A_1190, %add3A_1323] : memref<128x128xf32, #tpu.memory_space<vmem>>[vector<16xi32>, vector<16xi32>], vector<16xf32>,
      %add3A_1329 = arith.constant 6 : i32
      %add3A_1330 = vector.broadcast %add3A_1329 : i32 to vector<16xi32>
      %add3A_1331 = arith.addi %shift_left3A_1210, %add3A_1330 : vector<16xi32>
      %gather3A_1332 = arith.constant 0 : i32
      %gather3A_1333 = arith.constant 0 : i32
      %gather3A_1334 = tpu.memref_slice %arg12[%scan3A_1088, %gather3A_1332, %gather3A_1333] : memref<2x128x128xf32, #tpu.memory_space<vmem>> -> memref<1x128x128xf32, #tpu.memory_space<vmem>>
      %gather3A_1335 = tpu.memref_squeeze %gather3A_1334 : memref<1x128x128xf32, #tpu.memory_space<vmem>> -> memref<128x128xf32, #tpu.memory_space<vmem>>
      %gather3A_1336 = tpu.vector_load_idx %gather3A_1335[%add3A_1190, %add3A_1331] : memref<128x128xf32, #tpu.memory_space<vmem>>[vector<16xi32>, vector<16xi32>], vector<16xf32>,
      %mul3A_1337 = arith.mulf %gather3A_1328, %gather3A_1336 : vector<16xf32>
      %add3A_1338 = arith.addf %add3A_1320, %mul3A_1337 : vector<16xf32>
      %add3A_1339 = arith.constant 7 : i32
      %add3A_1340 = vector.broadcast %add3A_1339 : i32 to vector<16xi32>
      %add3A_1341 = arith.addi %shift_left3A_1201, %add3A_1340 : vector<16xi32>
      %gather3A_1342 = arith.constant 0 : i32
      %gather3A_1343 = arith.constant 0 : i32
      %gather3A_1344 = tpu.memref_slice %arg11[%scan3A_1087, %gather3A_1342, %gather3A_1343] : memref<2x128x128xf32, #tpu.memory_space<vmem>> -> memref<1x128x128xf32, #tpu.memory_space<vmem>>
      %gather3A_1345 = tpu.memref_squeeze %gather3A_1344 : memref<1x128x128xf32, #tpu.memory_space<vmem>> -> memref<128x128xf32, #tpu.memory_space<vmem>>
      %gather3A_1346 = tpu.vector_load_idx %gather3A_1345[%add3A_1190, %add3A_1341] : memref<128x128xf32, #tpu.memory_space<vmem>>[vector<16xi32>, vector<16xi32>], vector<16xf32>,
      %add3A_1347 = arith.constant 7 : i32
      %add3A_1348 = vector.broadcast %add3A_1347 : i32 to vector<16xi32>
      %add3A_1349 = arith.addi %shift_left3A_1210, %add3A_1348 : vector<16xi32>
      %gather3A_1350 = arith.constant 0 : i32
      %gather3A_1351 = arith.constant 0 : i32
      %gather3A_1352 = tpu.memref_slice %arg12[%scan3A_1088, %gather3A_1350, %gather3A_1351] : memref<2x128x128xf32, #tpu.memory_space<vmem>> -> memref<1x128x128xf32, #tpu.memory_space<vmem>>
      %gather3A_1353 = tpu.memref_squeeze %gather3A_1352 : memref<1x128x128xf32, #tpu.memory_space<vmem>> -> memref<128x128xf32, #tpu.memory_space<vmem>>
      %gather3A_1354 = tpu.vector_load_idx %gather3A_1353[%add3A_1190, %add3A_1349] : memref<128x128xf32, #tpu.memory_space<vmem>>[vector<16xi32>, vector<16xi32>], vector<16xf32>,
      %mul3A_1355 = arith.mulf %gather3A_1346, %gather3A_1354 : vector<16xf32>
      %add3A_1356 = arith.addf %add3A_1338, %mul3A_1355 : vector<16xf32>
      %add3A_1357 = arith.constant 8 : i32
      %add3A_1358 = vector.broadcast %add3A_1357 : i32 to vector<16xi32>
      %add3A_1359 = arith.addi %shift_left3A_1201, %add3A_1358 : vector<16xi32>
      %gather3A_1360 = arith.constant 0 : i32
      %gather3A_1361 = arith.constant 0 : i32
      %gather3A_1362 = tpu.memref_slice %arg11[%scan3A_1087, %gather3A_1360, %gather3A_1361] : memref<2x128x128xf32, #tpu.memory_space<vmem>> -> memref<1x128x128xf32, #tpu.memory_space<vmem>>
      %gather3A_1363 = tpu.memref_squeeze %gather3A_1362 : memref<1x128x128xf32, #tpu.memory_space<vmem>> -> memref<128x128xf32, #tpu.memory_space<vmem>>
      %gather3A_1364 = tpu.vector_load_idx %gather3A_1363[%add3A_1190, %add3A_1359] : memref<128x128xf32, #tpu.memory_space<vmem>>[vector<16xi32>, vector<16xi32>], vector<16xf32>,
      %add3A_1365 = arith.constant 8 : i32
      %add3A_1366 = vector.broadcast %add3A_1365 : i32 to vector<16xi32>
      %add3A_1367 = arith.addi %shift_left3A_1210, %add3A_1366 : vector<16xi32>
      %gather3A_1368 = arith.constant 0 : i32
      %gather3A_1369 = arith.constant 0 : i32
      %gather3A_1370 = tpu.memref_slice %arg12[%scan3A_1088, %gather3A_1368, %gather3A_1369] : memref<2x128x128xf32, #tpu.memory_space<vmem>> -> memref<1x128x128xf32, #tpu.memory_space<vmem>>
      %gather3A_1371 = tpu.memref_squeeze %gather3A_1370 : memref<1x128x128xf32, #tpu.memory_space<vmem>> -> memref<128x128xf32, #tpu.memory_space<vmem>>
      %gather3A_1372 = tpu.vector_load_idx %gather3A_1371[%add3A_1190, %add3A_1367] : memref<128x128xf32, #tpu.memory_space<vmem>>[vector<16xi32>, vector<16xi32>], vector<16xf32>,
      %mul3A_1373 = arith.mulf %gather3A_1364, %gather3A_1372 : vector<16xf32>
      %add3A_1374 = arith.addf %add3A_1356, %mul3A_1373 : vector<16xf32>
      %add3A_1375 = arith.constant 9 : i32
      %add3A_1376 = vector.broadcast %add3A_1375 : i32 to vector<16xi32>
      %add3A_1377 = arith.addi %shift_left3A_1201, %add3A_1376 : vector<16xi32>
      %gather3A_1378 = arith.constant 0 : i32
      %gather3A_1379 = arith.constant 0 : i32
      %gather3A_1380 = tpu.memref_slice %arg11[%scan3A_1087, %gather3A_1378, %gather3A_1379] : memref<2x128x128xf32, #tpu.memory_space<vmem>> -> memref<1x128x128xf32, #tpu.memory_space<vmem>>
      %gather3A_1381 = tpu.memref_squeeze %gather3A_1380 : memref<1x128x128xf32, #tpu.memory_space<vmem>> -> memref<128x128xf32, #tpu.memory_space<vmem>>
      %gather3A_1382 = tpu.vector_load_idx %gather3A_1381[%add3A_1190, %add3A_1377] : memref<128x128xf32, #tpu.memory_space<vmem>>[vector<16xi32>, vector<16xi32>], vector<16xf32>,
      %add3A_1383 = arith.constant 9 : i32
      %add3A_1384 = vector.broadcast %add3A_1383 : i32 to vector<16xi32>
      %add3A_1385 = arith.addi %shift_left3A_1210, %add3A_1384 : vector<16xi32>
      %gather3A_1386 = arith.constant 0 : i32
      %gather3A_1387 = arith.constant 0 : i32
      %gather3A_1388 = tpu.memref_slice %arg12[%scan3A_1088, %gather3A_1386, %gather3A_1387] : memref<2x128x128xf32, #tpu.memory_space<vmem>> -> memref<1x128x128xf32, #tpu.memory_space<vmem>>
      %gather3A_1389 = tpu.memref_squeeze %gather3A_1388 : memref<1x128x128xf32, #tpu.memory_space<vmem>> -> memref<128x128xf32, #tpu.memory_space<vmem>>
      %gather3A_1390 = tpu.vector_load_idx %gather3A_1389[%add3A_1190, %add3A_1385] : memref<128x128xf32, #tpu.memory_space<vmem>>[vector<16xi32>, vector<16xi32>], vector<16xf32>,
      %mul3A_1391 = arith.mulf %gather3A_1382, %gather3A_1390 : vector<16xf32>
      %add3A_1392 = arith.addf %add3A_1374, %mul3A_1391 : vector<16xf32>
      %add3A_1393 = arith.constant 10 : i32
      %add3A_1394 = vector.broadcast %add3A_1393 : i32 to vector<16xi32>
      %add3A_1395 = arith.addi %shift_left3A_1201, %add3A_1394 : vector<16xi32>
      %gather3A_1396 = arith.constant 0 : i32
      %gather3A_1397 = arith.constant 0 : i32
      %gather3A_1398 = tpu.memref_slice %arg11[%scan3A_1087, %gather3A_1396, %gather3A_1397] : memref<2x128x128xf32, #tpu.memory_space<vmem>> -> memref<1x128x128xf32, #tpu.memory_space<vmem>>
      %gather3A_1399 = tpu.memref_squeeze %gather3A_1398 : memref<1x128x128xf32, #tpu.memory_space<vmem>> -> memref<128x128xf32, #tpu.memory_space<vmem>>
      %gather3A_1400 = tpu.vector_load_idx %gather3A_1399[%add3A_1190, %add3A_1395] : memref<128x128xf32, #tpu.memory_space<vmem>>[vector<16xi32>, vector<16xi32>], vector<16xf32>,
      %add3A_1401 = arith.constant 10 : i32
      %add3A_1402 = vector.broadcast %add3A_1401 : i32 to vector<16xi32>
      %add3A_1403 = arith.addi %shift_left3A_1210, %add3A_1402 : vector<16xi32>
      %gather3A_1404 = arith.constant 0 : i32
      %gather3A_1405 = arith.constant 0 : i32
      %gather3A_1406 = tpu.memref_slice %arg12[%scan3A_1088, %gather3A_1404, %gather3A_1405] : memref<2x128x128xf32, #tpu.memory_space<vmem>> -> memref<1x128x128xf32, #tpu.memory_space<vmem>>
      %gather3A_1407 = tpu.memref_squeeze %gather3A_1406 : memref<1x128x128xf32, #tpu.memory_space<vmem>> -> memref<128x128xf32, #tpu.memory_space<vmem>>
      %gather3A_1408 = tpu.vector_load_idx %gather3A_1407[%add3A_1190, %add3A_1403] : memref<128x128xf32, #tpu.memory_space<vmem>>[vector<16xi32>, vector<16xi32>], vector<16xf32>,
      %mul3A_1409 = arith.mulf %gather3A_1400, %gather3A_1408 : vector<16xf32>
      %add3A_1410 = arith.addf %add3A_1392, %mul3A_1409 : vector<16xf32>
      %add3A_1411 = arith.constant 11 : i32
      %add3A_1412 = vector.broadcast %add3A_1411 : i32 to vector<16xi32>
      %add3A_1413 = arith.addi %shift_left3A_1201, %add3A_1412 : vector<16xi32>
      %gather3A_1414 = arith.constant 0 : i32
      %gather3A_1415 = arith.constant 0 : i32
      %gather3A_1416 = tpu.memref_slice %arg11[%scan3A_1087, %gather3A_1414, %gather3A_1415] : memref<2x128x128xf32, #tpu.memory_space<vmem>> -> memref<1x128x128xf32, #tpu.memory_space<vmem>>
      %gather3A_1417 = tpu.memref_squeeze %gather3A_1416 : memref<1x128x128xf32, #tpu.memory_space<vmem>> -> memref<128x128xf32, #tpu.memory_space<vmem>>
      %gather3A_1418 = tpu.vector_load_idx %gather3A_1417[%add3A_1190, %add3A_1413] : memref<128x128xf32, #tpu.memory_space<vmem>>[vector<16xi32>, vector<16xi32>], vector<16xf32>,
      %add3A_1419 = arith.constant 11 : i32
      %add3A_1420 = vector.broadcast %add3A_1419 : i32 to vector<16xi32>
      %add3A_1421 = arith.addi %shift_left3A_1210, %add3A_1420 : vector<16xi32>
      %gather3A_1422 = arith.constant 0 : i32
      %gather3A_1423 = arith.constant 0 : i32
      %gather3A_1424 = tpu.memref_slice %arg12[%scan3A_1088, %gather3A_1422, %gather3A_1423] : memref<2x128x128xf32, #tpu.memory_space<vmem>> -> memref<1x128x128xf32, #tpu.memory_space<vmem>>
      %gather3A_1425 = tpu.memref_squeeze %gather3A_1424 : memref<1x128x128xf32, #tpu.memory_space<vmem>> -> memref<128x128xf32, #tpu.memory_space<vmem>>
      %gather3A_1426 = tpu.vector_load_idx %gather3A_1425[%add3A_1190, %add3A_1421] : memref<128x128xf32, #tpu.memory_space<vmem>>[vector<16xi32>, vector<16xi32>], vector<16xf32>,
      %mul3A_1427 = arith.mulf %gather3A_1418, %gather3A_1426 : vector<16xf32>
      %add3A_1428 = arith.addf %add3A_1410, %mul3A_1427 : vector<16xf32>
      %add3A_1429 = arith.constant 12 : i32
      %add3A_1430 = vector.broadcast %add3A_1429 : i32 to vector<16xi32>
      %add3A_1431 = arith.addi %shift_left3A_1201, %add3A_1430 : vector<16xi32>
      %gather3A_1432 = arith.constant 0 : i32
      %gather3A_1433 = arith.constant 0 : i32
      %gather3A_1434 = tpu.memref_slice %arg11[%scan3A_1087, %gather3A_1432, %gather3A_1433] : memref<2x128x128xf32, #tpu.memory_space<vmem>> -> memref<1x128x128xf32, #tpu.memory_space<vmem>>
      %gather3A_1435 = tpu.memref_squeeze %gather3A_1434 : memref<1x128x128xf32, #tpu.memory_space<vmem>> -> memref<128x128xf32, #tpu.memory_space<vmem>>
      %gather3A_1436 = tpu.vector_load_idx %gather3A_1435[%add3A_1190, %add3A_1431] : memref<128x128xf32, #tpu.memory_space<vmem>>[vector<16xi32>, vector<16xi32>], vector<16xf32>,
      %add3A_1437 = arith.constant 12 : i32
      %add3A_1438 = vector.broadcast %add3A_1437 : i32 to vector<16xi32>
      %add3A_1439 = arith.addi %shift_left3A_1210, %add3A_1438 : vector<16xi32>
      %gather3A_1440 = arith.constant 0 : i32
      %gather3A_1441 = arith.constant 0 : i32
      %gather3A_1442 = tpu.memref_slice %arg12[%scan3A_1088, %gather3A_1440, %gather3A_1441] : memref<2x128x128xf32, #tpu.memory_space<vmem>> -> memref<1x128x128xf32, #tpu.memory_space<vmem>>
      %gather3A_1443 = tpu.memref_squeeze %gather3A_1442 : memref<1x128x128xf32, #tpu.memory_space<vmem>> -> memref<128x128xf32, #tpu.memory_space<vmem>>
      %gather3A_1444 = tpu.vector_load_idx %gather3A_1443[%add3A_1190, %add3A_1439] : memref<128x128xf32, #tpu.memory_space<vmem>>[vector<16xi32>, vector<16xi32>], vector<16xf32>,
      %mul3A_1445 = arith.mulf %gather3A_1436, %gather3A_1444 : vector<16xf32>
      %add3A_1446 = arith.addf %add3A_1428, %mul3A_1445 : vector<16xf32>
      %add3A_1447 = arith.constant 13 : i32
      %add3A_1448 = vector.broadcast %add3A_1447 : i32 to vector<16xi32>
      %add3A_1449 = arith.addi %shift_left3A_1201, %add3A_1448 : vector<16xi32>
      %gather3A_1450 = arith.constant 0 : i32
      %gather3A_1451 = arith.constant 0 : i32
      %gather3A_1452 = tpu.memref_slice %arg11[%scan3A_1087, %gather3A_1450, %gather3A_1451] : memref<2x128x128xf32, #tpu.memory_space<vmem>> -> memref<1x128x128xf32, #tpu.memory_space<vmem>>
      %gather3A_1453 = tpu.memref_squeeze %gather3A_1452 : memref<1x128x128xf32, #tpu.memory_space<vmem>> -> memref<128x128xf32, #tpu.memory_space<vmem>>
      %gather3A_1454 = tpu.vector_load_idx %gather3A_1453[%add3A_1190, %add3A_1449] : memref<128x128xf32, #tpu.memory_space<vmem>>[vector<16xi32>, vector<16xi32>], vector<16xf32>,
      %add3A_1455 = arith.constant 13 : i32
      %add3A_1456 = vector.broadcast %add3A_1455 : i32 to vector<16xi32>
      %add3A_1457 = arith.addi %shift_left3A_1210, %add3A_1456 : vector<16xi32>
      %gather3A_1458 = arith.constant 0 : i32
      %gather3A_1459 = arith.constant 0 : i32
      %gather3A_1460 = tpu.memref_slice %arg12[%scan3A_1088, %gather3A_1458, %gather3A_1459] : memref<2x128x128xf32, #tpu.memory_space<vmem>> -> memref<1x128x128xf32, #tpu.memory_space<vmem>>
      %gather3A_1461 = tpu.memref_squeeze %gather3A_1460 : memref<1x128x128xf32, #tpu.memory_space<vmem>> -> memref<128x128xf32, #tpu.memory_space<vmem>>
      %gather3A_1462 = tpu.vector_load_idx %gather3A_1461[%add3A_1190, %add3A_1457] : memref<128x128xf32, #tpu.memory_space<vmem>>[vector<16xi32>, vector<16xi32>], vector<16xf32>,
      %mul3A_1463 = arith.mulf %gather3A_1454, %gather3A_1462 : vector<16xf32>
      %add3A_1464 = arith.addf %add3A_1446, %mul3A_1463 : vector<16xf32>
      %add3A_1465 = arith.constant 14 : i32
      %add3A_1466 = vector.broadcast %add3A_1465 : i32 to vector<16xi32>
      %add3A_1467 = arith.addi %shift_left3A_1201, %add3A_1466 : vector<16xi32>
      %gather3A_1468 = arith.constant 0 : i32
      %gather3A_1469 = arith.constant 0 : i32
      %gather3A_1470 = tpu.memref_slice %arg11[%scan3A_1087, %gather3A_1468, %gather3A_1469] : memref<2x128x128xf32, #tpu.memory_space<vmem>> -> memref<1x128x128xf32, #tpu.memory_space<vmem>>
      %gather3A_1471 = tpu.memref_squeeze %gather3A_1470 : memref<1x128x128xf32, #tpu.memory_space<vmem>> -> memref<128x128xf32, #tpu.memory_space<vmem>>
      %gather3A_1472 = tpu.vector_load_idx %gather3A_1471[%add3A_1190, %add3A_1467] : memref<128x128xf32, #tpu.memory_space<vmem>>[vector<16xi32>, vector<16xi32>], vector<16xf32>,
      %add3A_1473 = arith.constant 14 : i32
      %add3A_1474 = vector.broadcast %add3A_1473 : i32 to vector<16xi32>
      %add3A_1475 = arith.addi %shift_left3A_1210, %add3A_1474 : vector<16xi32>
      %gather3A_1476 = arith.constant 0 : i32
      %gather3A_1477 = arith.constant 0 : i32
      %gather3A_1478 = tpu.memref_slice %arg12[%scan3A_1088, %gather3A_1476, %gather3A_1477] : memref<2x128x128xf32, #tpu.memory_space<vmem>> -> memref<1x128x128xf32, #tpu.memory_space<vmem>>
      %gather3A_1479 = tpu.memref_squeeze %gather3A_1478 : memref<1x128x128xf32, #tpu.memory_space<vmem>> -> memref<128x128xf32, #tpu.memory_space<vmem>>
      %gather3A_1480 = tpu.vector_load_idx %gather3A_1479[%add3A_1190, %add3A_1475] : memref<128x128xf32, #tpu.memory_space<vmem>>[vector<16xi32>, vector<16xi32>], vector<16xf32>,
      %mul3A_1481 = arith.mulf %gather3A_1472, %gather3A_1480 : vector<16xf32>
      %add3A_1482 = arith.addf %add3A_1464, %mul3A_1481 : vector<16xf32>
      %add3A_1483 = arith.constant 15 : i32
      %add3A_1484 = vector.broadcast %add3A_1483 : i32 to vector<16xi32>
      %add3A_1485 = arith.addi %shift_left3A_1201, %add3A_1484 : vector<16xi32>
      %gather3A_1486 = arith.constant 0 : i32
      %gather3A_1487 = arith.constant 0 : i32
      %gather3A_1488 = tpu.memref_slice %arg11[%scan3A_1087, %gather3A_1486, %gather3A_1487] : memref<2x128x128xf32, #tpu.memory_space<vmem>> -> memref<1x128x128xf32, #tpu.memory_space<vmem>>
      %gather3A_1489 = tpu.memref_squeeze %gather3A_1488 : memref<1x128x128xf32, #tpu.memory_space<vmem>> -> memref<128x128xf32, #tpu.memory_space<vmem>>
      %gather3A_1490 = tpu.vector_load_idx %gather3A_1489[%add3A_1190, %add3A_1485] : memref<128x128xf32, #tpu.memory_space<vmem>>[vector<16xi32>, vector<16xi32>], vector<16xf32>,
      %add3A_1491 = arith.constant 15 : i32
      %add3A_1492 = vector.broadcast %add3A_1491 : i32 to vector<16xi32>
      %add3A_1493 = arith.addi %shift_left3A_1210, %add3A_1492 : vector<16xi32>
      %gather3A_1494 = arith.constant 0 : i32
      %gather3A_1495 = arith.constant 0 : i32
      %gather3A_1496 = tpu.memref_slice %arg12[%scan3A_1088, %gather3A_1494, %gather3A_1495] : memref<2x128x128xf32, #tpu.memory_space<vmem>> -> memref<1x128x128xf32, #tpu.memory_space<vmem>>
      %gather3A_1497 = tpu.memref_squeeze %gather3A_1496 : memref<1x128x128xf32, #tpu.memory_space<vmem>> -> memref<128x128xf32, #tpu.memory_space<vmem>>
      %gather3A_1498 = tpu.vector_load_idx %gather3A_1497[%add3A_1190, %add3A_1493] : memref<128x128xf32, #tpu.memory_space<vmem>>[vector<16xi32>, vector<16xi32>], vector<16xf32>,
      %mul3A_1499 = arith.mulf %gather3A_1490, %gather3A_1498 : vector<16xf32>
      %add3A_1500 = arith.addf %add3A_1482, %mul3A_1499 : vector<16xf32>
      %add3A_1501 = arith.constant 16 : i32
      %add3A_1502 = vector.broadcast %add3A_1501 : i32 to vector<16xi32>
      %add3A_1503 = arith.addi %shift_left3A_1201, %add3A_1502 : vector<16xi32>
      %gather3A_1504 = arith.constant 0 : i32
      %gather3A_1505 = arith.constant 0 : i32
      %gather3A_1506 = tpu.memref_slice %arg11[%scan3A_1087, %gather3A_1504, %gather3A_1505] : memref<2x128x128xf32, #tpu.memory_space<vmem>> -> memref<1x128x128xf32, #tpu.memory_space<vmem>>
      %gather3A_1507 = tpu.memref_squeeze %gather3A_1506 : memref<1x128x128xf32, #tpu.memory_space<vmem>> -> memref<128x128xf32, #tpu.memory_space<vmem>>
      %gather3A_1508 = tpu.vector_load_idx %gather3A_1507[%add3A_1190, %add3A_1503] : memref<128x128xf32, #tpu.memory_space<vmem>>[vector<16xi32>, vector<16xi32>], vector<16xf32>,
      %add3A_1509 = arith.constant 16 : i32
      %add3A_1510 = vector.broadcast %add3A_1509 : i32 to vector<16xi32>
      %add3A_1511 = arith.addi %shift_left3A_1210, %add3A_1510 : vector<16xi32>
      %gather3A_1512 = arith.constant 0 : i32
      %gather3A_1513 = arith.constant 0 : i32
      %gather3A_1514 = tpu.memref_slice %arg12[%scan3A_1088, %gather3A_1512, %gather3A_1513] : memref<2x128x128xf32, #tpu.memory_space<vmem>> -> memref<1x128x128xf32, #tpu.memory_space<vmem>>
      %gather3A_1515 = tpu.memref_squeeze %gather3A_1514 : memref<1x128x128xf32, #tpu.memory_space<vmem>> -> memref<128x128xf32, #tpu.memory_space<vmem>>
      %gather3A_1516 = tpu.vector_load_idx %gather3A_1515[%add3A_1190, %add3A_1511] : memref<128x128xf32, #tpu.memory_space<vmem>>[vector<16xi32>, vector<16xi32>], vector<16xf32>,
      %mul3A_1517 = arith.mulf %gather3A_1508, %gather3A_1516 : vector<16xf32>
      %add3A_1518 = arith.addf %add3A_1500, %mul3A_1517 : vector<16xf32>
      %add3A_1519 = arith.constant 17 : i32
      %add3A_1520 = vector.broadcast %add3A_1519 : i32 to vector<16xi32>
      %add3A_1521 = arith.addi %shift_left3A_1201, %add3A_1520 : vector<16xi32>
      %gather3A_1522 = arith.constant 0 : i32
      %gather3A_1523 = arith.constant 0 : i32
      %gather3A_1524 = tpu.memref_slice %arg11[%scan3A_1087, %gather3A_1522, %gather3A_1523] : memref<2x128x128xf32, #tpu.memory_space<vmem>> -> memref<1x128x128xf32, #tpu.memory_space<vmem>>
      %gather3A_1525 = tpu.memref_squeeze %gather3A_1524 : memref<1x128x128xf32, #tpu.memory_space<vmem>> -> memref<128x128xf32, #tpu.memory_space<vmem>>
      %gather3A_1526 = tpu.vector_load_idx %gather3A_1525[%add3A_1190, %add3A_1521] : memref<128x128xf32, #tpu.memory_space<vmem>>[vector<16xi32>, vector<16xi32>], vector<16xf32>,
      %add3A_1527 = arith.constant 17 : i32
      %add3A_1528 = vector.broadcast %add3A_1527 : i32 to vector<16xi32>
      %add3A_1529 = arith.addi %shift_left3A_1210, %add3A_1528 : vector<16xi32>
      %gather3A_1530 = arith.constant 0 : i32
      %gather3A_1531 = arith.constant 0 : i32
      %gather3A_1532 = tpu.memref_slice %arg12[%scan3A_1088, %gather3A_1530, %gather3A_1531] : memref<2x128x128xf32, #tpu.memory_space<vmem>> -> memref<1x128x128xf32, #tpu.memory_space<vmem>>
      %gather3A_1533 = tpu.memref_squeeze %gather3A_1532 : memref<1x128x128xf32, #tpu.memory_space<vmem>> -> memref<128x128xf32, #tpu.memory_space<vmem>>
      %gather3A_1534 = tpu.vector_load_idx %gather3A_1533[%add3A_1190, %add3A_1529] : memref<128x128xf32, #tpu.memory_space<vmem>>[vector<16xi32>, vector<16xi32>], vector<16xf32>,
      %mul3A_1535 = arith.mulf %gather3A_1526, %gather3A_1534 : vector<16xf32>
      %add3A_1536 = arith.addf %add3A_1518, %mul3A_1535 : vector<16xf32>
      %add3A_1537 = arith.constant 18 : i32
      %add3A_1538 = vector.broadcast %add3A_1537 : i32 to vector<16xi32>
      %add3A_1539 = arith.addi %shift_left3A_1201, %add3A_1538 : vector<16xi32>
      %gather3A_1540 = arith.constant 0 : i32
      %gather3A_1541 = arith.constant 0 : i32
      %gather3A_1542 = tpu.memref_slice %arg11[%scan3A_1087, %gather3A_1540, %gather3A_1541] : memref<2x128x128xf32, #tpu.memory_space<vmem>> -> memref<1x128x128xf32, #tpu.memory_space<vmem>>
      %gather3A_1543 = tpu.memref_squeeze %gather3A_1542 : memref<1x128x128xf32, #tpu.memory_space<vmem>> -> memref<128x128xf32, #tpu.memory_space<vmem>>
      %gather3A_1544 = tpu.vector_load_idx %gather3A_1543[%add3A_1190, %add3A_1539] : memref<128x128xf32, #tpu.memory_space<vmem>>[vector<16xi32>, vector<16xi32>], vector<16xf32>,
      %add3A_1545 = arith.constant 18 : i32
      %add3A_1546 = vector.broadcast %add3A_1545 : i32 to vector<16xi32>
      %add3A_1547 = arith.addi %shift_left3A_1210, %add3A_1546 : vector<16xi32>
      %gather3A_1548 = arith.constant 0 : i32
      %gather3A_1549 = arith.constant 0 : i32
      %gather3A_1550 = tpu.memref_slice %arg12[%scan3A_1088, %gather3A_1548, %gather3A_1549] : memref<2x128x128xf32, #tpu.memory_space<vmem>> -> memref<1x128x128xf32, #tpu.memory_space<vmem>>
      %gather3A_1551 = tpu.memref_squeeze %gather3A_1550 : memref<1x128x128xf32, #tpu.memory_space<vmem>> -> memref<128x128xf32, #tpu.memory_space<vmem>>
      %gather3A_1552 = tpu.vector_load_idx %gather3A_1551[%add3A_1190, %add3A_1547] : memref<128x128xf32, #tpu.memory_space<vmem>>[vector<16xi32>, vector<16xi32>], vector<16xf32>,
      %mul3A_1553 = arith.mulf %gather3A_1544, %gather3A_1552 : vector<16xf32>
      %add3A_1554 = arith.addf %add3A_1536, %mul3A_1553 : vector<16xf32>
      %add3A_1555 = arith.constant 19 : i32
      %add3A_1556 = vector.broadcast %add3A_1555 : i32 to vector<16xi32>
      %add3A_1557 = arith.addi %shift_left3A_1201, %add3A_1556 : vector<16xi32>
      %gather3A_1558 = arith.constant 0 : i32
      %gather3A_1559 = arith.constant 0 : i32
      %gather3A_1560 = tpu.memref_slice %arg11[%scan3A_1087, %gather3A_1558, %gather3A_1559] : memref<2x128x128xf32, #tpu.memory_space<vmem>> -> memref<1x128x128xf32, #tpu.memory_space<vmem>>
      %gather3A_1561 = tpu.memref_squeeze %gather3A_1560 : memref<1x128x128xf32, #tpu.memory_space<vmem>> -> memref<128x128xf32, #tpu.memory_space<vmem>>
      %gather3A_1562 = tpu.vector_load_idx %gather3A_1561[%add3A_1190, %add3A_1557] : memref<128x128xf32, #tpu.memory_space<vmem>>[vector<16xi32>, vector<16xi32>], vector<16xf32>,
      %add3A_1563 = arith.constant 19 : i32
      %add3A_1564 = vector.broadcast %add3A_1563 : i32 to vector<16xi32>
      %add3A_1565 = arith.addi %shift_left3A_1210, %add3A_1564 : vector<16xi32>
      %gather3A_1566 = arith.constant 0 : i32
      %gather3A_1567 = arith.constant 0 : i32
      %gather3A_1568 = tpu.memref_slice %arg12[%scan3A_1088, %gather3A_1566, %gather3A_1567] : memref<2x128x128xf32, #tpu.memory_space<vmem>> -> memref<1x128x128xf32, #tpu.memory_space<vmem>>
      %gather3A_1569 = tpu.memref_squeeze %gather3A_1568 : memref<1x128x128xf32, #tpu.memory_space<vmem>> -> memref<128x128xf32, #tpu.memory_space<vmem>>
      %gather3A_1570 = tpu.vector_load_idx %gather3A_1569[%add3A_1190, %add3A_1565] : memref<128x128xf32, #tpu.memory_space<vmem>>[vector<16xi32>, vector<16xi32>], vector<16xf32>,
      %mul3A_1571 = arith.mulf %gather3A_1562, %gather3A_1570 : vector<16xf32>
      %add3A_1572 = arith.addf %add3A_1554, %mul3A_1571 : vector<16xf32>
      %add3A_1573 = arith.constant 20 : i32
      %add3A_1574 = vector.broadcast %add3A_1573 : i32 to vector<16xi32>
      %add3A_1575 = arith.addi %shift_left3A_1201, %add3A_1574 : vector<16xi32>
      %gather3A_1576 = arith.constant 0 : i32
      %gather3A_1577 = arith.constant 0 : i32
      %gather3A_1578 = tpu.memref_slice %arg11[%scan3A_1087, %gather3A_1576, %gather3A_1577] : memref<2x128x128xf32, #tpu.memory_space<vmem>> -> memref<1x128x128xf32, #tpu.memory_space<vmem>>
      %gather3A_1579 = tpu.memref_squeeze %gather3A_1578 : memref<1x128x128xf32, #tpu.memory_space<vmem>> -> memref<128x128xf32, #tpu.memory_space<vmem>>
      %gather3A_1580 = tpu.vector_load_idx %gather3A_1579[%add3A_1190, %add3A_1575] : memref<128x128xf32, #tpu.memory_space<vmem>>[vector<16xi32>, vector<16xi32>], vector<16xf32>,
      %add3A_1581 = arith.constant 20 : i32
      %add3A_1582 = vector.broadcast %add3A_1581 : i32 to vector<16xi32>
      %add3A_1583 = arith.addi %shift_left3A_1210, %add3A_1582 : vector<16xi32>
      %gather3A_1584 = arith.constant 0 : i32
      %gather3A_1585 = arith.constant 0 : i32
      %gather3A_1586 = tpu.memref_slice %arg12[%scan3A_1088, %gather3A_1584, %gather3A_1585] : memref<2x128x128xf32, #tpu.memory_space<vmem>> -> memref<1x128x128xf32, #tpu.memory_space<vmem>>
      %gather3A_1587 = tpu.memref_squeeze %gather3A_1586 : memref<1x128x128xf32, #tpu.memory_space<vmem>> -> memref<128x128xf32, #tpu.memory_space<vmem>>
      %gather3A_1588 = tpu.vector_load_idx %gather3A_1587[%add3A_1190, %add3A_1583] : memref<128x128xf32, #tpu.memory_space<vmem>>[vector<16xi32>, vector<16xi32>], vector<16xf32>,
      %mul3A_1589 = arith.mulf %gather3A_1580, %gather3A_1588 : vector<16xf32>
      %add3A_1590 = arith.addf %add3A_1572, %mul3A_1589 : vector<16xf32>
      %add3A_1591 = arith.constant 21 : i32
      %add3A_1592 = vector.broadcast %add3A_1591 : i32 to vector<16xi32>
      %add3A_1593 = arith.addi %shift_left3A_1201, %add3A_1592 : vector<16xi32>
      %gather3A_1594 = arith.constant 0 : i32
      %gather3A_1595 = arith.constant 0 : i32
      %gather3A_1596 = tpu.memref_slice %arg11[%scan3A_1087, %gather3A_1594, %gather3A_1595] : memref<2x128x128xf32, #tpu.memory_space<vmem>> -> memref<1x128x128xf32, #tpu.memory_space<vmem>>
      %gather3A_1597 = tpu.memref_squeeze %gather3A_1596 : memref<1x128x128xf32, #tpu.memory_space<vmem>> -> memref<128x128xf32, #tpu.memory_space<vmem>>
      %gather3A_1598 = tpu.vector_load_idx %gather3A_1597[%add3A_1190, %add3A_1593] : memref<128x128xf32, #tpu.memory_space<vmem>>[vector<16xi32>, vector<16xi32>], vector<16xf32>,
      %add3A_1599 = arith.constant 21 : i32
      %add3A_1600 = vector.broadcast %add3A_1599 : i32 to vector<16xi32>
      %add3A_1601 = arith.addi %shift_left3A_1210, %add3A_1600 : vector<16xi32>
      %gather3A_1602 = arith.constant 0 : i32
      %gather3A_1603 = arith.constant 0 : i32
      %gather3A_1604 = tpu.memref_slice %arg12[%scan3A_1088, %gather3A_1602, %gather3A_1603] : memref<2x128x128xf32, #tpu.memory_space<vmem>> -> memref<1x128x128xf32, #tpu.memory_space<vmem>>
      %gather3A_1605 = tpu.memref_squeeze %gather3A_1604 : memref<1x128x128xf32, #tpu.memory_space<vmem>> -> memref<128x128xf32, #tpu.memory_space<vmem>>
      %gather3A_1606 = tpu.vector_load_idx %gather3A_1605[%add3A_1190, %add3A_1601] : memref<128x128xf32, #tpu.memory_space<vmem>>[vector<16xi32>, vector<16xi32>], vector<16xf32>,
      %mul3A_1607 = arith.mulf %gather3A_1598, %gather3A_1606 : vector<16xf32>
      %add3A_1608 = arith.addf %add3A_1590, %mul3A_1607 : vector<16xf32>
      %add3A_1609 = arith.constant 22 : i32
      %add3A_1610 = vector.broadcast %add3A_1609 : i32 to vector<16xi32>
      %add3A_1611 = arith.addi %shift_left3A_1201, %add3A_1610 : vector<16xi32>
      %gather3A_1612 = arith.constant 0 : i32
      %gather3A_1613 = arith.constant 0 : i32
      %gather3A_1614 = tpu.memref_slice %arg11[%scan3A_1087, %gather3A_1612, %gather3A_1613] : memref<2x128x128xf32, #tpu.memory_space<vmem>> -> memref<1x128x128xf32, #tpu.memory_space<vmem>>
      %gather3A_1615 = tpu.memref_squeeze %gather3A_1614 : memref<1x128x128xf32, #tpu.memory_space<vmem>> -> memref<128x128xf32, #tpu.memory_space<vmem>>
      %gather3A_1616 = tpu.vector_load_idx %gather3A_1615[%add3A_1190, %add3A_1611] : memref<128x128xf32, #tpu.memory_space<vmem>>[vector<16xi32>, vector<16xi32>], vector<16xf32>,
      %add3A_1617 = arith.constant 22 : i32
      %add3A_1618 = vector.broadcast %add3A_1617 : i32 to vector<16xi32>
      %add3A_1619 = arith.addi %shift_left3A_1210, %add3A_1618 : vector<16xi32>
      %gather3A_1620 = arith.constant 0 : i32
      %gather3A_1621 = arith.constant 0 : i32
      %gather3A_1622 = tpu.memref_slice %arg12[%scan3A_1088, %gather3A_1620, %gather3A_1621] : memref<2x128x128xf32, #tpu.memory_space<vmem>> -> memref<1x128x128xf32, #tpu.memory_space<vmem>>
      %gather3A_1623 = tpu.memref_squeeze %gather3A_1622 : memref<1x128x128xf32, #tpu.memory_space<vmem>> -> memref<128x128xf32, #tpu.memory_space<vmem>>
      %gather3A_1624 = tpu.vector_load_idx %gather3A_1623[%add3A_1190, %add3A_1619] : memref<128x128xf32, #tpu.memory_space<vmem>>[vector<16xi32>, vector<16xi32>], vector<16xf32>,
      %mul3A_1625 = arith.mulf %gather3A_1616, %gather3A_1624 : vector<16xf32>
      %add3A_1626 = arith.addf %add3A_1608, %mul3A_1625 : vector<16xf32>
      %add3A_1627 = arith.constant 23 : i32
      %add3A_1628 = vector.broadcast %add3A_1627 : i32 to vector<16xi32>
      %add3A_1629 = arith.addi %shift_left3A_1201, %add3A_1628 : vector<16xi32>
      %gather3A_1630 = arith.constant 0 : i32
      %gather3A_1631 = arith.constant 0 : i32
      %gather3A_1632 = tpu.memref_slice %arg11[%scan3A_1087, %gather3A_1630, %gather3A_1631] : memref<2x128x128xf32, #tpu.memory_space<vmem>> -> memref<1x128x128xf32, #tpu.memory_space<vmem>>
      %gather3A_1633 = tpu.memref_squeeze %gather3A_1632 : memref<1x128x128xf32, #tpu.memory_space<vmem>> -> memref<128x128xf32, #tpu.memory_space<vmem>>
      %gather3A_1634 = tpu.vector_load_idx %gather3A_1633[%add3A_1190, %add3A_1629] : memref<128x128xf32, #tpu.memory_space<vmem>>[vector<16xi32>, vector<16xi32>], vector<16xf32>,
      %add3A_1635 = arith.constant 23 : i32
      %add3A_1636 = vector.broadcast %add3A_1635 : i32 to vector<16xi32>
      %add3A_1637 = arith.addi %shift_left3A_1210, %add3A_1636 : vector<16xi32>
      %gather3A_1638 = arith.constant 0 : i32
      %gather3A_1639 = arith.constant 0 : i32
      %gather3A_1640 = tpu.memref_slice %arg12[%scan3A_1088, %gather3A_1638, %gather3A_1639] : memref<2x128x128xf32, #tpu.memory_space<vmem>> -> memref<1x128x128xf32, #tpu.memory_space<vmem>>
      %gather3A_1641 = tpu.memref_squeeze %gather3A_1640 : memref<1x128x128xf32, #tpu.memory_space<vmem>> -> memref<128x128xf32, #tpu.memory_space<vmem>>
      %gather3A_1642 = tpu.vector_load_idx %gather3A_1641[%add3A_1190, %add3A_1637] : memref<128x128xf32, #tpu.memory_space<vmem>>[vector<16xi32>, vector<16xi32>], vector<16xf32>,
      %mul3A_1643 = arith.mulf %gather3A_1634, %gather3A_1642 : vector<16xf32>
      %add3A_1644 = arith.addf %add3A_1626, %mul3A_1643 : vector<16xf32>
      %add3A_1645 = arith.constant 24 : i32
      %add3A_1646 = vector.broadcast %add3A_1645 : i32 to vector<16xi32>
      %add3A_1647 = arith.addi %shift_left3A_1201, %add3A_1646 : vector<16xi32>
      %gather3A_1648 = arith.constant 0 : i32
      %gather3A_1649 = arith.constant 0 : i32
      %gather3A_1650 = tpu.memref_slice %arg11[%scan3A_1087, %gather3A_1648, %gather3A_1649] : memref<2x128x128xf32, #tpu.memory_space<vmem>> -> memref<1x128x128xf32, #tpu.memory_space<vmem>>
      %gather3A_1651 = tpu.memref_squeeze %gather3A_1650 : memref<1x128x128xf32, #tpu.memory_space<vmem>> -> memref<128x128xf32, #tpu.memory_space<vmem>>
      %gather3A_1652 = tpu.vector_load_idx %gather3A_1651[%add3A_1190, %add3A_1647] : memref<128x128xf32, #tpu.memory_space<vmem>>[vector<16xi32>, vector<16xi32>], vector<16xf32>,
      %add3A_1653 = arith.constant 24 : i32
      %add3A_1654 = vector.broadcast %add3A_1653 : i32 to vector<16xi32>
      %add3A_1655 = arith.addi %shift_left3A_1210, %add3A_1654 : vector<16xi32>
      %gather3A_1656 = arith.constant 0 : i32
      %gather3A_1657 = arith.constant 0 : i32
      %gather3A_1658 = tpu.memref_slice %arg12[%scan3A_1088, %gather3A_1656, %gather3A_1657] : memref<2x128x128xf32, #tpu.memory_space<vmem>> -> memref<1x128x128xf32, #tpu.memory_space<vmem>>
      %gather3A_1659 = tpu.memref_squeeze %gather3A_1658 : memref<1x128x128xf32, #tpu.memory_space<vmem>> -> memref<128x128xf32, #tpu.memory_space<vmem>>
      %gather3A_1660 = tpu.vector_load_idx %gather3A_1659[%add3A_1190, %add3A_1655] : memref<128x128xf32, #tpu.memory_space<vmem>>[vector<16xi32>, vector<16xi32>], vector<16xf32>,
      %mul3A_1661 = arith.mulf %gather3A_1652, %gather3A_1660 : vector<16xf32>
      %add3A_1662 = arith.addf %add3A_1644, %mul3A_1661 : vector<16xf32>
      %add3A_1663 = arith.constant 25 : i32
      %add3A_1664 = vector.broadcast %add3A_1663 : i32 to vector<16xi32>
      %add3A_1665 = arith.addi %shift_left3A_1201, %add3A_1664 : vector<16xi32>
      %gather3A_1666 = arith.constant 0 : i32
      %gather3A_1667 = arith.constant 0 : i32
      %gather3A_1668 = tpu.memref_slice %arg11[%scan3A_1087, %gather3A_1666, %gather3A_1667] : memref<2x128x128xf32, #tpu.memory_space<vmem>> -> memref<1x128x128xf32, #tpu.memory_space<vmem>>
      %gather3A_1669 = tpu.memref_squeeze %gather3A_1668 : memref<1x128x128xf32, #tpu.memory_space<vmem>> -> memref<128x128xf32, #tpu.memory_space<vmem>>
      %gather3A_1670 = tpu.vector_load_idx %gather3A_1669[%add3A_1190, %add3A_1665] : memref<128x128xf32, #tpu.memory_space<vmem>>[vector<16xi32>, vector<16xi32>], vector<16xf32>,
      %add3A_1671 = arith.constant 25 : i32
      %add3A_1672 = vector.broadcast %add3A_1671 : i32 to vector<16xi32>
      %add3A_1673 = arith.addi %shift_left3A_1210, %add3A_1672 : vector<16xi32>
      %gather3A_1674 = arith.constant 0 : i32
      %gather3A_1675 = arith.constant 0 : i32
      %gather3A_1676 = tpu.memref_slice %arg12[%scan3A_1088, %gather3A_1674, %gather3A_1675] : memref<2x128x128xf32, #tpu.memory_space<vmem>> -> memref<1x128x128xf32, #tpu.memory_space<vmem>>
      %gather3A_1677 = tpu.memref_squeeze %gather3A_1676 : memref<1x128x128xf32, #tpu.memory_space<vmem>> -> memref<128x128xf32, #tpu.memory_space<vmem>>
      %gather3A_1678 = tpu.vector_load_idx %gather3A_1677[%add3A_1190, %add3A_1673] : memref<128x128xf32, #tpu.memory_space<vmem>>[vector<16xi32>, vector<16xi32>], vector<16xf32>,
      %mul3A_1679 = arith.mulf %gather3A_1670, %gather3A_1678 : vector<16xf32>
      %add3A_1680 = arith.addf %add3A_1662, %mul3A_1679 : vector<16xf32>
      %add3A_1681 = arith.constant 26 : i32
      %add3A_1682 = vector.broadcast %add3A_1681 : i32 to vector<16xi32>
      %add3A_1683 = arith.addi %shift_left3A_1201, %add3A_1682 : vector<16xi32>
      %gather3A_1684 = arith.constant 0 : i32
      %gather3A_1685 = arith.constant 0 : i32
      %gather3A_1686 = tpu.memref_slice %arg11[%scan3A_1087, %gather3A_1684, %gather3A_1685] : memref<2x128x128xf32, #tpu.memory_space<vmem>> -> memref<1x128x128xf32, #tpu.memory_space<vmem>>
      %gather3A_1687 = tpu.memref_squeeze %gather3A_1686 : memref<1x128x128xf32, #tpu.memory_space<vmem>> -> memref<128x128xf32, #tpu.memory_space<vmem>>
      %gather3A_1688 = tpu.vector_load_idx %gather3A_1687[%add3A_1190, %add3A_1683] : memref<128x128xf32, #tpu.memory_space<vmem>>[vector<16xi32>, vector<16xi32>], vector<16xf32>,
      %add3A_1689 = arith.constant 26 : i32
      %add3A_1690 = vector.broadcast %add3A_1689 : i32 to vector<16xi32>
      %add3A_1691 = arith.addi %shift_left3A_1210, %add3A_1690 : vector<16xi32>
      %gather3A_1692 = arith.constant 0 : i32
      %gather3A_1693 = arith.constant 0 : i32
      %gather3A_1694 = tpu.memref_slice %arg12[%scan3A_1088, %gather3A_1692, %gather3A_1693] : memref<2x128x128xf32, #tpu.memory_space<vmem>> -> memref<1x128x128xf32, #tpu.memory_space<vmem>>
      %gather3A_1695 = tpu.memref_squeeze %gather3A_1694 : memref<1x128x128xf32, #tpu.memory_space<vmem>> -> memref<128x128xf32, #tpu.memory_space<vmem>>
      %gather3A_1696 = tpu.vector_load_idx %gather3A_1695[%add3A_1190, %add3A_1691] : memref<128x128xf32, #tpu.memory_space<vmem>>[vector<16xi32>, vector<16xi32>], vector<16xf32>,
      %mul3A_1697 = arith.mulf %gather3A_1688, %gather3A_1696 : vector<16xf32>
      %add3A_1698 = arith.addf %add3A_1680, %mul3A_1697 : vector<16xf32>
      %add3A_1699 = arith.constant 27 : i32
      %add3A_1700 = vector.broadcast %add3A_1699 : i32 to vector<16xi32>
      %add3A_1701 = arith.addi %shift_left3A_1201, %add3A_1700 : vector<16xi32>
      %gather3A_1702 = arith.constant 0 : i32
      %gather3A_1703 = arith.constant 0 : i32
      %gather3A_1704 = tpu.memref_slice %arg11[%scan3A_1087, %gather3A_1702, %gather3A_1703] : memref<2x128x128xf32, #tpu.memory_space<vmem>> -> memref<1x128x128xf32, #tpu.memory_space<vmem>>
      %gather3A_1705 = tpu.memref_squeeze %gather3A_1704 : memref<1x128x128xf32, #tpu.memory_space<vmem>> -> memref<128x128xf32, #tpu.memory_space<vmem>>
      %gather3A_1706 = tpu.vector_load_idx %gather3A_1705[%add3A_1190, %add3A_1701] : memref<128x128xf32, #tpu.memory_space<vmem>>[vector<16xi32>, vector<16xi32>], vector<16xf32>,
      %add3A_1707 = arith.constant 27 : i32
      %add3A_1708 = vector.broadcast %add3A_1707 : i32 to vector<16xi32>
      %add3A_1709 = arith.addi %shift_left3A_1210, %add3A_1708 : vector<16xi32>
      %gather3A_1710 = arith.constant 0 : i32
      %gather3A_1711 = arith.constant 0 : i32
      %gather3A_1712 = tpu.memref_slice %arg12[%scan3A_1088, %gather3A_1710, %gather3A_1711] : memref<2x128x128xf32, #tpu.memory_space<vmem>> -> memref<1x128x128xf32, #tpu.memory_space<vmem>>
      %gather3A_1713 = tpu.memref_squeeze %gather3A_1712 : memref<1x128x128xf32, #tpu.memory_space<vmem>> -> memref<128x128xf32, #tpu.memory_space<vmem>>
      %gather3A_1714 = tpu.vector_load_idx %gather3A_1713[%add3A_1190, %add3A_1709] : memref<128x128xf32, #tpu.memory_space<vmem>>[vector<16xi32>, vector<16xi32>], vector<16xf32>,
      %mul3A_1715 = arith.mulf %gather3A_1706, %gather3A_1714 : vector<16xf32>
      %add3A_1716 = arith.addf %add3A_1698, %mul3A_1715 : vector<16xf32>
      %add3A_1717 = arith.constant 28 : i32
      %add3A_1718 = vector.broadcast %add3A_1717 : i32 to vector<16xi32>
      %add3A_1719 = arith.addi %shift_left3A_1201, %add3A_1718 : vector<16xi32>
      %gather3A_1720 = arith.constant 0 : i32
      %gather3A_1721 = arith.constant 0 : i32
      %gather3A_1722 = tpu.memref_slice %arg11[%scan3A_1087, %gather3A_1720, %gather3A_1721] : memref<2x128x128xf32, #tpu.memory_space<vmem>> -> memref<1x128x128xf32, #tpu.memory_space<vmem>>
      %gather3A_1723 = tpu.memref_squeeze %gather3A_1722 : memref<1x128x128xf32, #tpu.memory_space<vmem>> -> memref<128x128xf32, #tpu.memory_space<vmem>>
      %gather3A_1724 = tpu.vector_load_idx %gather3A_1723[%add3A_1190, %add3A_1719] : memref<128x128xf32, #tpu.memory_space<vmem>>[vector<16xi32>, vector<16xi32>], vector<16xf32>,
      %add3A_1725 = arith.constant 28 : i32
      %add3A_1726 = vector.broadcast %add3A_1725 : i32 to vector<16xi32>
      %add3A_1727 = arith.addi %shift_left3A_1210, %add3A_1726 : vector<16xi32>
      %gather3A_1728 = arith.constant 0 : i32
      %gather3A_1729 = arith.constant 0 : i32
      %gather3A_1730 = tpu.memref_slice %arg12[%scan3A_1088, %gather3A_1728, %gather3A_1729] : memref<2x128x128xf32, #tpu.memory_space<vmem>> -> memref<1x128x128xf32, #tpu.memory_space<vmem>>
      %gather3A_1731 = tpu.memref_squeeze %gather3A_1730 : memref<1x128x128xf32, #tpu.memory_space<vmem>> -> memref<128x128xf32, #tpu.memory_space<vmem>>
      %gather3A_1732 = tpu.vector_load_idx %gather3A_1731[%add3A_1190, %add3A_1727] : memref<128x128xf32, #tpu.memory_space<vmem>>[vector<16xi32>, vector<16xi32>], vector<16xf32>,
      %mul3A_1733 = arith.mulf %gather3A_1724, %gather3A_1732 : vector<16xf32>
      %add3A_1734 = arith.addf %add3A_1716, %mul3A_1733 : vector<16xf32>
      %add3A_1735 = arith.constant 29 : i32
      %add3A_1736 = vector.broadcast %add3A_1735 : i32 to vector<16xi32>
      %add3A_1737 = arith.addi %shift_left3A_1201, %add3A_1736 : vector<16xi32>
      %gather3A_1738 = arith.constant 0 : i32
      %gather3A_1739 = arith.constant 0 : i32
      %gather3A_1740 = tpu.memref_slice %arg11[%scan3A_1087, %gather3A_1738, %gather3A_1739] : memref<2x128x128xf32, #tpu.memory_space<vmem>> -> memref<1x128x128xf32, #tpu.memory_space<vmem>>
      %gather3A_1741 = tpu.memref_squeeze %gather3A_1740 : memref<1x128x128xf32, #tpu.memory_space<vmem>> -> memref<128x128xf32, #tpu.memory_space<vmem>>
      %gather3A_1742 = tpu.vector_load_idx %gather3A_1741[%add3A_1190, %add3A_1737] : memref<128x128xf32, #tpu.memory_space<vmem>>[vector<16xi32>, vector<16xi32>], vector<16xf32>,
      %add3A_1743 = arith.constant 29 : i32
      %add3A_1744 = vector.broadcast %add3A_1743 : i32 to vector<16xi32>
      %add3A_1745 = arith.addi %shift_left3A_1210, %add3A_1744 : vector<16xi32>
      %gather3A_1746 = arith.constant 0 : i32
      %gather3A_1747 = arith.constant 0 : i32
      %gather3A_1748 = tpu.memref_slice %arg12[%scan3A_1088, %gather3A_1746, %gather3A_1747] : memref<2x128x128xf32, #tpu.memory_space<vmem>> -> memref<1x128x128xf32, #tpu.memory_space<vmem>>
      %gather3A_1749 = tpu.memref_squeeze %gather3A_1748 : memref<1x128x128xf32, #tpu.memory_space<vmem>> -> memref<128x128xf32, #tpu.memory_space<vmem>>
      %gather3A_1750 = tpu.vector_load_idx %gather3A_1749[%add3A_1190, %add3A_1745] : memref<128x128xf32, #tpu.memory_space<vmem>>[vector<16xi32>, vector<16xi32>], vector<16xf32>,
      %mul3A_1751 = arith.mulf %gather3A_1742, %gather3A_1750 : vector<16xf32>
      %add3A_1752 = arith.addf %add3A_1734, %mul3A_1751 : vector<16xf32>
      %add3A_1753 = arith.constant 30 : i32
      %add3A_1754 = vector.broadcast %add3A_1753 : i32 to vector<16xi32>
      %add3A_1755 = arith.addi %shift_left3A_1201, %add3A_1754 : vector<16xi32>
      %gather3A_1756 = arith.constant 0 : i32
      %gather3A_1757 = arith.constant 0 : i32
      %gather3A_1758 = tpu.memref_slice %arg11[%scan3A_1087, %gather3A_1756, %gather3A_1757] : memref<2x128x128xf32, #tpu.memory_space<vmem>> -> memref<1x128x128xf32, #tpu.memory_space<vmem>>
      %gather3A_1759 = tpu.memref_squeeze %gather3A_1758 : memref<1x128x128xf32, #tpu.memory_space<vmem>> -> memref<128x128xf32, #tpu.memory_space<vmem>>
      %gather3A_1760 = tpu.vector_load_idx %gather3A_1759[%add3A_1190, %add3A_1755] : memref<128x128xf32, #tpu.memory_space<vmem>>[vector<16xi32>, vector<16xi32>], vector<16xf32>,
      %add3A_1761 = arith.constant 30 : i32
      %add3A_1762 = vector.broadcast %add3A_1761 : i32 to vector<16xi32>
      %add3A_1763 = arith.addi %shift_left3A_1210, %add3A_1762 : vector<16xi32>
      %gather3A_1764 = arith.constant 0 : i32
      %gather3A_1765 = arith.constant 0 : i32
      %gather3A_1766 = tpu.memref_slice %arg12[%scan3A_1088, %gather3A_1764, %gather3A_1765] : memref<2x128x128xf32, #tpu.memory_space<vmem>> -> memref<1x128x128xf32, #tpu.memory_space<vmem>>
      %gather3A_1767 = tpu.memref_squeeze %gather3A_1766 : memref<1x128x128xf32, #tpu.memory_space<vmem>> -> memref<128x128xf32, #tpu.memory_space<vmem>>
      %gather3A_1768 = tpu.vector_load_idx %gather3A_1767[%add3A_1190, %add3A_1763] : memref<128x128xf32, #tpu.memory_space<vmem>>[vector<16xi32>, vector<16xi32>], vector<16xf32>,
      %mul3A_1769 = arith.mulf %gather3A_1760, %gather3A_1768 : vector<16xf32>
      %add3A_1770 = arith.addf %add3A_1752, %mul3A_1769 : vector<16xf32>
      %add3A_1771 = arith.constant 31 : i32
      %add3A_1772 = vector.broadcast %add3A_1771 : i32 to vector<16xi32>
      %add3A_1773 = arith.addi %shift_left3A_1201, %add3A_1772 : vector<16xi32>
      %gather3A_1774 = arith.constant 0 : i32
      %gather3A_1775 = arith.constant 0 : i32
      %gather3A_1776 = tpu.memref_slice %arg11[%scan3A_1087, %gather3A_1774, %gather3A_1775] : memref<2x128x128xf32, #tpu.memory_space<vmem>> -> memref<1x128x128xf32, #tpu.memory_space<vmem>>
      %gather3A_1777 = tpu.memref_squeeze %gather3A_1776 : memref<1x128x128xf32, #tpu.memory_space<vmem>> -> memref<128x128xf32, #tpu.memory_space<vmem>>
      %gather3A_1778 = tpu.vector_load_idx %gather3A_1777[%add3A_1190, %add3A_1773] : memref<128x128xf32, #tpu.memory_space<vmem>>[vector<16xi32>, vector<16xi32>], vector<16xf32>,
      %add3A_1779 = arith.constant 31 : i32
      %add3A_1780 = vector.broadcast %add3A_1779 : i32 to vector<16xi32>
      %add3A_1781 = arith.addi %shift_left3A_1210, %add3A_1780 : vector<16xi32>
      %gather3A_1782 = arith.constant 0 : i32
      %gather3A_1783 = arith.constant 0 : i32
      %gather3A_1784 = tpu.memref_slice %arg12[%scan3A_1088, %gather3A_1782, %gather3A_1783] : memref<2x128x128xf32, #tpu.memory_space<vmem>> -> memref<1x128x128xf32, #tpu.memory_space<vmem>>
      %gather3A_1785 = tpu.memref_squeeze %gather3A_1784 : memref<1x128x128xf32, #tpu.memory_space<vmem>> -> memref<128x128xf32, #tpu.memory_space<vmem>>
      %gather3A_1786 = tpu.vector_load_idx %gather3A_1785[%add3A_1190, %add3A_1781] : memref<128x128xf32, #tpu.memory_space<vmem>>[vector<16xi32>, vector<16xi32>], vector<16xf32>,
      %mul3A_1787 = arith.mulf %gather3A_1778, %gather3A_1786 : vector<16xf32>
      %add3A_1788 = arith.addf %add3A_1770, %mul3A_1787 : vector<16xf32>
      %mul3A_1789 = arith.constant 128 : i32
      %mul3A_1790 = vector.broadcast %mul3A_1789 : i32 to vector<16xi32>
      %mul3A_1791 = arith.muli %broadcast_in_dim3A_1085, %mul3A_1790 : vector<16xi32>
      %add3A_1792 = arith.addi %mul3A_1791, %add3A_1190 : vector<16xi32>
      tpu.vector_store_idx %arg13[%add3A_1792], %add3A_1788 : memref<512xf32, #tpu.memory_space<vmem>>[vector<16xi32>], vector<16xf32>,
    }
    %scan3A_1093 = arith.constant 8 : i32
    %dma_start3A_1094 = arith.constant 3 : i32
    %dma_start3A_1095 = arith.constant 1 : i32
    %dma_start3A_1096 = arith.constant 0 : i32
    %dma_start3A_1097 = arith.constant 0 : i32
    %dma_start3A_1098 = tpu.memref_slice %arg11[%dma_start3A_1095, %dma_start3A_1096, %dma_start3A_1097] : memref<2x128x128xf32, #tpu.memory_space<vmem>> -> memref<1x128x128xf32, #tpu.memory_space<vmem>>
    %dma_start3A_1099 = tpu.memref_squeeze %dma_start3A_1098 : memref<1x128x128xf32, #tpu.memory_space<vmem>> -> memref<128x128xf32, #tpu.memory_space<vmem>>
    %dma_start3A_1100 = arith.constant 0 : i32
    %dma_start3A_1101 = tpu.memref_slice %arg9[%dma_start3A_1094, %dma_start3A_1100] : memref<4x128xi32, #tpu.memory_space<vmem>> -> memref<1x128xi32, #tpu.memory_space<vmem>>
    %dma_start3A_1102 = tpu.memref_squeeze %dma_start3A_1101 : memref<1x128xi32, #tpu.memory_space<vmem>> -> memref<128xi32, #tpu.memory_space<vmem>>
    %dma_start3A_1103 = arith.constant 0 : i32
    %dma_start3A_1104 = arith.constant 0 : i32
    %dma_start3A_1105 = tpu.memref_slice %arg4[%dma_start3A_1103, %dma_start3A_1104] : memref<253952x128xf32, #tpu.memory_space<hbm>> -> memref<253952x128xf32, #tpu.memory_space<hbm>>
    tpu.enqueue_indirect_dma source(%dma_start3A_1105 : memref<253952x128xf32, #tpu.memory_space<hbm>>) target(%dma_start3A_1099 : memref<128x128xf32, #tpu.memory_space<vmem>>) offsets(%dma_start3A_1102 : memref<128xi32, #tpu.memory_space<vmem>>) semaphore(%arg16 : memref<!tpu.dma_semaphore, #tpu.memory_space<semaphore_mem>>)
    %dma_start3A_1106 = arith.constant 3 : i32
    %dma_start3A_1107 = arith.constant 1 : i32
    %dma_start3A_1108 = arith.constant 0 : i32
    %dma_start3A_1109 = arith.constant 0 : i32
    %dma_start3A_1110 = tpu.memref_slice %arg12[%dma_start3A_1107, %dma_start3A_1108, %dma_start3A_1109] : memref<2x128x128xf32, #tpu.memory_space<vmem>> -> memref<1x128x128xf32, #tpu.memory_space<vmem>>
    %dma_start3A_1111 = tpu.memref_squeeze %dma_start3A_1110 : memref<1x128x128xf32, #tpu.memory_space<vmem>> -> memref<128x128xf32, #tpu.memory_space<vmem>>
    %dma_start3A_1112 = arith.constant 0 : i32
    %dma_start3A_1113 = tpu.memref_slice %arg10[%dma_start3A_1106, %dma_start3A_1112] : memref<4x128xi32, #tpu.memory_space<vmem>> -> memref<1x128xi32, #tpu.memory_space<vmem>>
    %dma_start3A_1114 = tpu.memref_squeeze %dma_start3A_1113 : memref<1x128xi32, #tpu.memory_space<vmem>> -> memref<128xi32, #tpu.memory_space<vmem>>
    %dma_start3A_1115 = arith.constant 0 : i32
    %dma_start3A_1116 = arith.constant 0 : i32
    %dma_start3A_1117 = tpu.memref_slice %arg5[%dma_start3A_1115, %dma_start3A_1116] : memref<253952x128xf32, #tpu.memory_space<hbm>> -> memref<253952x128xf32, #tpu.memory_space<hbm>>
    tpu.enqueue_indirect_dma source(%dma_start3A_1117 : memref<253952x128xf32, #tpu.memory_space<hbm>>) target(%dma_start3A_1111 : memref<128x128xf32, #tpu.memory_space<vmem>>) offsets(%dma_start3A_1114 : memref<128xi32, #tpu.memory_space<vmem>>) semaphore(%arg18 : memref<!tpu.dma_semaphore, #tpu.memory_space<semaphore_mem>>)
    %dma_wait3A_1118 = arith.constant 2 : i32
    %dma_wait3A_1119 = arith.constant 0 : i32
    %dma_wait3A_1120 = arith.constant 0 : i32
    %dma_wait3A_1121 = arith.constant 0 : i32
    %dma_wait3A_1122 = tpu.memref_slice %arg11[%dma_wait3A_1119, %dma_wait3A_1120, %dma_wait3A_1121] : memref<2x128x128xf32, #tpu.memory_space<vmem>> -> memref<1x128x128xf32, #tpu.memory_space<vmem>>
    %dma_wait3A_1123 = tpu.memref_squeeze %dma_wait3A_1122 : memref<1x128x128xf32, #tpu.memory_space<vmem>> -> memref<128x128xf32, #tpu.memory_space<vmem>>
    %dma_wait3A_1124 = arith.constant 0 : i32
    %dma_wait3A_1125 = tpu.memref_slice %arg9[%dma_wait3A_1118, %dma_wait3A_1124] : memref<4x128xi32, #tpu.memory_space<vmem>> -> memref<1x128xi32, #tpu.memory_space<vmem>>
    %dma_wait3A_1126 = tpu.memref_squeeze %dma_wait3A_1125 : memref<1x128xi32, #tpu.memory_space<vmem>> -> memref<128xi32, #tpu.memory_space<vmem>>
    %dma_wait3A_1127 = arith.constant 0 : i32
    %dma_wait3A_1128 = arith.constant 0 : i32
    %dma_wait3A_1129 = tpu.memref_slice %arg4[%dma_wait3A_1127, %dma_wait3A_1128] : memref<253952x128xf32, #tpu.memory_space<hbm>> -> memref<253952x128xf32, #tpu.memory_space<hbm>>
    tpu.wait_indirect_dma semaphore(%arg15 : memref<!tpu.dma_semaphore, #tpu.memory_space<semaphore_mem>>) src(%dma_wait3A_1129 : memref<253952x128xf32, #tpu.memory_space<hbm>>) dst(%dma_wait3A_1123 : memref<128x128xf32, #tpu.memory_space<vmem>>)
    %dma_wait3A_1130 = arith.constant 2 : i32
    %dma_wait3A_1131 = arith.constant 0 : i32
    %dma_wait3A_1132 = arith.constant 0 : i32
    %dma_wait3A_1133 = arith.constant 0 : i32
    %dma_wait3A_1134 = tpu.memref_slice %arg12[%dma_wait3A_1131, %dma_wait3A_1132, %dma_wait3A_1133] : memref<2x128x128xf32, #tpu.memory_space<vmem>> -> memref<1x128x128xf32, #tpu.memory_space<vmem>>
    %dma_wait3A_1135 = tpu.memref_squeeze %dma_wait3A_1134 : memref<1x128x128xf32, #tpu.memory_space<vmem>> -> memref<128x128xf32, #tpu.memory_space<vmem>>
    %dma_wait3A_1136 = arith.constant 0 : i32
    %dma_wait3A_1137 = tpu.memref_slice %arg10[%dma_wait3A_1130, %dma_wait3A_1136] : memref<4x128xi32, #tpu.memory_space<vmem>> -> memref<1x128xi32, #tpu.memory_space<vmem>>
    %dma_wait3A_1138 = tpu.memref_squeeze %dma_wait3A_1137 : memref<1x128xi32, #tpu.memory_space<vmem>> -> memref<128xi32, #tpu.memory_space<vmem>>
    %dma_wait3A_1139 = arith.constant 0 : i32
    %dma_wait3A_1140 = arith.constant 0 : i32
    %dma_wait3A_1141 = tpu.memref_slice %arg5[%dma_wait3A_1139, %dma_wait3A_1140] : memref<253952x128xf32, #tpu.memory_space<hbm>> -> memref<253952x128xf32, #tpu.memory_space<hbm>>
    tpu.wait_indirect_dma semaphore(%arg17 : memref<!tpu.dma_semaphore, #tpu.memory_space<semaphore_mem>>) src(%dma_wait3A_1141 : memref<253952x128xf32, #tpu.memory_space<hbm>>) dst(%dma_wait3A_1135 : memref<128x128xf32, #tpu.memory_space<vmem>>)
    %broadcast_in_dim3A_1142 = arith.constant 2 : i32
    %broadcast_in_dim3A_1143 = vector.broadcast %broadcast_in_dim3A_1142 : i32 to vector<16xi32>
    %scan3A_1144 = arith.constant 0 : i32
    %scan3A_1145 = arith.constant 0 : i32
    %scan3A_1146 = arith.constant 0 : i32
    %scan3A_1147 = arith.constant 0 : i32
    %scan3A_1148 = arith.constant 8 : i32
    %scan3A_1149 = arith.addi %scan3A_1147, %scan3A_1148 : i32
    %scan3A_1150 = arith.constant 1 : i32
    scf.for %scan3A_1186 = %scan3A_1147 to %scan3A_1149 step %scan3A_1150  : i32 {
      %mul3A_1187 = arith.constant 16 : i32
      %mul3A_1188 = arith.muli %scan3A_1186, %mul3A_1187 : i32
      %add3A_1189 = vector.broadcast %mul3A_1188 : i32 to vector<16xi32>
      %add3A_1190 = arith.addi %iota3A, %add3A_1189 : vector<16xi32>
      %gather3A_1191 = tpu.vector_load_idx %arg7[%broadcast_in_dim3A_1143, %add3A_1190] : memref<4x128xi32, #tpu.memory_space<vmem>>[vector<16xi32>, vector<16xi32>], vector<16xi32>,
      %gather3A_1192 = tpu.vector_load_idx %arg8[%broadcast_in_dim3A_1143, %add3A_1190] : memref<4x128xi32, #tpu.memory_space<vmem>>[vector<16xi32>, vector<16xi32>], vector<16xi32>,
      %shift_right_logical3A_1193 = arith.constant 13 : i32
      %shift_right_logical3A_1194 = vector.broadcast %shift_right_logical3A_1193 : i32 to vector<16xi32>
      %shift_right_logical3A_1195 = arith.shrui %gather3A_1191, %shift_right_logical3A_1194 : vector<16xi32>
      %and3A_1196 = arith.constant 3 : i32
      %and3A_1197 = vector.broadcast %and3A_1196 : i32 to vector<16xi32>
      %and3A_1198 = arith.andi %shift_right_logical3A_1195, %and3A_1197 : vector<16xi32>
      %shift_left3A_1199 = arith.constant 5 : i32
      %shift_left3A_1200 = vector.broadcast %shift_left3A_1199 : i32 to vector<16xi32>
      %shift_left3A_1201 = arith.shli %and3A_1198, %shift_left3A_1200 : vector<16xi32>
      %shift_right_logical3A_1202 = arith.constant 13 : i32
      %shift_right_logical3A_1203 = vector.broadcast %shift_right_logical3A_1202 : i32 to vector<16xi32>
      %shift_right_logical3A_1204 = arith.shrui %gather3A_1192, %shift_right_logical3A_1203 : vector<16xi32>
      %and3A_1205 = arith.constant 3 : i32
      %and3A_1206 = vector.broadcast %and3A_1205 : i32 to vector<16xi32>
      %and3A_1207 = arith.andi %shift_right_logical3A_1204, %and3A_1206 : vector<16xi32>
      %shift_left3A_1208 = arith.constant 5 : i32
      %shift_left3A_1209 = vector.broadcast %shift_left3A_1208 : i32 to vector<16xi32>
      %shift_left3A_1210 = arith.shli %and3A_1207, %shift_left3A_1209 : vector<16xi32>
      %broadcast_in_dim3A_1211 = arith.constant 0.000000e+00 : f32
      %broadcast_in_dim3A_1212 = vector.broadcast %broadcast_in_dim3A_1211 : f32 to vector<16xf32>
      %add3A_1213 = arith.constant 0 : i32
      %add3A_1214 = vector.broadcast %add3A_1213 : i32 to vector<16xi32>
      %add3A_1215 = arith.addi %shift_left3A_1201, %add3A_1214 : vector<16xi32>
      %gather3A_1216 = arith.constant 0 : i32
      %gather3A_1217 = arith.constant 0 : i32
      %gather3A_1218 = tpu.memref_slice %arg11[%scan3A_1145, %gather3A_1216, %gather3A_1217] : memref<2x128x128xf32, #tpu.memory_space<vmem>> -> memref<1x128x128xf32, #tpu.memory_space<vmem>>
      %gather3A_1219 = tpu.memref_squeeze %gather3A_1218 : memref<1x128x128xf32, #tpu.memory_space<vmem>> -> memref<128x128xf32, #tpu.memory_space<vmem>>
      %gather3A_1220 = tpu.vector_load_idx %gather3A_1219[%add3A_1190, %add3A_1215] : memref<128x128xf32, #tpu.memory_space<vmem>>[vector<16xi32>, vector<16xi32>], vector<16xf32>,
      %add3A_1221 = arith.constant 0 : i32
      %add3A_1222 = vector.broadcast %add3A_1221 : i32 to vector<16xi32>
      %add3A_1223 = arith.addi %shift_left3A_1210, %add3A_1222 : vector<16xi32>
      %gather3A_1224 = arith.constant 0 : i32
      %gather3A_1225 = arith.constant 0 : i32
      %gather3A_1226 = tpu.memref_slice %arg12[%scan3A_1146, %gather3A_1224, %gather3A_1225] : memref<2x128x128xf32, #tpu.memory_space<vmem>> -> memref<1x128x128xf32, #tpu.memory_space<vmem>>
      %gather3A_1227 = tpu.memref_squeeze %gather3A_1226 : memref<1x128x128xf32, #tpu.memory_space<vmem>> -> memref<128x128xf32, #tpu.memory_space<vmem>>
      %gather3A_1228 = tpu.vector_load_idx %gather3A_1227[%add3A_1190, %add3A_1223] : memref<128x128xf32, #tpu.memory_space<vmem>>[vector<16xi32>, vector<16xi32>], vector<16xf32>,
      %mul3A_1229 = arith.mulf %gather3A_1220, %gather3A_1228 : vector<16xf32>
      %add3A_1230 = arith.addf %broadcast_in_dim3A_1212, %mul3A_1229 : vector<16xf32>
      %add3A_1231 = arith.constant 1 : i32
      %add3A_1232 = vector.broadcast %add3A_1231 : i32 to vector<16xi32>
      %add3A_1233 = arith.addi %shift_left3A_1201, %add3A_1232 : vector<16xi32>
      %gather3A_1234 = arith.constant 0 : i32
      %gather3A_1235 = arith.constant 0 : i32
      %gather3A_1236 = tpu.memref_slice %arg11[%scan3A_1145, %gather3A_1234, %gather3A_1235] : memref<2x128x128xf32, #tpu.memory_space<vmem>> -> memref<1x128x128xf32, #tpu.memory_space<vmem>>
      %gather3A_1237 = tpu.memref_squeeze %gather3A_1236 : memref<1x128x128xf32, #tpu.memory_space<vmem>> -> memref<128x128xf32, #tpu.memory_space<vmem>>
      %gather3A_1238 = tpu.vector_load_idx %gather3A_1237[%add3A_1190, %add3A_1233] : memref<128x128xf32, #tpu.memory_space<vmem>>[vector<16xi32>, vector<16xi32>], vector<16xf32>,
      %add3A_1239 = arith.constant 1 : i32
      %add3A_1240 = vector.broadcast %add3A_1239 : i32 to vector<16xi32>
      %add3A_1241 = arith.addi %shift_left3A_1210, %add3A_1240 : vector<16xi32>
      %gather3A_1242 = arith.constant 0 : i32
      %gather3A_1243 = arith.constant 0 : i32
      %gather3A_1244 = tpu.memref_slice %arg12[%scan3A_1146, %gather3A_1242, %gather3A_1243] : memref<2x128x128xf32, #tpu.memory_space<vmem>> -> memref<1x128x128xf32, #tpu.memory_space<vmem>>
      %gather3A_1245 = tpu.memref_squeeze %gather3A_1244 : memref<1x128x128xf32, #tpu.memory_space<vmem>> -> memref<128x128xf32, #tpu.memory_space<vmem>>
      %gather3A_1246 = tpu.vector_load_idx %gather3A_1245[%add3A_1190, %add3A_1241] : memref<128x128xf32, #tpu.memory_space<vmem>>[vector<16xi32>, vector<16xi32>], vector<16xf32>,
      %mul3A_1247 = arith.mulf %gather3A_1238, %gather3A_1246 : vector<16xf32>
      %add3A_1248 = arith.addf %add3A_1230, %mul3A_1247 : vector<16xf32>
      %add3A_1249 = arith.constant 2 : i32
      %add3A_1250 = vector.broadcast %add3A_1249 : i32 to vector<16xi32>
      %add3A_1251 = arith.addi %shift_left3A_1201, %add3A_1250 : vector<16xi32>
      %gather3A_1252 = arith.constant 0 : i32
      %gather3A_1253 = arith.constant 0 : i32
      %gather3A_1254 = tpu.memref_slice %arg11[%scan3A_1145, %gather3A_1252, %gather3A_1253] : memref<2x128x128xf32, #tpu.memory_space<vmem>> -> memref<1x128x128xf32, #tpu.memory_space<vmem>>
      %gather3A_1255 = tpu.memref_squeeze %gather3A_1254 : memref<1x128x128xf32, #tpu.memory_space<vmem>> -> memref<128x128xf32, #tpu.memory_space<vmem>>
      %gather3A_1256 = tpu.vector_load_idx %gather3A_1255[%add3A_1190, %add3A_1251] : memref<128x128xf32, #tpu.memory_space<vmem>>[vector<16xi32>, vector<16xi32>], vector<16xf32>,
      %add3A_1257 = arith.constant 2 : i32
      %add3A_1258 = vector.broadcast %add3A_1257 : i32 to vector<16xi32>
      %add3A_1259 = arith.addi %shift_left3A_1210, %add3A_1258 : vector<16xi32>
      %gather3A_1260 = arith.constant 0 : i32
      %gather3A_1261 = arith.constant 0 : i32
      %gather3A_1262 = tpu.memref_slice %arg12[%scan3A_1146, %gather3A_1260, %gather3A_1261] : memref<2x128x128xf32, #tpu.memory_space<vmem>> -> memref<1x128x128xf32, #tpu.memory_space<vmem>>
      %gather3A_1263 = tpu.memref_squeeze %gather3A_1262 : memref<1x128x128xf32, #tpu.memory_space<vmem>> -> memref<128x128xf32, #tpu.memory_space<vmem>>
      %gather3A_1264 = tpu.vector_load_idx %gather3A_1263[%add3A_1190, %add3A_1259] : memref<128x128xf32, #tpu.memory_space<vmem>>[vector<16xi32>, vector<16xi32>], vector<16xf32>,
      %mul3A_1265 = arith.mulf %gather3A_1256, %gather3A_1264 : vector<16xf32>
      %add3A_1266 = arith.addf %add3A_1248, %mul3A_1265 : vector<16xf32>
      %add3A_1267 = arith.constant 3 : i32
      %add3A_1268 = vector.broadcast %add3A_1267 : i32 to vector<16xi32>
      %add3A_1269 = arith.addi %shift_left3A_1201, %add3A_1268 : vector<16xi32>
      %gather3A_1270 = arith.constant 0 : i32
      %gather3A_1271 = arith.constant 0 : i32
      %gather3A_1272 = tpu.memref_slice %arg11[%scan3A_1145, %gather3A_1270, %gather3A_1271] : memref<2x128x128xf32, #tpu.memory_space<vmem>> -> memref<1x128x128xf32, #tpu.memory_space<vmem>>
      %gather3A_1273 = tpu.memref_squeeze %gather3A_1272 : memref<1x128x128xf32, #tpu.memory_space<vmem>> -> memref<128x128xf32, #tpu.memory_space<vmem>>
      %gather3A_1274 = tpu.vector_load_idx %gather3A_1273[%add3A_1190, %add3A_1269] : memref<128x128xf32, #tpu.memory_space<vmem>>[vector<16xi32>, vector<16xi32>], vector<16xf32>,
      %add3A_1275 = arith.constant 3 : i32
      %add3A_1276 = vector.broadcast %add3A_1275 : i32 to vector<16xi32>
      %add3A_1277 = arith.addi %shift_left3A_1210, %add3A_1276 : vector<16xi32>
      %gather3A_1278 = arith.constant 0 : i32
      %gather3A_1279 = arith.constant 0 : i32
      %gather3A_1280 = tpu.memref_slice %arg12[%scan3A_1146, %gather3A_1278, %gather3A_1279] : memref<2x128x128xf32, #tpu.memory_space<vmem>> -> memref<1x128x128xf32, #tpu.memory_space<vmem>>
      %gather3A_1281 = tpu.memref_squeeze %gather3A_1280 : memref<1x128x128xf32, #tpu.memory_space<vmem>> -> memref<128x128xf32, #tpu.memory_space<vmem>>
      %gather3A_1282 = tpu.vector_load_idx %gather3A_1281[%add3A_1190, %add3A_1277] : memref<128x128xf32, #tpu.memory_space<vmem>>[vector<16xi32>, vector<16xi32>], vector<16xf32>,
      %mul3A_1283 = arith.mulf %gather3A_1274, %gather3A_1282 : vector<16xf32>
      %add3A_1284 = arith.addf %add3A_1266, %mul3A_1283 : vector<16xf32>
      %add3A_1285 = arith.constant 4 : i32
      %add3A_1286 = vector.broadcast %add3A_1285 : i32 to vector<16xi32>
      %add3A_1287 = arith.addi %shift_left3A_1201, %add3A_1286 : vector<16xi32>
      %gather3A_1288 = arith.constant 0 : i32
      %gather3A_1289 = arith.constant 0 : i32
      %gather3A_1290 = tpu.memref_slice %arg11[%scan3A_1145, %gather3A_1288, %gather3A_1289] : memref<2x128x128xf32, #tpu.memory_space<vmem>> -> memref<1x128x128xf32, #tpu.memory_space<vmem>>
      %gather3A_1291 = tpu.memref_squeeze %gather3A_1290 : memref<1x128x128xf32, #tpu.memory_space<vmem>> -> memref<128x128xf32, #tpu.memory_space<vmem>>
      %gather3A_1292 = tpu.vector_load_idx %gather3A_1291[%add3A_1190, %add3A_1287] : memref<128x128xf32, #tpu.memory_space<vmem>>[vector<16xi32>, vector<16xi32>], vector<16xf32>,
      %add3A_1293 = arith.constant 4 : i32
      %add3A_1294 = vector.broadcast %add3A_1293 : i32 to vector<16xi32>
      %add3A_1295 = arith.addi %shift_left3A_1210, %add3A_1294 : vector<16xi32>
      %gather3A_1296 = arith.constant 0 : i32
      %gather3A_1297 = arith.constant 0 : i32
      %gather3A_1298 = tpu.memref_slice %arg12[%scan3A_1146, %gather3A_1296, %gather3A_1297] : memref<2x128x128xf32, #tpu.memory_space<vmem>> -> memref<1x128x128xf32, #tpu.memory_space<vmem>>
      %gather3A_1299 = tpu.memref_squeeze %gather3A_1298 : memref<1x128x128xf32, #tpu.memory_space<vmem>> -> memref<128x128xf32, #tpu.memory_space<vmem>>
      %gather3A_1300 = tpu.vector_load_idx %gather3A_1299[%add3A_1190, %add3A_1295] : memref<128x128xf32, #tpu.memory_space<vmem>>[vector<16xi32>, vector<16xi32>], vector<16xf32>,
      %mul3A_1301 = arith.mulf %gather3A_1292, %gather3A_1300 : vector<16xf32>
      %add3A_1302 = arith.addf %add3A_1284, %mul3A_1301 : vector<16xf32>
      %add3A_1303 = arith.constant 5 : i32
      %add3A_1304 = vector.broadcast %add3A_1303 : i32 to vector<16xi32>
      %add3A_1305 = arith.addi %shift_left3A_1201, %add3A_1304 : vector<16xi32>
      %gather3A_1306 = arith.constant 0 : i32
      %gather3A_1307 = arith.constant 0 : i32
      %gather3A_1308 = tpu.memref_slice %arg11[%scan3A_1145, %gather3A_1306, %gather3A_1307] : memref<2x128x128xf32, #tpu.memory_space<vmem>> -> memref<1x128x128xf32, #tpu.memory_space<vmem>>
      %gather3A_1309 = tpu.memref_squeeze %gather3A_1308 : memref<1x128x128xf32, #tpu.memory_space<vmem>> -> memref<128x128xf32, #tpu.memory_space<vmem>>
      %gather3A_1310 = tpu.vector_load_idx %gather3A_1309[%add3A_1190, %add3A_1305] : memref<128x128xf32, #tpu.memory_space<vmem>>[vector<16xi32>, vector<16xi32>], vector<16xf32>,
      %add3A_1311 = arith.constant 5 : i32
      %add3A_1312 = vector.broadcast %add3A_1311 : i32 to vector<16xi32>
      %add3A_1313 = arith.addi %shift_left3A_1210, %add3A_1312 : vector<16xi32>
      %gather3A_1314 = arith.constant 0 : i32
      %gather3A_1315 = arith.constant 0 : i32
      %gather3A_1316 = tpu.memref_slice %arg12[%scan3A_1146, %gather3A_1314, %gather3A_1315] : memref<2x128x128xf32, #tpu.memory_space<vmem>> -> memref<1x128x128xf32, #tpu.memory_space<vmem>>
      %gather3A_1317 = tpu.memref_squeeze %gather3A_1316 : memref<1x128x128xf32, #tpu.memory_space<vmem>> -> memref<128x128xf32, #tpu.memory_space<vmem>>
      %gather3A_1318 = tpu.vector_load_idx %gather3A_1317[%add3A_1190, %add3A_1313] : memref<128x128xf32, #tpu.memory_space<vmem>>[vector<16xi32>, vector<16xi32>], vector<16xf32>,
      %mul3A_1319 = arith.mulf %gather3A_1310, %gather3A_1318 : vector<16xf32>
      %add3A_1320 = arith.addf %add3A_1302, %mul3A_1319 : vector<16xf32>
      %add3A_1321 = arith.constant 6 : i32
      %add3A_1322 = vector.broadcast %add3A_1321 : i32 to vector<16xi32>
      %add3A_1323 = arith.addi %shift_left3A_1201, %add3A_1322 : vector<16xi32>
      %gather3A_1324 = arith.constant 0 : i32
      %gather3A_1325 = arith.constant 0 : i32
      %gather3A_1326 = tpu.memref_slice %arg11[%scan3A_1145, %gather3A_1324, %gather3A_1325] : memref<2x128x128xf32, #tpu.memory_space<vmem>> -> memref<1x128x128xf32, #tpu.memory_space<vmem>>
      %gather3A_1327 = tpu.memref_squeeze %gather3A_1326 : memref<1x128x128xf32, #tpu.memory_space<vmem>> -> memref<128x128xf32, #tpu.memory_space<vmem>>
      %gather3A_1328 = tpu.vector_load_idx %gather3A_1327[%add3A_1190, %add3A_1323] : memref<128x128xf32, #tpu.memory_space<vmem>>[vector<16xi32>, vector<16xi32>], vector<16xf32>,
      %add3A_1329 = arith.constant 6 : i32
      %add3A_1330 = vector.broadcast %add3A_1329 : i32 to vector<16xi32>
      %add3A_1331 = arith.addi %shift_left3A_1210, %add3A_1330 : vector<16xi32>
      %gather3A_1332 = arith.constant 0 : i32
      %gather3A_1333 = arith.constant 0 : i32
      %gather3A_1334 = tpu.memref_slice %arg12[%scan3A_1146, %gather3A_1332, %gather3A_1333] : memref<2x128x128xf32, #tpu.memory_space<vmem>> -> memref<1x128x128xf32, #tpu.memory_space<vmem>>
      %gather3A_1335 = tpu.memref_squeeze %gather3A_1334 : memref<1x128x128xf32, #tpu.memory_space<vmem>> -> memref<128x128xf32, #tpu.memory_space<vmem>>
      %gather3A_1336 = tpu.vector_load_idx %gather3A_1335[%add3A_1190, %add3A_1331] : memref<128x128xf32, #tpu.memory_space<vmem>>[vector<16xi32>, vector<16xi32>], vector<16xf32>,
      %mul3A_1337 = arith.mulf %gather3A_1328, %gather3A_1336 : vector<16xf32>
      %add3A_1338 = arith.addf %add3A_1320, %mul3A_1337 : vector<16xf32>
      %add3A_1339 = arith.constant 7 : i32
      %add3A_1340 = vector.broadcast %add3A_1339 : i32 to vector<16xi32>
      %add3A_1341 = arith.addi %shift_left3A_1201, %add3A_1340 : vector<16xi32>
      %gather3A_1342 = arith.constant 0 : i32
      %gather3A_1343 = arith.constant 0 : i32
      %gather3A_1344 = tpu.memref_slice %arg11[%scan3A_1145, %gather3A_1342, %gather3A_1343] : memref<2x128x128xf32, #tpu.memory_space<vmem>> -> memref<1x128x128xf32, #tpu.memory_space<vmem>>
      %gather3A_1345 = tpu.memref_squeeze %gather3A_1344 : memref<1x128x128xf32, #tpu.memory_space<vmem>> -> memref<128x128xf32, #tpu.memory_space<vmem>>
      %gather3A_1346 = tpu.vector_load_idx %gather3A_1345[%add3A_1190, %add3A_1341] : memref<128x128xf32, #tpu.memory_space<vmem>>[vector<16xi32>, vector<16xi32>], vector<16xf32>,
      %add3A_1347 = arith.constant 7 : i32
      %add3A_1348 = vector.broadcast %add3A_1347 : i32 to vector<16xi32>
      %add3A_1349 = arith.addi %shift_left3A_1210, %add3A_1348 : vector<16xi32>
      %gather3A_1350 = arith.constant 0 : i32
      %gather3A_1351 = arith.constant 0 : i32
      %gather3A_1352 = tpu.memref_slice %arg12[%scan3A_1146, %gather3A_1350, %gather3A_1351] : memref<2x128x128xf32, #tpu.memory_space<vmem>> -> memref<1x128x128xf32, #tpu.memory_space<vmem>>
      %gather3A_1353 = tpu.memref_squeeze %gather3A_1352 : memref<1x128x128xf32, #tpu.memory_space<vmem>> -> memref<128x128xf32, #tpu.memory_space<vmem>>
      %gather3A_1354 = tpu.vector_load_idx %gather3A_1353[%add3A_1190, %add3A_1349] : memref<128x128xf32, #tpu.memory_space<vmem>>[vector<16xi32>, vector<16xi32>], vector<16xf32>,
      %mul3A_1355 = arith.mulf %gather3A_1346, %gather3A_1354 : vector<16xf32>
      %add3A_1356 = arith.addf %add3A_1338, %mul3A_1355 : vector<16xf32>
      %add3A_1357 = arith.constant 8 : i32
      %add3A_1358 = vector.broadcast %add3A_1357 : i32 to vector<16xi32>
      %add3A_1359 = arith.addi %shift_left3A_1201, %add3A_1358 : vector<16xi32>
      %gather3A_1360 = arith.constant 0 : i32
      %gather3A_1361 = arith.constant 0 : i32
      %gather3A_1362 = tpu.memref_slice %arg11[%scan3A_1145, %gather3A_1360, %gather3A_1361] : memref<2x128x128xf32, #tpu.memory_space<vmem>> -> memref<1x128x128xf32, #tpu.memory_space<vmem>>
      %gather3A_1363 = tpu.memref_squeeze %gather3A_1362 : memref<1x128x128xf32, #tpu.memory_space<vmem>> -> memref<128x128xf32, #tpu.memory_space<vmem>>
      %gather3A_1364 = tpu.vector_load_idx %gather3A_1363[%add3A_1190, %add3A_1359] : memref<128x128xf32, #tpu.memory_space<vmem>>[vector<16xi32>, vector<16xi32>], vector<16xf32>,
      %add3A_1365 = arith.constant 8 : i32
      %add3A_1366 = vector.broadcast %add3A_1365 : i32 to vector<16xi32>
      %add3A_1367 = arith.addi %shift_left3A_1210, %add3A_1366 : vector<16xi32>
      %gather3A_1368 = arith.constant 0 : i32
      %gather3A_1369 = arith.constant 0 : i32
      %gather3A_1370 = tpu.memref_slice %arg12[%scan3A_1146, %gather3A_1368, %gather3A_1369] : memref<2x128x128xf32, #tpu.memory_space<vmem>> -> memref<1x128x128xf32, #tpu.memory_space<vmem>>
      %gather3A_1371 = tpu.memref_squeeze %gather3A_1370 : memref<1x128x128xf32, #tpu.memory_space<vmem>> -> memref<128x128xf32, #tpu.memory_space<vmem>>
      %gather3A_1372 = tpu.vector_load_idx %gather3A_1371[%add3A_1190, %add3A_1367] : memref<128x128xf32, #tpu.memory_space<vmem>>[vector<16xi32>, vector<16xi32>], vector<16xf32>,
      %mul3A_1373 = arith.mulf %gather3A_1364, %gather3A_1372 : vector<16xf32>
      %add3A_1374 = arith.addf %add3A_1356, %mul3A_1373 : vector<16xf32>
      %add3A_1375 = arith.constant 9 : i32
      %add3A_1376 = vector.broadcast %add3A_1375 : i32 to vector<16xi32>
      %add3A_1377 = arith.addi %shift_left3A_1201, %add3A_1376 : vector<16xi32>
      %gather3A_1378 = arith.constant 0 : i32
      %gather3A_1379 = arith.constant 0 : i32
      %gather3A_1380 = tpu.memref_slice %arg11[%scan3A_1145, %gather3A_1378, %gather3A_1379] : memref<2x128x128xf32, #tpu.memory_space<vmem>> -> memref<1x128x128xf32, #tpu.memory_space<vmem>>
      %gather3A_1381 = tpu.memref_squeeze %gather3A_1380 : memref<1x128x128xf32, #tpu.memory_space<vmem>> -> memref<128x128xf32, #tpu.memory_space<vmem>>
      %gather3A_1382 = tpu.vector_load_idx %gather3A_1381[%add3A_1190, %add3A_1377] : memref<128x128xf32, #tpu.memory_space<vmem>>[vector<16xi32>, vector<16xi32>], vector<16xf32>,
      %add3A_1383 = arith.constant 9 : i32
      %add3A_1384 = vector.broadcast %add3A_1383 : i32 to vector<16xi32>
      %add3A_1385 = arith.addi %shift_left3A_1210, %add3A_1384 : vector<16xi32>
      %gather3A_1386 = arith.constant 0 : i32
      %gather3A_1387 = arith.constant 0 : i32
      %gather3A_1388 = tpu.memref_slice %arg12[%scan3A_1146, %gather3A_1386, %gather3A_1387] : memref<2x128x128xf32, #tpu.memory_space<vmem>> -> memref<1x128x128xf32, #tpu.memory_space<vmem>>
      %gather3A_1389 = tpu.memref_squeeze %gather3A_1388 : memref<1x128x128xf32, #tpu.memory_space<vmem>> -> memref<128x128xf32, #tpu.memory_space<vmem>>
      %gather3A_1390 = tpu.vector_load_idx %gather3A_1389[%add3A_1190, %add3A_1385] : memref<128x128xf32, #tpu.memory_space<vmem>>[vector<16xi32>, vector<16xi32>], vector<16xf32>,
      %mul3A_1391 = arith.mulf %gather3A_1382, %gather3A_1390 : vector<16xf32>
      %add3A_1392 = arith.addf %add3A_1374, %mul3A_1391 : vector<16xf32>
      %add3A_1393 = arith.constant 10 : i32
      %add3A_1394 = vector.broadcast %add3A_1393 : i32 to vector<16xi32>
      %add3A_1395 = arith.addi %shift_left3A_1201, %add3A_1394 : vector<16xi32>
      %gather3A_1396 = arith.constant 0 : i32
      %gather3A_1397 = arith.constant 0 : i32
      %gather3A_1398 = tpu.memref_slice %arg11[%scan3A_1145, %gather3A_1396, %gather3A_1397] : memref<2x128x128xf32, #tpu.memory_space<vmem>> -> memref<1x128x128xf32, #tpu.memory_space<vmem>>
      %gather3A_1399 = tpu.memref_squeeze %gather3A_1398 : memref<1x128x128xf32, #tpu.memory_space<vmem>> -> memref<128x128xf32, #tpu.memory_space<vmem>>
      %gather3A_1400 = tpu.vector_load_idx %gather3A_1399[%add3A_1190, %add3A_1395] : memref<128x128xf32, #tpu.memory_space<vmem>>[vector<16xi32>, vector<16xi32>], vector<16xf32>,
      %add3A_1401 = arith.constant 10 : i32
      %add3A_1402 = vector.broadcast %add3A_1401 : i32 to vector<16xi32>
      %add3A_1403 = arith.addi %shift_left3A_1210, %add3A_1402 : vector<16xi32>
      %gather3A_1404 = arith.constant 0 : i32
      %gather3A_1405 = arith.constant 0 : i32
      %gather3A_1406 = tpu.memref_slice %arg12[%scan3A_1146, %gather3A_1404, %gather3A_1405] : memref<2x128x128xf32, #tpu.memory_space<vmem>> -> memref<1x128x128xf32, #tpu.memory_space<vmem>>
      %gather3A_1407 = tpu.memref_squeeze %gather3A_1406 : memref<1x128x128xf32, #tpu.memory_space<vmem>> -> memref<128x128xf32, #tpu.memory_space<vmem>>
      %gather3A_1408 = tpu.vector_load_idx %gather3A_1407[%add3A_1190, %add3A_1403] : memref<128x128xf32, #tpu.memory_space<vmem>>[vector<16xi32>, vector<16xi32>], vector<16xf32>,
      %mul3A_1409 = arith.mulf %gather3A_1400, %gather3A_1408 : vector<16xf32>
      %add3A_1410 = arith.addf %add3A_1392, %mul3A_1409 : vector<16xf32>
      %add3A_1411 = arith.constant 11 : i32
      %add3A_1412 = vector.broadcast %add3A_1411 : i32 to vector<16xi32>
      %add3A_1413 = arith.addi %shift_left3A_1201, %add3A_1412 : vector<16xi32>
      %gather3A_1414 = arith.constant 0 : i32
      %gather3A_1415 = arith.constant 0 : i32
      %gather3A_1416 = tpu.memref_slice %arg11[%scan3A_1145, %gather3A_1414, %gather3A_1415] : memref<2x128x128xf32, #tpu.memory_space<vmem>> -> memref<1x128x128xf32, #tpu.memory_space<vmem>>
      %gather3A_1417 = tpu.memref_squeeze %gather3A_1416 : memref<1x128x128xf32, #tpu.memory_space<vmem>> -> memref<128x128xf32, #tpu.memory_space<vmem>>
      %gather3A_1418 = tpu.vector_load_idx %gather3A_1417[%add3A_1190, %add3A_1413] : memref<128x128xf32, #tpu.memory_space<vmem>>[vector<16xi32>, vector<16xi32>], vector<16xf32>,
      %add3A_1419 = arith.constant 11 : i32
      %add3A_1420 = vector.broadcast %add3A_1419 : i32 to vector<16xi32>
      %add3A_1421 = arith.addi %shift_left3A_1210, %add3A_1420 : vector<16xi32>
      %gather3A_1422 = arith.constant 0 : i32
      %gather3A_1423 = arith.constant 0 : i32
      %gather3A_1424 = tpu.memref_slice %arg12[%scan3A_1146, %gather3A_1422, %gather3A_1423] : memref<2x128x128xf32, #tpu.memory_space<vmem>> -> memref<1x128x128xf32, #tpu.memory_space<vmem>>
      %gather3A_1425 = tpu.memref_squeeze %gather3A_1424 : memref<1x128x128xf32, #tpu.memory_space<vmem>> -> memref<128x128xf32, #tpu.memory_space<vmem>>
      %gather3A_1426 = tpu.vector_load_idx %gather3A_1425[%add3A_1190, %add3A_1421] : memref<128x128xf32, #tpu.memory_space<vmem>>[vector<16xi32>, vector<16xi32>], vector<16xf32>,
      %mul3A_1427 = arith.mulf %gather3A_1418, %gather3A_1426 : vector<16xf32>
      %add3A_1428 = arith.addf %add3A_1410, %mul3A_1427 : vector<16xf32>
      %add3A_1429 = arith.constant 12 : i32
      %add3A_1430 = vector.broadcast %add3A_1429 : i32 to vector<16xi32>
      %add3A_1431 = arith.addi %shift_left3A_1201, %add3A_1430 : vector<16xi32>
      %gather3A_1432 = arith.constant 0 : i32
      %gather3A_1433 = arith.constant 0 : i32
      %gather3A_1434 = tpu.memref_slice %arg11[%scan3A_1145, %gather3A_1432, %gather3A_1433] : memref<2x128x128xf32, #tpu.memory_space<vmem>> -> memref<1x128x128xf32, #tpu.memory_space<vmem>>
      %gather3A_1435 = tpu.memref_squeeze %gather3A_1434 : memref<1x128x128xf32, #tpu.memory_space<vmem>> -> memref<128x128xf32, #tpu.memory_space<vmem>>
      %gather3A_1436 = tpu.vector_load_idx %gather3A_1435[%add3A_1190, %add3A_1431] : memref<128x128xf32, #tpu.memory_space<vmem>>[vector<16xi32>, vector<16xi32>], vector<16xf32>,
      %add3A_1437 = arith.constant 12 : i32
      %add3A_1438 = vector.broadcast %add3A_1437 : i32 to vector<16xi32>
      %add3A_1439 = arith.addi %shift_left3A_1210, %add3A_1438 : vector<16xi32>
      %gather3A_1440 = arith.constant 0 : i32
      %gather3A_1441 = arith.constant 0 : i32
      %gather3A_1442 = tpu.memref_slice %arg12[%scan3A_1146, %gather3A_1440, %gather3A_1441] : memref<2x128x128xf32, #tpu.memory_space<vmem>> -> memref<1x128x128xf32, #tpu.memory_space<vmem>>
      %gather3A_1443 = tpu.memref_squeeze %gather3A_1442 : memref<1x128x128xf32, #tpu.memory_space<vmem>> -> memref<128x128xf32, #tpu.memory_space<vmem>>
      %gather3A_1444 = tpu.vector_load_idx %gather3A_1443[%add3A_1190, %add3A_1439] : memref<128x128xf32, #tpu.memory_space<vmem>>[vector<16xi32>, vector<16xi32>], vector<16xf32>,
      %mul3A_1445 = arith.mulf %gather3A_1436, %gather3A_1444 : vector<16xf32>
      %add3A_1446 = arith.addf %add3A_1428, %mul3A_1445 : vector<16xf32>
      %add3A_1447 = arith.constant 13 : i32
      %add3A_1448 = vector.broadcast %add3A_1447 : i32 to vector<16xi32>
      %add3A_1449 = arith.addi %shift_left3A_1201, %add3A_1448 : vector<16xi32>
      %gather3A_1450 = arith.constant 0 : i32
      %gather3A_1451 = arith.constant 0 : i32
      %gather3A_1452 = tpu.memref_slice %arg11[%scan3A_1145, %gather3A_1450, %gather3A_1451] : memref<2x128x128xf32, #tpu.memory_space<vmem>> -> memref<1x128x128xf32, #tpu.memory_space<vmem>>
      %gather3A_1453 = tpu.memref_squeeze %gather3A_1452 : memref<1x128x128xf32, #tpu.memory_space<vmem>> -> memref<128x128xf32, #tpu.memory_space<vmem>>
      %gather3A_1454 = tpu.vector_load_idx %gather3A_1453[%add3A_1190, %add3A_1449] : memref<128x128xf32, #tpu.memory_space<vmem>>[vector<16xi32>, vector<16xi32>], vector<16xf32>,
      %add3A_1455 = arith.constant 13 : i32
      %add3A_1456 = vector.broadcast %add3A_1455 : i32 to vector<16xi32>
      %add3A_1457 = arith.addi %shift_left3A_1210, %add3A_1456 : vector<16xi32>
      %gather3A_1458 = arith.constant 0 : i32
      %gather3A_1459 = arith.constant 0 : i32
      %gather3A_1460 = tpu.memref_slice %arg12[%scan3A_1146, %gather3A_1458, %gather3A_1459] : memref<2x128x128xf32, #tpu.memory_space<vmem>> -> memref<1x128x128xf32, #tpu.memory_space<vmem>>
      %gather3A_1461 = tpu.memref_squeeze %gather3A_1460 : memref<1x128x128xf32, #tpu.memory_space<vmem>> -> memref<128x128xf32, #tpu.memory_space<vmem>>
      %gather3A_1462 = tpu.vector_load_idx %gather3A_1461[%add3A_1190, %add3A_1457] : memref<128x128xf32, #tpu.memory_space<vmem>>[vector<16xi32>, vector<16xi32>], vector<16xf32>,
      %mul3A_1463 = arith.mulf %gather3A_1454, %gather3A_1462 : vector<16xf32>
      %add3A_1464 = arith.addf %add3A_1446, %mul3A_1463 : vector<16xf32>
      %add3A_1465 = arith.constant 14 : i32
      %add3A_1466 = vector.broadcast %add3A_1465 : i32 to vector<16xi32>
      %add3A_1467 = arith.addi %shift_left3A_1201, %add3A_1466 : vector<16xi32>
      %gather3A_1468 = arith.constant 0 : i32
      %gather3A_1469 = arith.constant 0 : i32
      %gather3A_1470 = tpu.memref_slice %arg11[%scan3A_1145, %gather3A_1468, %gather3A_1469] : memref<2x128x128xf32, #tpu.memory_space<vmem>> -> memref<1x128x128xf32, #tpu.memory_space<vmem>>
      %gather3A_1471 = tpu.memref_squeeze %gather3A_1470 : memref<1x128x128xf32, #tpu.memory_space<vmem>> -> memref<128x128xf32, #tpu.memory_space<vmem>>
      %gather3A_1472 = tpu.vector_load_idx %gather3A_1471[%add3A_1190, %add3A_1467] : memref<128x128xf32, #tpu.memory_space<vmem>>[vector<16xi32>, vector<16xi32>], vector<16xf32>,
      %add3A_1473 = arith.constant 14 : i32
      %add3A_1474 = vector.broadcast %add3A_1473 : i32 to vector<16xi32>
      %add3A_1475 = arith.addi %shift_left3A_1210, %add3A_1474 : vector<16xi32>
      %gather3A_1476 = arith.constant 0 : i32
      %gather3A_1477 = arith.constant 0 : i32
      %gather3A_1478 = tpu.memref_slice %arg12[%scan3A_1146, %gather3A_1476, %gather3A_1477] : memref<2x128x128xf32, #tpu.memory_space<vmem>> -> memref<1x128x128xf32, #tpu.memory_space<vmem>>
      %gather3A_1479 = tpu.memref_squeeze %gather3A_1478 : memref<1x128x128xf32, #tpu.memory_space<vmem>> -> memref<128x128xf32, #tpu.memory_space<vmem>>
      %gather3A_1480 = tpu.vector_load_idx %gather3A_1479[%add3A_1190, %add3A_1475] : memref<128x128xf32, #tpu.memory_space<vmem>>[vector<16xi32>, vector<16xi32>], vector<16xf32>,
      %mul3A_1481 = arith.mulf %gather3A_1472, %gather3A_1480 : vector<16xf32>
      %add3A_1482 = arith.addf %add3A_1464, %mul3A_1481 : vector<16xf32>
      %add3A_1483 = arith.constant 15 : i32
      %add3A_1484 = vector.broadcast %add3A_1483 : i32 to vector<16xi32>
      %add3A_1485 = arith.addi %shift_left3A_1201, %add3A_1484 : vector<16xi32>
      %gather3A_1486 = arith.constant 0 : i32
      %gather3A_1487 = arith.constant 0 : i32
      %gather3A_1488 = tpu.memref_slice %arg11[%scan3A_1145, %gather3A_1486, %gather3A_1487] : memref<2x128x128xf32, #tpu.memory_space<vmem>> -> memref<1x128x128xf32, #tpu.memory_space<vmem>>
      %gather3A_1489 = tpu.memref_squeeze %gather3A_1488 : memref<1x128x128xf32, #tpu.memory_space<vmem>> -> memref<128x128xf32, #tpu.memory_space<vmem>>
      %gather3A_1490 = tpu.vector_load_idx %gather3A_1489[%add3A_1190, %add3A_1485] : memref<128x128xf32, #tpu.memory_space<vmem>>[vector<16xi32>, vector<16xi32>], vector<16xf32>,
      %add3A_1491 = arith.constant 15 : i32
      %add3A_1492 = vector.broadcast %add3A_1491 : i32 to vector<16xi32>
      %add3A_1493 = arith.addi %shift_left3A_1210, %add3A_1492 : vector<16xi32>
      %gather3A_1494 = arith.constant 0 : i32
      %gather3A_1495 = arith.constant 0 : i32
      %gather3A_1496 = tpu.memref_slice %arg12[%scan3A_1146, %gather3A_1494, %gather3A_1495] : memref<2x128x128xf32, #tpu.memory_space<vmem>> -> memref<1x128x128xf32, #tpu.memory_space<vmem>>
      %gather3A_1497 = tpu.memref_squeeze %gather3A_1496 : memref<1x128x128xf32, #tpu.memory_space<vmem>> -> memref<128x128xf32, #tpu.memory_space<vmem>>
      %gather3A_1498 = tpu.vector_load_idx %gather3A_1497[%add3A_1190, %add3A_1493] : memref<128x128xf32, #tpu.memory_space<vmem>>[vector<16xi32>, vector<16xi32>], vector<16xf32>,
      %mul3A_1499 = arith.mulf %gather3A_1490, %gather3A_1498 : vector<16xf32>
      %add3A_1500 = arith.addf %add3A_1482, %mul3A_1499 : vector<16xf32>
      %add3A_1501 = arith.constant 16 : i32
      %add3A_1502 = vector.broadcast %add3A_1501 : i32 to vector<16xi32>
      %add3A_1503 = arith.addi %shift_left3A_1201, %add3A_1502 : vector<16xi32>
      %gather3A_1504 = arith.constant 0 : i32
      %gather3A_1505 = arith.constant 0 : i32
      %gather3A_1506 = tpu.memref_slice %arg11[%scan3A_1145, %gather3A_1504, %gather3A_1505] : memref<2x128x128xf32, #tpu.memory_space<vmem>> -> memref<1x128x128xf32, #tpu.memory_space<vmem>>
      %gather3A_1507 = tpu.memref_squeeze %gather3A_1506 : memref<1x128x128xf32, #tpu.memory_space<vmem>> -> memref<128x128xf32, #tpu.memory_space<vmem>>
      %gather3A_1508 = tpu.vector_load_idx %gather3A_1507[%add3A_1190, %add3A_1503] : memref<128x128xf32, #tpu.memory_space<vmem>>[vector<16xi32>, vector<16xi32>], vector<16xf32>,
      %add3A_1509 = arith.constant 16 : i32
      %add3A_1510 = vector.broadcast %add3A_1509 : i32 to vector<16xi32>
      %add3A_1511 = arith.addi %shift_left3A_1210, %add3A_1510 : vector<16xi32>
      %gather3A_1512 = arith.constant 0 : i32
      %gather3A_1513 = arith.constant 0 : i32
      %gather3A_1514 = tpu.memref_slice %arg12[%scan3A_1146, %gather3A_1512, %gather3A_1513] : memref<2x128x128xf32, #tpu.memory_space<vmem>> -> memref<1x128x128xf32, #tpu.memory_space<vmem>>
      %gather3A_1515 = tpu.memref_squeeze %gather3A_1514 : memref<1x128x128xf32, #tpu.memory_space<vmem>> -> memref<128x128xf32, #tpu.memory_space<vmem>>
      %gather3A_1516 = tpu.vector_load_idx %gather3A_1515[%add3A_1190, %add3A_1511] : memref<128x128xf32, #tpu.memory_space<vmem>>[vector<16xi32>, vector<16xi32>], vector<16xf32>,
      %mul3A_1517 = arith.mulf %gather3A_1508, %gather3A_1516 : vector<16xf32>
      %add3A_1518 = arith.addf %add3A_1500, %mul3A_1517 : vector<16xf32>
      %add3A_1519 = arith.constant 17 : i32
      %add3A_1520 = vector.broadcast %add3A_1519 : i32 to vector<16xi32>
      %add3A_1521 = arith.addi %shift_left3A_1201, %add3A_1520 : vector<16xi32>
      %gather3A_1522 = arith.constant 0 : i32
      %gather3A_1523 = arith.constant 0 : i32
      %gather3A_1524 = tpu.memref_slice %arg11[%scan3A_1145, %gather3A_1522, %gather3A_1523] : memref<2x128x128xf32, #tpu.memory_space<vmem>> -> memref<1x128x128xf32, #tpu.memory_space<vmem>>
      %gather3A_1525 = tpu.memref_squeeze %gather3A_1524 : memref<1x128x128xf32, #tpu.memory_space<vmem>> -> memref<128x128xf32, #tpu.memory_space<vmem>>
      %gather3A_1526 = tpu.vector_load_idx %gather3A_1525[%add3A_1190, %add3A_1521] : memref<128x128xf32, #tpu.memory_space<vmem>>[vector<16xi32>, vector<16xi32>], vector<16xf32>,
      %add3A_1527 = arith.constant 17 : i32
      %add3A_1528 = vector.broadcast %add3A_1527 : i32 to vector<16xi32>
      %add3A_1529 = arith.addi %shift_left3A_1210, %add3A_1528 : vector<16xi32>
      %gather3A_1530 = arith.constant 0 : i32
      %gather3A_1531 = arith.constant 0 : i32
      %gather3A_1532 = tpu.memref_slice %arg12[%scan3A_1146, %gather3A_1530, %gather3A_1531] : memref<2x128x128xf32, #tpu.memory_space<vmem>> -> memref<1x128x128xf32, #tpu.memory_space<vmem>>
      %gather3A_1533 = tpu.memref_squeeze %gather3A_1532 : memref<1x128x128xf32, #tpu.memory_space<vmem>> -> memref<128x128xf32, #tpu.memory_space<vmem>>
      %gather3A_1534 = tpu.vector_load_idx %gather3A_1533[%add3A_1190, %add3A_1529] : memref<128x128xf32, #tpu.memory_space<vmem>>[vector<16xi32>, vector<16xi32>], vector<16xf32>,
      %mul3A_1535 = arith.mulf %gather3A_1526, %gather3A_1534 : vector<16xf32>
      %add3A_1536 = arith.addf %add3A_1518, %mul3A_1535 : vector<16xf32>
      %add3A_1537 = arith.constant 18 : i32
      %add3A_1538 = vector.broadcast %add3A_1537 : i32 to vector<16xi32>
      %add3A_1539 = arith.addi %shift_left3A_1201, %add3A_1538 : vector<16xi32>
      %gather3A_1540 = arith.constant 0 : i32
      %gather3A_1541 = arith.constant 0 : i32
      %gather3A_1542 = tpu.memref_slice %arg11[%scan3A_1145, %gather3A_1540, %gather3A_1541] : memref<2x128x128xf32, #tpu.memory_space<vmem>> -> memref<1x128x128xf32, #tpu.memory_space<vmem>>
      %gather3A_1543 = tpu.memref_squeeze %gather3A_1542 : memref<1x128x128xf32, #tpu.memory_space<vmem>> -> memref<128x128xf32, #tpu.memory_space<vmem>>
      %gather3A_1544 = tpu.vector_load_idx %gather3A_1543[%add3A_1190, %add3A_1539] : memref<128x128xf32, #tpu.memory_space<vmem>>[vector<16xi32>, vector<16xi32>], vector<16xf32>,
      %add3A_1545 = arith.constant 18 : i32
      %add3A_1546 = vector.broadcast %add3A_1545 : i32 to vector<16xi32>
      %add3A_1547 = arith.addi %shift_left3A_1210, %add3A_1546 : vector<16xi32>
      %gather3A_1548 = arith.constant 0 : i32
      %gather3A_1549 = arith.constant 0 : i32
      %gather3A_1550 = tpu.memref_slice %arg12[%scan3A_1146, %gather3A_1548, %gather3A_1549] : memref<2x128x128xf32, #tpu.memory_space<vmem>> -> memref<1x128x128xf32, #tpu.memory_space<vmem>>
      %gather3A_1551 = tpu.memref_squeeze %gather3A_1550 : memref<1x128x128xf32, #tpu.memory_space<vmem>> -> memref<128x128xf32, #tpu.memory_space<vmem>>
      %gather3A_1552 = tpu.vector_load_idx %gather3A_1551[%add3A_1190, %add3A_1547] : memref<128x128xf32, #tpu.memory_space<vmem>>[vector<16xi32>, vector<16xi32>], vector<16xf32>,
      %mul3A_1553 = arith.mulf %gather3A_1544, %gather3A_1552 : vector<16xf32>
      %add3A_1554 = arith.addf %add3A_1536, %mul3A_1553 : vector<16xf32>
      %add3A_1555 = arith.constant 19 : i32
      %add3A_1556 = vector.broadcast %add3A_1555 : i32 to vector<16xi32>
      %add3A_1557 = arith.addi %shift_left3A_1201, %add3A_1556 : vector<16xi32>
      %gather3A_1558 = arith.constant 0 : i32
      %gather3A_1559 = arith.constant 0 : i32
      %gather3A_1560 = tpu.memref_slice %arg11[%scan3A_1145, %gather3A_1558, %gather3A_1559] : memref<2x128x128xf32, #tpu.memory_space<vmem>> -> memref<1x128x128xf32, #tpu.memory_space<vmem>>
      %gather3A_1561 = tpu.memref_squeeze %gather3A_1560 : memref<1x128x128xf32, #tpu.memory_space<vmem>> -> memref<128x128xf32, #tpu.memory_space<vmem>>
      %gather3A_1562 = tpu.vector_load_idx %gather3A_1561[%add3A_1190, %add3A_1557] : memref<128x128xf32, #tpu.memory_space<vmem>>[vector<16xi32>, vector<16xi32>], vector<16xf32>,
      %add3A_1563 = arith.constant 19 : i32
      %add3A_1564 = vector.broadcast %add3A_1563 : i32 to vector<16xi32>
      %add3A_1565 = arith.addi %shift_left3A_1210, %add3A_1564 : vector<16xi32>
      %gather3A_1566 = arith.constant 0 : i32
      %gather3A_1567 = arith.constant 0 : i32
      %gather3A_1568 = tpu.memref_slice %arg12[%scan3A_1146, %gather3A_1566, %gather3A_1567] : memref<2x128x128xf32, #tpu.memory_space<vmem>> -> memref<1x128x128xf32, #tpu.memory_space<vmem>>
      %gather3A_1569 = tpu.memref_squeeze %gather3A_1568 : memref<1x128x128xf32, #tpu.memory_space<vmem>> -> memref<128x128xf32, #tpu.memory_space<vmem>>
      %gather3A_1570 = tpu.vector_load_idx %gather3A_1569[%add3A_1190, %add3A_1565] : memref<128x128xf32, #tpu.memory_space<vmem>>[vector<16xi32>, vector<16xi32>], vector<16xf32>,
      %mul3A_1571 = arith.mulf %gather3A_1562, %gather3A_1570 : vector<16xf32>
      %add3A_1572 = arith.addf %add3A_1554, %mul3A_1571 : vector<16xf32>
      %add3A_1573 = arith.constant 20 : i32
      %add3A_1574 = vector.broadcast %add3A_1573 : i32 to vector<16xi32>
      %add3A_1575 = arith.addi %shift_left3A_1201, %add3A_1574 : vector<16xi32>
      %gather3A_1576 = arith.constant 0 : i32
      %gather3A_1577 = arith.constant 0 : i32
      %gather3A_1578 = tpu.memref_slice %arg11[%scan3A_1145, %gather3A_1576, %gather3A_1577] : memref<2x128x128xf32, #tpu.memory_space<vmem>> -> memref<1x128x128xf32, #tpu.memory_space<vmem>>
      %gather3A_1579 = tpu.memref_squeeze %gather3A_1578 : memref<1x128x128xf32, #tpu.memory_space<vmem>> -> memref<128x128xf32, #tpu.memory_space<vmem>>
      %gather3A_1580 = tpu.vector_load_idx %gather3A_1579[%add3A_1190, %add3A_1575] : memref<128x128xf32, #tpu.memory_space<vmem>>[vector<16xi32>, vector<16xi32>], vector<16xf32>,
      %add3A_1581 = arith.constant 20 : i32
      %add3A_1582 = vector.broadcast %add3A_1581 : i32 to vector<16xi32>
      %add3A_1583 = arith.addi %shift_left3A_1210, %add3A_1582 : vector<16xi32>
      %gather3A_1584 = arith.constant 0 : i32
      %gather3A_1585 = arith.constant 0 : i32
      %gather3A_1586 = tpu.memref_slice %arg12[%scan3A_1146, %gather3A_1584, %gather3A_1585] : memref<2x128x128xf32, #tpu.memory_space<vmem>> -> memref<1x128x128xf32, #tpu.memory_space<vmem>>
      %gather3A_1587 = tpu.memref_squeeze %gather3A_1586 : memref<1x128x128xf32, #tpu.memory_space<vmem>> -> memref<128x128xf32, #tpu.memory_space<vmem>>
      %gather3A_1588 = tpu.vector_load_idx %gather3A_1587[%add3A_1190, %add3A_1583] : memref<128x128xf32, #tpu.memory_space<vmem>>[vector<16xi32>, vector<16xi32>], vector<16xf32>,
      %mul3A_1589 = arith.mulf %gather3A_1580, %gather3A_1588 : vector<16xf32>
      %add3A_1590 = arith.addf %add3A_1572, %mul3A_1589 : vector<16xf32>
      %add3A_1591 = arith.constant 21 : i32
      %add3A_1592 = vector.broadcast %add3A_1591 : i32 to vector<16xi32>
      %add3A_1593 = arith.addi %shift_left3A_1201, %add3A_1592 : vector<16xi32>
      %gather3A_1594 = arith.constant 0 : i32
      %gather3A_1595 = arith.constant 0 : i32
      %gather3A_1596 = tpu.memref_slice %arg11[%scan3A_1145, %gather3A_1594, %gather3A_1595] : memref<2x128x128xf32, #tpu.memory_space<vmem>> -> memref<1x128x128xf32, #tpu.memory_space<vmem>>
      %gather3A_1597 = tpu.memref_squeeze %gather3A_1596 : memref<1x128x128xf32, #tpu.memory_space<vmem>> -> memref<128x128xf32, #tpu.memory_space<vmem>>
      %gather3A_1598 = tpu.vector_load_idx %gather3A_1597[%add3A_1190, %add3A_1593] : memref<128x128xf32, #tpu.memory_space<vmem>>[vector<16xi32>, vector<16xi32>], vector<16xf32>,
      %add3A_1599 = arith.constant 21 : i32
      %add3A_1600 = vector.broadcast %add3A_1599 : i32 to vector<16xi32>
      %add3A_1601 = arith.addi %shift_left3A_1210, %add3A_1600 : vector<16xi32>
      %gather3A_1602 = arith.constant 0 : i32
      %gather3A_1603 = arith.constant 0 : i32
      %gather3A_1604 = tpu.memref_slice %arg12[%scan3A_1146, %gather3A_1602, %gather3A_1603] : memref<2x128x128xf32, #tpu.memory_space<vmem>> -> memref<1x128x128xf32, #tpu.memory_space<vmem>>
      %gather3A_1605 = tpu.memref_squeeze %gather3A_1604 : memref<1x128x128xf32, #tpu.memory_space<vmem>> -> memref<128x128xf32, #tpu.memory_space<vmem>>
      %gather3A_1606 = tpu.vector_load_idx %gather3A_1605[%add3A_1190, %add3A_1601] : memref<128x128xf32, #tpu.memory_space<vmem>>[vector<16xi32>, vector<16xi32>], vector<16xf32>,
      %mul3A_1607 = arith.mulf %gather3A_1598, %gather3A_1606 : vector<16xf32>
      %add3A_1608 = arith.addf %add3A_1590, %mul3A_1607 : vector<16xf32>
      %add3A_1609 = arith.constant 22 : i32
      %add3A_1610 = vector.broadcast %add3A_1609 : i32 to vector<16xi32>
      %add3A_1611 = arith.addi %shift_left3A_1201, %add3A_1610 : vector<16xi32>
      %gather3A_1612 = arith.constant 0 : i32
      %gather3A_1613 = arith.constant 0 : i32
      %gather3A_1614 = tpu.memref_slice %arg11[%scan3A_1145, %gather3A_1612, %gather3A_1613] : memref<2x128x128xf32, #tpu.memory_space<vmem>> -> memref<1x128x128xf32, #tpu.memory_space<vmem>>
      %gather3A_1615 = tpu.memref_squeeze %gather3A_1614 : memref<1x128x128xf32, #tpu.memory_space<vmem>> -> memref<128x128xf32, #tpu.memory_space<vmem>>
      %gather3A_1616 = tpu.vector_load_idx %gather3A_1615[%add3A_1190, %add3A_1611] : memref<128x128xf32, #tpu.memory_space<vmem>>[vector<16xi32>, vector<16xi32>], vector<16xf32>,
      %add3A_1617 = arith.constant 22 : i32
      %add3A_1618 = vector.broadcast %add3A_1617 : i32 to vector<16xi32>
      %add3A_1619 = arith.addi %shift_left3A_1210, %add3A_1618 : vector<16xi32>
      %gather3A_1620 = arith.constant 0 : i32
      %gather3A_1621 = arith.constant 0 : i32
      %gather3A_1622 = tpu.memref_slice %arg12[%scan3A_1146, %gather3A_1620, %gather3A_1621] : memref<2x128x128xf32, #tpu.memory_space<vmem>> -> memref<1x128x128xf32, #tpu.memory_space<vmem>>
      %gather3A_1623 = tpu.memref_squeeze %gather3A_1622 : memref<1x128x128xf32, #tpu.memory_space<vmem>> -> memref<128x128xf32, #tpu.memory_space<vmem>>
      %gather3A_1624 = tpu.vector_load_idx %gather3A_1623[%add3A_1190, %add3A_1619] : memref<128x128xf32, #tpu.memory_space<vmem>>[vector<16xi32>, vector<16xi32>], vector<16xf32>,
      %mul3A_1625 = arith.mulf %gather3A_1616, %gather3A_1624 : vector<16xf32>
      %add3A_1626 = arith.addf %add3A_1608, %mul3A_1625 : vector<16xf32>
      %add3A_1627 = arith.constant 23 : i32
      %add3A_1628 = vector.broadcast %add3A_1627 : i32 to vector<16xi32>
      %add3A_1629 = arith.addi %shift_left3A_1201, %add3A_1628 : vector<16xi32>
      %gather3A_1630 = arith.constant 0 : i32
      %gather3A_1631 = arith.constant 0 : i32
      %gather3A_1632 = tpu.memref_slice %arg11[%scan3A_1145, %gather3A_1630, %gather3A_1631] : memref<2x128x128xf32, #tpu.memory_space<vmem>> -> memref<1x128x128xf32, #tpu.memory_space<vmem>>
      %gather3A_1633 = tpu.memref_squeeze %gather3A_1632 : memref<1x128x128xf32, #tpu.memory_space<vmem>> -> memref<128x128xf32, #tpu.memory_space<vmem>>
      %gather3A_1634 = tpu.vector_load_idx %gather3A_1633[%add3A_1190, %add3A_1629] : memref<128x128xf32, #tpu.memory_space<vmem>>[vector<16xi32>, vector<16xi32>], vector<16xf32>,
      %add3A_1635 = arith.constant 23 : i32
      %add3A_1636 = vector.broadcast %add3A_1635 : i32 to vector<16xi32>
      %add3A_1637 = arith.addi %shift_left3A_1210, %add3A_1636 : vector<16xi32>
      %gather3A_1638 = arith.constant 0 : i32
      %gather3A_1639 = arith.constant 0 : i32
      %gather3A_1640 = tpu.memref_slice %arg12[%scan3A_1146, %gather3A_1638, %gather3A_1639] : memref<2x128x128xf32, #tpu.memory_space<vmem>> -> memref<1x128x128xf32, #tpu.memory_space<vmem>>
      %gather3A_1641 = tpu.memref_squeeze %gather3A_1640 : memref<1x128x128xf32, #tpu.memory_space<vmem>> -> memref<128x128xf32, #tpu.memory_space<vmem>>
      %gather3A_1642 = tpu.vector_load_idx %gather3A_1641[%add3A_1190, %add3A_1637] : memref<128x128xf32, #tpu.memory_space<vmem>>[vector<16xi32>, vector<16xi32>], vector<16xf32>,
      %mul3A_1643 = arith.mulf %gather3A_1634, %gather3A_1642 : vector<16xf32>
      %add3A_1644 = arith.addf %add3A_1626, %mul3A_1643 : vector<16xf32>
      %add3A_1645 = arith.constant 24 : i32
      %add3A_1646 = vector.broadcast %add3A_1645 : i32 to vector<16xi32>
      %add3A_1647 = arith.addi %shift_left3A_1201, %add3A_1646 : vector<16xi32>
      %gather3A_1648 = arith.constant 0 : i32
      %gather3A_1649 = arith.constant 0 : i32
      %gather3A_1650 = tpu.memref_slice %arg11[%scan3A_1145, %gather3A_1648, %gather3A_1649] : memref<2x128x128xf32, #tpu.memory_space<vmem>> -> memref<1x128x128xf32, #tpu.memory_space<vmem>>
      %gather3A_1651 = tpu.memref_squeeze %gather3A_1650 : memref<1x128x128xf32, #tpu.memory_space<vmem>> -> memref<128x128xf32, #tpu.memory_space<vmem>>
      %gather3A_1652 = tpu.vector_load_idx %gather3A_1651[%add3A_1190, %add3A_1647] : memref<128x128xf32, #tpu.memory_space<vmem>>[vector<16xi32>, vector<16xi32>], vector<16xf32>,
      %add3A_1653 = arith.constant 24 : i32
      %add3A_1654 = vector.broadcast %add3A_1653 : i32 to vector<16xi32>
      %add3A_1655 = arith.addi %shift_left3A_1210, %add3A_1654 : vector<16xi32>
      %gather3A_1656 = arith.constant 0 : i32
      %gather3A_1657 = arith.constant 0 : i32
      %gather3A_1658 = tpu.memref_slice %arg12[%scan3A_1146, %gather3A_1656, %gather3A_1657] : memref<2x128x128xf32, #tpu.memory_space<vmem>> -> memref<1x128x128xf32, #tpu.memory_space<vmem>>
      %gather3A_1659 = tpu.memref_squeeze %gather3A_1658 : memref<1x128x128xf32, #tpu.memory_space<vmem>> -> memref<128x128xf32, #tpu.memory_space<vmem>>
      %gather3A_1660 = tpu.vector_load_idx %gather3A_1659[%add3A_1190, %add3A_1655] : memref<128x128xf32, #tpu.memory_space<vmem>>[vector<16xi32>, vector<16xi32>], vector<16xf32>,
      %mul3A_1661 = arith.mulf %gather3A_1652, %gather3A_1660 : vector<16xf32>
      %add3A_1662 = arith.addf %add3A_1644, %mul3A_1661 : vector<16xf32>
      %add3A_1663 = arith.constant 25 : i32
      %add3A_1664 = vector.broadcast %add3A_1663 : i32 to vector<16xi32>
      %add3A_1665 = arith.addi %shift_left3A_1201, %add3A_1664 : vector<16xi32>
      %gather3A_1666 = arith.constant 0 : i32
      %gather3A_1667 = arith.constant 0 : i32
      %gather3A_1668 = tpu.memref_slice %arg11[%scan3A_1145, %gather3A_1666, %gather3A_1667] : memref<2x128x128xf32, #tpu.memory_space<vmem>> -> memref<1x128x128xf32, #tpu.memory_space<vmem>>
      %gather3A_1669 = tpu.memref_squeeze %gather3A_1668 : memref<1x128x128xf32, #tpu.memory_space<vmem>> -> memref<128x128xf32, #tpu.memory_space<vmem>>
      %gather3A_1670 = tpu.vector_load_idx %gather3A_1669[%add3A_1190, %add3A_1665] : memref<128x128xf32, #tpu.memory_space<vmem>>[vector<16xi32>, vector<16xi32>], vector<16xf32>,
      %add3A_1671 = arith.constant 25 : i32
      %add3A_1672 = vector.broadcast %add3A_1671 : i32 to vector<16xi32>
      %add3A_1673 = arith.addi %shift_left3A_1210, %add3A_1672 : vector<16xi32>
      %gather3A_1674 = arith.constant 0 : i32
      %gather3A_1675 = arith.constant 0 : i32
      %gather3A_1676 = tpu.memref_slice %arg12[%scan3A_1146, %gather3A_1674, %gather3A_1675] : memref<2x128x128xf32, #tpu.memory_space<vmem>> -> memref<1x128x128xf32, #tpu.memory_space<vmem>>
      %gather3A_1677 = tpu.memref_squeeze %gather3A_1676 : memref<1x128x128xf32, #tpu.memory_space<vmem>> -> memref<128x128xf32, #tpu.memory_space<vmem>>
      %gather3A_1678 = tpu.vector_load_idx %gather3A_1677[%add3A_1190, %add3A_1673] : memref<128x128xf32, #tpu.memory_space<vmem>>[vector<16xi32>, vector<16xi32>], vector<16xf32>,
      %mul3A_1679 = arith.mulf %gather3A_1670, %gather3A_1678 : vector<16xf32>
      %add3A_1680 = arith.addf %add3A_1662, %mul3A_1679 : vector<16xf32>
      %add3A_1681 = arith.constant 26 : i32
      %add3A_1682 = vector.broadcast %add3A_1681 : i32 to vector<16xi32>
      %add3A_1683 = arith.addi %shift_left3A_1201, %add3A_1682 : vector<16xi32>
      %gather3A_1684 = arith.constant 0 : i32
      %gather3A_1685 = arith.constant 0 : i32
      %gather3A_1686 = tpu.memref_slice %arg11[%scan3A_1145, %gather3A_1684, %gather3A_1685] : memref<2x128x128xf32, #tpu.memory_space<vmem>> -> memref<1x128x128xf32, #tpu.memory_space<vmem>>
      %gather3A_1687 = tpu.memref_squeeze %gather3A_1686 : memref<1x128x128xf32, #tpu.memory_space<vmem>> -> memref<128x128xf32, #tpu.memory_space<vmem>>
      %gather3A_1688 = tpu.vector_load_idx %gather3A_1687[%add3A_1190, %add3A_1683] : memref<128x128xf32, #tpu.memory_space<vmem>>[vector<16xi32>, vector<16xi32>], vector<16xf32>,
      %add3A_1689 = arith.constant 26 : i32
      %add3A_1690 = vector.broadcast %add3A_1689 : i32 to vector<16xi32>
      %add3A_1691 = arith.addi %shift_left3A_1210, %add3A_1690 : vector<16xi32>
      %gather3A_1692 = arith.constant 0 : i32
      %gather3A_1693 = arith.constant 0 : i32
      %gather3A_1694 = tpu.memref_slice %arg12[%scan3A_1146, %gather3A_1692, %gather3A_1693] : memref<2x128x128xf32, #tpu.memory_space<vmem>> -> memref<1x128x128xf32, #tpu.memory_space<vmem>>
      %gather3A_1695 = tpu.memref_squeeze %gather3A_1694 : memref<1x128x128xf32, #tpu.memory_space<vmem>> -> memref<128x128xf32, #tpu.memory_space<vmem>>
      %gather3A_1696 = tpu.vector_load_idx %gather3A_1695[%add3A_1190, %add3A_1691] : memref<128x128xf32, #tpu.memory_space<vmem>>[vector<16xi32>, vector<16xi32>], vector<16xf32>,
      %mul3A_1697 = arith.mulf %gather3A_1688, %gather3A_1696 : vector<16xf32>
      %add3A_1698 = arith.addf %add3A_1680, %mul3A_1697 : vector<16xf32>
      %add3A_1699 = arith.constant 27 : i32
      %add3A_1700 = vector.broadcast %add3A_1699 : i32 to vector<16xi32>
      %add3A_1701 = arith.addi %shift_left3A_1201, %add3A_1700 : vector<16xi32>
      %gather3A_1702 = arith.constant 0 : i32
      %gather3A_1703 = arith.constant 0 : i32
      %gather3A_1704 = tpu.memref_slice %arg11[%scan3A_1145, %gather3A_1702, %gather3A_1703] : memref<2x128x128xf32, #tpu.memory_space<vmem>> -> memref<1x128x128xf32, #tpu.memory_space<vmem>>
      %gather3A_1705 = tpu.memref_squeeze %gather3A_1704 : memref<1x128x128xf32, #tpu.memory_space<vmem>> -> memref<128x128xf32, #tpu.memory_space<vmem>>
      %gather3A_1706 = tpu.vector_load_idx %gather3A_1705[%add3A_1190, %add3A_1701] : memref<128x128xf32, #tpu.memory_space<vmem>>[vector<16xi32>, vector<16xi32>], vector<16xf32>,
      %add3A_1707 = arith.constant 27 : i32
      %add3A_1708 = vector.broadcast %add3A_1707 : i32 to vector<16xi32>
      %add3A_1709 = arith.addi %shift_left3A_1210, %add3A_1708 : vector<16xi32>
      %gather3A_1710 = arith.constant 0 : i32
      %gather3A_1711 = arith.constant 0 : i32
      %gather3A_1712 = tpu.memref_slice %arg12[%scan3A_1146, %gather3A_1710, %gather3A_1711] : memref<2x128x128xf32, #tpu.memory_space<vmem>> -> memref<1x128x128xf32, #tpu.memory_space<vmem>>
      %gather3A_1713 = tpu.memref_squeeze %gather3A_1712 : memref<1x128x128xf32, #tpu.memory_space<vmem>> -> memref<128x128xf32, #tpu.memory_space<vmem>>
      %gather3A_1714 = tpu.vector_load_idx %gather3A_1713[%add3A_1190, %add3A_1709] : memref<128x128xf32, #tpu.memory_space<vmem>>[vector<16xi32>, vector<16xi32>], vector<16xf32>,
      %mul3A_1715 = arith.mulf %gather3A_1706, %gather3A_1714 : vector<16xf32>
      %add3A_1716 = arith.addf %add3A_1698, %mul3A_1715 : vector<16xf32>
      %add3A_1717 = arith.constant 28 : i32
      %add3A_1718 = vector.broadcast %add3A_1717 : i32 to vector<16xi32>
      %add3A_1719 = arith.addi %shift_left3A_1201, %add3A_1718 : vector<16xi32>
      %gather3A_1720 = arith.constant 0 : i32
      %gather3A_1721 = arith.constant 0 : i32
      %gather3A_1722 = tpu.memref_slice %arg11[%scan3A_1145, %gather3A_1720, %gather3A_1721] : memref<2x128x128xf32, #tpu.memory_space<vmem>> -> memref<1x128x128xf32, #tpu.memory_space<vmem>>
      %gather3A_1723 = tpu.memref_squeeze %gather3A_1722 : memref<1x128x128xf32, #tpu.memory_space<vmem>> -> memref<128x128xf32, #tpu.memory_space<vmem>>
      %gather3A_1724 = tpu.vector_load_idx %gather3A_1723[%add3A_1190, %add3A_1719] : memref<128x128xf32, #tpu.memory_space<vmem>>[vector<16xi32>, vector<16xi32>], vector<16xf32>,
      %add3A_1725 = arith.constant 28 : i32
      %add3A_1726 = vector.broadcast %add3A_1725 : i32 to vector<16xi32>
      %add3A_1727 = arith.addi %shift_left3A_1210, %add3A_1726 : vector<16xi32>
      %gather3A_1728 = arith.constant 0 : i32
      %gather3A_1729 = arith.constant 0 : i32
      %gather3A_1730 = tpu.memref_slice %arg12[%scan3A_1146, %gather3A_1728, %gather3A_1729] : memref<2x128x128xf32, #tpu.memory_space<vmem>> -> memref<1x128x128xf32, #tpu.memory_space<vmem>>
      %gather3A_1731 = tpu.memref_squeeze %gather3A_1730 : memref<1x128x128xf32, #tpu.memory_space<vmem>> -> memref<128x128xf32, #tpu.memory_space<vmem>>
      %gather3A_1732 = tpu.vector_load_idx %gather3A_1731[%add3A_1190, %add3A_1727] : memref<128x128xf32, #tpu.memory_space<vmem>>[vector<16xi32>, vector<16xi32>], vector<16xf32>,
      %mul3A_1733 = arith.mulf %gather3A_1724, %gather3A_1732 : vector<16xf32>
      %add3A_1734 = arith.addf %add3A_1716, %mul3A_1733 : vector<16xf32>
      %add3A_1735 = arith.constant 29 : i32
      %add3A_1736 = vector.broadcast %add3A_1735 : i32 to vector<16xi32>
      %add3A_1737 = arith.addi %shift_left3A_1201, %add3A_1736 : vector<16xi32>
      %gather3A_1738 = arith.constant 0 : i32
      %gather3A_1739 = arith.constant 0 : i32
      %gather3A_1740 = tpu.memref_slice %arg11[%scan3A_1145, %gather3A_1738, %gather3A_1739] : memref<2x128x128xf32, #tpu.memory_space<vmem>> -> memref<1x128x128xf32, #tpu.memory_space<vmem>>
      %gather3A_1741 = tpu.memref_squeeze %gather3A_1740 : memref<1x128x128xf32, #tpu.memory_space<vmem>> -> memref<128x128xf32, #tpu.memory_space<vmem>>
      %gather3A_1742 = tpu.vector_load_idx %gather3A_1741[%add3A_1190, %add3A_1737] : memref<128x128xf32, #tpu.memory_space<vmem>>[vector<16xi32>, vector<16xi32>], vector<16xf32>,
      %add3A_1743 = arith.constant 29 : i32
      %add3A_1744 = vector.broadcast %add3A_1743 : i32 to vector<16xi32>
      %add3A_1745 = arith.addi %shift_left3A_1210, %add3A_1744 : vector<16xi32>
      %gather3A_1746 = arith.constant 0 : i32
      %gather3A_1747 = arith.constant 0 : i32
      %gather3A_1748 = tpu.memref_slice %arg12[%scan3A_1146, %gather3A_1746, %gather3A_1747] : memref<2x128x128xf32, #tpu.memory_space<vmem>> -> memref<1x128x128xf32, #tpu.memory_space<vmem>>
      %gather3A_1749 = tpu.memref_squeeze %gather3A_1748 : memref<1x128x128xf32, #tpu.memory_space<vmem>> -> memref<128x128xf32, #tpu.memory_space<vmem>>
      %gather3A_1750 = tpu.vector_load_idx %gather3A_1749[%add3A_1190, %add3A_1745] : memref<128x128xf32, #tpu.memory_space<vmem>>[vector<16xi32>, vector<16xi32>], vector<16xf32>,
      %mul3A_1751 = arith.mulf %gather3A_1742, %gather3A_1750 : vector<16xf32>
      %add3A_1752 = arith.addf %add3A_1734, %mul3A_1751 : vector<16xf32>
      %add3A_1753 = arith.constant 30 : i32
      %add3A_1754 = vector.broadcast %add3A_1753 : i32 to vector<16xi32>
      %add3A_1755 = arith.addi %shift_left3A_1201, %add3A_1754 : vector<16xi32>
      %gather3A_1756 = arith.constant 0 : i32
      %gather3A_1757 = arith.constant 0 : i32
      %gather3A_1758 = tpu.memref_slice %arg11[%scan3A_1145, %gather3A_1756, %gather3A_1757] : memref<2x128x128xf32, #tpu.memory_space<vmem>> -> memref<1x128x128xf32, #tpu.memory_space<vmem>>
      %gather3A_1759 = tpu.memref_squeeze %gather3A_1758 : memref<1x128x128xf32, #tpu.memory_space<vmem>> -> memref<128x128xf32, #tpu.memory_space<vmem>>
      %gather3A_1760 = tpu.vector_load_idx %gather3A_1759[%add3A_1190, %add3A_1755] : memref<128x128xf32, #tpu.memory_space<vmem>>[vector<16xi32>, vector<16xi32>], vector<16xf32>,
      %add3A_1761 = arith.constant 30 : i32
      %add3A_1762 = vector.broadcast %add3A_1761 : i32 to vector<16xi32>
      %add3A_1763 = arith.addi %shift_left3A_1210, %add3A_1762 : vector<16xi32>
      %gather3A_1764 = arith.constant 0 : i32
      %gather3A_1765 = arith.constant 0 : i32
      %gather3A_1766 = tpu.memref_slice %arg12[%scan3A_1146, %gather3A_1764, %gather3A_1765] : memref<2x128x128xf32, #tpu.memory_space<vmem>> -> memref<1x128x128xf32, #tpu.memory_space<vmem>>
      %gather3A_1767 = tpu.memref_squeeze %gather3A_1766 : memref<1x128x128xf32, #tpu.memory_space<vmem>> -> memref<128x128xf32, #tpu.memory_space<vmem>>
      %gather3A_1768 = tpu.vector_load_idx %gather3A_1767[%add3A_1190, %add3A_1763] : memref<128x128xf32, #tpu.memory_space<vmem>>[vector<16xi32>, vector<16xi32>], vector<16xf32>,
      %mul3A_1769 = arith.mulf %gather3A_1760, %gather3A_1768 : vector<16xf32>
      %add3A_1770 = arith.addf %add3A_1752, %mul3A_1769 : vector<16xf32>
      %add3A_1771 = arith.constant 31 : i32
      %add3A_1772 = vector.broadcast %add3A_1771 : i32 to vector<16xi32>
      %add3A_1773 = arith.addi %shift_left3A_1201, %add3A_1772 : vector<16xi32>
      %gather3A_1774 = arith.constant 0 : i32
      %gather3A_1775 = arith.constant 0 : i32
      %gather3A_1776 = tpu.memref_slice %arg11[%scan3A_1145, %gather3A_1774, %gather3A_1775] : memref<2x128x128xf32, #tpu.memory_space<vmem>> -> memref<1x128x128xf32, #tpu.memory_space<vmem>>
      %gather3A_1777 = tpu.memref_squeeze %gather3A_1776 : memref<1x128x128xf32, #tpu.memory_space<vmem>> -> memref<128x128xf32, #tpu.memory_space<vmem>>
      %gather3A_1778 = tpu.vector_load_idx %gather3A_1777[%add3A_1190, %add3A_1773] : memref<128x128xf32, #tpu.memory_space<vmem>>[vector<16xi32>, vector<16xi32>], vector<16xf32>,
      %add3A_1779 = arith.constant 31 : i32
      %add3A_1780 = vector.broadcast %add3A_1779 : i32 to vector<16xi32>
      %add3A_1781 = arith.addi %shift_left3A_1210, %add3A_1780 : vector<16xi32>
      %gather3A_1782 = arith.constant 0 : i32
      %gather3A_1783 = arith.constant 0 : i32
      %gather3A_1784 = tpu.memref_slice %arg12[%scan3A_1146, %gather3A_1782, %gather3A_1783] : memref<2x128x128xf32, #tpu.memory_space<vmem>> -> memref<1x128x128xf32, #tpu.memory_space<vmem>>
      %gather3A_1785 = tpu.memref_squeeze %gather3A_1784 : memref<1x128x128xf32, #tpu.memory_space<vmem>> -> memref<128x128xf32, #tpu.memory_space<vmem>>
      %gather3A_1786 = tpu.vector_load_idx %gather3A_1785[%add3A_1190, %add3A_1781] : memref<128x128xf32, #tpu.memory_space<vmem>>[vector<16xi32>, vector<16xi32>], vector<16xf32>,
      %mul3A_1787 = arith.mulf %gather3A_1778, %gather3A_1786 : vector<16xf32>
      %add3A_1788 = arith.addf %add3A_1770, %mul3A_1787 : vector<16xf32>
      %mul3A_1789 = arith.constant 128 : i32
      %mul3A_1790 = vector.broadcast %mul3A_1789 : i32 to vector<16xi32>
      %mul3A_1791 = arith.muli %broadcast_in_dim3A_1143, %mul3A_1790 : vector<16xi32>
      %add3A_1792 = arith.addi %mul3A_1791, %add3A_1190 : vector<16xi32>
      tpu.vector_store_idx %arg13[%add3A_1792], %add3A_1788 : memref<512xf32, #tpu.memory_space<vmem>>[vector<16xi32>], vector<16xf32>,
    }
    %scan3A_1151 = arith.constant 8 : i32
    %dma_wait3A_1152 = arith.constant 3 : i32
    %dma_wait3A_1153 = arith.constant 1 : i32
    %dma_wait3A_1154 = arith.constant 0 : i32
    %dma_wait3A_1155 = arith.constant 0 : i32
    %dma_wait3A_1156 = tpu.memref_slice %arg11[%dma_wait3A_1153, %dma_wait3A_1154, %dma_wait3A_1155] : memref<2x128x128xf32, #tpu.memory_space<vmem>> -> memref<1x128x128xf32, #tpu.memory_space<vmem>>
    %dma_wait3A_1157 = tpu.memref_squeeze %dma_wait3A_1156 : memref<1x128x128xf32, #tpu.memory_space<vmem>> -> memref<128x128xf32, #tpu.memory_space<vmem>>
    %dma_wait3A_1158 = arith.constant 0 : i32
    %dma_wait3A_1159 = tpu.memref_slice %arg9[%dma_wait3A_1152, %dma_wait3A_1158] : memref<4x128xi32, #tpu.memory_space<vmem>> -> memref<1x128xi32, #tpu.memory_space<vmem>>
    %dma_wait3A_1160 = tpu.memref_squeeze %dma_wait3A_1159 : memref<1x128xi32, #tpu.memory_space<vmem>> -> memref<128xi32, #tpu.memory_space<vmem>>
    %dma_wait3A_1161 = arith.constant 0 : i32
    %dma_wait3A_1162 = arith.constant 0 : i32
    %dma_wait3A_1163 = tpu.memref_slice %arg4[%dma_wait3A_1161, %dma_wait3A_1162] : memref<253952x128xf32, #tpu.memory_space<hbm>> -> memref<253952x128xf32, #tpu.memory_space<hbm>>
    tpu.wait_indirect_dma semaphore(%arg16 : memref<!tpu.dma_semaphore, #tpu.memory_space<semaphore_mem>>) src(%dma_wait3A_1163 : memref<253952x128xf32, #tpu.memory_space<hbm>>) dst(%dma_wait3A_1157 : memref<128x128xf32, #tpu.memory_space<vmem>>)
    %dma_wait3A_1164 = arith.constant 3 : i32
    %dma_wait3A_1165 = arith.constant 1 : i32
    %dma_wait3A_1166 = arith.constant 0 : i32
    %dma_wait3A_1167 = arith.constant 0 : i32
    %dma_wait3A_1168 = tpu.memref_slice %arg12[%dma_wait3A_1165, %dma_wait3A_1166, %dma_wait3A_1167] : memref<2x128x128xf32, #tpu.memory_space<vmem>> -> memref<1x128x128xf32, #tpu.memory_space<vmem>>
    %dma_wait3A_1169 = tpu.memref_squeeze %dma_wait3A_1168 : memref<1x128x128xf32, #tpu.memory_space<vmem>> -> memref<128x128xf32, #tpu.memory_space<vmem>>
    %dma_wait3A_1170 = arith.constant 0 : i32
    %dma_wait3A_1171 = tpu.memref_slice %arg10[%dma_wait3A_1164, %dma_wait3A_1170] : memref<4x128xi32, #tpu.memory_space<vmem>> -> memref<1x128xi32, #tpu.memory_space<vmem>>
    %dma_wait3A_1172 = tpu.memref_squeeze %dma_wait3A_1171 : memref<1x128xi32, #tpu.memory_space<vmem>> -> memref<128xi32, #tpu.memory_space<vmem>>
    %dma_wait3A_1173 = arith.constant 0 : i32
    %dma_wait3A_1174 = arith.constant 0 : i32
    %dma_wait3A_1175 = tpu.memref_slice %arg5[%dma_wait3A_1173, %dma_wait3A_1174] : memref<253952x128xf32, #tpu.memory_space<hbm>> -> memref<253952x128xf32, #tpu.memory_space<hbm>>
    tpu.wait_indirect_dma semaphore(%arg18 : memref<!tpu.dma_semaphore, #tpu.memory_space<semaphore_mem>>) src(%dma_wait3A_1175 : memref<253952x128xf32, #tpu.memory_space<hbm>>) dst(%dma_wait3A_1169 : memref<128x128xf32, #tpu.memory_space<vmem>>)
    %broadcast_in_dim3A_1176 = arith.constant 3 : i32
    %broadcast_in_dim3A_1177 = vector.broadcast %broadcast_in_dim3A_1176 : i32 to vector<16xi32>
    %scan3A_1178 = arith.constant 0 : i32
    %scan3A_1179 = arith.constant 1 : i32
    %scan3A_1180 = arith.constant 1 : i32
    %scan3A_1181 = arith.constant 0 : i32
    %scan3A_1182 = arith.constant 8 : i32
    %scan3A_1183 = arith.addi %scan3A_1181, %scan3A_1182 : i32
    %scan3A_1184 = arith.constant 1 : i32
    scf.for %scan3A_1186 = %scan3A_1181 to %scan3A_1183 step %scan3A_1184  : i32 {
      %mul3A_1187 = arith.constant 16 : i32
      %mul3A_1188 = arith.muli %scan3A_1186, %mul3A_1187 : i32
      %add3A_1189 = vector.broadcast %mul3A_1188 : i32 to vector<16xi32>
      %add3A_1190 = arith.addi %iota3A, %add3A_1189 : vector<16xi32>
      %gather3A_1191 = tpu.vector_load_idx %arg7[%broadcast_in_dim3A_1177, %add3A_1190] : memref<4x128xi32, #tpu.memory_space<vmem>>[vector<16xi32>, vector<16xi32>], vector<16xi32>,
      %gather3A_1192 = tpu.vector_load_idx %arg8[%broadcast_in_dim3A_1177, %add3A_1190] : memref<4x128xi32, #tpu.memory_space<vmem>>[vector<16xi32>, vector<16xi32>], vector<16xi32>,
      %shift_right_logical3A_1193 = arith.constant 13 : i32
      %shift_right_logical3A_1194 = vector.broadcast %shift_right_logical3A_1193 : i32 to vector<16xi32>
      %shift_right_logical3A_1195 = arith.shrui %gather3A_1191, %shift_right_logical3A_1194 : vector<16xi32>
      %and3A_1196 = arith.constant 3 : i32
      %and3A_1197 = vector.broadcast %and3A_1196 : i32 to vector<16xi32>
      %and3A_1198 = arith.andi %shift_right_logical3A_1195, %and3A_1197 : vector<16xi32>
      %shift_left3A_1199 = arith.constant 5 : i32
      %shift_left3A_1200 = vector.broadcast %shift_left3A_1199 : i32 to vector<16xi32>
      %shift_left3A_1201 = arith.shli %and3A_1198, %shift_left3A_1200 : vector<16xi32>
      %shift_right_logical3A_1202 = arith.constant 13 : i32
      %shift_right_logical3A_1203 = vector.broadcast %shift_right_logical3A_1202 : i32 to vector<16xi32>
      %shift_right_logical3A_1204 = arith.shrui %gather3A_1192, %shift_right_logical3A_1203 : vector<16xi32>
      %and3A_1205 = arith.constant 3 : i32
      %and3A_1206 = vector.broadcast %and3A_1205 : i32 to vector<16xi32>
      %and3A_1207 = arith.andi %shift_right_logical3A_1204, %and3A_1206 : vector<16xi32>
      %shift_left3A_1208 = arith.constant 5 : i32
      %shift_left3A_1209 = vector.broadcast %shift_left3A_1208 : i32 to vector<16xi32>
      %shift_left3A_1210 = arith.shli %and3A_1207, %shift_left3A_1209 : vector<16xi32>
      %broadcast_in_dim3A_1211 = arith.constant 0.000000e+00 : f32
      %broadcast_in_dim3A_1212 = vector.broadcast %broadcast_in_dim3A_1211 : f32 to vector<16xf32>
      %add3A_1213 = arith.constant 0 : i32
      %add3A_1214 = vector.broadcast %add3A_1213 : i32 to vector<16xi32>
      %add3A_1215 = arith.addi %shift_left3A_1201, %add3A_1214 : vector<16xi32>
      %gather3A_1216 = arith.constant 0 : i32
      %gather3A_1217 = arith.constant 0 : i32
      %gather3A_1218 = tpu.memref_slice %arg11[%scan3A_1179, %gather3A_1216, %gather3A_1217] : memref<2x128x128xf32, #tpu.memory_space<vmem>> -> memref<1x128x128xf32, #tpu.memory_space<vmem>>
      %gather3A_1219 = tpu.memref_squeeze %gather3A_1218 : memref<1x128x128xf32, #tpu.memory_space<vmem>> -> memref<128x128xf32, #tpu.memory_space<vmem>>
      %gather3A_1220 = tpu.vector_load_idx %gather3A_1219[%add3A_1190, %add3A_1215] : memref<128x128xf32, #tpu.memory_space<vmem>>[vector<16xi32>, vector<16xi32>], vector<16xf32>,
      %add3A_1221 = arith.constant 0 : i32
      %add3A_1222 = vector.broadcast %add3A_1221 : i32 to vector<16xi32>
      %add3A_1223 = arith.addi %shift_left3A_1210, %add3A_1222 : vector<16xi32>
      %gather3A_1224 = arith.constant 0 : i32
      %gather3A_1225 = arith.constant 0 : i32
      %gather3A_1226 = tpu.memref_slice %arg12[%scan3A_1180, %gather3A_1224, %gather3A_1225] : memref<2x128x128xf32, #tpu.memory_space<vmem>> -> memref<1x128x128xf32, #tpu.memory_space<vmem>>
      %gather3A_1227 = tpu.memref_squeeze %gather3A_1226 : memref<1x128x128xf32, #tpu.memory_space<vmem>> -> memref<128x128xf32, #tpu.memory_space<vmem>>
      %gather3A_1228 = tpu.vector_load_idx %gather3A_1227[%add3A_1190, %add3A_1223] : memref<128x128xf32, #tpu.memory_space<vmem>>[vector<16xi32>, vector<16xi32>], vector<16xf32>,
      %mul3A_1229 = arith.mulf %gather3A_1220, %gather3A_1228 : vector<16xf32>
      %add3A_1230 = arith.addf %broadcast_in_dim3A_1212, %mul3A_1229 : vector<16xf32>
      %add3A_1231 = arith.constant 1 : i32
      %add3A_1232 = vector.broadcast %add3A_1231 : i32 to vector<16xi32>
      %add3A_1233 = arith.addi %shift_left3A_1201, %add3A_1232 : vector<16xi32>
      %gather3A_1234 = arith.constant 0 : i32
      %gather3A_1235 = arith.constant 0 : i32
      %gather3A_1236 = tpu.memref_slice %arg11[%scan3A_1179, %gather3A_1234, %gather3A_1235] : memref<2x128x128xf32, #tpu.memory_space<vmem>> -> memref<1x128x128xf32, #tpu.memory_space<vmem>>
      %gather3A_1237 = tpu.memref_squeeze %gather3A_1236 : memref<1x128x128xf32, #tpu.memory_space<vmem>> -> memref<128x128xf32, #tpu.memory_space<vmem>>
      %gather3A_1238 = tpu.vector_load_idx %gather3A_1237[%add3A_1190, %add3A_1233] : memref<128x128xf32, #tpu.memory_space<vmem>>[vector<16xi32>, vector<16xi32>], vector<16xf32>,
      %add3A_1239 = arith.constant 1 : i32
      %add3A_1240 = vector.broadcast %add3A_1239 : i32 to vector<16xi32>
      %add3A_1241 = arith.addi %shift_left3A_1210, %add3A_1240 : vector<16xi32>
      %gather3A_1242 = arith.constant 0 : i32
      %gather3A_1243 = arith.constant 0 : i32
      %gather3A_1244 = tpu.memref_slice %arg12[%scan3A_1180, %gather3A_1242, %gather3A_1243] : memref<2x128x128xf32, #tpu.memory_space<vmem>> -> memref<1x128x128xf32, #tpu.memory_space<vmem>>
      %gather3A_1245 = tpu.memref_squeeze %gather3A_1244 : memref<1x128x128xf32, #tpu.memory_space<vmem>> -> memref<128x128xf32, #tpu.memory_space<vmem>>
      %gather3A_1246 = tpu.vector_load_idx %gather3A_1245[%add3A_1190, %add3A_1241] : memref<128x128xf32, #tpu.memory_space<vmem>>[vector<16xi32>, vector<16xi32>], vector<16xf32>,
      %mul3A_1247 = arith.mulf %gather3A_1238, %gather3A_1246 : vector<16xf32>
      %add3A_1248 = arith.addf %add3A_1230, %mul3A_1247 : vector<16xf32>
      %add3A_1249 = arith.constant 2 : i32
      %add3A_1250 = vector.broadcast %add3A_1249 : i32 to vector<16xi32>
      %add3A_1251 = arith.addi %shift_left3A_1201, %add3A_1250 : vector<16xi32>
      %gather3A_1252 = arith.constant 0 : i32
      %gather3A_1253 = arith.constant 0 : i32
      %gather3A_1254 = tpu.memref_slice %arg11[%scan3A_1179, %gather3A_1252, %gather3A_1253] : memref<2x128x128xf32, #tpu.memory_space<vmem>> -> memref<1x128x128xf32, #tpu.memory_space<vmem>>
      %gather3A_1255 = tpu.memref_squeeze %gather3A_1254 : memref<1x128x128xf32, #tpu.memory_space<vmem>> -> memref<128x128xf32, #tpu.memory_space<vmem>>
      %gather3A_1256 = tpu.vector_load_idx %gather3A_1255[%add3A_1190, %add3A_1251] : memref<128x128xf32, #tpu.memory_space<vmem>>[vector<16xi32>, vector<16xi32>], vector<16xf32>,
      %add3A_1257 = arith.constant 2 : i32
      %add3A_1258 = vector.broadcast %add3A_1257 : i32 to vector<16xi32>
      %add3A_1259 = arith.addi %shift_left3A_1210, %add3A_1258 : vector<16xi32>
      %gather3A_1260 = arith.constant 0 : i32
      %gather3A_1261 = arith.constant 0 : i32
      %gather3A_1262 = tpu.memref_slice %arg12[%scan3A_1180, %gather3A_1260, %gather3A_1261] : memref<2x128x128xf32, #tpu.memory_space<vmem>> -> memref<1x128x128xf32, #tpu.memory_space<vmem>>
      %gather3A_1263 = tpu.memref_squeeze %gather3A_1262 : memref<1x128x128xf32, #tpu.memory_space<vmem>> -> memref<128x128xf32, #tpu.memory_space<vmem>>
      %gather3A_1264 = tpu.vector_load_idx %gather3A_1263[%add3A_1190, %add3A_1259] : memref<128x128xf32, #tpu.memory_space<vmem>>[vector<16xi32>, vector<16xi32>], vector<16xf32>,
      %mul3A_1265 = arith.mulf %gather3A_1256, %gather3A_1264 : vector<16xf32>
      %add3A_1266 = arith.addf %add3A_1248, %mul3A_1265 : vector<16xf32>
      %add3A_1267 = arith.constant 3 : i32
      %add3A_1268 = vector.broadcast %add3A_1267 : i32 to vector<16xi32>
      %add3A_1269 = arith.addi %shift_left3A_1201, %add3A_1268 : vector<16xi32>
      %gather3A_1270 = arith.constant 0 : i32
      %gather3A_1271 = arith.constant 0 : i32
      %gather3A_1272 = tpu.memref_slice %arg11[%scan3A_1179, %gather3A_1270, %gather3A_1271] : memref<2x128x128xf32, #tpu.memory_space<vmem>> -> memref<1x128x128xf32, #tpu.memory_space<vmem>>
      %gather3A_1273 = tpu.memref_squeeze %gather3A_1272 : memref<1x128x128xf32, #tpu.memory_space<vmem>> -> memref<128x128xf32, #tpu.memory_space<vmem>>
      %gather3A_1274 = tpu.vector_load_idx %gather3A_1273[%add3A_1190, %add3A_1269] : memref<128x128xf32, #tpu.memory_space<vmem>>[vector<16xi32>, vector<16xi32>], vector<16xf32>,
      %add3A_1275 = arith.constant 3 : i32
      %add3A_1276 = vector.broadcast %add3A_1275 : i32 to vector<16xi32>
      %add3A_1277 = arith.addi %shift_left3A_1210, %add3A_1276 : vector<16xi32>
      %gather3A_1278 = arith.constant 0 : i32
      %gather3A_1279 = arith.constant 0 : i32
      %gather3A_1280 = tpu.memref_slice %arg12[%scan3A_1180, %gather3A_1278, %gather3A_1279] : memref<2x128x128xf32, #tpu.memory_space<vmem>> -> memref<1x128x128xf32, #tpu.memory_space<vmem>>
      %gather3A_1281 = tpu.memref_squeeze %gather3A_1280 : memref<1x128x128xf32, #tpu.memory_space<vmem>> -> memref<128x128xf32, #tpu.memory_space<vmem>>
      %gather3A_1282 = tpu.vector_load_idx %gather3A_1281[%add3A_1190, %add3A_1277] : memref<128x128xf32, #tpu.memory_space<vmem>>[vector<16xi32>, vector<16xi32>], vector<16xf32>,
      %mul3A_1283 = arith.mulf %gather3A_1274, %gather3A_1282 : vector<16xf32>
      %add3A_1284 = arith.addf %add3A_1266, %mul3A_1283 : vector<16xf32>
      %add3A_1285 = arith.constant 4 : i32
      %add3A_1286 = vector.broadcast %add3A_1285 : i32 to vector<16xi32>
      %add3A_1287 = arith.addi %shift_left3A_1201, %add3A_1286 : vector<16xi32>
      %gather3A_1288 = arith.constant 0 : i32
      %gather3A_1289 = arith.constant 0 : i32
      %gather3A_1290 = tpu.memref_slice %arg11[%scan3A_1179, %gather3A_1288, %gather3A_1289] : memref<2x128x128xf32, #tpu.memory_space<vmem>> -> memref<1x128x128xf32, #tpu.memory_space<vmem>>
      %gather3A_1291 = tpu.memref_squeeze %gather3A_1290 : memref<1x128x128xf32, #tpu.memory_space<vmem>> -> memref<128x128xf32, #tpu.memory_space<vmem>>
      %gather3A_1292 = tpu.vector_load_idx %gather3A_1291[%add3A_1190, %add3A_1287] : memref<128x128xf32, #tpu.memory_space<vmem>>[vector<16xi32>, vector<16xi32>], vector<16xf32>,
      %add3A_1293 = arith.constant 4 : i32
      %add3A_1294 = vector.broadcast %add3A_1293 : i32 to vector<16xi32>
      %add3A_1295 = arith.addi %shift_left3A_1210, %add3A_1294 : vector<16xi32>
      %gather3A_1296 = arith.constant 0 : i32
      %gather3A_1297 = arith.constant 0 : i32
      %gather3A_1298 = tpu.memref_slice %arg12[%scan3A_1180, %gather3A_1296, %gather3A_1297] : memref<2x128x128xf32, #tpu.memory_space<vmem>> -> memref<1x128x128xf32, #tpu.memory_space<vmem>>
      %gather3A_1299 = tpu.memref_squeeze %gather3A_1298 : memref<1x128x128xf32, #tpu.memory_space<vmem>> -> memref<128x128xf32, #tpu.memory_space<vmem>>
      %gather3A_1300 = tpu.vector_load_idx %gather3A_1299[%add3A_1190, %add3A_1295] : memref<128x128xf32, #tpu.memory_space<vmem>>[vector<16xi32>, vector<16xi32>], vector<16xf32>,
      %mul3A_1301 = arith.mulf %gather3A_1292, %gather3A_1300 : vector<16xf32>
      %add3A_1302 = arith.addf %add3A_1284, %mul3A_1301 : vector<16xf32>
      %add3A_1303 = arith.constant 5 : i32
      %add3A_1304 = vector.broadcast %add3A_1303 : i32 to vector<16xi32>
      %add3A_1305 = arith.addi %shift_left3A_1201, %add3A_1304 : vector<16xi32>
      %gather3A_1306 = arith.constant 0 : i32
      %gather3A_1307 = arith.constant 0 : i32
      %gather3A_1308 = tpu.memref_slice %arg11[%scan3A_1179, %gather3A_1306, %gather3A_1307] : memref<2x128x128xf32, #tpu.memory_space<vmem>> -> memref<1x128x128xf32, #tpu.memory_space<vmem>>
      %gather3A_1309 = tpu.memref_squeeze %gather3A_1308 : memref<1x128x128xf32, #tpu.memory_space<vmem>> -> memref<128x128xf32, #tpu.memory_space<vmem>>
      %gather3A_1310 = tpu.vector_load_idx %gather3A_1309[%add3A_1190, %add3A_1305] : memref<128x128xf32, #tpu.memory_space<vmem>>[vector<16xi32>, vector<16xi32>], vector<16xf32>,
      %add3A_1311 = arith.constant 5 : i32
      %add3A_1312 = vector.broadcast %add3A_1311 : i32 to vector<16xi32>
      %add3A_1313 = arith.addi %shift_left3A_1210, %add3A_1312 : vector<16xi32>
      %gather3A_1314 = arith.constant 0 : i32
      %gather3A_1315 = arith.constant 0 : i32
      %gather3A_1316 = tpu.memref_slice %arg12[%scan3A_1180, %gather3A_1314, %gather3A_1315] : memref<2x128x128xf32, #tpu.memory_space<vmem>> -> memref<1x128x128xf32, #tpu.memory_space<vmem>>
      %gather3A_1317 = tpu.memref_squeeze %gather3A_1316 : memref<1x128x128xf32, #tpu.memory_space<vmem>> -> memref<128x128xf32, #tpu.memory_space<vmem>>
      %gather3A_1318 = tpu.vector_load_idx %gather3A_1317[%add3A_1190, %add3A_1313] : memref<128x128xf32, #tpu.memory_space<vmem>>[vector<16xi32>, vector<16xi32>], vector<16xf32>,
      %mul3A_1319 = arith.mulf %gather3A_1310, %gather3A_1318 : vector<16xf32>
      %add3A_1320 = arith.addf %add3A_1302, %mul3A_1319 : vector<16xf32>
      %add3A_1321 = arith.constant 6 : i32
      %add3A_1322 = vector.broadcast %add3A_1321 : i32 to vector<16xi32>
      %add3A_1323 = arith.addi %shift_left3A_1201, %add3A_1322 : vector<16xi32>
      %gather3A_1324 = arith.constant 0 : i32
      %gather3A_1325 = arith.constant 0 : i32
      %gather3A_1326 = tpu.memref_slice %arg11[%scan3A_1179, %gather3A_1324, %gather3A_1325] : memref<2x128x128xf32, #tpu.memory_space<vmem>> -> memref<1x128x128xf32, #tpu.memory_space<vmem>>
      %gather3A_1327 = tpu.memref_squeeze %gather3A_1326 : memref<1x128x128xf32, #tpu.memory_space<vmem>> -> memref<128x128xf32, #tpu.memory_space<vmem>>
      %gather3A_1328 = tpu.vector_load_idx %gather3A_1327[%add3A_1190, %add3A_1323] : memref<128x128xf32, #tpu.memory_space<vmem>>[vector<16xi32>, vector<16xi32>], vector<16xf32>,
      %add3A_1329 = arith.constant 6 : i32
      %add3A_1330 = vector.broadcast %add3A_1329 : i32 to vector<16xi32>
      %add3A_1331 = arith.addi %shift_left3A_1210, %add3A_1330 : vector<16xi32>
      %gather3A_1332 = arith.constant 0 : i32
      %gather3A_1333 = arith.constant 0 : i32
      %gather3A_1334 = tpu.memref_slice %arg12[%scan3A_1180, %gather3A_1332, %gather3A_1333] : memref<2x128x128xf32, #tpu.memory_space<vmem>> -> memref<1x128x128xf32, #tpu.memory_space<vmem>>
      %gather3A_1335 = tpu.memref_squeeze %gather3A_1334 : memref<1x128x128xf32, #tpu.memory_space<vmem>> -> memref<128x128xf32, #tpu.memory_space<vmem>>
      %gather3A_1336 = tpu.vector_load_idx %gather3A_1335[%add3A_1190, %add3A_1331] : memref<128x128xf32, #tpu.memory_space<vmem>>[vector<16xi32>, vector<16xi32>], vector<16xf32>,
      %mul3A_1337 = arith.mulf %gather3A_1328, %gather3A_1336 : vector<16xf32>
      %add3A_1338 = arith.addf %add3A_1320, %mul3A_1337 : vector<16xf32>
      %add3A_1339 = arith.constant 7 : i32
      %add3A_1340 = vector.broadcast %add3A_1339 : i32 to vector<16xi32>
      %add3A_1341 = arith.addi %shift_left3A_1201, %add3A_1340 : vector<16xi32>
      %gather3A_1342 = arith.constant 0 : i32
      %gather3A_1343 = arith.constant 0 : i32
      %gather3A_1344 = tpu.memref_slice %arg11[%scan3A_1179, %gather3A_1342, %gather3A_1343] : memref<2x128x128xf32, #tpu.memory_space<vmem>> -> memref<1x128x128xf32, #tpu.memory_space<vmem>>
      %gather3A_1345 = tpu.memref_squeeze %gather3A_1344 : memref<1x128x128xf32, #tpu.memory_space<vmem>> -> memref<128x128xf32, #tpu.memory_space<vmem>>
      %gather3A_1346 = tpu.vector_load_idx %gather3A_1345[%add3A_1190, %add3A_1341] : memref<128x128xf32, #tpu.memory_space<vmem>>[vector<16xi32>, vector<16xi32>], vector<16xf32>,
      %add3A_1347 = arith.constant 7 : i32
      %add3A_1348 = vector.broadcast %add3A_1347 : i32 to vector<16xi32>
      %add3A_1349 = arith.addi %shift_left3A_1210, %add3A_1348 : vector<16xi32>
      %gather3A_1350 = arith.constant 0 : i32
      %gather3A_1351 = arith.constant 0 : i32
      %gather3A_1352 = tpu.memref_slice %arg12[%scan3A_1180, %gather3A_1350, %gather3A_1351] : memref<2x128x128xf32, #tpu.memory_space<vmem>> -> memref<1x128x128xf32, #tpu.memory_space<vmem>>
      %gather3A_1353 = tpu.memref_squeeze %gather3A_1352 : memref<1x128x128xf32, #tpu.memory_space<vmem>> -> memref<128x128xf32, #tpu.memory_space<vmem>>
      %gather3A_1354 = tpu.vector_load_idx %gather3A_1353[%add3A_1190, %add3A_1349] : memref<128x128xf32, #tpu.memory_space<vmem>>[vector<16xi32>, vector<16xi32>], vector<16xf32>,
      %mul3A_1355 = arith.mulf %gather3A_1346, %gather3A_1354 : vector<16xf32>
      %add3A_1356 = arith.addf %add3A_1338, %mul3A_1355 : vector<16xf32>
      %add3A_1357 = arith.constant 8 : i32
      %add3A_1358 = vector.broadcast %add3A_1357 : i32 to vector<16xi32>
      %add3A_1359 = arith.addi %shift_left3A_1201, %add3A_1358 : vector<16xi32>
      %gather3A_1360 = arith.constant 0 : i32
      %gather3A_1361 = arith.constant 0 : i32
      %gather3A_1362 = tpu.memref_slice %arg11[%scan3A_1179, %gather3A_1360, %gather3A_1361] : memref<2x128x128xf32, #tpu.memory_space<vmem>> -> memref<1x128x128xf32, #tpu.memory_space<vmem>>
      %gather3A_1363 = tpu.memref_squeeze %gather3A_1362 : memref<1x128x128xf32, #tpu.memory_space<vmem>> -> memref<128x128xf32, #tpu.memory_space<vmem>>
      %gather3A_1364 = tpu.vector_load_idx %gather3A_1363[%add3A_1190, %add3A_1359] : memref<128x128xf32, #tpu.memory_space<vmem>>[vector<16xi32>, vector<16xi32>], vector<16xf32>,
      %add3A_1365 = arith.constant 8 : i32
      %add3A_1366 = vector.broadcast %add3A_1365 : i32 to vector<16xi32>
      %add3A_1367 = arith.addi %shift_left3A_1210, %add3A_1366 : vector<16xi32>
      %gather3A_1368 = arith.constant 0 : i32
      %gather3A_1369 = arith.constant 0 : i32
      %gather3A_1370 = tpu.memref_slice %arg12[%scan3A_1180, %gather3A_1368, %gather3A_1369] : memref<2x128x128xf32, #tpu.memory_space<vmem>> -> memref<1x128x128xf32, #tpu.memory_space<vmem>>
      %gather3A_1371 = tpu.memref_squeeze %gather3A_1370 : memref<1x128x128xf32, #tpu.memory_space<vmem>> -> memref<128x128xf32, #tpu.memory_space<vmem>>
      %gather3A_1372 = tpu.vector_load_idx %gather3A_1371[%add3A_1190, %add3A_1367] : memref<128x128xf32, #tpu.memory_space<vmem>>[vector<16xi32>, vector<16xi32>], vector<16xf32>,
      %mul3A_1373 = arith.mulf %gather3A_1364, %gather3A_1372 : vector<16xf32>
      %add3A_1374 = arith.addf %add3A_1356, %mul3A_1373 : vector<16xf32>
      %add3A_1375 = arith.constant 9 : i32
      %add3A_1376 = vector.broadcast %add3A_1375 : i32 to vector<16xi32>
      %add3A_1377 = arith.addi %shift_left3A_1201, %add3A_1376 : vector<16xi32>
      %gather3A_1378 = arith.constant 0 : i32
      %gather3A_1379 = arith.constant 0 : i32
      %gather3A_1380 = tpu.memref_slice %arg11[%scan3A_1179, %gather3A_1378, %gather3A_1379] : memref<2x128x128xf32, #tpu.memory_space<vmem>> -> memref<1x128x128xf32, #tpu.memory_space<vmem>>
      %gather3A_1381 = tpu.memref_squeeze %gather3A_1380 : memref<1x128x128xf32, #tpu.memory_space<vmem>> -> memref<128x128xf32, #tpu.memory_space<vmem>>
      %gather3A_1382 = tpu.vector_load_idx %gather3A_1381[%add3A_1190, %add3A_1377] : memref<128x128xf32, #tpu.memory_space<vmem>>[vector<16xi32>, vector<16xi32>], vector<16xf32>,
      %add3A_1383 = arith.constant 9 : i32
      %add3A_1384 = vector.broadcast %add3A_1383 : i32 to vector<16xi32>
      %add3A_1385 = arith.addi %shift_left3A_1210, %add3A_1384 : vector<16xi32>
      %gather3A_1386 = arith.constant 0 : i32
      %gather3A_1387 = arith.constant 0 : i32
      %gather3A_1388 = tpu.memref_slice %arg12[%scan3A_1180, %gather3A_1386, %gather3A_1387] : memref<2x128x128xf32, #tpu.memory_space<vmem>> -> memref<1x128x128xf32, #tpu.memory_space<vmem>>
      %gather3A_1389 = tpu.memref_squeeze %gather3A_1388 : memref<1x128x128xf32, #tpu.memory_space<vmem>> -> memref<128x128xf32, #tpu.memory_space<vmem>>
      %gather3A_1390 = tpu.vector_load_idx %gather3A_1389[%add3A_1190, %add3A_1385] : memref<128x128xf32, #tpu.memory_space<vmem>>[vector<16xi32>, vector<16xi32>], vector<16xf32>,
      %mul3A_1391 = arith.mulf %gather3A_1382, %gather3A_1390 : vector<16xf32>
      %add3A_1392 = arith.addf %add3A_1374, %mul3A_1391 : vector<16xf32>
      %add3A_1393 = arith.constant 10 : i32
      %add3A_1394 = vector.broadcast %add3A_1393 : i32 to vector<16xi32>
      %add3A_1395 = arith.addi %shift_left3A_1201, %add3A_1394 : vector<16xi32>
      %gather3A_1396 = arith.constant 0 : i32
      %gather3A_1397 = arith.constant 0 : i32
      %gather3A_1398 = tpu.memref_slice %arg11[%scan3A_1179, %gather3A_1396, %gather3A_1397] : memref<2x128x128xf32, #tpu.memory_space<vmem>> -> memref<1x128x128xf32, #tpu.memory_space<vmem>>
      %gather3A_1399 = tpu.memref_squeeze %gather3A_1398 : memref<1x128x128xf32, #tpu.memory_space<vmem>> -> memref<128x128xf32, #tpu.memory_space<vmem>>
      %gather3A_1400 = tpu.vector_load_idx %gather3A_1399[%add3A_1190, %add3A_1395] : memref<128x128xf32, #tpu.memory_space<vmem>>[vector<16xi32>, vector<16xi32>], vector<16xf32>,
      %add3A_1401 = arith.constant 10 : i32
      %add3A_1402 = vector.broadcast %add3A_1401 : i32 to vector<16xi32>
      %add3A_1403 = arith.addi %shift_left3A_1210, %add3A_1402 : vector<16xi32>
      %gather3A_1404 = arith.constant 0 : i32
      %gather3A_1405 = arith.constant 0 : i32
      %gather3A_1406 = tpu.memref_slice %arg12[%scan3A_1180, %gather3A_1404, %gather3A_1405] : memref<2x128x128xf32, #tpu.memory_space<vmem>> -> memref<1x128x128xf32, #tpu.memory_space<vmem>>
      %gather3A_1407 = tpu.memref_squeeze %gather3A_1406 : memref<1x128x128xf32, #tpu.memory_space<vmem>> -> memref<128x128xf32, #tpu.memory_space<vmem>>
      %gather3A_1408 = tpu.vector_load_idx %gather3A_1407[%add3A_1190, %add3A_1403] : memref<128x128xf32, #tpu.memory_space<vmem>>[vector<16xi32>, vector<16xi32>], vector<16xf32>,
      %mul3A_1409 = arith.mulf %gather3A_1400, %gather3A_1408 : vector<16xf32>
      %add3A_1410 = arith.addf %add3A_1392, %mul3A_1409 : vector<16xf32>
      %add3A_1411 = arith.constant 11 : i32
      %add3A_1412 = vector.broadcast %add3A_1411 : i32 to vector<16xi32>
      %add3A_1413 = arith.addi %shift_left3A_1201, %add3A_1412 : vector<16xi32>
      %gather3A_1414 = arith.constant 0 : i32
      %gather3A_1415 = arith.constant 0 : i32
      %gather3A_1416 = tpu.memref_slice %arg11[%scan3A_1179, %gather3A_1414, %gather3A_1415] : memref<2x128x128xf32, #tpu.memory_space<vmem>> -> memref<1x128x128xf32, #tpu.memory_space<vmem>>
      %gather3A_1417 = tpu.memref_squeeze %gather3A_1416 : memref<1x128x128xf32, #tpu.memory_space<vmem>> -> memref<128x128xf32, #tpu.memory_space<vmem>>
      %gather3A_1418 = tpu.vector_load_idx %gather3A_1417[%add3A_1190, %add3A_1413] : memref<128x128xf32, #tpu.memory_space<vmem>>[vector<16xi32>, vector<16xi32>], vector<16xf32>,
      %add3A_1419 = arith.constant 11 : i32
      %add3A_1420 = vector.broadcast %add3A_1419 : i32 to vector<16xi32>
      %add3A_1421 = arith.addi %shift_left3A_1210, %add3A_1420 : vector<16xi32>
      %gather3A_1422 = arith.constant 0 : i32
      %gather3A_1423 = arith.constant 0 : i32
      %gather3A_1424 = tpu.memref_slice %arg12[%scan3A_1180, %gather3A_1422, %gather3A_1423] : memref<2x128x128xf32, #tpu.memory_space<vmem>> -> memref<1x128x128xf32, #tpu.memory_space<vmem>>
      %gather3A_1425 = tpu.memref_squeeze %gather3A_1424 : memref<1x128x128xf32, #tpu.memory_space<vmem>> -> memref<128x128xf32, #tpu.memory_space<vmem>>
      %gather3A_1426 = tpu.vector_load_idx %gather3A_1425[%add3A_1190, %add3A_1421] : memref<128x128xf32, #tpu.memory_space<vmem>>[vector<16xi32>, vector<16xi32>], vector<16xf32>,
      %mul3A_1427 = arith.mulf %gather3A_1418, %gather3A_1426 : vector<16xf32>
      %add3A_1428 = arith.addf %add3A_1410, %mul3A_1427 : vector<16xf32>
      %add3A_1429 = arith.constant 12 : i32
      %add3A_1430 = vector.broadcast %add3A_1429 : i32 to vector<16xi32>
      %add3A_1431 = arith.addi %shift_left3A_1201, %add3A_1430 : vector<16xi32>
      %gather3A_1432 = arith.constant 0 : i32
      %gather3A_1433 = arith.constant 0 : i32
      %gather3A_1434 = tpu.memref_slice %arg11[%scan3A_1179, %gather3A_1432, %gather3A_1433] : memref<2x128x128xf32, #tpu.memory_space<vmem>> -> memref<1x128x128xf32, #tpu.memory_space<vmem>>
      %gather3A_1435 = tpu.memref_squeeze %gather3A_1434 : memref<1x128x128xf32, #tpu.memory_space<vmem>> -> memref<128x128xf32, #tpu.memory_space<vmem>>
      %gather3A_1436 = tpu.vector_load_idx %gather3A_1435[%add3A_1190, %add3A_1431] : memref<128x128xf32, #tpu.memory_space<vmem>>[vector<16xi32>, vector<16xi32>], vector<16xf32>,
      %add3A_1437 = arith.constant 12 : i32
      %add3A_1438 = vector.broadcast %add3A_1437 : i32 to vector<16xi32>
      %add3A_1439 = arith.addi %shift_left3A_1210, %add3A_1438 : vector<16xi32>
      %gather3A_1440 = arith.constant 0 : i32
      %gather3A_1441 = arith.constant 0 : i32
      %gather3A_1442 = tpu.memref_slice %arg12[%scan3A_1180, %gather3A_1440, %gather3A_1441] : memref<2x128x128xf32, #tpu.memory_space<vmem>> -> memref<1x128x128xf32, #tpu.memory_space<vmem>>
      %gather3A_1443 = tpu.memref_squeeze %gather3A_1442 : memref<1x128x128xf32, #tpu.memory_space<vmem>> -> memref<128x128xf32, #tpu.memory_space<vmem>>
      %gather3A_1444 = tpu.vector_load_idx %gather3A_1443[%add3A_1190, %add3A_1439] : memref<128x128xf32, #tpu.memory_space<vmem>>[vector<16xi32>, vector<16xi32>], vector<16xf32>,
      %mul3A_1445 = arith.mulf %gather3A_1436, %gather3A_1444 : vector<16xf32>
      %add3A_1446 = arith.addf %add3A_1428, %mul3A_1445 : vector<16xf32>
      %add3A_1447 = arith.constant 13 : i32
      %add3A_1448 = vector.broadcast %add3A_1447 : i32 to vector<16xi32>
      %add3A_1449 = arith.addi %shift_left3A_1201, %add3A_1448 : vector<16xi32>
      %gather3A_1450 = arith.constant 0 : i32
      %gather3A_1451 = arith.constant 0 : i32
      %gather3A_1452 = tpu.memref_slice %arg11[%scan3A_1179, %gather3A_1450, %gather3A_1451] : memref<2x128x128xf32, #tpu.memory_space<vmem>> -> memref<1x128x128xf32, #tpu.memory_space<vmem>>
      %gather3A_1453 = tpu.memref_squeeze %gather3A_1452 : memref<1x128x128xf32, #tpu.memory_space<vmem>> -> memref<128x128xf32, #tpu.memory_space<vmem>>
      %gather3A_1454 = tpu.vector_load_idx %gather3A_1453[%add3A_1190, %add3A_1449] : memref<128x128xf32, #tpu.memory_space<vmem>>[vector<16xi32>, vector<16xi32>], vector<16xf32>,
      %add3A_1455 = arith.constant 13 : i32
      %add3A_1456 = vector.broadcast %add3A_1455 : i32 to vector<16xi32>
      %add3A_1457 = arith.addi %shift_left3A_1210, %add3A_1456 : vector<16xi32>
      %gather3A_1458 = arith.constant 0 : i32
      %gather3A_1459 = arith.constant 0 : i32
      %gather3A_1460 = tpu.memref_slice %arg12[%scan3A_1180, %gather3A_1458, %gather3A_1459] : memref<2x128x128xf32, #tpu.memory_space<vmem>> -> memref<1x128x128xf32, #tpu.memory_space<vmem>>
      %gather3A_1461 = tpu.memref_squeeze %gather3A_1460 : memref<1x128x128xf32, #tpu.memory_space<vmem>> -> memref<128x128xf32, #tpu.memory_space<vmem>>
      %gather3A_1462 = tpu.vector_load_idx %gather3A_1461[%add3A_1190, %add3A_1457] : memref<128x128xf32, #tpu.memory_space<vmem>>[vector<16xi32>, vector<16xi32>], vector<16xf32>,
      %mul3A_1463 = arith.mulf %gather3A_1454, %gather3A_1462 : vector<16xf32>
      %add3A_1464 = arith.addf %add3A_1446, %mul3A_1463 : vector<16xf32>
      %add3A_1465 = arith.constant 14 : i32
      %add3A_1466 = vector.broadcast %add3A_1465 : i32 to vector<16xi32>
      %add3A_1467 = arith.addi %shift_left3A_1201, %add3A_1466 : vector<16xi32>
      %gather3A_1468 = arith.constant 0 : i32
      %gather3A_1469 = arith.constant 0 : i32
      %gather3A_1470 = tpu.memref_slice %arg11[%scan3A_1179, %gather3A_1468, %gather3A_1469] : memref<2x128x128xf32, #tpu.memory_space<vmem>> -> memref<1x128x128xf32, #tpu.memory_space<vmem>>
      %gather3A_1471 = tpu.memref_squeeze %gather3A_1470 : memref<1x128x128xf32, #tpu.memory_space<vmem>> -> memref<128x128xf32, #tpu.memory_space<vmem>>
      %gather3A_1472 = tpu.vector_load_idx %gather3A_1471[%add3A_1190, %add3A_1467] : memref<128x128xf32, #tpu.memory_space<vmem>>[vector<16xi32>, vector<16xi32>], vector<16xf32>,
      %add3A_1473 = arith.constant 14 : i32
      %add3A_1474 = vector.broadcast %add3A_1473 : i32 to vector<16xi32>
      %add3A_1475 = arith.addi %shift_left3A_1210, %add3A_1474 : vector<16xi32>
      %gather3A_1476 = arith.constant 0 : i32
      %gather3A_1477 = arith.constant 0 : i32
      %gather3A_1478 = tpu.memref_slice %arg12[%scan3A_1180, %gather3A_1476, %gather3A_1477] : memref<2x128x128xf32, #tpu.memory_space<vmem>> -> memref<1x128x128xf32, #tpu.memory_space<vmem>>
      %gather3A_1479 = tpu.memref_squeeze %gather3A_1478 : memref<1x128x128xf32, #tpu.memory_space<vmem>> -> memref<128x128xf32, #tpu.memory_space<vmem>>
      %gather3A_1480 = tpu.vector_load_idx %gather3A_1479[%add3A_1190, %add3A_1475] : memref<128x128xf32, #tpu.memory_space<vmem>>[vector<16xi32>, vector<16xi32>], vector<16xf32>,
      %mul3A_1481 = arith.mulf %gather3A_1472, %gather3A_1480 : vector<16xf32>
      %add3A_1482 = arith.addf %add3A_1464, %mul3A_1481 : vector<16xf32>
      %add3A_1483 = arith.constant 15 : i32
      %add3A_1484 = vector.broadcast %add3A_1483 : i32 to vector<16xi32>
      %add3A_1485 = arith.addi %shift_left3A_1201, %add3A_1484 : vector<16xi32>
      %gather3A_1486 = arith.constant 0 : i32
      %gather3A_1487 = arith.constant 0 : i32
      %gather3A_1488 = tpu.memref_slice %arg11[%scan3A_1179, %gather3A_1486, %gather3A_1487] : memref<2x128x128xf32, #tpu.memory_space<vmem>> -> memref<1x128x128xf32, #tpu.memory_space<vmem>>
      %gather3A_1489 = tpu.memref_squeeze %gather3A_1488 : memref<1x128x128xf32, #tpu.memory_space<vmem>> -> memref<128x128xf32, #tpu.memory_space<vmem>>
      %gather3A_1490 = tpu.vector_load_idx %gather3A_1489[%add3A_1190, %add3A_1485] : memref<128x128xf32, #tpu.memory_space<vmem>>[vector<16xi32>, vector<16xi32>], vector<16xf32>,
      %add3A_1491 = arith.constant 15 : i32
      %add3A_1492 = vector.broadcast %add3A_1491 : i32 to vector<16xi32>
      %add3A_1493 = arith.addi %shift_left3A_1210, %add3A_1492 : vector<16xi32>
      %gather3A_1494 = arith.constant 0 : i32
      %gather3A_1495 = arith.constant 0 : i32
      %gather3A_1496 = tpu.memref_slice %arg12[%scan3A_1180, %gather3A_1494, %gather3A_1495] : memref<2x128x128xf32, #tpu.memory_space<vmem>> -> memref<1x128x128xf32, #tpu.memory_space<vmem>>
      %gather3A_1497 = tpu.memref_squeeze %gather3A_1496 : memref<1x128x128xf32, #tpu.memory_space<vmem>> -> memref<128x128xf32, #tpu.memory_space<vmem>>
      %gather3A_1498 = tpu.vector_load_idx %gather3A_1497[%add3A_1190, %add3A_1493] : memref<128x128xf32, #tpu.memory_space<vmem>>[vector<16xi32>, vector<16xi32>], vector<16xf32>,
      %mul3A_1499 = arith.mulf %gather3A_1490, %gather3A_1498 : vector<16xf32>
      %add3A_1500 = arith.addf %add3A_1482, %mul3A_1499 : vector<16xf32>
      %add3A_1501 = arith.constant 16 : i32
      %add3A_1502 = vector.broadcast %add3A_1501 : i32 to vector<16xi32>
      %add3A_1503 = arith.addi %shift_left3A_1201, %add3A_1502 : vector<16xi32>
      %gather3A_1504 = arith.constant 0 : i32
      %gather3A_1505 = arith.constant 0 : i32
      %gather3A_1506 = tpu.memref_slice %arg11[%scan3A_1179, %gather3A_1504, %gather3A_1505] : memref<2x128x128xf32, #tpu.memory_space<vmem>> -> memref<1x128x128xf32, #tpu.memory_space<vmem>>
      %gather3A_1507 = tpu.memref_squeeze %gather3A_1506 : memref<1x128x128xf32, #tpu.memory_space<vmem>> -> memref<128x128xf32, #tpu.memory_space<vmem>>
      %gather3A_1508 = tpu.vector_load_idx %gather3A_1507[%add3A_1190, %add3A_1503] : memref<128x128xf32, #tpu.memory_space<vmem>>[vector<16xi32>, vector<16xi32>], vector<16xf32>,
      %add3A_1509 = arith.constant 16 : i32
      %add3A_1510 = vector.broadcast %add3A_1509 : i32 to vector<16xi32>
      %add3A_1511 = arith.addi %shift_left3A_1210, %add3A_1510 : vector<16xi32>
      %gather3A_1512 = arith.constant 0 : i32
      %gather3A_1513 = arith.constant 0 : i32
      %gather3A_1514 = tpu.memref_slice %arg12[%scan3A_1180, %gather3A_1512, %gather3A_1513] : memref<2x128x128xf32, #tpu.memory_space<vmem>> -> memref<1x128x128xf32, #tpu.memory_space<vmem>>
      %gather3A_1515 = tpu.memref_squeeze %gather3A_1514 : memref<1x128x128xf32, #tpu.memory_space<vmem>> -> memref<128x128xf32, #tpu.memory_space<vmem>>
      %gather3A_1516 = tpu.vector_load_idx %gather3A_1515[%add3A_1190, %add3A_1511] : memref<128x128xf32, #tpu.memory_space<vmem>>[vector<16xi32>, vector<16xi32>], vector<16xf32>,
      %mul3A_1517 = arith.mulf %gather3A_1508, %gather3A_1516 : vector<16xf32>
      %add3A_1518 = arith.addf %add3A_1500, %mul3A_1517 : vector<16xf32>
      %add3A_1519 = arith.constant 17 : i32
      %add3A_1520 = vector.broadcast %add3A_1519 : i32 to vector<16xi32>
      %add3A_1521 = arith.addi %shift_left3A_1201, %add3A_1520 : vector<16xi32>
      %gather3A_1522 = arith.constant 0 : i32
      %gather3A_1523 = arith.constant 0 : i32
      %gather3A_1524 = tpu.memref_slice %arg11[%scan3A_1179, %gather3A_1522, %gather3A_1523] : memref<2x128x128xf32, #tpu.memory_space<vmem>> -> memref<1x128x128xf32, #tpu.memory_space<vmem>>
      %gather3A_1525 = tpu.memref_squeeze %gather3A_1524 : memref<1x128x128xf32, #tpu.memory_space<vmem>> -> memref<128x128xf32, #tpu.memory_space<vmem>>
      %gather3A_1526 = tpu.vector_load_idx %gather3A_1525[%add3A_1190, %add3A_1521] : memref<128x128xf32, #tpu.memory_space<vmem>>[vector<16xi32>, vector<16xi32>], vector<16xf32>,
      %add3A_1527 = arith.constant 17 : i32
      %add3A_1528 = vector.broadcast %add3A_1527 : i32 to vector<16xi32>
      %add3A_1529 = arith.addi %shift_left3A_1210, %add3A_1528 : vector<16xi32>
      %gather3A_1530 = arith.constant 0 : i32
      %gather3A_1531 = arith.constant 0 : i32
      %gather3A_1532 = tpu.memref_slice %arg12[%scan3A_1180, %gather3A_1530, %gather3A_1531] : memref<2x128x128xf32, #tpu.memory_space<vmem>> -> memref<1x128x128xf32, #tpu.memory_space<vmem>>
      %gather3A_1533 = tpu.memref_squeeze %gather3A_1532 : memref<1x128x128xf32, #tpu.memory_space<vmem>> -> memref<128x128xf32, #tpu.memory_space<vmem>>
      %gather3A_1534 = tpu.vector_load_idx %gather3A_1533[%add3A_1190, %add3A_1529] : memref<128x128xf32, #tpu.memory_space<vmem>>[vector<16xi32>, vector<16xi32>], vector<16xf32>,
      %mul3A_1535 = arith.mulf %gather3A_1526, %gather3A_1534 : vector<16xf32>
      %add3A_1536 = arith.addf %add3A_1518, %mul3A_1535 : vector<16xf32>
      %add3A_1537 = arith.constant 18 : i32
      %add3A_1538 = vector.broadcast %add3A_1537 : i32 to vector<16xi32>
      %add3A_1539 = arith.addi %shift_left3A_1201, %add3A_1538 : vector<16xi32>
      %gather3A_1540 = arith.constant 0 : i32
      %gather3A_1541 = arith.constant 0 : i32
      %gather3A_1542 = tpu.memref_slice %arg11[%scan3A_1179, %gather3A_1540, %gather3A_1541] : memref<2x128x128xf32, #tpu.memory_space<vmem>> -> memref<1x128x128xf32, #tpu.memory_space<vmem>>
      %gather3A_1543 = tpu.memref_squeeze %gather3A_1542 : memref<1x128x128xf32, #tpu.memory_space<vmem>> -> memref<128x128xf32, #tpu.memory_space<vmem>>
      %gather3A_1544 = tpu.vector_load_idx %gather3A_1543[%add3A_1190, %add3A_1539] : memref<128x128xf32, #tpu.memory_space<vmem>>[vector<16xi32>, vector<16xi32>], vector<16xf32>,
      %add3A_1545 = arith.constant 18 : i32
      %add3A_1546 = vector.broadcast %add3A_1545 : i32 to vector<16xi32>
      %add3A_1547 = arith.addi %shift_left3A_1210, %add3A_1546 : vector<16xi32>
      %gather3A_1548 = arith.constant 0 : i32
      %gather3A_1549 = arith.constant 0 : i32
      %gather3A_1550 = tpu.memref_slice %arg12[%scan3A_1180, %gather3A_1548, %gather3A_1549] : memref<2x128x128xf32, #tpu.memory_space<vmem>> -> memref<1x128x128xf32, #tpu.memory_space<vmem>>
      %gather3A_1551 = tpu.memref_squeeze %gather3A_1550 : memref<1x128x128xf32, #tpu.memory_space<vmem>> -> memref<128x128xf32, #tpu.memory_space<vmem>>
      %gather3A_1552 = tpu.vector_load_idx %gather3A_1551[%add3A_1190, %add3A_1547] : memref<128x128xf32, #tpu.memory_space<vmem>>[vector<16xi32>, vector<16xi32>], vector<16xf32>,
      %mul3A_1553 = arith.mulf %gather3A_1544, %gather3A_1552 : vector<16xf32>
      %add3A_1554 = arith.addf %add3A_1536, %mul3A_1553 : vector<16xf32>
      %add3A_1555 = arith.constant 19 : i32
      %add3A_1556 = vector.broadcast %add3A_1555 : i32 to vector<16xi32>
      %add3A_1557 = arith.addi %shift_left3A_1201, %add3A_1556 : vector<16xi32>
      %gather3A_1558 = arith.constant 0 : i32
      %gather3A_1559 = arith.constant 0 : i32
      %gather3A_1560 = tpu.memref_slice %arg11[%scan3A_1179, %gather3A_1558, %gather3A_1559] : memref<2x128x128xf32, #tpu.memory_space<vmem>> -> memref<1x128x128xf32, #tpu.memory_space<vmem>>
      %gather3A_1561 = tpu.memref_squeeze %gather3A_1560 : memref<1x128x128xf32, #tpu.memory_space<vmem>> -> memref<128x128xf32, #tpu.memory_space<vmem>>
      %gather3A_1562 = tpu.vector_load_idx %gather3A_1561[%add3A_1190, %add3A_1557] : memref<128x128xf32, #tpu.memory_space<vmem>>[vector<16xi32>, vector<16xi32>], vector<16xf32>,
      %add3A_1563 = arith.constant 19 : i32
      %add3A_1564 = vector.broadcast %add3A_1563 : i32 to vector<16xi32>
      %add3A_1565 = arith.addi %shift_left3A_1210, %add3A_1564 : vector<16xi32>
      %gather3A_1566 = arith.constant 0 : i32
      %gather3A_1567 = arith.constant 0 : i32
      %gather3A_1568 = tpu.memref_slice %arg12[%scan3A_1180, %gather3A_1566, %gather3A_1567] : memref<2x128x128xf32, #tpu.memory_space<vmem>> -> memref<1x128x128xf32, #tpu.memory_space<vmem>>
      %gather3A_1569 = tpu.memref_squeeze %gather3A_1568 : memref<1x128x128xf32, #tpu.memory_space<vmem>> -> memref<128x128xf32, #tpu.memory_space<vmem>>
      %gather3A_1570 = tpu.vector_load_idx %gather3A_1569[%add3A_1190, %add3A_1565] : memref<128x128xf32, #tpu.memory_space<vmem>>[vector<16xi32>, vector<16xi32>], vector<16xf32>,
      %mul3A_1571 = arith.mulf %gather3A_1562, %gather3A_1570 : vector<16xf32>
      %add3A_1572 = arith.addf %add3A_1554, %mul3A_1571 : vector<16xf32>
      %add3A_1573 = arith.constant 20 : i32
      %add3A_1574 = vector.broadcast %add3A_1573 : i32 to vector<16xi32>
      %add3A_1575 = arith.addi %shift_left3A_1201, %add3A_1574 : vector<16xi32>
      %gather3A_1576 = arith.constant 0 : i32
      %gather3A_1577 = arith.constant 0 : i32
      %gather3A_1578 = tpu.memref_slice %arg11[%scan3A_1179, %gather3A_1576, %gather3A_1577] : memref<2x128x128xf32, #tpu.memory_space<vmem>> -> memref<1x128x128xf32, #tpu.memory_space<vmem>>
      %gather3A_1579 = tpu.memref_squeeze %gather3A_1578 : memref<1x128x128xf32, #tpu.memory_space<vmem>> -> memref<128x128xf32, #tpu.memory_space<vmem>>
      %gather3A_1580 = tpu.vector_load_idx %gather3A_1579[%add3A_1190, %add3A_1575] : memref<128x128xf32, #tpu.memory_space<vmem>>[vector<16xi32>, vector<16xi32>], vector<16xf32>,
      %add3A_1581 = arith.constant 20 : i32
      %add3A_1582 = vector.broadcast %add3A_1581 : i32 to vector<16xi32>
      %add3A_1583 = arith.addi %shift_left3A_1210, %add3A_1582 : vector<16xi32>
      %gather3A_1584 = arith.constant 0 : i32
      %gather3A_1585 = arith.constant 0 : i32
      %gather3A_1586 = tpu.memref_slice %arg12[%scan3A_1180, %gather3A_1584, %gather3A_1585] : memref<2x128x128xf32, #tpu.memory_space<vmem>> -> memref<1x128x128xf32, #tpu.memory_space<vmem>>
      %gather3A_1587 = tpu.memref_squeeze %gather3A_1586 : memref<1x128x128xf32, #tpu.memory_space<vmem>> -> memref<128x128xf32, #tpu.memory_space<vmem>>
      %gather3A_1588 = tpu.vector_load_idx %gather3A_1587[%add3A_1190, %add3A_1583] : memref<128x128xf32, #tpu.memory_space<vmem>>[vector<16xi32>, vector<16xi32>], vector<16xf32>,
      %mul3A_1589 = arith.mulf %gather3A_1580, %gather3A_1588 : vector<16xf32>
      %add3A_1590 = arith.addf %add3A_1572, %mul3A_1589 : vector<16xf32>
      %add3A_1591 = arith.constant 21 : i32
      %add3A_1592 = vector.broadcast %add3A_1591 : i32 to vector<16xi32>
      %add3A_1593 = arith.addi %shift_left3A_1201, %add3A_1592 : vector<16xi32>
      %gather3A_1594 = arith.constant 0 : i32
      %gather3A_1595 = arith.constant 0 : i32
      %gather3A_1596 = tpu.memref_slice %arg11[%scan3A_1179, %gather3A_1594, %gather3A_1595] : memref<2x128x128xf32, #tpu.memory_space<vmem>> -> memref<1x128x128xf32, #tpu.memory_space<vmem>>
      %gather3A_1597 = tpu.memref_squeeze %gather3A_1596 : memref<1x128x128xf32, #tpu.memory_space<vmem>> -> memref<128x128xf32, #tpu.memory_space<vmem>>
      %gather3A_1598 = tpu.vector_load_idx %gather3A_1597[%add3A_1190, %add3A_1593] : memref<128x128xf32, #tpu.memory_space<vmem>>[vector<16xi32>, vector<16xi32>], vector<16xf32>,
      %add3A_1599 = arith.constant 21 : i32
      %add3A_1600 = vector.broadcast %add3A_1599 : i32 to vector<16xi32>
      %add3A_1601 = arith.addi %shift_left3A_1210, %add3A_1600 : vector<16xi32>
      %gather3A_1602 = arith.constant 0 : i32
      %gather3A_1603 = arith.constant 0 : i32
      %gather3A_1604 = tpu.memref_slice %arg12[%scan3A_1180, %gather3A_1602, %gather3A_1603] : memref<2x128x128xf32, #tpu.memory_space<vmem>> -> memref<1x128x128xf32, #tpu.memory_space<vmem>>
      %gather3A_1605 = tpu.memref_squeeze %gather3A_1604 : memref<1x128x128xf32, #tpu.memory_space<vmem>> -> memref<128x128xf32, #tpu.memory_space<vmem>>
      %gather3A_1606 = tpu.vector_load_idx %gather3A_1605[%add3A_1190, %add3A_1601] : memref<128x128xf32, #tpu.memory_space<vmem>>[vector<16xi32>, vector<16xi32>], vector<16xf32>,
      %mul3A_1607 = arith.mulf %gather3A_1598, %gather3A_1606 : vector<16xf32>
      %add3A_1608 = arith.addf %add3A_1590, %mul3A_1607 : vector<16xf32>
      %add3A_1609 = arith.constant 22 : i32
      %add3A_1610 = vector.broadcast %add3A_1609 : i32 to vector<16xi32>
      %add3A_1611 = arith.addi %shift_left3A_1201, %add3A_1610 : vector<16xi32>
      %gather3A_1612 = arith.constant 0 : i32
      %gather3A_1613 = arith.constant 0 : i32
      %gather3A_1614 = tpu.memref_slice %arg11[%scan3A_1179, %gather3A_1612, %gather3A_1613] : memref<2x128x128xf32, #tpu.memory_space<vmem>> -> memref<1x128x128xf32, #tpu.memory_space<vmem>>
      %gather3A_1615 = tpu.memref_squeeze %gather3A_1614 : memref<1x128x128xf32, #tpu.memory_space<vmem>> -> memref<128x128xf32, #tpu.memory_space<vmem>>
      %gather3A_1616 = tpu.vector_load_idx %gather3A_1615[%add3A_1190, %add3A_1611] : memref<128x128xf32, #tpu.memory_space<vmem>>[vector<16xi32>, vector<16xi32>], vector<16xf32>,
      %add3A_1617 = arith.constant 22 : i32
      %add3A_1618 = vector.broadcast %add3A_1617 : i32 to vector<16xi32>
      %add3A_1619 = arith.addi %shift_left3A_1210, %add3A_1618 : vector<16xi32>
      %gather3A_1620 = arith.constant 0 : i32
      %gather3A_1621 = arith.constant 0 : i32
      %gather3A_1622 = tpu.memref_slice %arg12[%scan3A_1180, %gather3A_1620, %gather3A_1621] : memref<2x128x128xf32, #tpu.memory_space<vmem>> -> memref<1x128x128xf32, #tpu.memory_space<vmem>>
      %gather3A_1623 = tpu.memref_squeeze %gather3A_1622 : memref<1x128x128xf32, #tpu.memory_space<vmem>> -> memref<128x128xf32, #tpu.memory_space<vmem>>
      %gather3A_1624 = tpu.vector_load_idx %gather3A_1623[%add3A_1190, %add3A_1619] : memref<128x128xf32, #tpu.memory_space<vmem>>[vector<16xi32>, vector<16xi32>], vector<16xf32>,
      %mul3A_1625 = arith.mulf %gather3A_1616, %gather3A_1624 : vector<16xf32>
      %add3A_1626 = arith.addf %add3A_1608, %mul3A_1625 : vector<16xf32>
      %add3A_1627 = arith.constant 23 : i32
      %add3A_1628 = vector.broadcast %add3A_1627 : i32 to vector<16xi32>
      %add3A_1629 = arith.addi %shift_left3A_1201, %add3A_1628 : vector<16xi32>
      %gather3A_1630 = arith.constant 0 : i32
      %gather3A_1631 = arith.constant 0 : i32
      %gather3A_1632 = tpu.memref_slice %arg11[%scan3A_1179, %gather3A_1630, %gather3A_1631] : memref<2x128x128xf32, #tpu.memory_space<vmem>> -> memref<1x128x128xf32, #tpu.memory_space<vmem>>
      %gather3A_1633 = tpu.memref_squeeze %gather3A_1632 : memref<1x128x128xf32, #tpu.memory_space<vmem>> -> memref<128x128xf32, #tpu.memory_space<vmem>>
      %gather3A_1634 = tpu.vector_load_idx %gather3A_1633[%add3A_1190, %add3A_1629] : memref<128x128xf32, #tpu.memory_space<vmem>>[vector<16xi32>, vector<16xi32>], vector<16xf32>,
      %add3A_1635 = arith.constant 23 : i32
      %add3A_1636 = vector.broadcast %add3A_1635 : i32 to vector<16xi32>
      %add3A_1637 = arith.addi %shift_left3A_1210, %add3A_1636 : vector<16xi32>
      %gather3A_1638 = arith.constant 0 : i32
      %gather3A_1639 = arith.constant 0 : i32
      %gather3A_1640 = tpu.memref_slice %arg12[%scan3A_1180, %gather3A_1638, %gather3A_1639] : memref<2x128x128xf32, #tpu.memory_space<vmem>> -> memref<1x128x128xf32, #tpu.memory_space<vmem>>
      %gather3A_1641 = tpu.memref_squeeze %gather3A_1640 : memref<1x128x128xf32, #tpu.memory_space<vmem>> -> memref<128x128xf32, #tpu.memory_space<vmem>>
      %gather3A_1642 = tpu.vector_load_idx %gather3A_1641[%add3A_1190, %add3A_1637] : memref<128x128xf32, #tpu.memory_space<vmem>>[vector<16xi32>, vector<16xi32>], vector<16xf32>,
      %mul3A_1643 = arith.mulf %gather3A_1634, %gather3A_1642 : vector<16xf32>
      %add3A_1644 = arith.addf %add3A_1626, %mul3A_1643 : vector<16xf32>
      %add3A_1645 = arith.constant 24 : i32
      %add3A_1646 = vector.broadcast %add3A_1645 : i32 to vector<16xi32>
      %add3A_1647 = arith.addi %shift_left3A_1201, %add3A_1646 : vector<16xi32>
      %gather3A_1648 = arith.constant 0 : i32
      %gather3A_1649 = arith.constant 0 : i32
      %gather3A_1650 = tpu.memref_slice %arg11[%scan3A_1179, %gather3A_1648, %gather3A_1649] : memref<2x128x128xf32, #tpu.memory_space<vmem>> -> memref<1x128x128xf32, #tpu.memory_space<vmem>>
      %gather3A_1651 = tpu.memref_squeeze %gather3A_1650 : memref<1x128x128xf32, #tpu.memory_space<vmem>> -> memref<128x128xf32, #tpu.memory_space<vmem>>
      %gather3A_1652 = tpu.vector_load_idx %gather3A_1651[%add3A_1190, %add3A_1647] : memref<128x128xf32, #tpu.memory_space<vmem>>[vector<16xi32>, vector<16xi32>], vector<16xf32>,
      %add3A_1653 = arith.constant 24 : i32
      %add3A_1654 = vector.broadcast %add3A_1653 : i32 to vector<16xi32>
      %add3A_1655 = arith.addi %shift_left3A_1210, %add3A_1654 : vector<16xi32>
      %gather3A_1656 = arith.constant 0 : i32
      %gather3A_1657 = arith.constant 0 : i32
      %gather3A_1658 = tpu.memref_slice %arg12[%scan3A_1180, %gather3A_1656, %gather3A_1657] : memref<2x128x128xf32, #tpu.memory_space<vmem>> -> memref<1x128x128xf32, #tpu.memory_space<vmem>>
      %gather3A_1659 = tpu.memref_squeeze %gather3A_1658 : memref<1x128x128xf32, #tpu.memory_space<vmem>> -> memref<128x128xf32, #tpu.memory_space<vmem>>
      %gather3A_1660 = tpu.vector_load_idx %gather3A_1659[%add3A_1190, %add3A_1655] : memref<128x128xf32, #tpu.memory_space<vmem>>[vector<16xi32>, vector<16xi32>], vector<16xf32>,
      %mul3A_1661 = arith.mulf %gather3A_1652, %gather3A_1660 : vector<16xf32>
      %add3A_1662 = arith.addf %add3A_1644, %mul3A_1661 : vector<16xf32>
      %add3A_1663 = arith.constant 25 : i32
      %add3A_1664 = vector.broadcast %add3A_1663 : i32 to vector<16xi32>
      %add3A_1665 = arith.addi %shift_left3A_1201, %add3A_1664 : vector<16xi32>
      %gather3A_1666 = arith.constant 0 : i32
      %gather3A_1667 = arith.constant 0 : i32
      %gather3A_1668 = tpu.memref_slice %arg11[%scan3A_1179, %gather3A_1666, %gather3A_1667] : memref<2x128x128xf32, #tpu.memory_space<vmem>> -> memref<1x128x128xf32, #tpu.memory_space<vmem>>
      %gather3A_1669 = tpu.memref_squeeze %gather3A_1668 : memref<1x128x128xf32, #tpu.memory_space<vmem>> -> memref<128x128xf32, #tpu.memory_space<vmem>>
      %gather3A_1670 = tpu.vector_load_idx %gather3A_1669[%add3A_1190, %add3A_1665] : memref<128x128xf32, #tpu.memory_space<vmem>>[vector<16xi32>, vector<16xi32>], vector<16xf32>,
      %add3A_1671 = arith.constant 25 : i32
      %add3A_1672 = vector.broadcast %add3A_1671 : i32 to vector<16xi32>
      %add3A_1673 = arith.addi %shift_left3A_1210, %add3A_1672 : vector<16xi32>
      %gather3A_1674 = arith.constant 0 : i32
      %gather3A_1675 = arith.constant 0 : i32
      %gather3A_1676 = tpu.memref_slice %arg12[%scan3A_1180, %gather3A_1674, %gather3A_1675] : memref<2x128x128xf32, #tpu.memory_space<vmem>> -> memref<1x128x128xf32, #tpu.memory_space<vmem>>
      %gather3A_1677 = tpu.memref_squeeze %gather3A_1676 : memref<1x128x128xf32, #tpu.memory_space<vmem>> -> memref<128x128xf32, #tpu.memory_space<vmem>>
      %gather3A_1678 = tpu.vector_load_idx %gather3A_1677[%add3A_1190, %add3A_1673] : memref<128x128xf32, #tpu.memory_space<vmem>>[vector<16xi32>, vector<16xi32>], vector<16xf32>,
      %mul3A_1679 = arith.mulf %gather3A_1670, %gather3A_1678 : vector<16xf32>
      %add3A_1680 = arith.addf %add3A_1662, %mul3A_1679 : vector<16xf32>
      %add3A_1681 = arith.constant 26 : i32
      %add3A_1682 = vector.broadcast %add3A_1681 : i32 to vector<16xi32>
      %add3A_1683 = arith.addi %shift_left3A_1201, %add3A_1682 : vector<16xi32>
      %gather3A_1684 = arith.constant 0 : i32
      %gather3A_1685 = arith.constant 0 : i32
      %gather3A_1686 = tpu.memref_slice %arg11[%scan3A_1179, %gather3A_1684, %gather3A_1685] : memref<2x128x128xf32, #tpu.memory_space<vmem>> -> memref<1x128x128xf32, #tpu.memory_space<vmem>>
      %gather3A_1687 = tpu.memref_squeeze %gather3A_1686 : memref<1x128x128xf32, #tpu.memory_space<vmem>> -> memref<128x128xf32, #tpu.memory_space<vmem>>
      %gather3A_1688 = tpu.vector_load_idx %gather3A_1687[%add3A_1190, %add3A_1683] : memref<128x128xf32, #tpu.memory_space<vmem>>[vector<16xi32>, vector<16xi32>], vector<16xf32>,
      %add3A_1689 = arith.constant 26 : i32
      %add3A_1690 = vector.broadcast %add3A_1689 : i32 to vector<16xi32>
      %add3A_1691 = arith.addi %shift_left3A_1210, %add3A_1690 : vector<16xi32>
      %gather3A_1692 = arith.constant 0 : i32
      %gather3A_1693 = arith.constant 0 : i32
      %gather3A_1694 = tpu.memref_slice %arg12[%scan3A_1180, %gather3A_1692, %gather3A_1693] : memref<2x128x128xf32, #tpu.memory_space<vmem>> -> memref<1x128x128xf32, #tpu.memory_space<vmem>>
      %gather3A_1695 = tpu.memref_squeeze %gather3A_1694 : memref<1x128x128xf32, #tpu.memory_space<vmem>> -> memref<128x128xf32, #tpu.memory_space<vmem>>
      %gather3A_1696 = tpu.vector_load_idx %gather3A_1695[%add3A_1190, %add3A_1691] : memref<128x128xf32, #tpu.memory_space<vmem>>[vector<16xi32>, vector<16xi32>], vector<16xf32>,
      %mul3A_1697 = arith.mulf %gather3A_1688, %gather3A_1696 : vector<16xf32>
      %add3A_1698 = arith.addf %add3A_1680, %mul3A_1697 : vector<16xf32>
      %add3A_1699 = arith.constant 27 : i32
      %add3A_1700 = vector.broadcast %add3A_1699 : i32 to vector<16xi32>
      %add3A_1701 = arith.addi %shift_left3A_1201, %add3A_1700 : vector<16xi32>
      %gather3A_1702 = arith.constant 0 : i32
      %gather3A_1703 = arith.constant 0 : i32
      %gather3A_1704 = tpu.memref_slice %arg11[%scan3A_1179, %gather3A_1702, %gather3A_1703] : memref<2x128x128xf32, #tpu.memory_space<vmem>> -> memref<1x128x128xf32, #tpu.memory_space<vmem>>
      %gather3A_1705 = tpu.memref_squeeze %gather3A_1704 : memref<1x128x128xf32, #tpu.memory_space<vmem>> -> memref<128x128xf32, #tpu.memory_space<vmem>>
      %gather3A_1706 = tpu.vector_load_idx %gather3A_1705[%add3A_1190, %add3A_1701] : memref<128x128xf32, #tpu.memory_space<vmem>>[vector<16xi32>, vector<16xi32>], vector<16xf32>,
      %add3A_1707 = arith.constant 27 : i32
      %add3A_1708 = vector.broadcast %add3A_1707 : i32 to vector<16xi32>
      %add3A_1709 = arith.addi %shift_left3A_1210, %add3A_1708 : vector<16xi32>
      %gather3A_1710 = arith.constant 0 : i32
      %gather3A_1711 = arith.constant 0 : i32
      %gather3A_1712 = tpu.memref_slice %arg12[%scan3A_1180, %gather3A_1710, %gather3A_1711] : memref<2x128x128xf32, #tpu.memory_space<vmem>> -> memref<1x128x128xf32, #tpu.memory_space<vmem>>
      %gather3A_1713 = tpu.memref_squeeze %gather3A_1712 : memref<1x128x128xf32, #tpu.memory_space<vmem>> -> memref<128x128xf32, #tpu.memory_space<vmem>>
      %gather3A_1714 = tpu.vector_load_idx %gather3A_1713[%add3A_1190, %add3A_1709] : memref<128x128xf32, #tpu.memory_space<vmem>>[vector<16xi32>, vector<16xi32>], vector<16xf32>,
      %mul3A_1715 = arith.mulf %gather3A_1706, %gather3A_1714 : vector<16xf32>
      %add3A_1716 = arith.addf %add3A_1698, %mul3A_1715 : vector<16xf32>
      %add3A_1717 = arith.constant 28 : i32
      %add3A_1718 = vector.broadcast %add3A_1717 : i32 to vector<16xi32>
      %add3A_1719 = arith.addi %shift_left3A_1201, %add3A_1718 : vector<16xi32>
      %gather3A_1720 = arith.constant 0 : i32
      %gather3A_1721 = arith.constant 0 : i32
      %gather3A_1722 = tpu.memref_slice %arg11[%scan3A_1179, %gather3A_1720, %gather3A_1721] : memref<2x128x128xf32, #tpu.memory_space<vmem>> -> memref<1x128x128xf32, #tpu.memory_space<vmem>>
      %gather3A_1723 = tpu.memref_squeeze %gather3A_1722 : memref<1x128x128xf32, #tpu.memory_space<vmem>> -> memref<128x128xf32, #tpu.memory_space<vmem>>
      %gather3A_1724 = tpu.vector_load_idx %gather3A_1723[%add3A_1190, %add3A_1719] : memref<128x128xf32, #tpu.memory_space<vmem>>[vector<16xi32>, vector<16xi32>], vector<16xf32>,
      %add3A_1725 = arith.constant 28 : i32
      %add3A_1726 = vector.broadcast %add3A_1725 : i32 to vector<16xi32>
      %add3A_1727 = arith.addi %shift_left3A_1210, %add3A_1726 : vector<16xi32>
      %gather3A_1728 = arith.constant 0 : i32
      %gather3A_1729 = arith.constant 0 : i32
      %gather3A_1730 = tpu.memref_slice %arg12[%scan3A_1180, %gather3A_1728, %gather3A_1729] : memref<2x128x128xf32, #tpu.memory_space<vmem>> -> memref<1x128x128xf32, #tpu.memory_space<vmem>>
      %gather3A_1731 = tpu.memref_squeeze %gather3A_1730 : memref<1x128x128xf32, #tpu.memory_space<vmem>> -> memref<128x128xf32, #tpu.memory_space<vmem>>
      %gather3A_1732 = tpu.vector_load_idx %gather3A_1731[%add3A_1190, %add3A_1727] : memref<128x128xf32, #tpu.memory_space<vmem>>[vector<16xi32>, vector<16xi32>], vector<16xf32>,
      %mul3A_1733 = arith.mulf %gather3A_1724, %gather3A_1732 : vector<16xf32>
      %add3A_1734 = arith.addf %add3A_1716, %mul3A_1733 : vector<16xf32>
      %add3A_1735 = arith.constant 29 : i32
      %add3A_1736 = vector.broadcast %add3A_1735 : i32 to vector<16xi32>
      %add3A_1737 = arith.addi %shift_left3A_1201, %add3A_1736 : vector<16xi32>
      %gather3A_1738 = arith.constant 0 : i32
      %gather3A_1739 = arith.constant 0 : i32
      %gather3A_1740 = tpu.memref_slice %arg11[%scan3A_1179, %gather3A_1738, %gather3A_1739] : memref<2x128x128xf32, #tpu.memory_space<vmem>> -> memref<1x128x128xf32, #tpu.memory_space<vmem>>
      %gather3A_1741 = tpu.memref_squeeze %gather3A_1740 : memref<1x128x128xf32, #tpu.memory_space<vmem>> -> memref<128x128xf32, #tpu.memory_space<vmem>>
      %gather3A_1742 = tpu.vector_load_idx %gather3A_1741[%add3A_1190, %add3A_1737] : memref<128x128xf32, #tpu.memory_space<vmem>>[vector<16xi32>, vector<16xi32>], vector<16xf32>,
      %add3A_1743 = arith.constant 29 : i32
      %add3A_1744 = vector.broadcast %add3A_1743 : i32 to vector<16xi32>
      %add3A_1745 = arith.addi %shift_left3A_1210, %add3A_1744 : vector<16xi32>
      %gather3A_1746 = arith.constant 0 : i32
      %gather3A_1747 = arith.constant 0 : i32
      %gather3A_1748 = tpu.memref_slice %arg12[%scan3A_1180, %gather3A_1746, %gather3A_1747] : memref<2x128x128xf32, #tpu.memory_space<vmem>> -> memref<1x128x128xf32, #tpu.memory_space<vmem>>
      %gather3A_1749 = tpu.memref_squeeze %gather3A_1748 : memref<1x128x128xf32, #tpu.memory_space<vmem>> -> memref<128x128xf32, #tpu.memory_space<vmem>>
      %gather3A_1750 = tpu.vector_load_idx %gather3A_1749[%add3A_1190, %add3A_1745] : memref<128x128xf32, #tpu.memory_space<vmem>>[vector<16xi32>, vector<16xi32>], vector<16xf32>,
      %mul3A_1751 = arith.mulf %gather3A_1742, %gather3A_1750 : vector<16xf32>
      %add3A_1752 = arith.addf %add3A_1734, %mul3A_1751 : vector<16xf32>
      %add3A_1753 = arith.constant 30 : i32
      %add3A_1754 = vector.broadcast %add3A_1753 : i32 to vector<16xi32>
      %add3A_1755 = arith.addi %shift_left3A_1201, %add3A_1754 : vector<16xi32>
      %gather3A_1756 = arith.constant 0 : i32
      %gather3A_1757 = arith.constant 0 : i32
      %gather3A_1758 = tpu.memref_slice %arg11[%scan3A_1179, %gather3A_1756, %gather3A_1757] : memref<2x128x128xf32, #tpu.memory_space<vmem>> -> memref<1x128x128xf32, #tpu.memory_space<vmem>>
      %gather3A_1759 = tpu.memref_squeeze %gather3A_1758 : memref<1x128x128xf32, #tpu.memory_space<vmem>> -> memref<128x128xf32, #tpu.memory_space<vmem>>
      %gather3A_1760 = tpu.vector_load_idx %gather3A_1759[%add3A_1190, %add3A_1755] : memref<128x128xf32, #tpu.memory_space<vmem>>[vector<16xi32>, vector<16xi32>], vector<16xf32>,
      %add3A_1761 = arith.constant 30 : i32
      %add3A_1762 = vector.broadcast %add3A_1761 : i32 to vector<16xi32>
      %add3A_1763 = arith.addi %shift_left3A_1210, %add3A_1762 : vector<16xi32>
      %gather3A_1764 = arith.constant 0 : i32
      %gather3A_1765 = arith.constant 0 : i32
      %gather3A_1766 = tpu.memref_slice %arg12[%scan3A_1180, %gather3A_1764, %gather3A_1765] : memref<2x128x128xf32, #tpu.memory_space<vmem>> -> memref<1x128x128xf32, #tpu.memory_space<vmem>>
      %gather3A_1767 = tpu.memref_squeeze %gather3A_1766 : memref<1x128x128xf32, #tpu.memory_space<vmem>> -> memref<128x128xf32, #tpu.memory_space<vmem>>
      %gather3A_1768 = tpu.vector_load_idx %gather3A_1767[%add3A_1190, %add3A_1763] : memref<128x128xf32, #tpu.memory_space<vmem>>[vector<16xi32>, vector<16xi32>], vector<16xf32>,
      %mul3A_1769 = arith.mulf %gather3A_1760, %gather3A_1768 : vector<16xf32>
      %add3A_1770 = arith.addf %add3A_1752, %mul3A_1769 : vector<16xf32>
      %add3A_1771 = arith.constant 31 : i32
      %add3A_1772 = vector.broadcast %add3A_1771 : i32 to vector<16xi32>
      %add3A_1773 = arith.addi %shift_left3A_1201, %add3A_1772 : vector<16xi32>
      %gather3A_1774 = arith.constant 0 : i32
      %gather3A_1775 = arith.constant 0 : i32
      %gather3A_1776 = tpu.memref_slice %arg11[%scan3A_1179, %gather3A_1774, %gather3A_1775] : memref<2x128x128xf32, #tpu.memory_space<vmem>> -> memref<1x128x128xf32, #tpu.memory_space<vmem>>
      %gather3A_1777 = tpu.memref_squeeze %gather3A_1776 : memref<1x128x128xf32, #tpu.memory_space<vmem>> -> memref<128x128xf32, #tpu.memory_space<vmem>>
      %gather3A_1778 = tpu.vector_load_idx %gather3A_1777[%add3A_1190, %add3A_1773] : memref<128x128xf32, #tpu.memory_space<vmem>>[vector<16xi32>, vector<16xi32>], vector<16xf32>,
      %add3A_1779 = arith.constant 31 : i32
      %add3A_1780 = vector.broadcast %add3A_1779 : i32 to vector<16xi32>
      %add3A_1781 = arith.addi %shift_left3A_1210, %add3A_1780 : vector<16xi32>
      %gather3A_1782 = arith.constant 0 : i32
      %gather3A_1783 = arith.constant 0 : i32
      %gather3A_1784 = tpu.memref_slice %arg12[%scan3A_1180, %gather3A_1782, %gather3A_1783] : memref<2x128x128xf32, #tpu.memory_space<vmem>> -> memref<1x128x128xf32, #tpu.memory_space<vmem>>
      %gather3A_1785 = tpu.memref_squeeze %gather3A_1784 : memref<1x128x128xf32, #tpu.memory_space<vmem>> -> memref<128x128xf32, #tpu.memory_space<vmem>>
      %gather3A_1786 = tpu.vector_load_idx %gather3A_1785[%add3A_1190, %add3A_1781] : memref<128x128xf32, #tpu.memory_space<vmem>>[vector<16xi32>, vector<16xi32>], vector<16xf32>,
      %mul3A_1787 = arith.mulf %gather3A_1778, %gather3A_1786 : vector<16xf32>
      %add3A_1788 = arith.addf %add3A_1770, %mul3A_1787 : vector<16xf32>
      %mul3A_1789 = arith.constant 128 : i32
      %mul3A_1790 = vector.broadcast %mul3A_1789 : i32 to vector<16xi32>
      %mul3A_1791 = arith.muli %broadcast_in_dim3A_1177, %mul3A_1790 : vector<16xi32>
      %add3A_1792 = arith.addi %mul3A_1791, %add3A_1190 : vector<16xi32>
      tpu.vector_store_idx %arg13[%add3A_1792], %add3A_1788 : memref<512xf32, #tpu.memory_space<vmem>>[vector<16xi32>], vector<16xf32>,
    }
    %scan3A_1185 = arith.constant 8 : i32
    "tpu.region"() ({
      %run_scoped3A = tpu.sem_alloc : memref<!tpu.dma_semaphore, #tpu.memory_space<semaphore_mem>>
      %dma_start3A_1186 = tpu.memref_slice %arg6[%mul3A_2] : memref<16384xf32, #tpu.memory_space<hbm>> -> memref<512xf32, #tpu.memory_space<hbm>>
      %dma_start3A_1187 = tpu.memref_slice %arg6[%mul3A_2] : memref<16384xf32, #tpu.memory_space<hbm>> -> memref<512xf32, #tpu.memory_space<hbm>>
      tpu.enqueue_dma source(%arg13 : memref<512xf32, #tpu.memory_space<vmem>>) target(%dma_start3A_1187 : memref<512xf32, #tpu.memory_space<hbm>>) target_semaphore(%run_scoped3A : memref<!tpu.dma_semaphore, #tpu.memory_space<semaphore_mem>>)
      %dma_wait3A_1188 = tpu.memref_slice %arg6[%mul3A_2] : memref<16384xf32, #tpu.memory_space<hbm>> -> memref<512xf32, #tpu.memory_space<hbm>>
      %dma_wait3A_1189 = tpu.memref_slice %arg6[%mul3A_2] : memref<16384xf32, #tpu.memory_space<hbm>> -> memref<512xf32, #tpu.memory_space<hbm>>
      tpu.wait_dma2 semaphore(%run_scoped3A : memref<!tpu.dma_semaphore, #tpu.memory_space<semaphore_mem>>) src(%arg13 : memref<512xf32, #tpu.memory_space<vmem>>) dst(%dma_wait3A_1189 : memref<512xf32, #tpu.memory_space<hbm>>)
      tpu.yield
    }) : () -> ()
    return
  }
}

module attributes {stable_mosaic.version = 14 : i64} {
  func.func @_transpose_body(%arg0: i32, %arg1: memref<32x32768xf32, #tpu.memory_space<vmem>>, %arg2: memref<8192x128xf32, #tpu.memory_space<vmem>>) attributes {dimension_semantics = [#tpu.dimension_semantics<arbitrary>], iteration_bounds = array<i64: 31>, scalar_prefetch = 0 : i64, scratch_operands = 0 : i64, tpu.core_type = #tpu.core_type<tc>, window_params = [{transform_indices = @transform_0, window_bounds = array<i64: 32, 32768>}, {transform_indices = @transform_1, window_bounds = array<i64: 8192, 128>}]} {
    %get3A = arith.constant 0 : index
    %get3A_0 = arith.constant 0 : index
    %get3A_1 = vector.load %arg1[%get3A, %get3A_0] : memref<32x32768xf32, #tpu.memory_space<vmem>>, vector<32x32768xf32>
    %transpose3A = tpu.transpose %get3A_1, [1, 0] : vector<32x32768xf32> -> vector<32768x32xf32>
    %slice3A = vector.extract_strided_slice %transpose3A {offsets = [0, 0], sizes = [8192, 32], strides = [1, 1]} : vector<32768x32xf32> to vector<8192x32xf32>
    %slice3A_2 = vector.extract_strided_slice %transpose3A {offsets = [8192, 0], sizes = [8192, 32], strides = [1, 1]} : vector<32768x32xf32> to vector<8192x32xf32>
    %slice3A_3 = vector.extract_strided_slice %transpose3A {offsets = [16384, 0], sizes = [8192, 32], strides = [1, 1]} : vector<32768x32xf32> to vector<8192x32xf32>
    %slice3A_4 = vector.extract_strided_slice %transpose3A {offsets = [24576, 0], sizes = [8192, 32], strides = [1, 1]} : vector<32768x32xf32> to vector<8192x32xf32>
    %concatenate3A = tpu.concatenate %slice3A, %slice3A_2, %slice3A_3, %slice3A_4 in 1 : vector<8192x32xf32>, vector<8192x32xf32>, vector<8192x32xf32>, vector<8192x32xf32> -> vector<8192x128xf32>
    %swap3A = arith.constant 0 : index
    %swap3A_5 = arith.constant 0 : index
    %swap3A_6 = vector.load %arg2[%swap3A, %swap3A_5] : memref<8192x128xf32, #tpu.memory_space<vmem>>, vector<8192x128xf32>
    tpu.vector_store %arg2[%swap3A, %swap3A_5], %concatenate3A {strides = array<i32>} : memref<8192x128xf32, #tpu.memory_space<vmem>>, vector<8192x128xf32>,
    return
  }
  func.func @transform_0(%arg0: i32) -> (i32, i32) {
    %c0_i32 = arith.constant 0 : i32
    %c0_i32_0 = arith.constant 0 : i32
    return %c0_i32, %arg0 : i32, i32
  }
  func.func @transform_1(%arg0: i32) -> (i32, i32) {
    %c0_i32 = arith.constant 0 : i32
    %c0_i32_0 = arith.constant 0 : i32
    return %arg0, %c0_i32 : i32, i32
  }
}

</mosaic_0001>

<sc_bundles>
// kernel: kernel.5.cloned.1.call-start
scs
__scs_entry_jumppad:
0x0: {  	(pc) =	sbr.rel $0x88, $3  }
0x1: {  	(tag) =	ssettag $0x0;
	lr =	simm.s32 $0x1  }
0x2: {  	[smem:$0x3F9D] =	sst lr;
	_ =	strace $0xD0000000  }
0x3: {  	_ = 	snop  }
0x4: {  	_ = 	snop  }
0x5: {  	_ = 	snop  }
0x6: {  	_ = 	snop  }
0x7: {  	_ = 	snop  }
__scs_overlays_trampoline_lowered:
0x8: {  	[smem:$0x3FAC] =	sst s0  }
0x9: {  	[smem:$0x3FAD] =	sst s1  }
0xa: {  	[smem:$0x3FAE] =	sst s2  }
0xb: {  	[smem:$0x3FAF] =	sst s3  }
0xc: {  	[smem:$0x3FB0] =	sst s4  }
0xd: {  	[smem:$0x3FB1] =	sst s5  }
0xe: {  	[smem:$0x3FB2] =	sst s6  }
0xf: {  	[smem:$0x3FB3] =	sst s7  }
0x10: {  	[smem:$0x3FB4] =	sst s8  }
0x11: {  	[smem:$0x3FB5] =	sst s9;
	s0 =	simm.s32 @!p0 $0x0  }
0x12: {  	s1 =	sld [smem:$0x3F9B];
	s0 =	simm.s32 @p0 $0x1  }
0x13: {  	[smem:$0x3FB6] =	sst s0;
	s0 =	simm.s32 @!p1 $0x0  }
0x14: {  	s2 =	sld [smem:$0x3F9A];
	s0 =	simm.s32 @p1 $0x1  }
0x15: {  	[smem:$0x3FB7] =	sst s0;
	s0 =	simm.s32 @!p2 $0x0  }
0x16: {  	s3 =	sld [smem:$0x3FDB];
	s0 =	simm.s32 @p2 $0x1  }
0x17: {  	s4 =	simm.s32 $0x1BF5;
	[smem:$0x3FB9] =	sst s0  }
0x18: {  	s0 =	sld [smem:$0x3F9C];
	_ =	swait.ge [sflag:s4], $0x0  }
0x19: {  	s7 =	sld [smem:$0x3F9D]  }
0x1a: {  	s8 =	sadd.s32 $0xFFFFE003, lr  }
0x1b: {  	s9 =	sadd.s32 $0xFFFFFEF7, lr;
	s5 =	simm.s32 $0xFFFFFFFF;
	p2 =	slt.u32 s8, $0xFFFFF086  }
0x1c: {  	p1 =	slt.u32 s9, $0xF7A;
	s5 =	simm.s32 @!p2 $0x0  }
0x1d: {  	s5 =	simm.s32 @p1 $0x1;
	p0 =	seq.s32 s7, s2  }
0x1e: {  	s7 =	smul.u32 @!p0 $0xF7A, s2;
	p2 =	seq.s32 @!p0 s5, $0x0  }
0x1f: {  	s9 =	smul.u32 $0xF7A, s1;
	s8 =	simm.s32 @!p0 $0x1BF5;
	p2 =	por !p2, p0  }
0x20: {  	[sflag:s8] =	ssyncset.s32 @!p0 $0xFFFFF086;
	s6 =	sadd.s32 @!p0 s3, s7;
	s7 =	simm.s32 @!p0 $0x108  }
0x21: {  	s3 =	sadd.s32 s3, s9;
	s6 =	sadd.s32 @!p0 $0x88, s6;
	s7 =	simm.s32 @p2 $0x1082  }
0x22: {  	[simem:s7], [sflag:s8] =	dma.local @!p0 [hbm:s6], $0xF7A  }
0x23: {  	s9 =	sor.u32 $0xD0000000, s2;
	s6 =	simm.s32 $0x108;
	_ =	swait.ge @!p0 [sflag:s8], $0x0  }
0x24: {  	s3 =	sadd.s32 $0x88, s3;
	s6 =	simm.s32 @!p1 $0x1082;
	[sflag:s4] =	ssyncset.s32 $0xFFFFF086  }
0x25: {  	[simem:s6], [sflag:s4] =	dma.local [hbm:s3], $0xF7A  }
0x26: {  	[smem:$0x3F9D] =	sst s1;
	(tag) =	ssettag s2;
	_ =	strace s9  }
0x27: {  	s1 =	sld [smem:$0x3FAD]  }
0x28: {  	s2 =	sld [smem:$0x3FAE]  }
0x29: {  	s4 =	sld [smem:$0x3FB0]  }
0x2a: {  	p0 =	seq.s32 s5, $0x0;
	s5 =	sld [smem:$0x3FB1]  }
0x2b: {  	s6 =	sld [smem:$0x3FB2]  }
0x2c: {  	s7 =	sld [smem:$0x3FB3]  }
0x2d: {  	s3 =	simm.s32 $0x108;
	s8 =	sld [smem:$0x3FB4]  }
0x2e: {  	s3 =	simm.s32 @!p0 $0x1082;
	s9 =	sld [smem:$0x3FB5]  }
0x2f: {  	lr =	sadd.s32 s0, s3;
	s0 =	sld [smem:$0x3FAC]  }
0x30: {  	s3 =	sld [smem:$0x3FAF]  }
0x31: {  	[smem:$0x3FB8] =	sst s10  }
0x32: {  	s10 =	sld [smem:$0x3FB6];
	_ =	sdelay $0x3  }
0x33: {  	p0 =	seq.s32 s10, $0x1;
	s10 =	sld [smem:$0x3FB8];
	_ =	sdelay $0x3  }
0x34: {  	[smem:$0x3FB8] =	sst s10  }
0x35: {  	s10 =	sld [smem:$0x3FB7];
	_ =	sdelay $0x3  }
0x36: {  	p1 =	seq.s32 s10, $0x1;
	s10 =	sld [smem:$0x3FB8];
	_ =	sdelay $0x3  }
0x37: {  	[smem:$0x3FB8] =	sst s10  }
0x38: {  	s10 =	sld [smem:$0x3FB9]  }
0x39: {  	_ = 	snop;
	(pc) =	sbr.ind lr, $3  }
0x3a: {  	_ = 	snop  }
0x3b: {  	_ = 	snop  }
0x3c: {  	p2 =	seq.s32 s10, $0x1;
	s10 =	sld [smem:$0x3FB8]  }
0x3d: {  	_ =	shalt  }
0x3e: {  	_ =	shalt  }
0x3f: {  	_ =	shalt  }
0x40: {  	_ =	shalt  }
0x41: {  	_ =	shalt  }
0x42: {  	_ =	shalt  }
0x43: {  	_ =	shalt  }
0x44: {  	_ =	shalt  }
0x45: {  	_ =	shalt  }
0x46: {  	_ =	shalt  }
0x47: {  	_ =	shalt  }
0x48: {  	_ =	shalt  }
0x49: {  	_ =	shalt  }
0x4a: {  	_ =	shalt  }
0x4b: {  	_ =	shalt  }
0x4c: {  	_ =	shalt  }
0x4d: {  	_ =	shalt  }
0x4e: {  	_ =	shalt  }
0x4f: {  	_ =	shalt  }
0x50: {  	_ =	shalt  }
0x51: {  	_ =	shalt  }
0x52: {  	_ =	shalt  }
0x53: {  	_ =	shalt  }
0x54: {  	_ =	shalt  }
0x55: {  	_ =	shalt  }
0x56: {  	_ =	shalt  }
0x57: {  	_ =	shalt  }
0x58: {  	_ =	shalt  }
0x59: {  	_ =	shalt  }
0x5a: {  	_ =	shalt  }
0x5b: {  	_ =	shalt  }
0x5c: {  	_ =	shalt  }
0x5d: {  	_ =	shalt  }
0x5e: {  	_ =	shalt  }
0x5f: {  	_ =	shalt  }
0x60: {  	_ =	shalt  }
0x61: {  	_ =	shalt  }
0x62: {  	_ =	shalt  }
0x63: {  	_ =	shalt  }
0x64: {  	_ =	shalt  }
0x65: {  	_ =	shalt  }
0x66: {  	_ =	shalt  }
0x67: {  	_ =	shalt  }
0x68: {  	_ =	shalt  }
0x69: {  	_ =	shalt  }
0x6a: {  	_ =	shalt  }
0x6b: {  	_ =	shalt  }
0x6c: {  	_ =	shalt  }
0x6d: {  	_ =	shalt  }
0x6e: {  	_ =	shalt  }
0x6f: {  	_ =	shalt  }
0x70: {  	_ =	shalt  }
0x71: {  	_ =	shalt  }
0x72: {  	_ =	shalt  }
0x73: {  	_ =	shalt  }
0x74: {  	_ =	shalt  }
0x75: {  	_ =	shalt  }
0x76: {  	_ =	shalt  }
0x77: {  	_ =	shalt  }
0x78: {  	_ =	shalt  }
0x79: {  	_ =	shalt  }
0x7a: {  	_ =	shalt  }
0x7b: {  	_ =	shalt  }
0x7c: {  	_ =	shalt  }
0x7d: {  	_ =	shalt  }
0x7e: {  	_ =	shalt  }
0x7f: {  	_ =	shalt  }
0x80: {  	_ =	shalt  }
0x81: {  	_ =	shalt  }
0x82: {  	_ =	shalt  }
0x83: {  	_ =	shalt  }
0x84: {  	_ =	shalt  }
0x85: {  	_ =	shalt  }
0x86: {  	_ =	shalt  }
0x87: {  	_ =	shalt  }
.Lfunc_end0:
.L_simem_size_0:
called_computation_lowered:
.L_overlay_start_0:
0x88: {  	s2 =	sld [smem:$0x3FD9]  }
0x89: {  	s3 =	sld [smem:$0x3FFE];
	_ =	sdelay $0x1  }
0x8a: {  	s1 =	srdreg.scid  }
0x8b: {  	s0 =	sand.u32 $0x1, s1  }
0x8c: {  	s17 =	sshll.u32 s0, $0xA;
	s2 =	sadd.s32 s3, s2  }
0x8d: {  	s2 =	sadd.s32 s2, s17  }
0x8e: {  	[smem:$0x3FC4] =	sst s2  }
0x8f: {  	_ = 	snop  }
0x90: {  	s2 =	sld [smem:$0x3FC9]  }
0x91: {  	s18 =	sld [smem:$0x3FC8]  }
0x92: {  	s4 =	sld [smem:$0x3FD0];
	(tm) =	ssettm $0x1  }
0x93: {  	s5 =	sld [smem:$0x3FFB];
	_ =	sdelay $0x3  }
0x94: {  	_ =	strace s5  }
0x95: {  	s5 =	sld [smem:$0x3FFC];
	_ =	sdelay $0x3  }
0x96: {  	_ =	strace s5  }
0x97: {  	s5 =	sld [smem:$0x3FFD];
	_ =	sdelay $0x3  }
0x98: {  	_ =	strace s5  }
0x99: {  	_ =	strace $0x8FFFFFFF  }
0x9a: {  	s19 =	sld [smem:$0x3FDB];
	_ =	sdelay $0x1  }
0x9b: {  	s6 =	simm.s32 $_scs_section_size  }
0x9c: {  	s7 =	simm.s32 $_size__tile_overlayer_lowered;
	s8 =	simm.s32 $_tile_overlayer_lowered  }
0x9d: {  	s22 =	simm.s32 $0x1BFF;
	s21 =	sshll.u32 s8, $0x1;
	s5 =	sadd.s32 s6, s19  }
0x9e: {  	s9 =	simm.s32 $0x0;
	s20 =	sshll.u32 s7, $0x1;
	s7 =	sadd.s32 s21, s5  }
0x9f: {  	[timem:s9], [sflag:s22] =	dma.local [hbm:s7], s20  }
0xa0: {  	_ =	swait.ge [sflag:s22], s20  }
0xa1: {  	s6 =	ssub.s32 $0x0, s20;
	[sflag:s22] =	ssyncset.done $0x0  }
0xa2: {  	[sflag:s22] =	ssyncadd.s32 s6;
	_ =	sdelay $0x1  }
0xa3: {  	s23 =	simm.s32 $0x1B8B  }
0xa4: {  	_ =	swait.ge [sflag:s23], $0x1  }
0xa5: {  	[sflag:s23] =	ssyncset.done $0x0  }
0xa6: {  	s25 =	simm.s32 $0x1B8E;
	s24 =	sld [smem:$0x3FFE];
	[sflag:s23] =	ssyncadd.s32 $0xFFFFFFFF  }
0xa7: {  	s26 =	simm.s32 $execute0_lowered;
	[smem:$0x3FD2] =	sst s25  }
0xa8: {  	s7 =	sshll.u32 s26, $0x1;
	_ =	strace $0x80000046;
	[dreg:$0x1] =	wrdreg $0xFFFFFFFF  }
0xa9: {  	s28 =	simm.s32 $_size_execute0_lowered;
	s5 =	sadd.s32 s5, s7;
	[dreg:$0x0] =	wrdreg $0x0  }
0xaa: {  	s7 =	sshll.u32 s28, $0x1;
	[dreg:$0x2] =	wrdreg s5  }
0xab: {  	[dreg:$0x3] =	wrdreg s7  }
0xac: {  	[dreg:$0x4] =	wrdreg $0xC0  }
0xad: {  	_ =	task [dreg:s9], $0x5FFFF  }
0xae: {  	[dreg:$0x1] =	wrdreg $0xFFFFFFFF  }
0xaf: {  	[dreg:$0x0] =	wrdreg $0x60  }
0xb0: {  	[dreg:$0x2] =	wrdreg s2  }
0xb1: {  	[dreg:$0x3] =	wrdreg s18  }
0xb2: {  	[dreg:$0x4] =	wrdreg s24  }
0xb3: {  	[dreg:$0x5] =	wrdreg s4  }
0xb4: {  	[dreg:$0x6] =	wrdreg $0x9  }
0xb5: {  	_ =	task.clear_ibuf [dreg:s9], $0x7FFFF;
	_ =	strace $0x90000046  }
0xb6: {  	s29 =	simm.s32 $0x9;
	_ =	strace $0x80000048  }
0xb7: {  	_ =	swait.ge [sflag:s29], $0x1  }
0xb8: {  	[sflag:s29] =	ssyncadd.s32 $0xFFFFFFFF  }
0xb9: {  	_ =	strace $0x90000048  }
0xba: {  	_ =	sfence  }
0xbb: {  	s30 =	sld [smem:$0x0];
	_ =	sdelay $0x2  }
0xbc: {  	s31 =	sshll.u32 s1, $0xD;
	s1 =	sshrl.u32 s1, $0x2  }
0xbd: {  	s3 =	sand.u32 $0x4000, s31;
	s1 =	sadd.s32 s1, s30  }
0xbe: {  	s0 =	sor.u32 s3, s0;
	s1 =	sshll.u32 s1, $0x11  }
0xbf: {  	s0 =	sor.u32 s1, s0  }
0xc0: {  	s0 =	sadd.s32 $0x8F2B, s0  }
0xc1: {  	[sflag:s0] =	ssyncadd.remote.s32 $0x1  }
0xc2: {  	_ =	sfence.sel $0xFFFF  }
0xc3: {  	[dreg:$0x0] =	wrdreg $0xFFFFFFFF;
	(pc) =	sbr.abs _section_cstart, $3  }
0xc4: {  	[dreg:$0x1] =	wrdreg $0xFFFFFFFF  }
0xc5: {  	_ =	task.clear_ibuf [dreg:s9], $0x2FFFF;
	_ =	strace $0x9FFFFFFF  }
0xc6: {  	(tm) =	ssettm $0x7FFFFFFF  }
0xc7: {  	_ =	shalt  }
tec
execute0_lowered:
.L_overlay_start_1:
0x0: {  	(tag) =	ssettag $0x1  }
0x1: {  	s0 =	rddreg [dreg:$0x0]  }
0x2: {  	s1 =	rddreg [dreg:$0x1]  }
0x3: {  	s4 =	rddreg [dreg:$0x2]  }
0x4: {  	s13 =	rddreg [dreg:$0x3];
	s2 =	simm.s32 $0x0  }
0x5: {  	s3 =	srdreg.scid;
	s6 =	stileid.u32;
	s16 =	simm.s32 $0x80  }
0x6: {  	s22 =	simm.s32 $0x1;
	s23 =	simm.s32 $0x400;
	s24 =	simm.s32 $0x600  }
0x7: {  	v0 =	vlaneseq.u32;
	s25 =	simm.s32 $0x800;
	s26 =	simm.s32 $0x8800;
	s29 =	simm.s32 $0x4800  }
0x8: {  	s31 =	simm.s32 $0xC800;
	s17 =	simm.s32 $0x10800;
	s20 =	simm.s32 $0x3;
	v1 =	vor.u32 $0x10, v0  }
0x9: {  	s21 =	simm.s32 $0x5;
	s18 =	simm.s32 $0x6;
	s19 =	simm.s32 $0x0;
	v2 =	vor.u32 $0x20, v0;
	v3 =	vor.u32 $0x30, v0;
	v4 =	vor.u32 $0x40, v0  }
0xa: {  	[smem:$0x7FF] =	sst s2;
	s3 =	sand.u32 $0x1, s3;
	s6 =	sshll.u32 s6, $0x7;
	v5 =	vor.u32 $0x50, v0;
	v6 =	vor.u32 $0x60, v0;
	v7 =	vor.u32 $0x70, v0  }
0xb: {  	v8 =	vor.u32 $0x80, v0;
	v9 =	vor.u32 $0x90, v0;
	v10 =	vor.u32 $0xA0, v0;
	_ =	strace $0x80000047;
	s5 =	ssub.s32 $0x2, s3;
	s7 =	sshll.u32 s3, $0x6  }
0xc: {  	v11 =	vor.u32 $0xB0, v0;
	v12 =	vor.u32 $0xC0, v0;
	v13 =	vor.u32 $0xD0, v0;
	s3 =	sadd.s32 $0x400, s4;
	s8 =	sshrl.u32 s5, $0x1;
	s14 =	sor.u32 s7, s6  }
0xd: {  	v14 =	vor.u32 $0xE0, v0;
	v15 =	vor.u32 $0xF0, v0;
	v16 =	vor.u32 $0x100, v0;
	s4 =	sadd.s32 $0x3E0400, s4;
	s15 =	ssub.s32 s5, s8;
	s30 =	sor.u32 $0x10, s14  }
0xe: {  	v17 =	vor.u32 $0x110, v0;
	v18 =	vor.u32 $0x120, v0;
	v19 =	vor.u32 $0x130, v0;
	s5 =	sadd.s32 s0, s14;
	s6 =	sadd.s32 s1, s14;
	s10 =	sor.u32 $0x20, s14  }
0xf: {  	v20 =	vor.u32 $0x140, v0;
	v21 =	vor.u32 $0x150, v0;
	v22 =	vor.u32 $0x160, v0;
	s12 =	sor.u32 $0x30, s14;
	s13 =	sadd.s32 s13, s14;
	s7 =	sadd.s32 s0, s30  }
0x10: {  	v23 =	vor.u32 $0x170, v0;
	v24 =	vor.u32 $0x180, v0;
	v25 =	vor.u32 $0x190, v0;
	s8 =	sadd.s32 s1, s30;
	s9 =	sadd.s32 s0, s10;
	s10 =	sadd.s32 s1, s10  }
0x11: {  	v26 =	vor.u32 $0x1A0, v0;
	v27 =	vor.u32 $0x1B0, v0;
	v28 =	vor.u32 $0x1C0, v0;
	s11 =	sadd.s32 s0, s12;
	s12 =	sadd.s32 s1, s12;
	s14 =	smax.u32 s15, $0x1  }
0x12: {  	v29 =	vor.u32 $0x1D0, v0;
	v30 =	vor.u32 $0x1E0, v0;
	v31 =	vor.u32 $0x1F0, v0;
	s15 =	simm.s32 $0x200;
	s0 =	simm.s32 $0x2;
	s1 =	simm.s32 $0x4  }
.LBB2_1:
0x13: {  	[tilespmem:s2], [sflag:$0x1] =	stream.linear.gather [hbm4b:s5+s2], $0x80, $0x38;
	[tilespmem:$0x10A00] =	vst v63  }
0x14: {  	_ = 	snop  }
0x15: {  	[tilespmem:s15], [sflag:$0x1] =	stream.linear.gather [hbm4b:s6+s2], $0x80, $0x38;
	[tilespmem:$0x10A00] =	vst v63  }
0x16: {  	_ = 	snop  }
0x17: {  	[tilespmem:s16], [sflag:$0x1] =	stream.linear.gather [hbm4b:s7+s2], $0x80, $0x38;
	[tilespmem:$0x10A00] =	vst v63  }
0x18: {  	s28 =	simm.s32 $0x280  }
0x19: {  	[tilespmem:s28], [sflag:$0x1] =	stream.linear.gather [hbm4b:s8+s2], $0x80, $0x38;
	[tilespmem:$0x10A00] =	vst v63  }
0x1a: {  	s28 =	simm.s32 $0x100  }
0x1b: {  	[tilespmem:s28], [sflag:$0x1] =	stream.linear.gather [hbm4b:s9+s2], $0x80, $0x38;
	[tilespmem:$0x10A00] =	vst v63  }
0x1c: {  	s28 =	simm.s32 $0x300  }
0x1d: {  	[tilespmem:s28], [sflag:$0x1] =	stream.linear.gather [hbm4b:s10+s2], $0x80, $0x38;
	[tilespmem:$0x10A00] =	vst v63  }
0x1e: {  	s28 =	simm.s32 $0x180  }
0x1f: {  	[tilespmem:s28], [sflag:$0x1] =	stream.linear.gather [hbm4b:s11+s2], $0x80, $0x38;
	[tilespmem:$0x10A00] =	vst v63  }
0x20: {  	s28 =	simm.s32 $0x380  }
0x21: {  	[tilespmem:s28], [sflag:$0x1] =	stream.linear.gather [hbm4b:s12+s2], $0x80, $0x38;
	[tilespmem:$0x10A00] =	vst v63  }
0x22: {  	_ =	swait.ge [sflag:s22], $0x80  }
0x23: {  	[sflag:s22] =	ssyncset.done $0x0  }
0x24: {  	[sflag:s22] =	ssyncadd.s32 $0xFFFFFF80  }
0x25: {  	_ =	swait.ge [sflag:s22], $0x80  }
0x26: {  	[sflag:s22] =	ssyncset.done $0x0  }
0x27: {  	[sflag:s22] =	ssyncadd.s32 $0xFFFFFF80  }
0x28: {  	_ =	swait.ge [sflag:s22], $0x80  }
0x29: {  	[sflag:s22] =	ssyncset.done $0x0  }
0x2a: {  	[sflag:s22] =	ssyncadd.s32 $0xFFFFFF80  }
0x2b: {  	_ =	swait.ge [sflag:s22], $0x80  }
0x2c: {  	[sflag:s22] =	ssyncset.done $0x0  }
0x2d: {  	[sflag:s22] =	ssyncadd.s32 $0xFFFFFF80  }
0x2e: {  	_ =	swait.ge [sflag:s22], $0x80  }
0x2f: {  	[sflag:s22] =	ssyncset.done $0x0  }
0x30: {  	[sflag:s22] =	ssyncadd.s32 $0xFFFFFF80  }
0x31: {  	_ =	swait.ge [sflag:s22], $0x80  }
0x32: {  	[sflag:s22] =	ssyncset.done $0x0  }
0x33: {  	[sflag:s22] =	ssyncadd.s32 $0xFFFFFF80  }
0x34: {  	_ =	swait.ge [sflag:s22], $0x80  }
0x35: {  	[sflag:s22] =	ssyncset.done $0x0  }
0x36: {  	[sflag:s22] =	ssyncadd.s32 $0xFFFFFF80  }
0x37: {  	_ =	swait.ge [sflag:s22], $0x80  }
0x38: {  	[sflag:s22] =	ssyncset.done $0x0  }
0x39: {  	[sflag:s22] =	ssyncadd.s32 $0xFFFFFF80  }
0x3a: {  	v32 =	vld.idx.msk [tilespmem:v0+s2+$0x0], $0xffff  }
0x3b: {  	v33 =	vld.idx.msk [tilespmem:v0+s15+$0x0], $0xffff;
	_ =	sdelay $0x3  }
0x3c: {  	v34 =	vshrl.u32 v32, $0x2  }
0x3d: {  	v32 =	vand.u32 $0x1FFF, v32;
	v35 =	vshrl.u32 v33, $0x2;
	v34 =	vand.u32 $0x3FFFE000, v34  }
0x3e: {  	v33 =	vand.u32 $0x1FFF, v33;
	v61 =	vand.u32 $0x3FFFE000, v35;
	v32 =	vor.u32 v32, v34  }
0x3f: {  	v62 =	vor.u32 v33, v61;
	[tilespmem:v0+s23+$0x0] =	vst.idx.msk $0xffff, v32  }
0x40: {  	[tilespmem:v0+s24+$0x0] =	vst.idx.msk $0xffff, v62  }
0x41: {  	v32 =	vld.idx.msk [tilespmem:v1+s2+$0x0], $0xffff  }
0x42: {  	v63 =	vld.idx.msk [tilespmem:v1+s15+$0x0], $0xffff;
	_ =	sdelay $0x3  }
0x43: {  	v36 =	vshrl.u32 v32, $0x2  }
0x44: {  	v32 =	vand.u32 $0x1FFF, v32;
	v37 =	vshrl.u32 v63, $0x2;
	v34 =	vand.u32 $0x3FFFE000, v36  }
0x45: {  	v33 =	vand.u32 $0x1FFF, v63;
	v38 =	vand.u32 $0x3FFFE000, v37;
	v32 =	vor.u32 v32, v34  }
0x46: {  	v39 =	vor.u32 v33, v38;
	[tilespmem:v1+s23+$0x0] =	vst.idx.msk $0xffff, v32  }
0x47: {  	[tilespmem:v1+s24+$0x0] =	vst.idx.msk $0xffff, v39  }
0x48: {  	v32 =	vld.idx.msk [tilespmem:v2+s2+$0x0], $0xffff  }
0x49: {  	v40 =	vld.idx.msk [tilespmem:v2+s15+$0x0], $0xffff;
	_ =	sdelay $0x3  }
0x4a: {  	v41 =	vshrl.u32 v32, $0x2  }
0x4b: {  	v32 =	vand.u32 $0x1FFF, v32;
	v42 =	vshrl.u32 v40, $0x2;
	v34 =	vand.u32 $0x3FFFE000, v41  }
0x4c: {  	v33 =	vand.u32 $0x1FFF, v40;
	v43 =	vand.u32 $0x3FFFE000, v42;
	v32 =	vor.u32 v32, v34  }
0x4d: {  	v44 =	vor.u32 v33, v43;
	[tilespmem:v2+s23+$0x0] =	vst.idx.msk $0xffff, v32  }
0x4e: {  	[tilespmem:v2+s24+$0x0] =	vst.idx.msk $0xffff, v44  }
0x4f: {  	v32 =	vld.idx.msk [tilespmem:v3+s2+$0x0], $0xffff  }
0x50: {  	v45 =	vld.idx.msk [tilespmem:v3+s15+$0x0], $0xffff;
	_ =	sdelay $0x3  }
0x51: {  	v46 =	vshrl.u32 v32, $0x2  }
0x52: {  	v32 =	vand.u32 $0x1FFF, v32;
	v47 =	vshrl.u32 v45, $0x2;
	v34 =	vand.u32 $0x3FFFE000, v46  }
0x53: {  	v33 =	vand.u32 $0x1FFF, v45;
	v48 =	vand.u32 $0x3FFFE000, v47;
	v32 =	vor.u32 v32, v34  }
0x54: {  	v49 =	vor.u32 v33, v48;
	[tilespmem:v3+s23+$0x0] =	vst.idx.msk $0xffff, v32  }
0x55: {  	[tilespmem:v3+s24+$0x0] =	vst.idx.msk $0xffff, v49  }
0x56: {  	v32 =	vld.idx.msk [tilespmem:v4+s2+$0x0], $0xffff  }
0x57: {  	v50 =	vld.idx.msk [tilespmem:v4+s15+$0x0], $0xffff;
	_ =	sdelay $0x3  }
0x58: {  	v51 =	vshrl.u32 v32, $0x2  }
0x59: {  	v32 =	vand.u32 $0x1FFF, v32;
	v52 =	vshrl.u32 v50, $0x2;
	v34 =	vand.u32 $0x3FFFE000, v51  }
0x5a: {  	v33 =	vand.u32 $0x1FFF, v50;
	v53 =	vand.u32 $0x3FFFE000, v52;
	v32 =	vor.u32 v32, v34  }
0x5b: {  	v54 =	vor.u32 v33, v53;
	[tilespmem:v4+s23+$0x0] =	vst.idx.msk $0xffff, v32  }
0x5c: {  	[tilespmem:v4+s24+$0x0] =	vst.idx.msk $0xffff, v54  }
0x5d: {  	v32 =	vld.idx.msk [tilespmem:v5+s2+$0x0], $0xffff  }
0x5e: {  	v55 =	vld.idx.msk [tilespmem:v5+s15+$0x0], $0xffff;
	_ =	sdelay $0x3  }
0x5f: {  	v56 =	vshrl.u32 v32, $0x2  }
0x60: {  	v32 =	vand.u32 $0x1FFF, v32;
	v57 =	vshrl.u32 v55, $0x2;
	v34 =	vand.u32 $0x3FFFE000, v56  }
0x61: {  	v33 =	vand.u32 $0x1FFF, v55;
	v58 =	vand.u32 $0x3FFFE000, v57;
	v32 =	vor.u32 v32, v34  }
0x62: {  	v59 =	vor.u32 v33, v58;
	[tilespmem:v5+s23+$0x0] =	vst.idx.msk $0xffff, v32  }
0x63: {  	[tilespmem:v5+s24+$0x0] =	vst.idx.msk $0xffff, v59  }
0x64: {  	v32 =	vld.idx.msk [tilespmem:v6+s2+$0x0], $0xffff  }
0x65: {  	v60 =	vld.idx.msk [tilespmem:v6+s15+$0x0], $0xffff;
	_ =	sdelay $0x3  }
0x66: {  	v61 =	vshrl.u32 v32, $0x2  }
0x67: {  	v32 =	vand.u32 $0x1FFF, v32;
	v62 =	vshrl.u32 v60, $0x2;
	v34 =	vand.u32 $0x3FFFE000, v61  }
0x68: {  	v33 =	vand.u32 $0x1FFF, v60;
	v63 =	vand.u32 $0x3FFFE000, v62;
	v32 =	vor.u32 v32, v34  }
0x69: {  	v36 =	vor.u32 v33, v63;
	[tilespmem:v6+s23+$0x0] =	vst.idx.msk $0xffff, v32  }
0x6a: {  	[tilespmem:v6+s24+$0x0] =	vst.idx.msk $0xffff, v36  }
0x6b: {  	v32 =	vld.idx.msk [tilespmem:v7+s2+$0x0], $0xffff  }
0x6c: {  	v37 =	vld.idx.msk [tilespmem:v7+s15+$0x0], $0xffff;
	_ =	sdelay $0x3  }
0x6d: {  	v38 =	vshrl.u32 v32, $0x2  }
0x6e: {  	v32 =	vand.u32 $0x1FFF, v32;
	v39 =	vshrl.u32 v37, $0x2;
	v34 =	vand.u32 $0x3FFFE000, v38  }
0x6f: {  	v33 =	vand.u32 $0x1FFF, v37;
	v40 =	vand.u32 $0x3FFFE000, v39;
	v32 =	vor.u32 v32, v34  }
0x70: {  	v41 =	vor.u32 v33, v40;
	[tilespmem:v7+s23+$0x0] =	vst.idx.msk $0xffff, v32  }
0x71: {  	[tilespmem:v7+s24+$0x0] =	vst.idx.msk $0xffff, v41  }
0x72: {  	v32 =	vld.idx.msk [tilespmem:v8+s2+$0x0], $0xffff  }
0x73: {  	v42 =	vld.idx.msk [tilespmem:v8+s15+$0x0], $0xffff;
	_ =	sdelay $0x3  }
0x74: {  	v43 =	vshrl.u32 v32, $0x2  }
0x75: {  	v32 =	vand.u32 $0x1FFF, v32;
	v44 =	vshrl.u32 v42, $0x2;
	v34 =	vand.u32 $0x3FFFE000, v43  }
0x76: {  	v33 =	vand.u32 $0x1FFF, v42;
	v45 =	vand.u32 $0x3FFFE000, v44;
	v32 =	vor.u32 v32, v34  }
0x77: {  	v46 =	vor.u32 v33, v45;
	[tilespmem:v8+s23+$0x0] =	vst.idx.msk $0xffff, v32  }
0x78: {  	[tilespmem:v8+s24+$0x0] =	vst.idx.msk $0xffff, v46  }
0x79: {  	v32 =	vld.idx.msk [tilespmem:v9+s2+$0x0], $0xffff  }
0x7a: {  	v47 =	vld.idx.msk [tilespmem:v9+s15+$0x0], $0xffff;
	_ =	sdelay $0x3  }
0x7b: {  	v48 =	vshrl.u32 v32, $0x2  }
0x7c: {  	v32 =	vand.u32 $0x1FFF, v32;
	v49 =	vshrl.u32 v47, $0x2;
	v34 =	vand.u32 $0x3FFFE000, v48  }
0x7d: {  	v33 =	vand.u32 $0x1FFF, v47;
	v50 =	vand.u32 $0x3FFFE000, v49;
	v32 =	vor.u32 v32, v34  }
0x7e: {  	v51 =	vor.u32 v33, v50;
	[tilespmem:v9+s23+$0x0] =	vst.idx.msk $0xffff, v32  }
0x7f: {  	[tilespmem:v9+s24+$0x0] =	vst.idx.msk $0xffff, v51  }
0x80: {  	v32 =	vld.idx.msk [tilespmem:v10+s2+$0x0], $0xffff  }
0x81: {  	v52 =	vld.idx.msk [tilespmem:v10+s15+$0x0], $0xffff;
	_ =	sdelay $0x3  }
0x82: {  	v53 =	vshrl.u32 v32, $0x2  }
0x83: {  	v32 =	vand.u32 $0x1FFF, v32;
	v54 =	vshrl.u32 v52, $0x2;
	v34 =	vand.u32 $0x3FFFE000, v53  }
0x84: {  	v33 =	vand.u32 $0x1FFF, v52;
	v55 =	vand.u32 $0x3FFFE000, v54;
	v32 =	vor.u32 v32, v34  }
0x85: {  	v56 =	vor.u32 v33, v55;
	[tilespmem:v10+s23+$0x0] =	vst.idx.msk $0xffff, v32  }
0x86: {  	[tilespmem:v10+s24+$0x0] =	vst.idx.msk $0xffff, v56  }
0x87: {  	v32 =	vld.idx.msk [tilespmem:v11+s2+$0x0], $0xffff  }
0x88: {  	v57 =	vld.idx.msk [tilespmem:v11+s15+$0x0], $0xffff;
	_ =	sdelay $0x3  }
0x89: {  	v58 =	vshrl.u32 v32, $0x2  }
0x8a: {  	v32 =	vand.u32 $0x1FFF, v32;
	v59 =	vshrl.u32 v57, $0x2;
	v34 =	vand.u32 $0x3FFFE000, v58  }
0x8b: {  	v33 =	vand.u32 $0x1FFF, v57;
	v60 =	vand.u32 $0x3FFFE000, v59;
	v32 =	vor.u32 v32, v34  }
0x8c: {  	v61 =	vor.u32 v33, v60;
	[tilespmem:v11+s23+$0x0] =	vst.idx.msk $0xffff, v32  }
0x8d: {  	[tilespmem:v11+s24+$0x0] =	vst.idx.msk $0xffff, v61  }
0x8e: {  	v32 =	vld.idx.msk [tilespmem:v12+s2+$0x0], $0xffff  }
0x8f: {  	v62 =	vld.idx.msk [tilespmem:v12+s15+$0x0], $0xffff;
	_ =	sdelay $0x3  }
0x90: {  	v63 =	vshrl.u32 v32, $0x2  }
0x91: {  	v32 =	vand.u32 $0x1FFF, v32;
	v36 =	vshrl.u32 v62, $0x2;
	v34 =	vand.u32 $0x3FFFE000, v63  }
0x92: {  	v33 =	vand.u32 $0x1FFF, v62;
	v37 =	vand.u32 $0x3FFFE000, v36;
	v32 =	vor.u32 v32, v34  }
0x93: {  	v38 =	vor.u32 v33, v37;
	[tilespmem:v12+s23+$0x0] =	vst.idx.msk $0xffff, v32  }
0x94: {  	[tilespmem:v12+s24+$0x0] =	vst.idx.msk $0xffff, v38  }
0x95: {  	v32 =	vld.idx.msk [tilespmem:v13+s2+$0x0], $0xffff  }
0x96: {  	v39 =	vld.idx.msk [tilespmem:v13+s15+$0x0], $0xffff;
	_ =	sdelay $0x3  }
0x97: {  	v40 =	vshrl.u32 v32, $0x2  }
0x98: {  	v32 =	vand.u32 $0x1FFF, v32;
	v41 =	vshrl.u32 v39, $0x2;
	v34 =	vand.u32 $0x3FFFE000, v40  }
0x99: {  	v33 =	vand.u32 $0x1FFF, v39;
	v42 =	vand.u32 $0x3FFFE000, v41;
	v32 =	vor.u32 v32, v34  }
0x9a: {  	v43 =	vor.u32 v33, v42;
	[tilespmem:v13+s23+$0x0] =	vst.idx.msk $0xffff, v32  }
0x9b: {  	[tilespmem:v13+s24+$0x0] =	vst.idx.msk $0xffff, v43  }
0x9c: {  	v32 =	vld.idx.msk [tilespmem:v14+s2+$0x0], $0xffff  }
0x9d: {  	v44 =	vld.idx.msk [tilespmem:v14+s15+$0x0], $0xffff;
	_ =	sdelay $0x3  }
0x9e: {  	v45 =	vshrl.u32 v32, $0x2  }
0x9f: {  	v32 =	vand.u32 $0x1FFF, v32;
	v46 =	vshrl.u32 v44, $0x2;
	v34 =	vand.u32 $0x3FFFE000, v45  }
0xa0: {  	v33 =	vand.u32 $0x1FFF, v44;
	v47 =	vand.u32 $0x3FFFE000, v46;
	v32 =	vor.u32 v32, v34  }
0xa1: {  	v48 =	vor.u32 v33, v47;
	[tilespmem:v14+s23+$0x0] =	vst.idx.msk $0xffff, v32  }
0xa2: {  	[tilespmem:v14+s24+$0x0] =	vst.idx.msk $0xffff, v48  }
0xa3: {  	v32 =	vld.idx.msk [tilespmem:v15+s2+$0x0], $0xffff  }
0xa4: {  	v49 =	vld.idx.msk [tilespmem:v15+s15+$0x0], $0xffff;
	_ =	sdelay $0x3  }
0xa5: {  	v50 =	vshrl.u32 v32, $0x2  }
0xa6: {  	v32 =	vand.u32 $0x1FFF, v32;
	v51 =	vshrl.u32 v49, $0x2;
	v34 =	vand.u32 $0x3FFFE000, v50  }
0xa7: {  	v33 =	vand.u32 $0x1FFF, v49;
	v52 =	vand.u32 $0x3FFFE000, v51;
	v32 =	vor.u32 v32, v34  }
0xa8: {  	v53 =	vor.u32 v33, v52;
	[tilespmem:v15+s23+$0x0] =	vst.idx.msk $0xffff, v32  }
0xa9: {  	[tilespmem:v15+s24+$0x0] =	vst.idx.msk $0xffff, v53  }
0xaa: {  	v32 =	vld.idx.msk [tilespmem:v16+s2+$0x0], $0xffff  }
0xab: {  	v54 =	vld.idx.msk [tilespmem:v16+s15+$0x0], $0xffff;
	_ =	sdelay $0x3  }
0xac: {  	v55 =	vshrl.u32 v32, $0x2  }
0xad: {  	v32 =	vand.u32 $0x1FFF, v32;
	v56 =	vshrl.u32 v54, $0x2;
	v34 =	vand.u32 $0x3FFFE000, v55  }
0xae: {  	v33 =	vand.u32 $0x1FFF, v54;
	v57 =	vand.u32 $0x3FFFE000, v56;
	v32 =	vor.u32 v32, v34  }
0xaf: {  	v58 =	vor.u32 v33, v57;
	[tilespmem:v16+s23+$0x0] =	vst.idx.msk $0xffff, v32  }
0xb0: {  	[tilespmem:v16+s24+$0x0] =	vst.idx.msk $0xffff, v58  }
0xb1: {  	v32 =	vld.idx.msk [tilespmem:v17+s2+$0x0], $0xffff  }
0xb2: {  	v59 =	vld.idx.msk [tilespmem:v17+s15+$0x0], $0xffff;
	_ =	sdelay $0x3  }
0xb3: {  	v60 =	vshrl.u32 v32, $0x2  }
0xb4: {  	v32 =	vand.u32 $0x1FFF, v32;
	v61 =	vshrl.u32 v59, $0x2;
	v34 =	vand.u32 $0x3FFFE000, v60  }
0xb5: {  	v33 =	vand.u32 $0x1FFF, v59;
	v62 =	vand.u32 $0x3FFFE000, v61;
	v32 =	vor.u32 v32, v34  }
0xb6: {  	v63 =	vor.u32 v33, v62;
	[tilespmem:v17+s23+$0x0] =	vst.idx.msk $0xffff, v32  }
0xb7: {  	[tilespmem:v17+s24+$0x0] =	vst.idx.msk $0xffff, v63  }
0xb8: {  	v32 =	vld.idx.msk [tilespmem:v18+s2+$0x0], $0xffff  }
0xb9: {  	v36 =	vld.idx.msk [tilespmem:v18+s15+$0x0], $0xffff;
	_ =	sdelay $0x3  }
0xba: {  	v37 =	vshrl.u32 v32, $0x2  }
0xbb: {  	v32 =	vand.u32 $0x1FFF, v32;
	v38 =	vshrl.u32 v36, $0x2;
	v34 =	vand.u32 $0x3FFFE000, v37  }
0xbc: {  	v33 =	vand.u32 $0x1FFF, v36;
	v39 =	vand.u32 $0x3FFFE000, v38;
	v32 =	vor.u32 v32, v34  }
0xbd: {  	v40 =	vor.u32 v33, v39;
	[tilespmem:v18+s23+$0x0] =	vst.idx.msk $0xffff, v32  }
0xbe: {  	[tilespmem:v18+s24+$0x0] =	vst.idx.msk $0xffff, v40  }
0xbf: {  	v32 =	vld.idx.msk [tilespmem:v19+s2+$0x0], $0xffff  }
0xc0: {  	v41 =	vld.idx.msk [tilespmem:v19+s15+$0x0], $0xffff;
	_ =	sdelay $0x3  }
0xc1: {  	v42 =	vshrl.u32 v32, $0x2  }
0xc2: {  	v32 =	vand.u32 $0x1FFF, v32;
	v43 =	vshrl.u32 v41, $0x2;
	v34 =	vand.u32 $0x3FFFE000, v42  }
0xc3: {  	v33 =	vand.u32 $0x1FFF, v41;
	v44 =	vand.u32 $0x3FFFE000, v43;
	v32 =	vor.u32 v32, v34  }
0xc4: {  	v45 =	vor.u32 v33, v44;
	[tilespmem:v19+s23+$0x0] =	vst.idx.msk $0xffff, v32  }
0xc5: {  	[tilespmem:v19+s24+$0x0] =	vst.idx.msk $0xffff, v45  }
0xc6: {  	v32 =	vld.idx.msk [tilespmem:v20+s2+$0x0], $0xffff  }
0xc7: {  	v46 =	vld.idx.msk [tilespmem:v20+s15+$0x0], $0xffff;
	_ =	sdelay $0x3  }
0xc8: {  	v47 =	vshrl.u32 v32, $0x2  }
0xc9: {  	v32 =	vand.u32 $0x1FFF, v32;
	v48 =	vshrl.u32 v46, $0x2;
	v34 =	vand.u32 $0x3FFFE000, v47  }
0xca: {  	v33 =	vand.u32 $0x1FFF, v46;
	v49 =	vand.u32 $0x3FFFE000, v48;
	v32 =	vor.u32 v32, v34  }
0xcb: {  	v50 =	vor.u32 v33, v49;
	[tilespmem:v20+s23+$0x0] =	vst.idx.msk $0xffff, v32  }
0xcc: {  	[tilespmem:v20+s24+$0x0] =	vst.idx.msk $0xffff, v50  }
0xcd: {  	v32 =	vld.idx.msk [tilespmem:v21+s2+$0x0], $0xffff  }
0xce: {  	v51 =	vld.idx.msk [tilespmem:v21+s15+$0x0], $0xffff;
	_ =	sdelay $0x3  }
0xcf: {  	v52 =	vshrl.u32 v32, $0x2  }
0xd0: {  	v32 =	vand.u32 $0x1FFF, v32;
	v53 =	vshrl.u32 v51, $0x2;
	v34 =	vand.u32 $0x3FFFE000, v52  }
0xd1: {  	v33 =	vand.u32 $0x1FFF, v51;
	v54 =	vand.u32 $0x3FFFE000, v53;
	v32 =	vor.u32 v32, v34  }
0xd2: {  	v55 =	vor.u32 v33, v54;
	[tilespmem:v21+s23+$0x0] =	vst.idx.msk $0xffff, v32  }
0xd3: {  	[tilespmem:v21+s24+$0x0] =	vst.idx.msk $0xffff, v55  }
0xd4: {  	v32 =	vld.idx.msk [tilespmem:v22+s2+$0x0], $0xffff  }
0xd5: {  	v56 =	vld.idx.msk [tilespmem:v22+s15+$0x0], $0xffff;
	_ =	sdelay $0x3  }
0xd6: {  	v57 =	vshrl.u32 v32, $0x2  }
0xd7: {  	v32 =	vand.u32 $0x1FFF, v32;
	v58 =	vshrl.u32 v56, $0x2;
	v34 =	vand.u32 $0x3FFFE000, v57  }
0xd8: {  	v33 =	vand.u32 $0x1FFF, v56;
	v59 =	vand.u32 $0x3FFFE000, v58;
	v32 =	vor.u32 v32, v34  }
0xd9: {  	v60 =	vor.u32 v33, v59;
	[tilespmem:v22+s23+$0x0] =	vst.idx.msk $0xffff, v32  }
0xda: {  	[tilespmem:v22+s24+$0x0] =	vst.idx.msk $0xffff, v60  }
0xdb: {  	v32 =	vld.idx.msk [tilespmem:v23+s2+$0x0], $0xffff  }
0xdc: {  	v61 =	vld.idx.msk [tilespmem:v23+s15+$0x0], $0xffff;
	_ =	sdelay $0x3  }
0xdd: {  	v62 =	vshrl.u32 v32, $0x2  }
0xde: {  	v32 =	vand.u32 $0x1FFF, v32;
	v63 =	vshrl.u32 v61, $0x2;
	v34 =	vand.u32 $0x3FFFE000, v62  }
0xdf: {  	v33 =	vand.u32 $0x1FFF, v61;
	v36 =	vand.u32 $0x3FFFE000, v63;
	v32 =	vor.u32 v32, v34  }
0xe0: {  	v37 =	vor.u32 v33, v36;
	[tilespmem:v23+s23+$0x0] =	vst.idx.msk $0xffff, v32  }
0xe1: {  	[tilespmem:v23+s24+$0x0] =	vst.idx.msk $0xffff, v37  }
0xe2: {  	v32 =	vld.idx.msk [tilespmem:v24+s2+$0x0], $0xffff  }
0xe3: {  	v38 =	vld.idx.msk [tilespmem:v24+s15+$0x0], $0xffff;
	_ =	sdelay $0x3  }
0xe4: {  	v39 =	vshrl.u32 v32, $0x2  }
0xe5: {  	v32 =	vand.u32 $0x1FFF, v32;
	v40 =	vshrl.u32 v38, $0x2;
	v34 =	vand.u32 $0x3FFFE000, v39  }
0xe6: {  	v33 =	vand.u32 $0x1FFF, v38;
	v41 =	vand.u32 $0x3FFFE000, v40;
	v32 =	vor.u32 v32, v34  }
0xe7: {  	v42 =	vor.u32 v33, v41;
	[tilespmem:v24+s23+$0x0] =	vst.idx.msk $0xffff, v32  }
0xe8: {  	[tilespmem:v24+s24+$0x0] =	vst.idx.msk $0xffff, v42  }
0xe9: {  	v32 =	vld.idx.msk [tilespmem:v25+s2+$0x0], $0xffff  }
0xea: {  	v43 =	vld.idx.msk [tilespmem:v25+s15+$0x0], $0xffff;
	_ =	sdelay $0x3  }
0xeb: {  	v44 =	vshrl.u32 v32, $0x2  }
0xec: {  	v32 =	vand.u32 $0x1FFF, v32;
	v45 =	vshrl.u32 v43, $0x2;
	v34 =	vand.u32 $0x3FFFE000, v44  }
0xed: {  	v33 =	vand.u32 $0x1FFF, v43;
	v46 =	vand.u32 $0x3FFFE000, v45;
	v32 =	vor.u32 v32, v34  }
0xee: {  	v47 =	vor.u32 v33, v46;
	[tilespmem:v25+s23+$0x0] =	vst.idx.msk $0xffff, v32  }
0xef: {  	[tilespmem:v25+s24+$0x0] =	vst.idx.msk $0xffff, v47  }
0xf0: {  	v32 =	vld.idx.msk [tilespmem:v26+s2+$0x0], $0xffff  }
0xf1: {  	v48 =	vld.idx.msk [tilespmem:v26+s15+$0x0], $0xffff;
	_ =	sdelay $0x3  }
0xf2: {  	v49 =	vshrl.u32 v32, $0x2  }
0xf3: {  	v32 =	vand.u32 $0x1FFF, v32;
	v50 =	vshrl.u32 v48, $0x2;
	v34 =	vand.u32 $0x3FFFE000, v49  }
0xf4: {  	v33 =	vand.u32 $0x1FFF, v48;
	v51 =	vand.u32 $0x3FFFE000, v50;
	v32 =	vor.u32 v32, v34  }
0xf5: {  	v52 =	vor.u32 v33, v51;
	[tilespmem:v26+s23+$0x0] =	vst.idx.msk $0xffff, v32  }
0xf6: {  	[tilespmem:v26+s24+$0x0] =	vst.idx.msk $0xffff, v52  }
0xf7: {  	v32 =	vld.idx.msk [tilespmem:v27+s2+$0x0], $0xffff  }
0xf8: {  	v53 =	vld.idx.msk [tilespmem:v27+s15+$0x0], $0xffff;
	_ =	sdelay $0x3  }
0xf9: {  	v54 =	vshrl.u32 v32, $0x2  }
0xfa: {  	v32 =	vand.u32 $0x1FFF, v32;
	v55 =	vshrl.u32 v53, $0x2;
	v34 =	vand.u32 $0x3FFFE000, v54  }
0xfb: {  	v33 =	vand.u32 $0x1FFF, v53;
	v56 =	vand.u32 $0x3FFFE000, v55;
	v32 =	vor.u32 v32, v34  }
0xfc: {  	v57 =	vor.u32 v33, v56;
	[tilespmem:v27+s23+$0x0] =	vst.idx.msk $0xffff, v32  }
0xfd: {  	[tilespmem:v27+s24+$0x0] =	vst.idx.msk $0xffff, v57  }
0xfe: {  	v32 =	vld.idx.msk [tilespmem:v28+s2+$0x0], $0xffff  }
0xff: {  	v58 =	vld.idx.msk [tilespmem:v28+s15+$0x0], $0xffff;
	_ =	sdelay $0x3  }
0x100: {  	v59 =	vshrl.u32 v32, $0x2  }
0x101: {  	v32 =	vand.u32 $0x1FFF, v32;
	v60 =	vshrl.u32 v58, $0x2;
	v34 =	vand.u32 $0x3FFFE000, v59  }
0x102: {  	v33 =	vand.u32 $0x1FFF, v58;
	v61 =	vand.u32 $0x3FFFE000, v60;
	v32 =	vor.u32 v32, v34  }
0x103: {  	v62 =	vor.u32 v33, v61;
	[tilespmem:v28+s23+$0x0] =	vst.idx.msk $0xffff, v32  }
0x104: {  	[tilespmem:v28+s24+$0x0] =	vst.idx.msk $0xffff, v62  }
0x105: {  	v32 =	vld.idx.msk [tilespmem:v29+s2+$0x0], $0xffff  }
0x106: {  	v63 =	vld.idx.msk [tilespmem:v29+s15+$0x0], $0xffff;
	_ =	sdelay $0x3  }
0x107: {  	v36 =	vshrl.u32 v32, $0x2  }
0x108: {  	v32 =	vand.u32 $0x1FFF, v32;
	v37 =	vshrl.u32 v63, $0x2;
	v34 =	vand.u32 $0x3FFFE000, v36  }
0x109: {  	v33 =	vand.u32 $0x1FFF, v63;
	v38 =	vand.u32 $0x3FFFE000, v37;
	v32 =	vor.u32 v32, v34  }
0x10a: {  	v39 =	vor.u32 v33, v38;
	[tilespmem:v29+s23+$0x0] =	vst.idx.msk $0xffff, v32  }
0x10b: {  	[tilespmem:v29+s24+$0x0] =	vst.idx.msk $0xffff, v39  }
0x10c: {  	v32 =	vld.idx.msk [tilespmem:v30+s2+$0x0], $0xffff  }
0x10d: {  	v40 =	vld.idx.msk [tilespmem:v30+s15+$0x0], $0xffff;
	_ =	sdelay $0x3  }
0x10e: {  	v41 =	vshrl.u32 v32, $0x2  }
0x10f: {  	v32 =	vand.u32 $0x1FFF, v32;
	v42 =	vshrl.u32 v40, $0x2;
	v34 =	vand.u32 $0x3FFFE000, v41  }
0x110: {  	v33 =	vand.u32 $0x1FFF, v40;
	v43 =	vand.u32 $0x3FFFE000, v42;
	v32 =	vor.u32 v32, v34  }
0x111: {  	v44 =	vor.u32 v33, v43;
	[tilespmem:v30+s23+$0x0] =	vst.idx.msk $0xffff, v32  }
0x112: {  	[tilespmem:v30+s24+$0x0] =	vst.idx.msk $0xffff, v44  }
0x113: {  	v32 =	vld.idx.msk [tilespmem:v31+s2+$0x0], $0xffff  }
0x114: {  	v45 =	vld.idx.msk [tilespmem:v31+s15+$0x0], $0xffff;
	_ =	sdelay $0x3  }
0x115: {  	v46 =	vshrl.u32 v32, $0x2  }
0x116: {  	v32 =	vand.u32 $0x1FFF, v32;
	v47 =	vshrl.u32 v45, $0x2;
	v34 =	vand.u32 $0x3FFFE000, v46  }
0x117: {  	v33 =	vand.u32 $0x1FFF, v45;
	v48 =	vand.u32 $0x3FFFE000, v47;
	v32 =	vor.u32 v32, v34  }
0x118: {  	v49 =	vor.u32 v33, v48;
	[tilespmem:v31+s23+$0x0] =	vst.idx.msk $0xffff, v32  }
0x119: {  	[tilespmem:v31+s24+$0x0] =	vst.idx.msk $0xffff, v49  }
0x11a: {  	[tilespmem:s25], [sflag:$0x2] =	stream.indirect.gather [hbm4b:s3+s16], $0x80, s23, s16, $0xb8;
	[tilespmem:$0x10A00] =	vst v63  }
0x11b: {  	_ = 	snop  }
0x11c: {  	[tilespmem:s26], [sflag:$0x4] =	stream.indirect.gather [hbm4b:s4+s16], $0x80, s24, s16, $0xb8;
	[tilespmem:$0x10A00] =	vst v63  }
0x11d: {  	s28 =	simm.s32 $0x480  }
0x11e: {  	[tilespmem:s29], [sflag:$0x3] =	stream.indirect.gather [hbm4b:s3+s16], $0x80, s28, s16, $0xb8;
	[tilespmem:$0x10A00] =	vst v63  }
0x11f: {  	s28 =	simm.s32 $0x680  }
0x120: {  	[tilespmem:s31], [sflag:$0x5] =	stream.indirect.gather [hbm4b:s4+s16], $0x80, s28, s16, $0xb8;
	[tilespmem:$0x10A00] =	vst v63  }
0x121: {  	_ =	swait.ge [sflag:s0], $0x4000  }
0x122: {  	v32 =	vor.u32 s2, v0;
	[sflag:s0] =	ssyncset.done $0x0  }
0x123: {  	[sflag:s0] =	ssyncadd.s32 $0xFFFFC000  }
0x124: {  	_ =	swait.ge [sflag:s1], $0x4000  }
0x125: {  	[sflag:s1] =	ssyncset.done $0x0  }
0x126: {  	[sflag:s1] =	ssyncadd.s32 $0xFFFFC000  }
0x127: {  	v50 =	vld.idx.msk [tilespmem:v32+s2+$0x0], $0xffff  }
0x128: {  	v51 =	vld.idx.msk [tilespmem:v32+s15+$0x0], $0xffff;
	_ =	sdelay $0x3  }
0x129: {  	v33 =	vshrl.u32 v50, $0x8  }
0x12a: {  	v52 =	vshll.u32 v32, $0x7;
	v34 =	vshrl.u32 v51, $0x8;
	v33 =	vand.u32 $0x60, v33  }
0x12b: {  	v36 =	vand.u32 $0x60, v34;
	v34 =	vor.u32 v52, v33  }
0x12c: {  	v33 =	vor.u32 v52, v36  }
0x12d: {  	v53 =	vor.u32 $0x1, v34  }
0x12e: {  	v36 =	vor.u32 $0x1, v33  }
0x12f: {  	v37 =	vor.u32 $0x2, v34  }
0x130: {  	v39 =	vor.u32 $0x2, v33;
	v38 =	vld.idx.msk [tilespmem:v34+s25+$0x0], $0xffff  }
0x131: {  	v41 =	vor.u32 $0x3, v34;
	v40 =	vld.idx.msk [tilespmem:v33+s26+$0x0], $0xffff  }
0x132: {  	v42 =	vor.u32 $0x3, v33;
	v35 =	vld.idx.msk [tilespmem:v53+s25+$0x0], $0xffff  }
0x133: {  	v43 =	vor.u32 $0x4, v34;
	v36 =	vld.idx.msk [tilespmem:v36+s26+$0x0], $0xffff  }
0x134: {  	v44 =	vor.u32 $0x4, v33;
	v37 =	vld.idx.msk [tilespmem:v37+s25+$0x0], $0xffff  }
0x135: {  	v45 =	vor.u32 $0x5, v34;
	v39 =	vld.idx.msk [tilespmem:v39+s26+$0x0], $0xffff  }
0x136: {  	v46 =	vor.u32 $0x5, v33;
	v41 =	vld.idx.msk [tilespmem:v41+s25+$0x0], $0xffff;
	v38 =	vmul.f32 v40, v38  }
0x137: {  	v55 =	vor.u32 $0x6, v34;
	v54 =	vld.idx.msk [tilespmem:v42+s26+$0x0], $0xffff  }
0x138: {  	v47 =	vor.u32 $0x6, v33;
	v43 =	vld.idx.msk [tilespmem:v43+s25+$0x0], $0xffff;
	v35 =	vmul.f32 v36, v35;
	v38 =	vadd.f32 $0.0e+00, v38  }
0x139: {  	v57 =	vor.u32 $0x7, v34;
	v56 =	vld.idx.msk [tilespmem:v44+s26+$0x0], $0xffff  }
0x13a: {  	v48 =	vor.u32 $0x7, v33;
	v45 =	vld.idx.msk [tilespmem:v45+s25+$0x0], $0xffff;
	v37 =	vmul.f32 v39, v37;
	v35 =	vadd.f32 v35, v38  }
0x13b: {  	v60 =	vor.u32 $0x8, v33;
	v58 =	vld.idx.msk [tilespmem:v46+s26+$0x0], $0xffff  }
0x13c: {  	v59 =	vor.u32 $0x8, v34;
	v42 =	vld.idx.msk [tilespmem:v55+s25+$0x0], $0xffff;
	v61 =	vmul.f32 v54, v41;
	v35 =	vadd.f32 v37, v35  }
0x13d: {  	v63 =	vor.u32 $0x9, v34;
	v62 =	vld.idx.msk [tilespmem:v47+s26+$0x0], $0xffff  }
0x13e: {  	v52 =	vor.u32 $0x9, v33;
	v44 =	vld.idx.msk [tilespmem:v57+s25+$0x0], $0xffff;
	v36 =	vmul.f32 v56, v43;
	v35 =	vadd.f32 v61, v35  }
0x13f: {  	v53 =	vld.idx.msk [tilespmem:v48+s26+$0x0], $0xffff;
	v54 =	vor.u32 $0xA, v34  }
0x140: {  	v55 =	vor.u32 $0xA, v33;
	v57 =	vld.idx.msk [tilespmem:v60+s26+$0x0], $0xffff;
	v56 =	vmul.f32 v58, v45;
	v35 =	vadd.f32 v36, v35  }
0x141: {  	v39 =	vld.idx.msk [tilespmem:v59+s25+$0x0], $0xffff;
	v58 =	vor.u32 $0xB, v34  }
0x142: {  	v41 =	vld.idx.msk [tilespmem:v63+s25+$0x0], $0xffff;
	v59 =	vor.u32 $0xB, v33;
	v60 =	vmul.f32 v62, v42;
	v35 =	vadd.f32 v56, v35  }
0x143: {  	v62 =	vor.u32 $0xC, v34;
	v61 =	vld.idx.msk [tilespmem:v52+s26+$0x0], $0xffff  }
0x144: {  	v63 =	vor.u32 $0xC, v33;
	v43 =	vld.idx.msk [tilespmem:v54+s25+$0x0], $0xffff;
	v52 =	vmul.f32 v53, v44;
	v35 =	vadd.f32 v60, v35  }
0x145: {  	v54 =	vor.u32 $0xD, v34;
	v53 =	vld.idx.msk [tilespmem:v55+s26+$0x0], $0xffff  }
0x146: {  	v45 =	vld.idx.msk [tilespmem:v58+s25+$0x0], $0xffff;
	v55 =	vor.u32 $0xD, v33;
	v56 =	vmul.f32 v57, v39;
	v35 =	vadd.f32 v52, v35  }
0x147: {  	v58 =	vor.u32 $0xE, v34;
	v57 =	vld.idx.msk [tilespmem:v59+s26+$0x0], $0xffff  }
0x148: {  	v42 =	vld.idx.msk [tilespmem:v62+s25+$0x0], $0xffff;
	v59 =	vor.u32 $0xE, v33;
	v60 =	vmul.f32 v61, v41;
	v35 =	vadd.f32 v56, v35  }
0x149: {  	v62 =	vor.u32 $0xF, v34;
	v61 =	vld.idx.msk [tilespmem:v63+s26+$0x0], $0xffff  }
0x14a: {  	v44 =	vld.idx.msk [tilespmem:v54+s25+$0x0], $0xffff;
	v63 =	vor.u32 $0xF, v33;
	v52 =	vmul.f32 v53, v43;
	v35 =	vadd.f32 v60, v35  }
0x14b: {  	v54 =	vor.u32 $0x10, v34;
	v53 =	vld.idx.msk [tilespmem:v55+s26+$0x0], $0xffff  }
0x14c: {  	v39 =	vld.idx.msk [tilespmem:v58+s25+$0x0], $0xffff;
	v55 =	vor.u32 $0x10, v33;
	v56 =	vmul.f32 v57, v45;
	v35 =	vadd.f32 v52, v35  }
0x14d: {  	v58 =	vor.u32 $0x11, v34;
	v57 =	vld.idx.msk [tilespmem:v59+s26+$0x0], $0xffff  }
0x14e: {  	v41 =	vld.idx.msk [tilespmem:v62+s25+$0x0], $0xffff;
	v59 =	vor.u32 $0x11, v33;
	v60 =	vmul.f32 v61, v42;
	v35 =	vadd.f32 v56, v35  }
0x14f: {  	v62 =	vor.u32 $0x12, v34;
	v61 =	vld.idx.msk [tilespmem:v63+s26+$0x0], $0xffff  }
0x150: {  	v43 =	vld.idx.msk [tilespmem:v54+s25+$0x0], $0xffff;
	v63 =	vor.u32 $0x12, v33;
	v52 =	vmul.f32 v53, v44;
	v35 =	vadd.f32 v60, v35  }
0x151: {  	v54 =	vor.u32 $0x13, v34;
	v53 =	vld.idx.msk [tilespmem:v55+s26+$0x0], $0xffff  }
0x152: {  	v45 =	vld.idx.msk [tilespmem:v58+s25+$0x0], $0xffff;
	v55 =	vor.u32 $0x13, v33;
	v56 =	vmul.f32 v57, v39;
	v35 =	vadd.f32 v52, v35  }
0x153: {  	v58 =	vor.u32 $0x14, v34;
	v57 =	vld.idx.msk [tilespmem:v59+s26+$0x0], $0xffff  }
0x154: {  	v42 =	vld.idx.msk [tilespmem:v62+s25+$0x0], $0xffff;
	v59 =	vor.u32 $0x14, v33;
	v60 =	vmul.f32 v61, v41;
	v35 =	vadd.f32 v56, v35  }
0x155: {  	v62 =	vor.u32 $0x15, v34;
	v61 =	vld.idx.msk [tilespmem:v63+s26+$0x0], $0xffff  }
0x156: {  	v44 =	vld.idx.msk [tilespmem:v54+s25+$0x0], $0xffff;
	v63 =	vor.u32 $0x15, v33;
	v52 =	vmul.f32 v53, v43;
	v35 =	vadd.f32 v60, v35  }
0x157: {  	v54 =	vor.u32 $0x16, v34;
	v53 =	vld.idx.msk [tilespmem:v55+s26+$0x0], $0xffff  }
0x158: {  	v39 =	vld.idx.msk [tilespmem:v58+s25+$0x0], $0xffff;
	v55 =	vor.u32 $0x16, v33;
	v56 =	vmul.f32 v57, v45;
	v35 =	vadd.f32 v52, v35  }
0x159: {  	v58 =	vor.u32 $0x17, v34;
	v57 =	vld.idx.msk [tilespmem:v59+s26+$0x0], $0xffff  }
0x15a: {  	v41 =	vld.idx.msk [tilespmem:v62+s25+$0x0], $0xffff;
	v59 =	vor.u32 $0x17, v33;
	v60 =	vmul.f32 v61, v42;
	v35 =	vadd.f32 v56, v35  }
0x15b: {  	v62 =	vor.u32 $0x18, v34;
	v61 =	vld.idx.msk [tilespmem:v63+s26+$0x0], $0xffff  }
0x15c: {  	v43 =	vld.idx.msk [tilespmem:v54+s25+$0x0], $0xffff;
	v63 =	vor.u32 $0x18, v33;
	v52 =	vmul.f32 v53, v44;
	v35 =	vadd.f32 v60, v35  }
0x15d: {  	v54 =	vor.u32 $0x19, v34;
	v53 =	vld.idx.msk [tilespmem:v55+s26+$0x0], $0xffff  }
0x15e: {  	v45 =	vld.idx.msk [tilespmem:v58+s25+$0x0], $0xffff;
	v55 =	vor.u32 $0x19, v33;
	v56 =	vmul.f32 v57, v39;
	v35 =	vadd.f32 v52, v35  }
0x15f: {  	v58 =	vor.u32 $0x1A, v34;
	v57 =	vld.idx.msk [tilespmem:v59+s26+$0x0], $0xffff  }
0x160: {  	v42 =	vld.idx.msk [tilespmem:v62+s25+$0x0], $0xffff;
	v59 =	vor.u32 $0x1A, v33;
	v60 =	vmul.f32 v61, v41;
	v35 =	vadd.f32 v56, v35  }
0x161: {  	v62 =	vor.u32 $0x1B, v34;
	v61 =	vld.idx.msk [tilespmem:v63+s26+$0x0], $0xffff  }
0x162: {  	v44 =	vld.idx.msk [tilespmem:v54+s25+$0x0], $0xffff;
	v63 =	vor.u32 $0x1B, v33;
	v52 =	vmul.f32 v53, v43;
	v35 =	vadd.f32 v60, v35  }
0x163: {  	v54 =	vor.u32 $0x1C, v34;
	v53 =	vld.idx.msk [tilespmem:v55+s26+$0x0], $0xffff  }
0x164: {  	v39 =	vld.idx.msk [tilespmem:v58+s25+$0x0], $0xffff;
	v55 =	vor.u32 $0x1C, v33;
	v56 =	vmul.f32 v57, v45;
	v35 =	vadd.f32 v52, v35  }
0x165: {  	v58 =	vor.u32 $0x1D, v34;
	v57 =	vld.idx.msk [tilespmem:v59+s26+$0x0], $0xffff  }
0x166: {  	v41 =	vld.idx.msk [tilespmem:v62+s25+$0x0], $0xffff;
	v59 =	vor.u32 $0x1D, v33;
	v60 =	vmul.f32 v61, v42;
	v35 =	vadd.f32 v56, v35  }
0x167: {  	v62 =	vor.u32 $0x1E, v34;
	v61 =	vld.idx.msk [tilespmem:v63+s26+$0x0], $0xffff  }
0x168: {  	v43 =	vld.idx.msk [tilespmem:v54+s25+$0x0], $0xffff;
	v63 =	vor.u32 $0x1E, v33;
	v49 =	vmul.f32 v53, v44;
	v35 =	vadd.f32 v60, v35  }
0x169: {  	v34 =	vor.u32 $0x1F, v34;
	v50 =	vld.idx.msk [tilespmem:v55+s26+$0x0], $0xffff  }
0x16a: {  	v51 =	vld.idx.msk [tilespmem:v58+s25+$0x0], $0xffff;
	v33 =	vor.u32 $0x1F, v33;
	v52 =	vmul.f32 v57, v39;
	v35 =	vadd.f32 v49, v35  }
0x16b: {  	v53 =	vld.idx.msk [tilespmem:v59+s26+$0x0], $0xffff  }
0x16c: {  	v54 =	vld.idx.msk [tilespmem:v62+s25+$0x0], $0xffff;
	v55 =	vmul.f32 v61, v41;
	v35 =	vadd.f32 v52, v35  }
0x16d: {  	v56 =	vld.idx.msk [tilespmem:v63+s26+$0x0], $0xffff  }
0x16e: {  	v57 =	vld.idx.msk [tilespmem:v34+s25+$0x0], $0xffff;
	v59 =	vmul.f32 v50, v43;
	v58 =	vadd.f32 v55, v35  }
0x16f: {  	v60 =	vld.idx.msk [tilespmem:v33+s26+$0x0], $0xffff  }
0x170: {  	v62 =	vmul.f32 v53, v51;
	v61 =	vadd.f32 v59, v58;
	_ =	sdelay $0x1  }
0x171: {  	v63 =	vmul.f32 v56, v54;
	v34 =	vadd.f32 v62, v61;
	_ =	sdelay $0x1  }
0x172: {  	s28 =	simm.s32 $0x10;
	v35 =	vmul.f32 v60, v57;
	v34 =	vadd.f32 v63, v34  }
0x173: {  	v33 =	vor.u32 s28, v0;
	s28 =	simm.s32 $0x20  }
.LBB2_2:
0x174: {  	p0 =	sne.s32 s28, $0x70;
	v34 =	vadd.f32 v35, v34;
	_ =	sdelay $0x1  }
0x175: {  	[tilespmem:v32+s17+$0x0] =	vst.idx.msk $0xffff, v34;
	v32 =	vmov v33  }
0x176: {  	v34 =	vld.idx.msk [tilespmem:v33+s2+$0x0], $0xffff  }
0x177: {  	v33 =	vld.idx.msk [tilespmem:v33+s15+$0x0], $0xffff;
	_ =	sdelay $0x4  }
0x178: {  	v34 =	vshrl.u32 v34, $0x8  }
0x179: {  	v35 =	vshll.u32 v32, $0x7;
	v34 =	vand.u32 $0x60, v34;
	v33 =	vshrl.u32 v33, $0x8  }
0x17a: {  	v33 =	vand.u32 $0x60, v33;
	v34 =	vor.u32 v35, v34  }
0x17b: {  	v33 =	vor.u32 v35, v33  }
0x17c: {  	v35 =	vor.u32 $0x1, v34  }
0x17d: {  	v36 =	vor.u32 $0x1, v33  }
0x17e: {  	v37 =	vor.u32 $0x2, v34  }
0x17f: {  	v39 =	vor.u32 $0x2, v33;
	v38 =	vld.idx.msk [tilespmem:v34+s25+$0x0], $0xffff  }
0x180: {  	v41 =	vor.u32 $0x3, v34;
	v40 =	vld.idx.msk [tilespmem:v33+s26+$0x0], $0xffff  }
0x181: {  	v42 =	vor.u32 $0x3, v33;
	v35 =	vld.idx.msk [tilespmem:v35+s25+$0x0], $0xffff  }
0x182: {  	v43 =	vor.u32 $0x4, v34;
	v36 =	vld.idx.msk [tilespmem:v36+s26+$0x0], $0xffff  }
0x183: {  	v44 =	vor.u32 $0x4, v33;
	v37 =	vld.idx.msk [tilespmem:v37+s25+$0x0], $0xffff  }
0x184: {  	v45 =	vor.u32 $0x5, v34;
	v39 =	vld.idx.msk [tilespmem:v39+s26+$0x0], $0xffff  }
0x185: {  	v46 =	vor.u32 $0x5, v33;
	v41 =	vld.idx.msk [tilespmem:v41+s25+$0x0], $0xffff  }
0x186: {  	v38 =	vmul.f32 v40, v38;
	v40 =	vld.idx.msk [tilespmem:v42+s26+$0x0], $0xffff;
	v42 =	vor.u32 $0x6, v34  }
0x187: {  	v47 =	vor.u32 $0x6, v33;
	v43 =	vld.idx.msk [tilespmem:v43+s25+$0x0], $0xffff  }
0x188: {  	v38 =	vadd.f32 $0.0e+00, v38;
	v35 =	vmul.f32 v36, v35;
	v36 =	vld.idx.msk [tilespmem:v44+s26+$0x0], $0xffff;
	v44 =	vor.u32 $0x7, v34  }
0x189: {  	v48 =	vor.u32 $0x7, v33;
	v45 =	vld.idx.msk [tilespmem:v45+s25+$0x0], $0xffff  }
0x18a: {  	v35 =	vadd.f32 v35, v38;
	v37 =	vmul.f32 v39, v37;
	v39 =	vor.u32 $0x8, v34;
	v38 =	vld.idx.msk [tilespmem:v46+s26+$0x0], $0xffff  }
0x18b: {  	v46 =	vor.u32 $0x8, v33;
	v42 =	vld.idx.msk [tilespmem:v42+s25+$0x0], $0xffff  }
0x18c: {  	v35 =	vadd.f32 v37, v35;
	v37 =	vmul.f32 v40, v41;
	v41 =	vor.u32 $0x9, v34;
	v40 =	vld.idx.msk [tilespmem:v47+s26+$0x0], $0xffff  }
0x18d: {  	v47 =	vor.u32 $0x9, v33;
	v44 =	vld.idx.msk [tilespmem:v44+s25+$0x0], $0xffff  }
0x18e: {  	v35 =	vadd.f32 v37, v35;
	v36 =	vmul.f32 v36, v43;
	v43 =	vor.u32 $0xA, v34;
	v37 =	vld.idx.msk [tilespmem:v48+s26+$0x0], $0xffff  }
0x18f: {  	v48 =	vor.u32 $0xA, v33;
	v39 =	vld.idx.msk [tilespmem:v39+s25+$0x0], $0xffff  }
0x190: {  	v35 =	vadd.f32 v36, v35;
	v36 =	vmul.f32 v38, v45;
	v45 =	vor.u32 $0xB, v34;
	v38 =	vld.idx.msk [tilespmem:v46+s26+$0x0], $0xffff  }
0x191: {  	v46 =	vor.u32 $0xB, v33;
	v41 =	vld.idx.msk [tilespmem:v41+s25+$0x0], $0xffff  }
0x192: {  	v35 =	vadd.f32 v36, v35;
	v36 =	vmul.f32 v40, v42;
	v42 =	vor.u32 $0xC, v34;
	v40 =	vld.idx.msk [tilespmem:v47+s26+$0x0], $0xffff  }
0x193: {  	v47 =	vor.u32 $0xC, v33;
	v43 =	vld.idx.msk [tilespmem:v43+s25+$0x0], $0xffff  }
0x194: {  	v35 =	vadd.f32 v36, v35;
	v36 =	vmul.f32 v37, v44;
	v44 =	vor.u32 $0xD, v34;
	v37 =	vld.idx.msk [tilespmem:v48+s26+$0x0], $0xffff  }
0x195: {  	v48 =	vor.u32 $0xD, v33;
	v45 =	vld.idx.msk [tilespmem:v45+s25+$0x0], $0xffff  }
0x196: {  	v35 =	vadd.f32 v36, v35;
	v36 =	vmul.f32 v38, v39;
	v39 =	vor.u32 $0xE, v34;
	v38 =	vld.idx.msk [tilespmem:v46+s26+$0x0], $0xffff  }
0x197: {  	v46 =	vor.u32 $0xE, v33;
	v42 =	vld.idx.msk [tilespmem:v42+s25+$0x0], $0xffff  }
0x198: {  	v35 =	vadd.f32 v36, v35;
	v36 =	vmul.f32 v40, v41;
	v41 =	vor.u32 $0xF, v34;
	v40 =	vld.idx.msk [tilespmem:v47+s26+$0x0], $0xffff  }
0x199: {  	v47 =	vor.u32 $0xF, v33;
	v44 =	vld.idx.msk [tilespmem:v44+s25+$0x0], $0xffff  }
0x19a: {  	v35 =	vadd.f32 v36, v35;
	v36 =	vmul.f32 v37, v43;
	v43 =	vor.u32 $0x10, v34;
	v37 =	vld.idx.msk [tilespmem:v48+s26+$0x0], $0xffff  }
0x19b: {  	v48 =	vor.u32 $0x10, v33;
	v39 =	vld.idx.msk [tilespmem:v39+s25+$0x0], $0xffff  }
0x19c: {  	v35 =	vadd.f32 v36, v35;
	v36 =	vmul.f32 v38, v45;
	v45 =	vor.u32 $0x11, v34;
	v38 =	vld.idx.msk [tilespmem:v46+s26+$0x0], $0xffff  }
0x19d: {  	v46 =	vor.u32 $0x11, v33;
	v41 =	vld.idx.msk [tilespmem:v41+s25+$0x0], $0xffff  }
0x19e: {  	v35 =	vadd.f32 v36, v35;
	v36 =	vmul.f32 v40, v42;
	v42 =	vor.u32 $0x12, v34;
	v40 =	vld.idx.msk [tilespmem:v47+s26+$0x0], $0xffff  }
0x19f: {  	v47 =	vor.u32 $0x12, v33;
	v43 =	vld.idx.msk [tilespmem:v43+s25+$0x0], $0xffff  }
0x1a0: {  	v35 =	vadd.f32 v36, v35;
	v36 =	vmul.f32 v37, v44;
	v44 =	vor.u32 $0x13, v34;
	v37 =	vld.idx.msk [tilespmem:v48+s26+$0x0], $0xffff  }
0x1a1: {  	v48 =	vor.u32 $0x13, v33;
	v45 =	vld.idx.msk [tilespmem:v45+s25+$0x0], $0xffff  }
0x1a2: {  	v35 =	vadd.f32 v36, v35;
	v36 =	vmul.f32 v38, v39;
	v39 =	vor.u32 $0x14, v34;
	v38 =	vld.idx.msk [tilespmem:v46+s26+$0x0], $0xffff  }
0x1a3: {  	v46 =	vor.u32 $0x14, v33;
	v42 =	vld.idx.msk [tilespmem:v42+s25+$0x0], $0xffff  }
0x1a4: {  	v35 =	vadd.f32 v36, v35;
	v36 =	vmul.f32 v40, v41;
	v41 =	vor.u32 $0x15, v34;
	v40 =	vld.idx.msk [tilespmem:v47+s26+$0x0], $0xffff  }
0x1a5: {  	v47 =	vor.u32 $0x15, v33;
	v44 =	vld.idx.msk [tilespmem:v44+s25+$0x0], $0xffff  }
0x1a6: {  	v35 =	vadd.f32 v36, v35;
	v36 =	vmul.f32 v37, v43;
	v43 =	vor.u32 $0x16, v34;
	v37 =	vld.idx.msk [tilespmem:v48+s26+$0x0], $0xffff  }
0x1a7: {  	v48 =	vor.u32 $0x16, v33;
	v39 =	vld.idx.msk [tilespmem:v39+s25+$0x0], $0xffff  }
0x1a8: {  	v35 =	vadd.f32 v36, v35;
	v36 =	vmul.f32 v38, v45;
	v45 =	vor.u32 $0x17, v34;
	v38 =	vld.idx.msk [tilespmem:v46+s26+$0x0], $0xffff  }
0x1a9: {  	v46 =	vor.u32 $0x17, v33;
	v41 =	vld.idx.msk [tilespmem:v41+s25+$0x0], $0xffff  }
0x1aa: {  	v35 =	vadd.f32 v36, v35;
	v36 =	vmul.f32 v40, v42;
	v42 =	vor.u32 $0x18, v34;
	v40 =	vld.idx.msk [tilespmem:v47+s26+$0x0], $0xffff  }
0x1ab: {  	v47 =	vor.u32 $0x18, v33;
	v43 =	vld.idx.msk [tilespmem:v43+s25+$0x0], $0xffff  }
0x1ac: {  	v35 =	vadd.f32 v36, v35;
	v36 =	vmul.f32 v37, v44;
	v44 =	vor.u32 $0x19, v34;
	v37 =	vld.idx.msk [tilespmem:v48+s26+$0x0], $0xffff  }
0x1ad: {  	v48 =	vor.u32 $0x19, v33;
	v45 =	vld.idx.msk [tilespmem:v45+s25+$0x0], $0xffff  }
0x1ae: {  	v35 =	vadd.f32 v36, v35;
	v36 =	vmul.f32 v38, v39;
	v39 =	vor.u32 $0x1A, v34;
	v38 =	vld.idx.msk [tilespmem:v46+s26+$0x0], $0xffff  }
0x1af: {  	v46 =	vor.u32 $0x1A, v33;
	v42 =	vld.idx.msk [tilespmem:v42+s25+$0x0], $0xffff  }
0x1b0: {  	v35 =	vadd.f32 v36, v35;
	v36 =	vmul.f32 v40, v41;
	v41 =	vor.u32 $0x1B, v34;
	v40 =	vld.idx.msk [tilespmem:v47+s26+$0x0], $0xffff  }
0x1b1: {  	v47 =	vor.u32 $0x1B, v33;
	v44 =	vld.idx.msk [tilespmem:v44+s25+$0x0], $0xffff  }
0x1b2: {  	v35 =	vadd.f32 v36, v35;
	v36 =	vmul.f32 v37, v43;
	v43 =	vor.u32 $0x1C, v34;
	v37 =	vld.idx.msk [tilespmem:v48+s26+$0x0], $0xffff  }
0x1b3: {  	v48 =	vor.u32 $0x1C, v33;
	v39 =	vld.idx.msk [tilespmem:v39+s25+$0x0], $0xffff  }
0x1b4: {  	v35 =	vadd.f32 v36, v35;
	v36 =	vmul.f32 v38, v45;
	v45 =	vor.u32 $0x1D, v34;
	v38 =	vld.idx.msk [tilespmem:v46+s26+$0x0], $0xffff  }
0x1b5: {  	v46 =	vor.u32 $0x1D, v33;
	v41 =	vld.idx.msk [tilespmem:v41+s25+$0x0], $0xffff  }
0x1b6: {  	v35 =	vadd.f32 v36, v35;
	v36 =	vmul.f32 v40, v42;
	v42 =	vor.u32 $0x1E, v34;
	v40 =	vld.idx.msk [tilespmem:v47+s26+$0x0], $0xffff  }
0x1b7: {  	v47 =	vor.u32 $0x1E, v33;
	v43 =	vld.idx.msk [tilespmem:v43+s25+$0x0], $0xffff  }
0x1b8: {  	v34 =	vor.u32 $0x1F, v34;
	v35 =	vadd.f32 v36, v35;
	v36 =	vmul.f32 v37, v44;
	v37 =	vld.idx.msk [tilespmem:v48+s26+$0x0], $0xffff  }
0x1b9: {  	v33 =	vor.u32 $0x1F, v33;
	v44 =	vld.idx.msk [tilespmem:v45+s25+$0x0], $0xffff  }
0x1ba: {  	v35 =	vadd.f32 v36, v35;
	v36 =	vmul.f32 v38, v39;
	v38 =	vld.idx.msk [tilespmem:v46+s26+$0x0], $0xffff  }
0x1bb: {  	v39 =	vld.idx.msk [tilespmem:v42+s25+$0x0], $0xffff  }
0x1bc: {  	v35 =	vadd.f32 v36, v35;
	v36 =	vmul.f32 v40, v41;
	v40 =	vld.idx.msk [tilespmem:v47+s26+$0x0], $0xffff  }
0x1bd: {  	v41 =	vld.idx.msk [tilespmem:v34+s25+$0x0], $0xffff  }
0x1be: {  	v34 =	vadd.f32 v36, v35;
	v35 =	vmul.f32 v37, v43;
	v36 =	vld.idx.msk [tilespmem:v33+s26+$0x0], $0xffff;
	_ =	sdelay $0x1  }
0x1bf: {  	v33 =	vadd.f32 v35, v34;
	v34 =	vmul.f32 v38, v44  }
.Ltmp0:
0x1c0: {  	(pc) =	sbr.rel @p0 .LBB2_2-.Ltmp0, $3  }
0x1c1: {  	v34 =	vadd.f32 v34, v33;
	v35 =	vmul.f32 v40, v39;
	_ =	sdelay $0x1  }
0x1c2: {  	v33 =	vor.u32 s28, v0;
	v34 =	vadd.f32 v35, v34;
	v35 =	vmul.f32 v36, v41  }
0x1c3: {  	s28 =	sadd.s32 $0x10, s28  }
0x1c4: {  	_ =	sdelay $0x1  }
0x1c5: {  	v34 =	vadd.f32 v35, v34;
	_ =	sdelay $0x1  }
0x1c6: {  	[tilespmem:v32+s17+$0x0] =	vst.idx.msk $0xffff, v34  }
0x1c7: {  	v32 =	vld.idx.msk [tilespmem:v33+s2+$0x0], $0xffff  }
0x1c8: {  	v34 =	vld.idx.msk [tilespmem:v33+s15+$0x0], $0xffff;
	_ =	sdelay $0x3  }
0x1c9: {  	v32 =	vshrl.u32 v32, $0x8  }
0x1ca: {  	v60 =	vshll.u32 v33, $0x7;
	v34 =	vshrl.u32 v34, $0x8;
	v32 =	vand.u32 $0x60, v32  }
0x1cb: {  	v36 =	vand.u32 $0x60, v34;
	v34 =	vor.u32 v60, v32  }
0x1cc: {  	v32 =	vor.u32 v60, v36  }
0x1cd: {  	v61 =	vor.u32 $0x1, v34  }
0x1ce: {  	v36 =	vor.u32 $0x1, v32  }
0x1cf: {  	v37 =	vor.u32 $0x2, v34  }
0x1d0: {  	v39 =	vor.u32 $0x2, v32;
	v38 =	vld.idx.msk [tilespmem:v34+s25+$0x0], $0xffff  }
0x1d1: {  	v41 =	vor.u32 $0x3, v34;
	v40 =	vld.idx.msk [tilespmem:v32+s26+$0x0], $0xffff  }
0x1d2: {  	v42 =	vor.u32 $0x3, v32;
	v35 =	vld.idx.msk [tilespmem:v61+s25+$0x0], $0xffff  }
0x1d3: {  	v43 =	vor.u32 $0x4, v34;
	v36 =	vld.idx.msk [tilespmem:v36+s26+$0x0], $0xffff  }
0x1d4: {  	v44 =	vor.u32 $0x4, v32;
	v37 =	vld.idx.msk [tilespmem:v37+s25+$0x0], $0xffff  }
0x1d5: {  	v45 =	vor.u32 $0x5, v34;
	v39 =	vld.idx.msk [tilespmem:v39+s26+$0x0], $0xffff  }
0x1d6: {  	v46 =	vor.u32 $0x5, v32;
	v41 =	vld.idx.msk [tilespmem:v41+s25+$0x0], $0xffff;
	v38 =	vmul.f32 v40, v38  }
0x1d7: {  	v63 =	vor.u32 $0x6, v34;
	v62 =	vld.idx.msk [tilespmem:v42+s26+$0x0], $0xffff  }
0x1d8: {  	v47 =	vor.u32 $0x6, v32;
	v43 =	vld.idx.msk [tilespmem:v43+s25+$0x0], $0xffff;
	v35 =	vmul.f32 v36, v35;
	v38 =	vadd.f32 $0.0e+00, v38  }
0x1d9: {  	v53 =	vor.u32 $0x7, v34;
	v52 =	vld.idx.msk [tilespmem:v44+s26+$0x0], $0xffff  }
0x1da: {  	v48 =	vor.u32 $0x7, v32;
	v45 =	vld.idx.msk [tilespmem:v45+s25+$0x0], $0xffff;
	v37 =	vmul.f32 v39, v37;
	v35 =	vadd.f32 v35, v38  }
0x1db: {  	v56 =	vor.u32 $0x8, v32;
	v54 =	vld.idx.msk [tilespmem:v46+s26+$0x0], $0xffff  }
0x1dc: {  	v55 =	vor.u32 $0x8, v34;
	v42 =	vld.idx.msk [tilespmem:v63+s25+$0x0], $0xffff;
	v57 =	vmul.f32 v62, v41;
	v35 =	vadd.f32 v37, v35  }
0x1dd: {  	v59 =	vor.u32 $0x9, v34;
	v58 =	vld.idx.msk [tilespmem:v47+s26+$0x0], $0xffff  }
0x1de: {  	v60 =	vor.u32 $0x9, v32;
	v44 =	vld.idx.msk [tilespmem:v53+s25+$0x0], $0xffff;
	v36 =	vmul.f32 v52, v43;
	v35 =	vadd.f32 v57, v35  }
0x1df: {  	v61 =	vld.idx.msk [tilespmem:v48+s26+$0x0], $0xffff;
	v62 =	vor.u32 $0xA, v34  }
0x1e0: {  	v63 =	vor.u32 $0xA, v32;
	v53 =	vld.idx.msk [tilespmem:v56+s26+$0x0], $0xffff;
	v52 =	vmul.f32 v54, v45;
	v35 =	vadd.f32 v36, v35  }
0x1e1: {  	v39 =	vld.idx.msk [tilespmem:v55+s25+$0x0], $0xffff;
	v54 =	vor.u32 $0xB, v34  }
0x1e2: {  	v41 =	vld.idx.msk [tilespmem:v59+s25+$0x0], $0xffff;
	v55 =	vor.u32 $0xB, v32;
	v56 =	vmul.f32 v58, v42;
	v35 =	vadd.f32 v52, v35  }
0x1e3: {  	v58 =	vor.u32 $0xC, v34;
	v57 =	vld.idx.msk [tilespmem:v60+s26+$0x0], $0xffff  }
0x1e4: {  	v59 =	vor.u32 $0xC, v32;
	v43 =	vld.idx.msk [tilespmem:v62+s25+$0x0], $0xffff;
	v60 =	vmul.f32 v61, v44;
	v35 =	vadd.f32 v56, v35  }
0x1e5: {  	v62 =	vor.u32 $0xD, v34;
	v61 =	vld.idx.msk [tilespmem:v63+s26+$0x0], $0xffff  }
0x1e6: {  	v45 =	vld.idx.msk [tilespmem:v54+s25+$0x0], $0xffff;
	v63 =	vor.u32 $0xD, v32;
	v52 =	vmul.f32 v53, v39;
	v35 =	vadd.f32 v60, v35  }
0x1e7: {  	v54 =	vor.u32 $0xE, v34;
	v53 =	vld.idx.msk [tilespmem:v55+s26+$0x0], $0xffff  }
0x1e8: {  	v42 =	vld.idx.msk [tilespmem:v58+s25+$0x0], $0xffff;
	v55 =	vor.u32 $0xE, v32;
	v56 =	vmul.f32 v57, v41;
	v35 =	vadd.f32 v52, v35  }
0x1e9: {  	v58 =	vor.u32 $0xF, v34;
	v57 =	vld.idx.msk [tilespmem:v59+s26+$0x0], $0xffff  }
0x1ea: {  	v44 =	vld.idx.msk [tilespmem:v62+s25+$0x0], $0xffff;
	v59 =	vor.u32 $0xF, v32;
	v60 =	vmul.f32 v61, v43;
	v35 =	vadd.f32 v56, v35  }
0x1eb: {  	v62 =	vor.u32 $0x10, v34;
	v61 =	vld.idx.msk [tilespmem:v63+s26+$0x0], $0xffff  }
0x1ec: {  	v39 =	vld.idx.msk [tilespmem:v54+s25+$0x0], $0xffff;
	v63 =	vor.u32 $0x10, v32;
	v52 =	vmul.f32 v53, v45;
	v35 =	vadd.f32 v60, v35  }
0x1ed: {  	v54 =	vor.u32 $0x11, v34;
	v53 =	vld.idx.msk [tilespmem:v55+s26+$0x0], $0xffff  }
0x1ee: {  	v41 =	vld.idx.msk [tilespmem:v58+s25+$0x0], $0xffff;
	v55 =	vor.u32 $0x11, v32;
	v56 =	vmul.f32 v57, v42;
	v35 =	vadd.f32 v52, v35  }
0x1ef: {  	v58 =	vor.u32 $0x12, v34;
	v57 =	vld.idx.msk [tilespmem:v59+s26+$0x0], $0xffff  }
0x1f0: {  	v43 =	vld.idx.msk [tilespmem:v62+s25+$0x0], $0xffff;
	v59 =	vor.u32 $0x12, v32;
	v60 =	vmul.f32 v61, v44;
	v35 =	vadd.f32 v56, v35  }
0x1f1: {  	v62 =	vor.u32 $0x13, v34;
	v61 =	vld.idx.msk [tilespmem:v63+s26+$0x0], $0xffff  }
0x1f2: {  	v45 =	vld.idx.msk [tilespmem:v54+s25+$0x0], $0xffff;
	v63 =	vor.u32 $0x13, v32;
	v52 =	vmul.f32 v53, v39;
	v35 =	vadd.f32 v60, v35  }
0x1f3: {  	v54 =	vor.u32 $0x14, v34;
	v53 =	vld.idx.msk [tilespmem:v55+s26+$0x0], $0xffff  }
0x1f4: {  	v42 =	vld.idx.msk [tilespmem:v58+s25+$0x0], $0xffff;
	v55 =	vor.u32 $0x14, v32;
	v56 =	vmul.f32 v57, v41;
	v35 =	vadd.f32 v52, v35  }
0x1f5: {  	v58 =	vor.u32 $0x15, v34;
	v57 =	vld.idx.msk [tilespmem:v59+s26+$0x0], $0xffff  }
0x1f6: {  	v44 =	vld.idx.msk [tilespmem:v62+s25+$0x0], $0xffff;
	v59 =	vor.u32 $0x15, v32;
	v60 =	vmul.f32 v61, v43;
	v35 =	vadd.f32 v56, v35  }
0x1f7: {  	v62 =	vor.u32 $0x16, v34;
	v61 =	vld.idx.msk [tilespmem:v63+s26+$0x0], $0xffff  }
0x1f8: {  	v39 =	vld.idx.msk [tilespmem:v54+s25+$0x0], $0xffff;
	v63 =	vor.u32 $0x16, v32;
	v52 =	vmul.f32 v53, v45;
	v35 =	vadd.f32 v60, v35  }
0x1f9: {  	v54 =	vor.u32 $0x17, v34;
	v53 =	vld.idx.msk [tilespmem:v55+s26+$0x0], $0xffff  }
0x1fa: {  	v41 =	vld.idx.msk [tilespmem:v58+s25+$0x0], $0xffff;
	v55 =	vor.u32 $0x17, v32;
	v56 =	vmul.f32 v57, v42;
	v35 =	vadd.f32 v52, v35  }
0x1fb: {  	v58 =	vor.u32 $0x18, v34;
	v57 =	vld.idx.msk [tilespmem:v59+s26+$0x0], $0xffff  }
0x1fc: {  	v43 =	vld.idx.msk [tilespmem:v62+s25+$0x0], $0xffff;
	v59 =	vor.u32 $0x18, v32;
	v60 =	vmul.f32 v61, v44;
	v35 =	vadd.f32 v56, v35  }
0x1fd: {  	v62 =	vor.u32 $0x19, v34;
	v61 =	vld.idx.msk [tilespmem:v63+s26+$0x0], $0xffff  }
0x1fe: {  	v45 =	vld.idx.msk [tilespmem:v54+s25+$0x0], $0xffff;
	v63 =	vor.u32 $0x19, v32;
	v52 =	vmul.f32 v53, v39;
	v35 =	vadd.f32 v60, v35  }
0x1ff: {  	v54 =	vor.u32 $0x1A, v34;
	v53 =	vld.idx.msk [tilespmem:v55+s26+$0x0], $0xffff  }
0x200: {  	v42 =	vld.idx.msk [tilespmem:v58+s25+$0x0], $0xffff;
	v55 =	vor.u32 $0x1A, v32;
	v56 =	vmul.f32 v57, v41;
	v35 =	vadd.f32 v52, v35  }
0x201: {  	v58 =	vor.u32 $0x1B, v34;
	v57 =	vld.idx.msk [tilespmem:v59+s26+$0x0], $0xffff  }
0x202: {  	v44 =	vld.idx.msk [tilespmem:v62+s25+$0x0], $0xffff;
	v59 =	vor.u32 $0x1B, v32;
	v60 =	vmul.f32 v61, v43;
	v35 =	vadd.f32 v56, v35  }
0x203: {  	v62 =	vor.u32 $0x1C, v34;
	v61 =	vld.idx.msk [tilespmem:v63+s26+$0x0], $0xffff  }
0x204: {  	v39 =	vld.idx.msk [tilespmem:v54+s25+$0x0], $0xffff;
	v63 =	vor.u32 $0x1C, v32;
	v49 =	vmul.f32 v53, v45;
	v35 =	vadd.f32 v60, v35  }
0x205: {  	v51 =	vor.u32 $0x1D, v34;
	v50 =	vld.idx.msk [tilespmem:v55+s26+$0x0], $0xffff  }
0x206: {  	v41 =	vld.idx.msk [tilespmem:v58+s25+$0x0], $0xffff;
	v52 =	vor.u32 $0x1D, v32;
	v53 =	vmul.f32 v57, v42;
	v35 =	vadd.f32 v49, v35  }
0x207: {  	v55 =	vor.u32 $0x1E, v34;
	v54 =	vld.idx.msk [tilespmem:v59+s26+$0x0], $0xffff  }
0x208: {  	v43 =	vld.idx.msk [tilespmem:v62+s25+$0x0], $0xffff;
	v56 =	vor.u32 $0x1E, v32;
	v57 =	vmul.f32 v61, v44;
	v35 =	vadd.f32 v53, v35  }
0x209: {  	v34 =	vor.u32 $0x1F, v34;
	v58 =	vld.idx.msk [tilespmem:v63+s26+$0x0], $0xffff  }
0x20a: {  	v59 =	vld.idx.msk [tilespmem:v51+s25+$0x0], $0xffff;
	v32 =	vor.u32 $0x1F, v32;
	v60 =	vmul.f32 v50, v39;
	v35 =	vadd.f32 v57, v35  }
0x20b: {  	v61 =	vld.idx.msk [tilespmem:v52+s26+$0x0], $0xffff  }
0x20c: {  	v62 =	vld.idx.msk [tilespmem:v55+s25+$0x0], $0xffff;
	v63 =	vmul.f32 v54, v41;
	v35 =	vadd.f32 v60, v35  }
0x20d: {  	v45 =	vld.idx.msk [tilespmem:v56+s26+$0x0], $0xffff  }
0x20e: {  	v34 =	vld.idx.msk [tilespmem:v34+s25+$0x0], $0xffff;
	v46 =	vmul.f32 v58, v43;
	v35 =	vadd.f32 v63, v35  }
0x20f: {  	v32 =	vld.idx.msk [tilespmem:v32+s26+$0x0], $0xffff  }
0x210: {  	v47 =	vmul.f32 v61, v59;
	v35 =	vadd.f32 v46, v35;
	_ =	sdelay $0x1  }
0x211: {  	v48 =	vmul.f32 v45, v62;
	v35 =	vadd.f32 v47, v35;
	_ =	sdelay $0x1  }
0x212: {  	v32 =	vmul.f32 v32, v34;
	v35 =	vadd.f32 v48, v35;
	_ =	sdelay $0x1  }
0x213: {  	v32 =	vadd.f32 v32, v35;
	_ =	sdelay $0x1  }
0x214: {  	s28 =	simm.s32 $0x500;
	[tilespmem:v33+s17+$0x0] =	vst.idx.msk $0xffff, v32  }
0x215: {  	[tilespmem:s25], [sflag:$0x2] =	stream.indirect.gather [hbm4b:s3+s16], $0x80, s28, s16, $0xb8;
	[tilespmem:$0x10A00] =	vst v63  }
0x216: {  	s28 =	simm.s32 $0x700  }
0x217: {  	[tilespmem:s26], [sflag:$0x4] =	stream.indirect.gather [hbm4b:s4+s16], $0x80, s28, s16, $0xb8;
	[tilespmem:$0x10A00] =	vst v63  }
0x218: {  	s28 =	simm.s32 $0x0;
	_ =	swait.ge [sflag:s20], $0x4000  }
0x219: {  	v33 =	vor.u32 s28, v8;
	[sflag:s20] =	ssyncset.done $0x0  }
0x21a: {  	[sflag:s20] =	ssyncadd.s32 $0xFFFFC000  }
0x21b: {  	_ =	swait.ge [sflag:s21], $0x4000  }
0x21c: {  	[sflag:s21] =	ssyncset.done $0x0  }
0x21d: {  	[sflag:s21] =	ssyncadd.s32 $0xFFFFC000  }
0x21e: {  	v49 =	vld.idx.msk [tilespmem:v33+s2+$0x0], $0xffff  }
0x21f: {  	v50 =	vld.idx.msk [tilespmem:v33+s15+$0x0], $0xffff;
	_ =	sdelay $0x2  }
0x220: {  	v32 =	vmul.u32 $0x80, v0;
	v51 =	vmov s28  }
0x221: {  	v36 =	vshll.u32 v51, $0x7;
	v34 =	vshrl.u32 v49, $0x8  }
0x222: {  	v36 =	vor.u32 v32, v36;
	v35 =	vshrl.u32 v50, $0x8;
	v34 =	vand.u32 $0x60, v34  }
0x223: {  	v52 =	vand.u32 $0x60, v35;
	v35 =	vor.u32 v36, v34  }
0x224: {  	v34 =	vor.u32 v36, v52  }
0x225: {  	v53 =	vor.u32 $0x1, v35  }
0x226: {  	v37 =	vor.u32 $0x1, v34  }
0x227: {  	v54 =	vor.u32 $0x2, v35  }
0x228: {  	v56 =	vor.u32 $0x2, v34;
	v55 =	vld.idx.msk [tilespmem:v35+s29+$0x0], $0xffff  }
0x229: {  	v58 =	vor.u32 $0x3, v35;
	v57 =	vld.idx.msk [tilespmem:v34+s31+$0x0], $0xffff  }
0x22a: {  	v59 =	vor.u32 $0x3, v34;
	v36 =	vld.idx.msk [tilespmem:v53+s29+$0x0], $0xffff  }
0x22b: {  	v60 =	vor.u32 $0x4, v35;
	v37 =	vld.idx.msk [tilespmem:v37+s31+$0x0], $0xffff  }
0x22c: {  	v61 =	vor.u32 $0x4, v34;
	v38 =	vld.idx.msk [tilespmem:v54+s29+$0x0], $0xffff  }
0x22d: {  	v62 =	vor.u32 $0x5, v35;
	v40 =	vld.idx.msk [tilespmem:v56+s31+$0x0], $0xffff  }
0x22e: {  	v63 =	vor.u32 $0x5, v34;
	v42 =	vld.idx.msk [tilespmem:v58+s29+$0x0], $0xffff;
	v39 =	vmul.f32 v57, v55  }
0x22f: {  	v52 =	vld.idx.msk [tilespmem:v59+s31+$0x0], $0xffff;
	v53 =	vor.u32 $0x6, v35  }
0x230: {  	v44 =	vld.idx.msk [tilespmem:v60+s29+$0x0], $0xffff;
	v54 =	vor.u32 $0x6, v34;
	v36 =	vmul.f32 v37, v36;
	v39 =	vadd.f32 $0.0e+00, v39  }
0x231: {  	v56 =	vor.u32 $0x7, v35;
	v55 =	vld.idx.msk [tilespmem:v61+s31+$0x0], $0xffff  }
0x232: {  	v49 =	vor.u32 $0x7, v34;
	v46 =	vld.idx.msk [tilespmem:v62+s29+$0x0], $0xffff;
	v38 =	vmul.f32 v40, v38;
	v36 =	vadd.f32 v36, v39  }
0x233: {  	v58 =	vor.u32 $0x8, v35;
	v57 =	vld.idx.msk [tilespmem:v63+s31+$0x0], $0xffff  }
0x234: {  	v59 =	vor.u32 $0x8, v34;
	v43 =	vld.idx.msk [tilespmem:v53+s29+$0x0], $0xffff;
	v60 =	vmul.f32 v52, v42;
	v36 =	vadd.f32 v38, v36  }
0x235: {  	v62 =	vor.u32 $0x9, v35;
	v61 =	vld.idx.msk [tilespmem:v54+s31+$0x0], $0xffff  }
0x236: {  	v63 =	vor.u32 $0x9, v34;
	v45 =	vld.idx.msk [tilespmem:v56+s29+$0x0], $0xffff;
	v37 =	vmul.f32 v55, v44;
	v36 =	vadd.f32 v60, v36  }
0x237: {  	v52 =	vld.idx.msk [tilespmem:v49+s31+$0x0], $0xffff;
	v53 =	vor.u32 $0xA, v35  }
0x238: {  	v40 =	vld.idx.msk [tilespmem:v58+s29+$0x0], $0xffff;
	v54 =	vor.u32 $0xA, v34;
	v55 =	vmul.f32 v57, v46;
	v36 =	vadd.f32 v37, v36  }
0x239: {  	v56 =	vld.idx.msk [tilespmem:v59+s31+$0x0], $0xffff;
	v57 =	vor.u32 $0xB, v35  }
0x23a: {  	v42 =	vld.idx.msk [tilespmem:v62+s29+$0x0], $0xffff;
	v58 =	vor.u32 $0xB, v34;
	v59 =	vmul.f32 v61, v43;
	v36 =	vadd.f32 v55, v36  }
0x23b: {  	v61 =	vor.u32 $0xC, v35;
	v60 =	vld.idx.msk [tilespmem:v63+s31+$0x0], $0xffff  }
0x23c: {  	v62 =	vor.u32 $0xC, v34;
	v44 =	vld.idx.msk [tilespmem:v53+s29+$0x0], $0xffff;
	v63 =	vmul.f32 v52, v45;
	v36 =	vadd.f32 v59, v36  }
0x23d: {  	v53 =	vor.u32 $0xD, v35;
	v52 =	vld.idx.msk [tilespmem:v54+s31+$0x0], $0xffff  }
0x23e: {  	v54 =	vor.u32 $0xD, v34;
	v46 =	vld.idx.msk [tilespmem:v57+s29+$0x0], $0xffff;
	v55 =	vmul.f32 v56, v40;
	v36 =	vadd.f32 v63, v36  }
0x23f: {  	v57 =	vor.u32 $0xE, v35;
	v56 =	vld.idx.msk [tilespmem:v58+s31+$0x0], $0xffff  }
0x240: {  	v43 =	vld.idx.msk [tilespmem:v61+s29+$0x0], $0xffff;
	v58 =	vor.u32 $0xE, v34;
	v59 =	vmul.f32 v60, v42;
	v36 =	vadd.f32 v55, v36  }
0x241: {  	v61 =	vor.u32 $0xF, v35;
	v60 =	vld.idx.msk [tilespmem:v62+s31+$0x0], $0xffff  }
0x242: {  	v45 =	vld.idx.msk [tilespmem:v53+s29+$0x0], $0xffff;
	v62 =	vor.u32 $0xF, v34;
	v63 =	vmul.f32 v52, v44;
	v36 =	vadd.f32 v59, v36  }
0x243: {  	v53 =	vor.u32 $0x10, v35;
	v52 =	vld.idx.msk [tilespmem:v54+s31+$0x0], $0xffff  }
0x244: {  	v40 =	vld.idx.msk [tilespmem:v57+s29+$0x0], $0xffff;
	v54 =	vor.u32 $0x10, v34;
	v55 =	vmul.f32 v56, v46;
	v36 =	vadd.f32 v63, v36  }
0x245: {  	v57 =	vor.u32 $0x11, v35;
	v56 =	vld.idx.msk [tilespmem:v58+s31+$0x0], $0xffff  }
0x246: {  	v42 =	vld.idx.msk [tilespmem:v61+s29+$0x0], $0xffff;
	v58 =	vor.u32 $0x11, v34;
	v59 =	vmul.f32 v60, v43;
	v36 =	vadd.f32 v55, v36  }
0x247: {  	v61 =	vor.u32 $0x12, v35;
	v60 =	vld.idx.msk [tilespmem:v62+s31+$0x0], $0xffff  }
0x248: {  	v44 =	vld.idx.msk [tilespmem:v53+s29+$0x0], $0xffff;
	v62 =	vor.u32 $0x12, v34;
	v63 =	vmul.f32 v52, v45;
	v36 =	vadd.f32 v59, v36  }
0x249: {  	v53 =	vor.u32 $0x13, v35;
	v52 =	vld.idx.msk [tilespmem:v54+s31+$0x0], $0xffff  }
0x24a: {  	v46 =	vld.idx.msk [tilespmem:v57+s29+$0x0], $0xffff;
	v54 =	vor.u32 $0x13, v34;
	v55 =	vmul.f32 v56, v40;
	v36 =	vadd.f32 v63, v36  }
0x24b: {  	v57 =	vor.u32 $0x14, v35;
	v56 =	vld.idx.msk [tilespmem:v58+s31+$0x0], $0xffff  }
0x24c: {  	v43 =	vld.idx.msk [tilespmem:v61+s29+$0x0], $0xffff;
	v58 =	vor.u32 $0x14, v34;
	v59 =	vmul.f32 v60, v42;
	v36 =	vadd.f32 v55, v36  }
0x24d: {  	v61 =	vor.u32 $0x15, v35;
	v60 =	vld.idx.msk [tilespmem:v62+s31+$0x0], $0xffff  }
0x24e: {  	v45 =	vld.idx.msk [tilespmem:v53+s29+$0x0], $0xffff;
	v62 =	vor.u32 $0x15, v34;
	v63 =	vmul.f32 v52, v44;
	v36 =	vadd.f32 v59, v36  }
0x24f: {  	v53 =	vor.u32 $0x16, v35;
	v52 =	vld.idx.msk [tilespmem:v54+s31+$0x0], $0xffff  }
0x250: {  	v40 =	vld.idx.msk [tilespmem:v57+s29+$0x0], $0xffff;
	v54 =	vor.u32 $0x16, v34;
	v55 =	vmul.f32 v56, v46;
	v36 =	vadd.f32 v63, v36  }
0x251: {  	v57 =	vor.u32 $0x17, v35;
	v56 =	vld.idx.msk [tilespmem:v58+s31+$0x0], $0xffff  }
0x252: {  	v42 =	vld.idx.msk [tilespmem:v61+s29+$0x0], $0xffff;
	v58 =	vor.u32 $0x17, v34;
	v59 =	vmul.f32 v60, v43;
	v36 =	vadd.f32 v55, v36  }
0x253: {  	v61 =	vor.u32 $0x18, v35;
	v60 =	vld.idx.msk [tilespmem:v62+s31+$0x0], $0xffff  }
0x254: {  	v44 =	vld.idx.msk [tilespmem:v53+s29+$0x0], $0xffff;
	v62 =	vor.u32 $0x18, v34;
	v63 =	vmul.f32 v52, v45;
	v36 =	vadd.f32 v59, v36  }
0x255: {  	v53 =	vor.u32 $0x19, v35;
	v52 =	vld.idx.msk [tilespmem:v54+s31+$0x0], $0xffff  }
0x256: {  	v46 =	vld.idx.msk [tilespmem:v57+s29+$0x0], $0xffff;
	v54 =	vor.u32 $0x19, v34;
	v55 =	vmul.f32 v56, v40;
	v36 =	vadd.f32 v63, v36  }
0x257: {  	v57 =	vor.u32 $0x1A, v35;
	v56 =	vld.idx.msk [tilespmem:v58+s31+$0x0], $0xffff  }
0x258: {  	v43 =	vld.idx.msk [tilespmem:v61+s29+$0x0], $0xffff;
	v58 =	vor.u32 $0x1A, v34;
	v59 =	vmul.f32 v60, v42;
	v36 =	vadd.f32 v55, v36  }
0x259: {  	v61 =	vor.u32 $0x1B, v35;
	v60 =	vld.idx.msk [tilespmem:v62+s31+$0x0], $0xffff  }
0x25a: {  	v45 =	vld.idx.msk [tilespmem:v53+s29+$0x0], $0xffff;
	v62 =	vor.u32 $0x1B, v34;
	v63 =	vmul.f32 v52, v44;
	v36 =	vadd.f32 v59, v36  }
0x25b: {  	v53 =	vor.u32 $0x1C, v35;
	v52 =	vld.idx.msk [tilespmem:v54+s31+$0x0], $0xffff  }
0x25c: {  	v40 =	vld.idx.msk [tilespmem:v57+s29+$0x0], $0xffff;
	v54 =	vor.u32 $0x1C, v34;
	v55 =	vmul.f32 v56, v46;
	v36 =	vadd.f32 v63, v36  }
0x25d: {  	v57 =	vor.u32 $0x1D, v35;
	v56 =	vld.idx.msk [tilespmem:v58+s31+$0x0], $0xffff  }
0x25e: {  	v42 =	vld.idx.msk [tilespmem:v61+s29+$0x0], $0xffff;
	v58 =	vor.u32 $0x1D, v34;
	v59 =	vmul.f32 v60, v43;
	v36 =	vadd.f32 v55, v36  }
0x25f: {  	v61 =	vor.u32 $0x1E, v35;
	v60 =	vld.idx.msk [tilespmem:v62+s31+$0x0], $0xffff  }
0x260: {  	v44 =	vld.idx.msk [tilespmem:v53+s29+$0x0], $0xffff;
	v62 =	vor.u32 $0x1E, v34;
	v63 =	vmul.f32 v52, v45;
	v36 =	vadd.f32 v59, v36  }
0x261: {  	v35 =	vor.u32 $0x1F, v35;
	v50 =	vld.idx.msk [tilespmem:v54+s31+$0x0], $0xffff  }
0x262: {  	v51 =	vld.idx.msk [tilespmem:v57+s29+$0x0], $0xffff;
	v34 =	vor.u32 $0x1F, v34;
	v52 =	vmul.f32 v56, v40;
	v36 =	vadd.f32 v63, v36  }
0x263: {  	v53 =	vld.idx.msk [tilespmem:v58+s31+$0x0], $0xffff  }
0x264: {  	v54 =	vld.idx.msk [tilespmem:v61+s29+$0x0], $0xffff;
	v55 =	vmul.f32 v60, v42;
	v36 =	vadd.f32 v52, v36  }
0x265: {  	v56 =	vld.idx.msk [tilespmem:v62+s31+$0x0], $0xffff  }
0x266: {  	v57 =	vld.idx.msk [tilespmem:v35+s29+$0x0], $0xffff;
	v59 =	vmul.f32 v50, v44;
	v58 =	vadd.f32 v55, v36  }
0x267: {  	v60 =	vld.idx.msk [tilespmem:v34+s31+$0x0], $0xffff  }
0x268: {  	v62 =	vmul.f32 v53, v51;
	v61 =	vadd.f32 v59, v58;
	_ =	sdelay $0x1  }
0x269: {  	v63 =	vmul.f32 v56, v54;
	v35 =	vadd.f32 v62, v61;
	_ =	sdelay $0x1  }
0x26a: {  	s28 =	simm.s32 $0x10;
	v36 =	vmul.f32 v60, v57;
	v35 =	vadd.f32 v63, v35  }
0x26b: {  	s30 =	simm.s32 $0x20;
	v34 =	vor.u32 s28, v8  }
.LBB2_4:
0x26c: {  	p0 =	sne.s32 s30, $0x70;
	v35 =	vadd.f32 v36, v35;
	_ =	sdelay $0x1  }
0x26d: {  	[tilespmem:v33+s17+$0x0] =	vst.idx.msk $0xffff, v35;
	v33 =	vmov v34  }
0x26e: {  	v35 =	vld.idx.msk [tilespmem:v34+s2+$0x0], $0xffff  }
0x26f: {  	v34 =	vld.idx.msk [tilespmem:v34+s15+$0x0], $0xffff;
	_ =	sdelay $0x3  }
0x270: {  	v36 =	vmov s28;
	s28 =	smov.u32 s30  }
0x271: {  	v36 =	vshll.u32 v36, $0x7;
	v35 =	vshrl.u32 v35, $0x8  }
0x272: {  	v36 =	vor.u32 v32, v36;
	v35 =	vand.u32 $0x60, v35;
	v34 =	vshrl.u32 v34, $0x8  }
0x273: {  	v34 =	vand.u32 $0x60, v34;
	v35 =	vor.u32 v36, v35  }
0x274: {  	v34 =	vor.u32 v36, v34  }
0x275: {  	v36 =	vor.u32 $0x1, v35  }
0x276: {  	v37 =	vor.u32 $0x1, v34  }
0x277: {  	v38 =	vor.u32 $0x2, v35  }
0x278: {  	v40 =	vor.u32 $0x2, v34;
	v39 =	vld.idx.msk [tilespmem:v35+s29+$0x0], $0xffff  }
0x279: {  	v42 =	vor.u32 $0x3, v35;
	v41 =	vld.idx.msk [tilespmem:v34+s31+$0x0], $0xffff  }
0x27a: {  	v43 =	vor.u32 $0x3, v34;
	v36 =	vld.idx.msk [tilespmem:v36+s29+$0x0], $0xffff  }
0x27b: {  	v44 =	vor.u32 $0x4, v35;
	v37 =	vld.idx.msk [tilespmem:v37+s31+$0x0], $0xffff  }
0x27c: {  	v45 =	vor.u32 $0x4, v34;
	v38 =	vld.idx.msk [tilespmem:v38+s29+$0x0], $0xffff  }
0x27d: {  	v46 =	vor.u32 $0x5, v35;
	v40 =	vld.idx.msk [tilespmem:v40+s31+$0x0], $0xffff  }
0x27e: {  	v47 =	vor.u32 $0x5, v34;
	v42 =	vld.idx.msk [tilespmem:v42+s29+$0x0], $0xffff  }
0x27f: {  	v39 =	vmul.f32 v41, v39;
	v41 =	vld.idx.msk [tilespmem:v43+s31+$0x0], $0xffff;
	v43 =	vor.u32 $0x6, v35  }
0x280: {  	v48 =	vor.u32 $0x6, v34;
	v44 =	vld.idx.msk [tilespmem:v44+s29+$0x0], $0xffff  }
0x281: {  	v39 =	vadd.f32 $0.0e+00, v39;
	v36 =	vmul.f32 v37, v36;
	v37 =	vld.idx.msk [tilespmem:v45+s31+$0x0], $0xffff;
	v45 =	vor.u32 $0x7, v35  }
0x282: {  	v49 =	vor.u32 $0x7, v34;
	v46 =	vld.idx.msk [tilespmem:v46+s29+$0x0], $0xffff  }
0x283: {  	v36 =	vadd.f32 v36, v39;
	v38 =	vmul.f32 v40, v38;
	v40 =	vor.u32 $0x8, v35;
	v39 =	vld.idx.msk [tilespmem:v47+s31+$0x0], $0xffff  }
0x284: {  	v47 =	vor.u32 $0x8, v34;
	v43 =	vld.idx.msk [tilespmem:v43+s29+$0x0], $0xffff  }
0x285: {  	v36 =	vadd.f32 v38, v36;
	v38 =	vmul.f32 v41, v42;
	v42 =	vor.u32 $0x9, v35;
	v41 =	vld.idx.msk [tilespmem:v48+s31+$0x0], $0xffff  }
0x286: {  	v48 =	vor.u32 $0x9, v34;
	v45 =	vld.idx.msk [tilespmem:v45+s29+$0x0], $0xffff  }
0x287: {  	v36 =	vadd.f32 v38, v36;
	v37 =	vmul.f32 v37, v44;
	v44 =	vor.u32 $0xA, v35;
	v38 =	vld.idx.msk [tilespmem:v49+s31+$0x0], $0xffff  }
0x288: {  	v49 =	vor.u32 $0xA, v34;
	v40 =	vld.idx.msk [tilespmem:v40+s29+$0x0], $0xffff  }
0x289: {  	v36 =	vadd.f32 v37, v36;
	v37 =	vmul.f32 v39, v46;
	v46 =	vor.u32 $0xB, v35;
	v39 =	vld.idx.msk [tilespmem:v47+s31+$0x0], $0xffff  }
0x28a: {  	v47 =	vor.u32 $0xB, v34;
	v42 =	vld.idx.msk [tilespmem:v42+s29+$0x0], $0xffff  }
0x28b: {  	v36 =	vadd.f32 v37, v36;
	v37 =	vmul.f32 v41, v43;
	v43 =	vor.u32 $0xC, v35;
	v41 =	vld.idx.msk [tilespmem:v48+s31+$0x0], $0xffff  }
0x28c: {  	v48 =	vor.u32 $0xC, v34;
	v44 =	vld.idx.msk [tilespmem:v44+s29+$0x0], $0xffff  }
0x28d: {  	v36 =	vadd.f32 v37, v36;
	v37 =	vmul.f32 v38, v45;
	v45 =	vor.u32 $0xD, v35;
	v38 =	vld.idx.msk [tilespmem:v49+s31+$0x0], $0xffff  }
0x28e: {  	v49 =	vor.u32 $0xD, v34;
	v46 =	vld.idx.msk [tilespmem:v46+s29+$0x0], $0xffff  }
0x28f: {  	v36 =	vadd.f32 v37, v36;
	v37 =	vmul.f32 v39, v40;
	v40 =	vor.u32 $0xE, v35;
	v39 =	vld.idx.msk [tilespmem:v47+s31+$0x0], $0xffff  }
0x290: {  	v47 =	vor.u32 $0xE, v34;
	v43 =	vld.idx.msk [tilespmem:v43+s29+$0x0], $0xffff  }
0x291: {  	v36 =	vadd.f32 v37, v36;
	v37 =	vmul.f32 v41, v42;
	v42 =	vor.u32 $0xF, v35;
	v41 =	vld.idx.msk [tilespmem:v48+s31+$0x0], $0xffff  }
0x292: {  	v48 =	vor.u32 $0xF, v34;
	v45 =	vld.idx.msk [tilespmem:v45+s29+$0x0], $0xffff  }
0x293: {  	v36 =	vadd.f32 v37, v36;
	v37 =	vmul.f32 v38, v44;
	v44 =	vor.u32 $0x10, v35;
	v38 =	vld.idx.msk [tilespmem:v49+s31+$0x0], $0xffff  }
0x294: {  	v49 =	vor.u32 $0x10, v34;
	v40 =	vld.idx.msk [tilespmem:v40+s29+$0x0], $0xffff  }
0x295: {  	v36 =	vadd.f32 v37, v36;
	v37 =	vmul.f32 v39, v46;
	v46 =	vor.u32 $0x11, v35;
	v39 =	vld.idx.msk [tilespmem:v47+s31+$0x0], $0xffff  }
0x296: {  	v47 =	vor.u32 $0x11, v34;
	v42 =	vld.idx.msk [tilespmem:v42+s29+$0x0], $0xffff  }
0x297: {  	v36 =	vadd.f32 v37, v36;
	v37 =	vmul.f32 v41, v43;
	v43 =	vor.u32 $0x12, v35;
	v41 =	vld.idx.msk [tilespmem:v48+s31+$0x0], $0xffff  }
0x298: {  	v48 =	vor.u32 $0x12, v34;
	v44 =	vld.idx.msk [tilespmem:v44+s29+$0x0], $0xffff  }
0x299: {  	v36 =	vadd.f32 v37, v36;
	v37 =	vmul.f32 v38, v45;
	v45 =	vor.u32 $0x13, v35;
	v38 =	vld.idx.msk [tilespmem:v49+s31+$0x0], $0xffff  }
0x29a: {  	v49 =	vor.u32 $0x13, v34;
	v46 =	vld.idx.msk [tilespmem:v46+s29+$0x0], $0xffff  }
0x29b: {  	v36 =	vadd.f32 v37, v36;
	v37 =	vmul.f32 v39, v40;
	v40 =	vor.u32 $0x14, v35;
	v39 =	vld.idx.msk [tilespmem:v47+s31+$0x0], $0xffff  }
0x29c: {  	v47 =	vor.u32 $0x14, v34;
	v43 =	vld.idx.msk [tilespmem:v43+s29+$0x0], $0xffff  }
0x29d: {  	v36 =	vadd.f32 v37, v36;
	v37 =	vmul.f32 v41, v42;
	v42 =	vor.u32 $0x15, v35;
	v41 =	vld.idx.msk [tilespmem:v48+s31+$0x0], $0xffff  }
0x29e: {  	v48 =	vor.u32 $0x15, v34;
	v45 =	vld.idx.msk [tilespmem:v45+s29+$0x0], $0xffff  }
0x29f: {  	v36 =	vadd.f32 v37, v36;
	v37 =	vmul.f32 v38, v44;
	v44 =	vor.u32 $0x16, v35;
	v38 =	vld.idx.msk [tilespmem:v49+s31+$0x0], $0xffff  }
0x2a0: {  	v49 =	vor.u32 $0x16, v34;
	v40 =	vld.idx.msk [tilespmem:v40+s29+$0x0], $0xffff  }
0x2a1: {  	v36 =	vadd.f32 v37, v36;
	v37 =	vmul.f32 v39, v46;
	v46 =	vor.u32 $0x17, v35;
	v39 =	vld.idx.msk [tilespmem:v47+s31+$0x0], $0xffff  }
0x2a2: {  	v47 =	vor.u32 $0x17, v34;
	v42 =	vld.idx.msk [tilespmem:v42+s29+$0x0], $0xffff  }
0x2a3: {  	v36 =	vadd.f32 v37, v36;
	v37 =	vmul.f32 v41, v43;
	v43 =	vor.u32 $0x18, v35;
	v41 =	vld.idx.msk [tilespmem:v48+s31+$0x0], $0xffff  }
0x2a4: {  	v48 =	vor.u32 $0x18, v34;
	v44 =	vld.idx.msk [tilespmem:v44+s29+$0x0], $0xffff  }
0x2a5: {  	v36 =	vadd.f32 v37, v36;
	v37 =	vmul.f32 v38, v45;
	v45 =	vor.u32 $0x19, v35;
	v38 =	vld.idx.msk [tilespmem:v49+s31+$0x0], $0xffff  }
0x2a6: {  	v49 =	vor.u32 $0x19, v34;
	v46 =	vld.idx.msk [tilespmem:v46+s29+$0x0], $0xffff  }
0x2a7: {  	v36 =	vadd.f32 v37, v36;
	v37 =	vmul.f32 v39, v40;
	v40 =	vor.u32 $0x1A, v35;
	v39 =	vld.idx.msk [tilespmem:v47+s31+$0x0], $0xffff  }
0x2a8: {  	v47 =	vor.u32 $0x1A, v34;
	v43 =	vld.idx.msk [tilespmem:v43+s29+$0x0], $0xffff  }
0x2a9: {  	v36 =	vadd.f32 v37, v36;
	v37 =	vmul.f32 v41, v42;
	v42 =	vor.u32 $0x1B, v35;
	v41 =	vld.idx.msk [tilespmem:v48+s31+$0x0], $0xffff  }
0x2aa: {  	v48 =	vor.u32 $0x1B, v34;
	v45 =	vld.idx.msk [tilespmem:v45+s29+$0x0], $0xffff  }
0x2ab: {  	v36 =	vadd.f32 v37, v36;
	v37 =	vmul.f32 v38, v44;
	v44 =	vor.u32 $0x1C, v35;
	v38 =	vld.idx.msk [tilespmem:v49+s31+$0x0], $0xffff  }
0x2ac: {  	v49 =	vor.u32 $0x1C, v34;
	v40 =	vld.idx.msk [tilespmem:v40+s29+$0x0], $0xffff  }
0x2ad: {  	v36 =	vadd.f32 v37, v36;
	v37 =	vmul.f32 v39, v46;
	v46 =	vor.u32 $0x1D, v35;
	v39 =	vld.idx.msk [tilespmem:v47+s31+$0x0], $0xffff  }
0x2ae: {  	v47 =	vor.u32 $0x1D, v34;
	v42 =	vld.idx.msk [tilespmem:v42+s29+$0x0], $0xffff  }
0x2af: {  	v36 =	vadd.f32 v37, v36;
	v37 =	vmul.f32 v41, v43;
	v43 =	vor.u32 $0x1E, v35;
	v41 =	vld.idx.msk [tilespmem:v48+s31+$0x0], $0xffff  }
0x2b0: {  	v48 =	vor.u32 $0x1E, v34;
	v44 =	vld.idx.msk [tilespmem:v44+s29+$0x0], $0xffff  }
0x2b1: {  	v35 =	vor.u32 $0x1F, v35;
	v36 =	vadd.f32 v37, v36;
	v37 =	vmul.f32 v38, v45;
	v38 =	vld.idx.msk [tilespmem:v49+s31+$0x0], $0xffff  }
0x2b2: {  	v34 =	vor.u32 $0x1F, v34;
	v45 =	vld.idx.msk [tilespmem:v46+s29+$0x0], $0xffff  }
0x2b3: {  	v36 =	vadd.f32 v37, v36;
	v37 =	vmul.f32 v39, v40;
	v39 =	vld.idx.msk [tilespmem:v47+s31+$0x0], $0xffff  }
0x2b4: {  	v40 =	vld.idx.msk [tilespmem:v43+s29+$0x0], $0xffff  }
0x2b5: {  	v36 =	vadd.f32 v37, v36;
	v37 =	vmul.f32 v41, v42;
	v41 =	vld.idx.msk [tilespmem:v48+s31+$0x0], $0xffff  }
0x2b6: {  	v42 =	vld.idx.msk [tilespmem:v35+s29+$0x0], $0xffff  }
0x2b7: {  	v35 =	vadd.f32 v37, v36;
	v36 =	vmul.f32 v38, v44;
	v37 =	vld.idx.msk [tilespmem:v34+s31+$0x0], $0xffff;
	_ =	sdelay $0x1  }
0x2b8: {  	v34 =	vadd.f32 v36, v35;
	v35 =	vmul.f32 v39, v45  }
.Ltmp1:
0x2b9: {  	(pc) =	sbr.rel @p0 .LBB2_4-.Ltmp1, $3  }
0x2ba: {  	v35 =	vadd.f32 v35, v34;
	v36 =	vmul.f32 v41, v40;
	_ =	sdelay $0x1  }
0x2bb: {  	v34 =	vor.u32 s30, v8;
	v35 =	vadd.f32 v36, v35;
	v36 =	vmul.f32 v37, v42  }
0x2bc: {  	s30 =	sadd.s32 $0x10, s30  }
0x2bd: {  	_ =	sdelay $0x1  }
0x2be: {  	v35 =	vadd.f32 v36, v35;
	_ =	sdelay $0x1  }
0x2bf: {  	[tilespmem:v33+s17+$0x0] =	vst.idx.msk $0xffff, v35  }
0x2c0: {  	v33 =	vld.idx.msk [tilespmem:v34+s2+$0x0], $0xffff  }
0x2c1: {  	v35 =	vld.idx.msk [tilespmem:v34+s15+$0x0], $0xffff;
	_ =	sdelay $0x2  }
0x2c2: {  	v56 =	vmov s28  }
0x2c3: {  	v36 =	vshll.u32 v56, $0x7;
	v33 =	vshrl.u32 v33, $0x8  }
0x2c4: {  	v36 =	vor.u32 v32, v36;
	v35 =	vshrl.u32 v35, $0x8;
	v33 =	vand.u32 $0x60, v33  }
0x2c5: {  	v37 =	vand.u32 $0x60, v35;
	v35 =	vor.u32 v36, v33  }
0x2c6: {  	v33 =	vor.u32 v36, v37  }
0x2c7: {  	v57 =	vor.u32 $0x1, v35  }
0x2c8: {  	v37 =	vor.u32 $0x1, v33  }
0x2c9: {  	v38 =	vor.u32 $0x2, v35  }
0x2ca: {  	v40 =	vor.u32 $0x2, v33;
	v39 =	vld.idx.msk [tilespmem:v35+s29+$0x0], $0xffff  }
0x2cb: {  	v42 =	vor.u32 $0x3, v35;
	v41 =	vld.idx.msk [tilespmem:v33+s31+$0x0], $0xffff  }
0x2cc: {  	v43 =	vor.u32 $0x3, v33;
	v36 =	vld.idx.msk [tilespmem:v57+s29+$0x0], $0xffff  }
0x2cd: {  	v44 =	vor.u32 $0x4, v35;
	v37 =	vld.idx.msk [tilespmem:v37+s31+$0x0], $0xffff  }
0x2ce: {  	v45 =	vor.u32 $0x4, v33;
	v38 =	vld.idx.msk [tilespmem:v38+s29+$0x0], $0xffff  }
0x2cf: {  	v46 =	vor.u32 $0x5, v35;
	v40 =	vld.idx.msk [tilespmem:v40+s31+$0x0], $0xffff  }
0x2d0: {  	v47 =	vor.u32 $0x5, v33;
	v42 =	vld.idx.msk [tilespmem:v42+s29+$0x0], $0xffff;
	v39 =	vmul.f32 v41, v39  }
0x2d1: {  	v59 =	vor.u32 $0x6, v35;
	v58 =	vld.idx.msk [tilespmem:v43+s31+$0x0], $0xffff  }
0x2d2: {  	v48 =	vor.u32 $0x6, v33;
	v44 =	vld.idx.msk [tilespmem:v44+s29+$0x0], $0xffff;
	v36 =	vmul.f32 v37, v36;
	v39 =	vadd.f32 $0.0e+00, v39  }
0x2d3: {  	v61 =	vor.u32 $0x7, v35;
	v60 =	vld.idx.msk [tilespmem:v45+s31+$0x0], $0xffff  }
0x2d4: {  	v49 =	vor.u32 $0x7, v33;
	v46 =	vld.idx.msk [tilespmem:v46+s29+$0x0], $0xffff;
	v38 =	vmul.f32 v40, v38;
	v36 =	vadd.f32 v36, v39  }
0x2d5: {  	v52 =	vor.u32 $0x8, v33;
	v62 =	vld.idx.msk [tilespmem:v47+s31+$0x0], $0xffff  }
0x2d6: {  	v63 =	vor.u32 $0x8, v35;
	v43 =	vld.idx.msk [tilespmem:v59+s29+$0x0], $0xffff;
	v53 =	vmul.f32 v58, v42;
	v36 =	vadd.f32 v38, v36  }
0x2d7: {  	v55 =	vor.u32 $0x9, v35;
	v54 =	vld.idx.msk [tilespmem:v48+s31+$0x0], $0xffff  }
0x2d8: {  	v56 =	vor.u32 $0x9, v33;
	v45 =	vld.idx.msk [tilespmem:v61+s29+$0x0], $0xffff;
	v37 =	vmul.f32 v60, v44;
	v36 =	vadd.f32 v53, v36  }
0x2d9: {  	v57 =	vld.idx.msk [tilespmem:v49+s31+$0x0], $0xffff;
	v58 =	vor.u32 $0xA, v35  }
0x2da: {  	v59 =	vor.u32 $0xA, v33;
	v61 =	vld.idx.msk [tilespmem:v52+s31+$0x0], $0xffff;
	v60 =	vmul.f32 v62, v46;
	v36 =	vadd.f32 v37, v36  }
0x2db: {  	v40 =	vld.idx.msk [tilespmem:v63+s29+$0x0], $0xffff;
	v62 =	vor.u32 $0xB, v35  }
0x2dc: {  	v42 =	vld.idx.msk [tilespmem:v55+s29+$0x0], $0xffff;
	v63 =	vor.u32 $0xB, v33;
	v52 =	vmul.f32 v54, v43;
	v36 =	vadd.f32 v60, v36  }
0x2dd: {  	v54 =	vor.u32 $0xC, v35;
	v53 =	vld.idx.msk [tilespmem:v56+s31+$0x0], $0xffff  }
0x2de: {  	v55 =	vor.u32 $0xC, v33;
	v44 =	vld.idx.msk [tilespmem:v58+s29+$0x0], $0xffff;
	v56 =	vmul.f32 v57, v45;
	v36 =	vadd.f32 v52, v36  }
0x2df: {  	v58 =	vor.u32 $0xD, v35;
	v57 =	vld.idx.msk [tilespmem:v59+s31+$0x0], $0xffff  }
0x2e0: {  	v46 =	vld.idx.msk [tilespmem:v62+s29+$0x0], $0xffff;
	v59 =	vor.u32 $0xD, v33;
	v60 =	vmul.f32 v61, v40;
	v36 =	vadd.f32 v56, v36  }
0x2e1: {  	v62 =	vor.u32 $0xE, v35;
	v61 =	vld.idx.msk [tilespmem:v63+s31+$0x0], $0xffff  }
0x2e2: {  	v43 =	vld.idx.msk [tilespmem:v54+s29+$0x0], $0xffff;
	v63 =	vor.u32 $0xE, v33;
	v52 =	vmul.f32 v53, v42;
	v36 =	vadd.f32 v60, v36  }
0x2e3: {  	v54 =	vor.u32 $0xF, v35;
	v53 =	vld.idx.msk [tilespmem:v55+s31+$0x0], $0xffff  }
0x2e4: {  	v45 =	vld.idx.msk [tilespmem:v58+s29+$0x0], $0xffff;
	v55 =	vor.u32 $0xF, v33;
	v56 =	vmul.f32 v57, v44;
	v36 =	vadd.f32 v52, v36  }
0x2e5: {  	v58 =	vor.u32 $0x10, v35;
	v57 =	vld.idx.msk [tilespmem:v59+s31+$0x0], $0xffff  }
0x2e6: {  	v40 =	vld.idx.msk [tilespmem:v62+s29+$0x0], $0xffff;
	v59 =	vor.u32 $0x10, v33;
	v60 =	vmul.f32 v61, v46;
	v36 =	vadd.f32 v56, v36  }
0x2e7: {  	v62 =	vor.u32 $0x11, v35;
	v61 =	vld.idx.msk [tilespmem:v63+s31+$0x0], $0xffff  }
0x2e8: {  	v42 =	vld.idx.msk [tilespmem:v54+s29+$0x0], $0xffff;
	v63 =	vor.u32 $0x11, v33;
	v52 =	vmul.f32 v53, v43;
	v36 =	vadd.f32 v60, v36  }
0x2e9: {  	v54 =	vor.u32 $0x12, v35;
	v53 =	vld.idx.msk [tilespmem:v55+s31+$0x0], $0xffff  }
0x2ea: {  	v44 =	vld.idx.msk [tilespmem:v58+s29+$0x0], $0xffff;
	v55 =	vor.u32 $0x12, v33;
	v56 =	vmul.f32 v57, v45;
	v36 =	vadd.f32 v52, v36  }
0x2eb: {  	v58 =	vor.u32 $0x13, v35;
	v57 =	vld.idx.msk [tilespmem:v59+s31+$0x0], $0xffff  }
0x2ec: {  	v46 =	vld.idx.msk [tilespmem:v62+s29+$0x0], $0xffff;
	v59 =	vor.u32 $0x13, v33;
	v60 =	vmul.f32 v61, v40;
	v36 =	vadd.f32 v56, v36  }
0x2ed: {  	v62 =	vor.u32 $0x14, v35;
	v61 =	vld.idx.msk [tilespmem:v63+s31+$0x0], $0xffff  }
0x2ee: {  	v43 =	vld.idx.msk [tilespmem:v54+s29+$0x0], $0xffff;
	v63 =	vor.u32 $0x14, v33;
	v52 =	vmul.f32 v53, v42;
	v36 =	vadd.f32 v60, v36  }
0x2ef: {  	v54 =	vor.u32 $0x15, v35;
	v53 =	vld.idx.msk [tilespmem:v55+s31+$0x0], $0xffff  }
0x2f0: {  	v45 =	vld.idx.msk [tilespmem:v58+s29+$0x0], $0xffff;
	v55 =	vor.u32 $0x15, v33;
	v56 =	vmul.f32 v57, v44;
	v36 =	vadd.f32 v52, v36  }
0x2f1: {  	v58 =	vor.u32 $0x16, v35;
	v57 =	vld.idx.msk [tilespmem:v59+s31+$0x0], $0xffff  }
0x2f2: {  	v40 =	vld.idx.msk [tilespmem:v62+s29+$0x0], $0xffff;
	v59 =	vor.u32 $0x16, v33;
	v60 =	vmul.f32 v61, v46;
	v36 =	vadd.f32 v56, v36  }
0x2f3: {  	v62 =	vor.u32 $0x17, v35;
	v61 =	vld.idx.msk [tilespmem:v63+s31+$0x0], $0xffff  }
0x2f4: {  	v42 =	vld.idx.msk [tilespmem:v54+s29+$0x0], $0xffff;
	v63 =	vor.u32 $0x17, v33;
	v52 =	vmul.f32 v53, v43;
	v36 =	vadd.f32 v60, v36  }
0x2f5: {  	v54 =	vor.u32 $0x18, v35;
	v53 =	vld.idx.msk [tilespmem:v55+s31+$0x0], $0xffff  }
0x2f6: {  	v44 =	vld.idx.msk [tilespmem:v58+s29+$0x0], $0xffff;
	v55 =	vor.u32 $0x18, v33;
	v56 =	vmul.f32 v57, v45;
	v36 =	vadd.f32 v52, v36  }
0x2f7: {  	v58 =	vor.u32 $0x19, v35;
	v57 =	vld.idx.msk [tilespmem:v59+s31+$0x0], $0xffff  }
0x2f8: {  	v46 =	vld.idx.msk [tilespmem:v62+s29+$0x0], $0xffff;
	v59 =	vor.u32 $0x19, v33;
	v60 =	vmul.f32 v61, v40;
	v36 =	vadd.f32 v56, v36  }
0x2f9: {  	v62 =	vor.u32 $0x1A, v35;
	v61 =	vld.idx.msk [tilespmem:v63+s31+$0x0], $0xffff  }
0x2fa: {  	v43 =	vld.idx.msk [tilespmem:v54+s29+$0x0], $0xffff;
	v63 =	vor.u32 $0x1A, v33;
	v52 =	vmul.f32 v53, v42;
	v36 =	vadd.f32 v60, v36  }
0x2fb: {  	v54 =	vor.u32 $0x1B, v35;
	v53 =	vld.idx.msk [tilespmem:v55+s31+$0x0], $0xffff  }
0x2fc: {  	v45 =	vld.idx.msk [tilespmem:v58+s29+$0x0], $0xffff;
	v55 =	vor.u32 $0x1B, v33;
	v56 =	vmul.f32 v57, v44;
	v36 =	vadd.f32 v52, v36  }
0x2fd: {  	v58 =	vor.u32 $0x1C, v35;
	v57 =	vld.idx.msk [tilespmem:v59+s31+$0x0], $0xffff  }
0x2fe: {  	v40 =	vld.idx.msk [tilespmem:v62+s29+$0x0], $0xffff;
	v59 =	vor.u32 $0x1C, v33;
	v60 =	vmul.f32 v61, v46;
	v36 =	vadd.f32 v56, v36  }
0x2ff: {  	v62 =	vor.u32 $0x1D, v35;
	v61 =	vld.idx.msk [tilespmem:v63+s31+$0x0], $0xffff  }
0x300: {  	v42 =	vld.idx.msk [tilespmem:v54+s29+$0x0], $0xffff;
	v63 =	vor.u32 $0x1D, v33;
	v52 =	vmul.f32 v53, v43;
	v36 =	vadd.f32 v60, v36  }
0x301: {  	v54 =	vor.u32 $0x1E, v35;
	v53 =	vld.idx.msk [tilespmem:v55+s31+$0x0], $0xffff  }
0x302: {  	v44 =	vld.idx.msk [tilespmem:v58+s29+$0x0], $0xffff;
	v55 =	vor.u32 $0x1E, v33;
	v56 =	vmul.f32 v57, v45;
	v36 =	vadd.f32 v52, v36  }
0x303: {  	v35 =	vor.u32 $0x1F, v35;
	v57 =	vld.idx.msk [tilespmem:v59+s31+$0x0], $0xffff  }
0x304: {  	v58 =	vld.idx.msk [tilespmem:v62+s29+$0x0], $0xffff;
	v33 =	vor.u32 $0x1F, v33;
	v59 =	vmul.f32 v61, v40;
	v36 =	vadd.f32 v56, v36  }
0x305: {  	v60 =	vld.idx.msk [tilespmem:v63+s31+$0x0], $0xffff  }
0x306: {  	v61 =	vld.idx.msk [tilespmem:v54+s29+$0x0], $0xffff;
	v62 =	vmul.f32 v53, v42;
	v36 =	vadd.f32 v59, v36  }
0x307: {  	v63 =	vld.idx.msk [tilespmem:v55+s31+$0x0], $0xffff  }
0x308: {  	v35 =	vld.idx.msk [tilespmem:v35+s29+$0x0], $0xffff;
	v44 =	vmul.f32 v57, v44;
	v36 =	vadd.f32 v62, v36  }
0x309: {  	v33 =	vld.idx.msk [tilespmem:v33+s31+$0x0], $0xffff  }
0x30a: {  	v46 =	vmul.f32 v60, v58;
	v36 =	vadd.f32 v44, v36;
	_ =	sdelay $0x1  }
0x30b: {  	v47 =	vmul.f32 v63, v61;
	v36 =	vadd.f32 v46, v36;
	_ =	sdelay $0x1  }
0x30c: {  	v33 =	vmul.f32 v33, v35;
	v36 =	vadd.f32 v47, v36;
	_ =	sdelay $0x1  }
0x30d: {  	v33 =	vadd.f32 v33, v36;
	_ =	sdelay $0x1  }
0x30e: {  	s28 =	simm.s32 $0x580;
	[tilespmem:v34+s17+$0x0] =	vst.idx.msk $0xffff, v33  }
0x30f: {  	[tilespmem:s29], [sflag:$0x3] =	stream.indirect.gather [hbm4b:s3+s16], $0x80, s28, s16, $0xb8;
	[tilespmem:$0x10A00] =	vst v63  }
0x310: {  	s28 =	simm.s32 $0x780  }
0x311: {  	[tilespmem:s31], [sflag:$0x5] =	stream.indirect.gather [hbm4b:s4+s16], $0x80, s28, s16, $0xb8;
	[tilespmem:$0x10A00] =	vst v63  }
0x312: {  	s28 =	simm.s32 $0x0;
	_ =	swait.ge [sflag:s0], $0x4000  }
0x313: {  	v33 =	vor.u32 s28, v16;
	[sflag:s0] =	ssyncset.done $0x0  }
0x314: {  	[sflag:s0] =	ssyncadd.s32 $0xFFFFC000  }
0x315: {  	_ =	swait.ge [sflag:s1], $0x4000  }
0x316: {  	[sflag:s1] =	ssyncset.done $0x0  }
0x317: {  	[sflag:s1] =	ssyncadd.s32 $0xFFFFC000  }
0x318: {  	v48 =	vld.idx.msk [tilespmem:v33+s2+$0x0], $0xffff  }
0x319: {  	v49 =	vld.idx.msk [tilespmem:v33+s15+$0x0], $0xffff;
	_ =	sdelay $0x2  }
0x31a: {  	v50 =	vmov s28  }
0x31b: {  	v36 =	vshll.u32 v50, $0x7;
	v34 =	vshrl.u32 v48, $0x8  }
0x31c: {  	v36 =	vor.u32 v32, v36;
	v35 =	vshrl.u32 v49, $0x8;
	v34 =	vand.u32 $0x60, v34  }
0x31d: {  	v51 =	vand.u32 $0x60, v35;
	v35 =	vor.u32 v36, v34  }
0x31e: {  	v34 =	vor.u32 v36, v51  }
0x31f: {  	v52 =	vor.u32 $0x1, v35  }
0x320: {  	v37 =	vor.u32 $0x1, v34  }
0x321: {  	v53 =	vor.u32 $0x2, v35  }
0x322: {  	v55 =	vor.u32 $0x2, v34;
	v54 =	vld.idx.msk [tilespmem:v35+s25+$0x0], $0xffff  }
0x323: {  	v57 =	vor.u32 $0x3, v35;
	v56 =	vld.idx.msk [tilespmem:v34+s26+$0x0], $0xffff  }
0x324: {  	v58 =	vor.u32 $0x3, v34;
	v36 =	vld.idx.msk [tilespmem:v52+s25+$0x0], $0xffff  }
0x325: {  	v59 =	vor.u32 $0x4, v35;
	v37 =	vld.idx.msk [tilespmem:v37+s26+$0x0], $0xffff  }
0x326: {  	v60 =	vor.u32 $0x4, v34;
	v38 =	vld.idx.msk [tilespmem:v53+s25+$0x0], $0xffff  }
0x327: {  	v61 =	vor.u32 $0x5, v35;
	v40 =	vld.idx.msk [tilespmem:v55+s26+$0x0], $0xffff  }
0x328: {  	v62 =	vor.u32 $0x5, v34;
	v42 =	vld.idx.msk [tilespmem:v57+s25+$0x0], $0xffff;
	v39 =	vmul.f32 v56, v54  }
0x329: {  	v63 =	vld.idx.msk [tilespmem:v58+s26+$0x0], $0xffff;
	v52 =	vor.u32 $0x6, v35  }
0x32a: {  	v44 =	vld.idx.msk [tilespmem:v59+s25+$0x0], $0xffff;
	v53 =	vor.u32 $0x6, v34;
	v36 =	vmul.f32 v37, v36;
	v39 =	vadd.f32 $0.0e+00, v39  }
0x32b: {  	v55 =	vor.u32 $0x7, v35;
	v54 =	vld.idx.msk [tilespmem:v60+s26+$0x0], $0xffff  }
0x32c: {  	v46 =	vld.idx.msk [tilespmem:v61+s25+$0x0], $0xffff;
	v56 =	vor.u32 $0x7, v34;
	v38 =	vmul.f32 v40, v38;
	v36 =	vadd.f32 v36, v39  }
0x32d: {  	v57 =	vld.idx.msk [tilespmem:v62+s26+$0x0], $0xffff;
	v58 =	vor.u32 $0x8, v35  }
0x32e: {  	v59 =	vor.u32 $0x8, v34;
	v43 =	vld.idx.msk [tilespmem:v52+s25+$0x0], $0xffff;
	v60 =	vmul.f32 v63, v42;
	v36 =	vadd.f32 v38, v36  }
0x32f: {  	v62 =	vor.u32 $0x9, v35;
	v61 =	vld.idx.msk [tilespmem:v53+s26+$0x0], $0xffff  }
0x330: {  	v45 =	vld.idx.msk [tilespmem:v55+s25+$0x0], $0xffff;
	v63 =	vor.u32 $0x9, v34;
	v37 =	vmul.f32 v54, v44;
	v36 =	vadd.f32 v60, v36  }
0x331: {  	v53 =	vor.u32 $0xA, v35;
	v52 =	vld.idx.msk [tilespmem:v56+s26+$0x0], $0xffff  }
0x332: {  	v40 =	vld.idx.msk [tilespmem:v58+s25+$0x0], $0xffff;
	v55 =	vmul.f32 v57, v46;
	v54 =	vor.u32 $0xA, v34;
	v36 =	vadd.f32 v37, v36  }
0x333: {  	v57 =	vor.u32 $0xB, v35;
	v56 =	vld.idx.msk [tilespmem:v59+s26+$0x0], $0xffff  }
0x334: {  	v42 =	vld.idx.msk [tilespmem:v62+s25+$0x0], $0xffff;
	v58 =	vor.u32 $0xB, v34;
	v59 =	vmul.f32 v61, v43;
	v36 =	vadd.f32 v55, v36  }
0x335: {  	v61 =	vor.u32 $0xC, v35;
	v60 =	vld.idx.msk [tilespmem:v63+s26+$0x0], $0xffff  }
0x336: {  	v62 =	vor.u32 $0xC, v34;
	v44 =	vld.idx.msk [tilespmem:v53+s25+$0x0], $0xffff;
	v63 =	vmul.f32 v52, v45;
	v36 =	vadd.f32 v59, v36  }
0x337: {  	v53 =	vor.u32 $0xD, v35;
	v52 =	vld.idx.msk [tilespmem:v54+s26+$0x0], $0xffff  }
0x338: {  	v46 =	vld.idx.msk [tilespmem:v57+s25+$0x0], $0xffff;
	v54 =	vor.u32 $0xD, v34;
	v55 =	vmul.f32 v56, v40;
	v36 =	vadd.f32 v63, v36  }
0x339: {  	v57 =	vor.u32 $0xE, v35;
	v56 =	vld.idx.msk [tilespmem:v58+s26+$0x0], $0xffff  }
0x33a: {  	v43 =	vld.idx.msk [tilespmem:v61+s25+$0x0], $0xffff;
	v58 =	vor.u32 $0xE, v34;
	v59 =	vmul.f32 v60, v42;
	v36 =	vadd.f32 v55, v36  }
0x33b: {  	v61 =	vor.u32 $0xF, v35;
	v60 =	vld.idx.msk [tilespmem:v62+s26+$0x0], $0xffff  }
0x33c: {  	v45 =	vld.idx.msk [tilespmem:v53+s25+$0x0], $0xffff;
	v62 =	vor.u32 $0xF, v34;
	v63 =	vmul.f32 v52, v44;
	v36 =	vadd.f32 v59, v36  }
0x33d: {  	v53 =	vor.u32 $0x10, v35;
	v52 =	vld.idx.msk [tilespmem:v54+s26+$0x0], $0xffff  }
0x33e: {  	v40 =	vld.idx.msk [tilespmem:v57+s25+$0x0], $0xffff;
	v54 =	vor.u32 $0x10, v34;
	v55 =	vmul.f32 v56, v46;
	v36 =	vadd.f32 v63, v36  }
0x33f: {  	v57 =	vor.u32 $0x11, v35;
	v56 =	vld.idx.msk [tilespmem:v58+s26+$0x0], $0xffff  }
0x340: {  	v42 =	vld.idx.msk [tilespmem:v61+s25+$0x0], $0xffff;
	v58 =	vor.u32 $0x11, v34;
	v59 =	vmul.f32 v60, v43;
	v36 =	vadd.f32 v55, v36  }
0x341: {  	v61 =	vor.u32 $0x12, v35;
	v60 =	vld.idx.msk [tilespmem:v62+s26+$0x0], $0xffff  }
0x342: {  	v44 =	vld.idx.msk [tilespmem:v53+s25+$0x0], $0xffff;
	v62 =	vor.u32 $0x12, v34;
	v63 =	vmul.f32 v52, v45;
	v36 =	vadd.f32 v59, v36  }
0x343: {  	v53 =	vor.u32 $0x13, v35;
	v52 =	vld.idx.msk [tilespmem:v54+s26+$0x0], $0xffff  }
0x344: {  	v46 =	vld.idx.msk [tilespmem:v57+s25+$0x0], $0xffff;
	v54 =	vor.u32 $0x13, v34;
	v55 =	vmul.f32 v56, v40;
	v36 =	vadd.f32 v63, v36  }
0x345: {  	v57 =	vor.u32 $0x14, v35;
	v56 =	vld.idx.msk [tilespmem:v58+s26+$0x0], $0xffff  }
0x346: {  	v43 =	vld.idx.msk [tilespmem:v61+s25+$0x0], $0xffff;
	v58 =	vor.u32 $0x14, v34;
	v59 =	vmul.f32 v60, v42;
	v36 =	vadd.f32 v55, v36  }
0x347: {  	v61 =	vor.u32 $0x15, v35;
	v60 =	vld.idx.msk [tilespmem:v62+s26+$0x0], $0xffff  }
0x348: {  	v45 =	vld.idx.msk [tilespmem:v53+s25+$0x0], $0xffff;
	v62 =	vor.u32 $0x15, v34;
	v63 =	vmul.f32 v52, v44;
	v36 =	vadd.f32 v59, v36  }
0x349: {  	v53 =	vor.u32 $0x16, v35;
	v52 =	vld.idx.msk [tilespmem:v54+s26+$0x0], $0xffff  }
0x34a: {  	v40 =	vld.idx.msk [tilespmem:v57+s25+$0x0], $0xffff;
	v54 =	vor.u32 $0x16, v34;
	v55 =	vmul.f32 v56, v46;
	v36 =	vadd.f32 v63, v36  }
0x34b: {  	v57 =	vor.u32 $0x17, v35;
	v56 =	vld.idx.msk [tilespmem:v58+s26+$0x0], $0xffff  }
0x34c: {  	v42 =	vld.idx.msk [tilespmem:v61+s25+$0x0], $0xffff;
	v58 =	vor.u32 $0x17, v34;
	v59 =	vmul.f32 v60, v43;
	v36 =	vadd.f32 v55, v36  }
0x34d: {  	v61 =	vor.u32 $0x18, v35;
	v60 =	vld.idx.msk [tilespmem:v62+s26+$0x0], $0xffff  }
0x34e: {  	v44 =	vld.idx.msk [tilespmem:v53+s25+$0x0], $0xffff;
	v62 =	vor.u32 $0x18, v34;
	v63 =	vmul.f32 v52, v45;
	v36 =	vadd.f32 v59, v36  }
0x34f: {  	v53 =	vor.u32 $0x19, v35;
	v52 =	vld.idx.msk [tilespmem:v54+s26+$0x0], $0xffff  }
0x350: {  	v46 =	vld.idx.msk [tilespmem:v57+s25+$0x0], $0xffff;
	v54 =	vor.u32 $0x19, v34;
	v55 =	vmul.f32 v56, v40;
	v36 =	vadd.f32 v63, v36  }
0x351: {  	v57 =	vor.u32 $0x1A, v35;
	v56 =	vld.idx.msk [tilespmem:v58+s26+$0x0], $0xffff  }
0x352: {  	v43 =	vld.idx.msk [tilespmem:v61+s25+$0x0], $0xffff;
	v58 =	vor.u32 $0x1A, v34;
	v59 =	vmul.f32 v60, v42;
	v36 =	vadd.f32 v55, v36  }
0x353: {  	v61 =	vor.u32 $0x1B, v35;
	v60 =	vld.idx.msk [tilespmem:v62+s26+$0x0], $0xffff  }
0x354: {  	v45 =	vld.idx.msk [tilespmem:v53+s25+$0x0], $0xffff;
	v62 =	vor.u32 $0x1B, v34;
	v63 =	vmul.f32 v52, v44;
	v36 =	vadd.f32 v59, v36  }
0x355: {  	v53 =	vor.u32 $0x1C, v35;
	v52 =	vld.idx.msk [tilespmem:v54+s26+$0x0], $0xffff  }
0x356: {  	v40 =	vld.idx.msk [tilespmem:v57+s25+$0x0], $0xffff;
	v54 =	vor.u32 $0x1C, v34;
	v55 =	vmul.f32 v56, v46;
	v36 =	vadd.f32 v63, v36  }
0x357: {  	v57 =	vor.u32 $0x1D, v35;
	v56 =	vld.idx.msk [tilespmem:v58+s26+$0x0], $0xffff  }
0x358: {  	v42 =	vld.idx.msk [tilespmem:v61+s25+$0x0], $0xffff;
	v58 =	vor.u32 $0x1D, v34;
	v59 =	vmul.f32 v60, v43;
	v36 =	vadd.f32 v55, v36  }
0x359: {  	v61 =	vor.u32 $0x1E, v35;
	v60 =	vld.idx.msk [tilespmem:v62+s26+$0x0], $0xffff  }
0x35a: {  	v44 =	vld.idx.msk [tilespmem:v53+s25+$0x0], $0xffff;
	v62 =	vor.u32 $0x1E, v34;
	v63 =	vmul.f32 v52, v45;
	v36 =	vadd.f32 v59, v36  }
0x35b: {  	v35 =	vor.u32 $0x1F, v35;
	v50 =	vld.idx.msk [tilespmem:v54+s26+$0x0], $0xffff  }
0x35c: {  	v51 =	vld.idx.msk [tilespmem:v57+s25+$0x0], $0xffff;
	v34 =	vor.u32 $0x1F, v34;
	v52 =	vmul.f32 v56, v40;
	v36 =	vadd.f32 v63, v36  }
0x35d: {  	v53 =	vld.idx.msk [tilespmem:v58+s26+$0x0], $0xffff  }
0x35e: {  	v54 =	vld.idx.msk [tilespmem:v61+s25+$0x0], $0xffff;
	v55 =	vmul.f32 v60, v42;
	v36 =	vadd.f32 v52, v36  }
0x35f: {  	v56 =	vld.idx.msk [tilespmem:v62+s26+$0x0], $0xffff  }
0x360: {  	v57 =	vld.idx.msk [tilespmem:v35+s25+$0x0], $0xffff;
	v59 =	vmul.f32 v50, v44;
	v58 =	vadd.f32 v55, v36  }
0x361: {  	v60 =	vld.idx.msk [tilespmem:v34+s26+$0x0], $0xffff  }
0x362: {  	v62 =	vmul.f32 v53, v51;
	v61 =	vadd.f32 v59, v58;
	_ =	sdelay $0x1  }
0x363: {  	v63 =	vmul.f32 v56, v54;
	v35 =	vadd.f32 v62, v61;
	_ =	sdelay $0x1  }
0x364: {  	s28 =	simm.s32 $0x10;
	v36 =	vmul.f32 v60, v57;
	v35 =	vadd.f32 v63, v35  }
0x365: {  	s30 =	simm.s32 $0x20;
	v34 =	vor.u32 s28, v16  }
.LBB2_6:
0x366: {  	p0 =	sne.s32 s30, $0x70;
	v35 =	vadd.f32 v36, v35;
	_ =	sdelay $0x1  }
0x367: {  	[tilespmem:v33+s17+$0x0] =	vst.idx.msk $0xffff, v35;
	v33 =	vmov v34  }
0x368: {  	v35 =	vld.idx.msk [tilespmem:v34+s2+$0x0], $0xffff  }
0x369: {  	v34 =	vld.idx.msk [tilespmem:v34+s15+$0x0], $0xffff;
	_ =	sdelay $0x3  }
0x36a: {  	v36 =	vmov s28;
	s28 =	smov.u32 s30  }
0x36b: {  	v36 =	vshll.u32 v36, $0x7;
	v35 =	vshrl.u32 v35, $0x8  }
0x36c: {  	v36 =	vor.u32 v32, v36;
	v35 =	vand.u32 $0x60, v35;
	v34 =	vshrl.u32 v34, $0x8  }
0x36d: {  	v34 =	vand.u32 $0x60, v34;
	v35 =	vor.u32 v36, v35  }
0x36e: {  	v34 =	vor.u32 v36, v34  }
0x36f: {  	v36 =	vor.u32 $0x1, v35  }
0x370: {  	v37 =	vor.u32 $0x1, v34  }
0x371: {  	v38 =	vor.u32 $0x2, v35  }
0x372: {  	v40 =	vor.u32 $0x2, v34;
	v39 =	vld.idx.msk [tilespmem:v35+s25+$0x0], $0xffff  }
0x373: {  	v42 =	vor.u32 $0x3, v35;
	v41 =	vld.idx.msk [tilespmem:v34+s26+$0x0], $0xffff  }
0x374: {  	v43 =	vor.u32 $0x3, v34;
	v36 =	vld.idx.msk [tilespmem:v36+s25+$0x0], $0xffff  }
0x375: {  	v44 =	vor.u32 $0x4, v35;
	v37 =	vld.idx.msk [tilespmem:v37+s26+$0x0], $0xffff  }
0x376: {  	v45 =	vor.u32 $0x4, v34;
	v38 =	vld.idx.msk [tilespmem:v38+s25+$0x0], $0xffff  }
0x377: {  	v46 =	vor.u32 $0x5, v35;
	v40 =	vld.idx.msk [tilespmem:v40+s26+$0x0], $0xffff  }
0x378: {  	v47 =	vor.u32 $0x5, v34;
	v42 =	vld.idx.msk [tilespmem:v42+s25+$0x0], $0xffff  }
0x379: {  	v39 =	vmul.f32 v41, v39;
	v41 =	vld.idx.msk [tilespmem:v43+s26+$0x0], $0xffff;
	v43 =	vor.u32 $0x6, v35  }
0x37a: {  	v48 =	vor.u32 $0x6, v34;
	v44 =	vld.idx.msk [tilespmem:v44+s25+$0x0], $0xffff  }
0x37b: {  	v39 =	vadd.f32 $0.0e+00, v39;
	v36 =	vmul.f32 v37, v36;
	v37 =	vld.idx.msk [tilespmem:v45+s26+$0x0], $0xffff;
	v45 =	vor.u32 $0x7, v35  }
0x37c: {  	v49 =	vor.u32 $0x7, v34;
	v46 =	vld.idx.msk [tilespmem:v46+s25+$0x0], $0xffff  }
0x37d: {  	v36 =	vadd.f32 v36, v39;
	v38 =	vmul.f32 v40, v38;
	v40 =	vor.u32 $0x8, v35;
	v39 =	vld.idx.msk [tilespmem:v47+s26+$0x0], $0xffff  }
0x37e: {  	v47 =	vor.u32 $0x8, v34;
	v43 =	vld.idx.msk [tilespmem:v43+s25+$0x0], $0xffff  }
0x37f: {  	v36 =	vadd.f32 v38, v36;
	v38 =	vmul.f32 v41, v42;
	v42 =	vor.u32 $0x9, v35;
	v41 =	vld.idx.msk [tilespmem:v48+s26+$0x0], $0xffff  }
0x380: {  	v48 =	vor.u32 $0x9, v34;
	v45 =	vld.idx.msk [tilespmem:v45+s25+$0x0], $0xffff  }
0x381: {  	v36 =	vadd.f32 v38, v36;
	v37 =	vmul.f32 v37, v44;
	v44 =	vor.u32 $0xA, v35;
	v38 =	vld.idx.msk [tilespmem:v49+s26+$0x0], $0xffff  }
0x382: {  	v49 =	vor.u32 $0xA, v34;
	v40 =	vld.idx.msk [tilespmem:v40+s25+$0x0], $0xffff  }
0x383: {  	v36 =	vadd.f32 v37, v36;
	v37 =	vmul.f32 v39, v46;
	v46 =	vor.u32 $0xB, v35;
	v39 =	vld.idx.msk [tilespmem:v47+s26+$0x0], $0xffff  }
0x384: {  	v47 =	vor.u32 $0xB, v34;
	v42 =	vld.idx.msk [tilespmem:v42+s25+$0x0], $0xffff  }
0x385: {  	v36 =	vadd.f32 v37, v36;
	v37 =	vmul.f32 v41, v43;
	v43 =	vor.u32 $0xC, v35;
	v41 =	vld.idx.msk [tilespmem:v48+s26+$0x0], $0xffff  }
0x386: {  	v48 =	vor.u32 $0xC, v34;
	v44 =	vld.idx.msk [tilespmem:v44+s25+$0x0], $0xffff  }
0x387: {  	v36 =	vadd.f32 v37, v36;
	v37 =	vmul.f32 v38, v45;
	v45 =	vor.u32 $0xD, v35;
	v38 =	vld.idx.msk [tilespmem:v49+s26+$0x0], $0xffff  }
0x388: {  	v49 =	vor.u32 $0xD, v34;
	v46 =	vld.idx.msk [tilespmem:v46+s25+$0x0], $0xffff  }
0x389: {  	v36 =	vadd.f32 v37, v36;
	v37 =	vmul.f32 v39, v40;
	v40 =	vor.u32 $0xE, v35;
	v39 =	vld.idx.msk [tilespmem:v47+s26+$0x0], $0xffff  }
0x38a: {  	v47 =	vor.u32 $0xE, v34;
	v43 =	vld.idx.msk [tilespmem:v43+s25+$0x0], $0xffff  }
0x38b: {  	v36 =	vadd.f32 v37, v36;
	v37 =	vmul.f32 v41, v42;
	v42 =	vor.u32 $0xF, v35;
	v41 =	vld.idx.msk [tilespmem:v48+s26+$0x0], $0xffff  }
0x38c: {  	v48 =	vor.u32 $0xF, v34;
	v45 =	vld.idx.msk [tilespmem:v45+s25+$0x0], $0xffff  }
0x38d: {  	v36 =	vadd.f32 v37, v36;
	v37 =	vmul.f32 v38, v44;
	v44 =	vor.u32 $0x10, v35;
	v38 =	vld.idx.msk [tilespmem:v49+s26+$0x0], $0xffff  }
0x38e: {  	v49 =	vor.u32 $0x10, v34;
	v40 =	vld.idx.msk [tilespmem:v40+s25+$0x0], $0xffff  }
0x38f: {  	v36 =	vadd.f32 v37, v36;
	v37 =	vmul.f32 v39, v46;
	v46 =	vor.u32 $0x11, v35;
	v39 =	vld.idx.msk [tilespmem:v47+s26+$0x0], $0xffff  }
0x390: {  	v47 =	vor.u32 $0x11, v34;
	v42 =	vld.idx.msk [tilespmem:v42+s25+$0x0], $0xffff  }
0x391: {  	v36 =	vadd.f32 v37, v36;
	v37 =	vmul.f32 v41, v43;
	v43 =	vor.u32 $0x12, v35;
	v41 =	vld.idx.msk [tilespmem:v48+s26+$0x0], $0xffff  }
0x392: {  	v48 =	vor.u32 $0x12, v34;
	v44 =	vld.idx.msk [tilespmem:v44+s25+$0x0], $0xffff  }
0x393: {  	v36 =	vadd.f32 v37, v36;
	v37 =	vmul.f32 v38, v45;
	v45 =	vor.u32 $0x13, v35;
	v38 =	vld.idx.msk [tilespmem:v49+s26+$0x0], $0xffff  }
0x394: {  	v49 =	vor.u32 $0x13, v34;
	v46 =	vld.idx.msk [tilespmem:v46+s25+$0x0], $0xffff  }
0x395: {  	v36 =	vadd.f32 v37, v36;
	v37 =	vmul.f32 v39, v40;
	v40 =	vor.u32 $0x14, v35;
	v39 =	vld.idx.msk [tilespmem:v47+s26+$0x0], $0xffff  }
0x396: {  	v47 =	vor.u32 $0x14, v34;
	v43 =	vld.idx.msk [tilespmem:v43+s25+$0x0], $0xffff  }
0x397: {  	v36 =	vadd.f32 v37, v36;
	v37 =	vmul.f32 v41, v42;
	v42 =	vor.u32 $0x15, v35;
	v41 =	vld.idx.msk [tilespmem:v48+s26+$0x0], $0xffff  }
0x398: {  	v48 =	vor.u32 $0x15, v34;
	v45 =	vld.idx.msk [tilespmem:v45+s25+$0x0], $0xffff  }
0x399: {  	v36 =	vadd.f32 v37, v36;
	v37 =	vmul.f32 v38, v44;
	v44 =	vor.u32 $0x16, v35;
	v38 =	vld.idx.msk [tilespmem:v49+s26+$0x0], $0xffff  }
0x39a: {  	v49 =	vor.u32 $0x16, v34;
	v40 =	vld.idx.msk [tilespmem:v40+s25+$0x0], $0xffff  }
0x39b: {  	v36 =	vadd.f32 v37, v36;
	v37 =	vmul.f32 v39, v46;
	v46 =	vor.u32 $0x17, v35;
	v39 =	vld.idx.msk [tilespmem:v47+s26+$0x0], $0xffff  }
0x39c: {  	v47 =	vor.u32 $0x17, v34;
	v42 =	vld.idx.msk [tilespmem:v42+s25+$0x0], $0xffff  }
0x39d: {  	v36 =	vadd.f32 v37, v36;
	v37 =	vmul.f32 v41, v43;
	v43 =	vor.u32 $0x18, v35;
	v41 =	vld.idx.msk [tilespmem:v48+s26+$0x0], $0xffff  }
0x39e: {  	v48 =	vor.u32 $0x18, v34;
	v44 =	vld.idx.msk [tilespmem:v44+s25+$0x0], $0xffff  }
0x39f: {  	v36 =	vadd.f32 v37, v36;
	v37 =	vmul.f32 v38, v45;
	v45 =	vor.u32 $0x19, v35;
	v38 =	vld.idx.msk [tilespmem:v49+s26+$0x0], $0xffff  }
0x3a0: {  	v49 =	vor.u32 $0x19, v34;
	v46 =	vld.idx.msk [tilespmem:v46+s25+$0x0], $0xffff  }
0x3a1: {  	v36 =	vadd.f32 v37, v36;
	v37 =	vmul.f32 v39, v40;
	v40 =	vor.u32 $0x1A, v35;
	v39 =	vld.idx.msk [tilespmem:v47+s26+$0x0], $0xffff  }
0x3a2: {  	v47 =	vor.u32 $0x1A, v34;
	v43 =	vld.idx.msk [tilespmem:v43+s25+$0x0], $0xffff  }
0x3a3: {  	v36 =	vadd.f32 v37, v36;
	v37 =	vmul.f32 v41, v42;
	v42 =	vor.u32 $0x1B, v35;
	v41 =	vld.idx.msk [tilespmem:v48+s26+$0x0], $0xffff  }
0x3a4: {  	v48 =	vor.u32 $0x1B, v34;
	v45 =	vld.idx.msk [tilespmem:v45+s25+$0x0], $0xffff  }
0x3a5: {  	v36 =	vadd.f32 v37, v36;
	v37 =	vmul.f32 v38, v44;
	v44 =	vor.u32 $0x1C, v35;
	v38 =	vld.idx.msk [tilespmem:v49+s26+$0x0], $0xffff  }
0x3a6: {  	v49 =	vor.u32 $0x1C, v34;
	v40 =	vld.idx.msk [tilespmem:v40+s25+$0x0], $0xffff  }
0x3a7: {  	v36 =	vadd.f32 v37, v36;
	v37 =	vmul.f32 v39, v46;
	v46 =	vor.u32 $0x1D, v35;
	v39 =	vld.idx.msk [tilespmem:v47+s26+$0x0], $0xffff  }
0x3a8: {  	v47 =	vor.u32 $0x1D, v34;
	v42 =	vld.idx.msk [tilespmem:v42+s25+$0x0], $0xffff  }
0x3a9: {  	v36 =	vadd.f32 v37, v36;
	v37 =	vmul.f32 v41, v43;
	v43 =	vor.u32 $0x1E, v35;
	v41 =	vld.idx.msk [tilespmem:v48+s26+$0x0], $0xffff  }
0x3aa: {  	v48 =	vor.u32 $0x1E, v34;
	v44 =	vld.idx.msk [tilespmem:v44+s25+$0x0], $0xffff  }
0x3ab: {  	v35 =	vor.u32 $0x1F, v35;
	v36 =	vadd.f32 v37, v36;
	v37 =	vmul.f32 v38, v45;
	v38 =	vld.idx.msk [tilespmem:v49+s26+$0x0], $0xffff  }
0x3ac: {  	v34 =	vor.u32 $0x1F, v34;
	v45 =	vld.idx.msk [tilespmem:v46+s25+$0x0], $0xffff  }
0x3ad: {  	v36 =	vadd.f32 v37, v36;
	v37 =	vmul.f32 v39, v40;
	v39 =	vld.idx.msk [tilespmem:v47+s26+$0x0], $0xffff  }
0x3ae: {  	v40 =	vld.idx.msk [tilespmem:v43+s25+$0x0], $0xffff  }
0x3af: {  	v36 =	vadd.f32 v37, v36;
	v37 =	vmul.f32 v41, v42;
	v41 =	vld.idx.msk [tilespmem:v48+s26+$0x0], $0xffff  }
0x3b0: {  	v42 =	vld.idx.msk [tilespmem:v35+s25+$0x0], $0xffff  }
0x3b1: {  	v35 =	vadd.f32 v37, v36;
	v36 =	vmul.f32 v38, v44;
	v37 =	vld.idx.msk [tilespmem:v34+s26+$0x0], $0xffff;
	_ =	sdelay $0x1  }
0x3b2: {  	v34 =	vadd.f32 v36, v35;
	v35 =	vmul.f32 v39, v45  }
.Ltmp2:
0x3b3: {  	(pc) =	sbr.rel @p0 .LBB2_6-.Ltmp2, $3  }
0x3b4: {  	v35 =	vadd.f32 v35, v34;
	v36 =	vmul.f32 v41, v40;
	_ =	sdelay $0x1  }
0x3b5: {  	v34 =	vor.u32 s30, v16;
	v35 =	vadd.f32 v36, v35;
	v36 =	vmul.f32 v37, v42  }
0x3b6: {  	s30 =	sadd.s32 $0x10, s30  }
0x3b7: {  	_ =	sdelay $0x1  }
0x3b8: {  	v35 =	vadd.f32 v36, v35;
	_ =	sdelay $0x1  }
0x3b9: {  	[tilespmem:v33+s17+$0x0] =	vst.idx.msk $0xffff, v35  }
0x3ba: {  	v33 =	vld.idx.msk [tilespmem:v34+s2+$0x0], $0xffff  }
0x3bb: {  	v35 =	vld.idx.msk [tilespmem:v34+s15+$0x0], $0xffff;
	_ =	sdelay $0x2  }
0x3bc: {  	v56 =	vmov s28  }
0x3bd: {  	v36 =	vshll.u32 v56, $0x7;
	v33 =	vshrl.u32 v33, $0x8  }
0x3be: {  	v36 =	vor.u32 v32, v36;
	v35 =	vshrl.u32 v35, $0x8;
	v33 =	vand.u32 $0x60, v33  }
0x3bf: {  	v37 =	vand.u32 $0x60, v35;
	v35 =	vor.u32 v36, v33  }
0x3c0: {  	v33 =	vor.u32 v36, v37  }
0x3c1: {  	v57 =	vor.u32 $0x1, v35  }
0x3c2: {  	v37 =	vor.u32 $0x1, v33  }
0x3c3: {  	v38 =	vor.u32 $0x2, v35  }
0x3c4: {  	v40 =	vor.u32 $0x2, v33;
	v39 =	vld.idx.msk [tilespmem:v35+s25+$0x0], $0xffff  }
0x3c5: {  	v42 =	vor.u32 $0x3, v35;
	v41 =	vld.idx.msk [tilespmem:v33+s26+$0x0], $0xffff  }
0x3c6: {  	v43 =	vor.u32 $0x3, v33;
	v36 =	vld.idx.msk [tilespmem:v57+s25+$0x0], $0xffff  }
0x3c7: {  	v44 =	vor.u32 $0x4, v35;
	v37 =	vld.idx.msk [tilespmem:v37+s26+$0x0], $0xffff  }
0x3c8: {  	v45 =	vor.u32 $0x4, v33;
	v38 =	vld.idx.msk [tilespmem:v38+s25+$0x0], $0xffff  }
0x3c9: {  	v46 =	vor.u32 $0x5, v35;
	v40 =	vld.idx.msk [tilespmem:v40+s26+$0x0], $0xffff  }
0x3ca: {  	v47 =	vor.u32 $0x5, v33;
	v42 =	vld.idx.msk [tilespmem:v42+s25+$0x0], $0xffff;
	v39 =	vmul.f32 v41, v39  }
0x3cb: {  	v59 =	vor.u32 $0x6, v35;
	v58 =	vld.idx.msk [tilespmem:v43+s26+$0x0], $0xffff  }
0x3cc: {  	v48 =	vor.u32 $0x6, v33;
	v44 =	vld.idx.msk [tilespmem:v44+s25+$0x0], $0xffff;
	v36 =	vmul.f32 v37, v36;
	v39 =	vadd.f32 $0.0e+00, v39  }
0x3cd: {  	v61 =	vor.u32 $0x7, v35;
	v60 =	vld.idx.msk [tilespmem:v45+s26+$0x0], $0xffff  }
0x3ce: {  	v49 =	vor.u32 $0x7, v33;
	v46 =	vld.idx.msk [tilespmem:v46+s25+$0x0], $0xffff;
	v38 =	vmul.f32 v40, v38;
	v36 =	vadd.f32 v36, v39  }
0x3cf: {  	v52 =	vor.u32 $0x8, v33;
	v62 =	vld.idx.msk [tilespmem:v47+s26+$0x0], $0xffff  }
0x3d0: {  	v63 =	vor.u32 $0x8, v35;
	v43 =	vld.idx.msk [tilespmem:v59+s25+$0x0], $0xffff;
	v53 =	vmul.f32 v58, v42;
	v36 =	vadd.f32 v38, v36  }
0x3d1: {  	v55 =	vor.u32 $0x9, v35;
	v54 =	vld.idx.msk [tilespmem:v48+s26+$0x0], $0xffff  }
0x3d2: {  	v56 =	vor.u32 $0x9, v33;
	v45 =	vld.idx.msk [tilespmem:v61+s25+$0x0], $0xffff;
	v37 =	vmul.f32 v60, v44;
	v36 =	vadd.f32 v53, v36  }
0x3d3: {  	v57 =	vld.idx.msk [tilespmem:v49+s26+$0x0], $0xffff;
	v58 =	vor.u32 $0xA, v35  }
0x3d4: {  	v59 =	vor.u32 $0xA, v33;
	v61 =	vld.idx.msk [tilespmem:v52+s26+$0x0], $0xffff;
	v60 =	vmul.f32 v62, v46;
	v36 =	vadd.f32 v37, v36  }
0x3d5: {  	v40 =	vld.idx.msk [tilespmem:v63+s25+$0x0], $0xffff;
	v62 =	vor.u32 $0xB, v35  }
0x3d6: {  	v42 =	vld.idx.msk [tilespmem:v55+s25+$0x0], $0xffff;
	v63 =	vor.u32 $0xB, v33;
	v52 =	vmul.f32 v54, v43;
	v36 =	vadd.f32 v60, v36  }
0x3d7: {  	v54 =	vor.u32 $0xC, v35;
	v53 =	vld.idx.msk [tilespmem:v56+s26+$0x0], $0xffff  }
0x3d8: {  	v55 =	vor.u32 $0xC, v33;
	v44 =	vld.idx.msk [tilespmem:v58+s25+$0x0], $0xffff;
	v56 =	vmul.f32 v57, v45;
	v36 =	vadd.f32 v52, v36  }
0x3d9: {  	v58 =	vor.u32 $0xD, v35;
	v57 =	vld.idx.msk [tilespmem:v59+s26+$0x0], $0xffff  }
0x3da: {  	v46 =	vld.idx.msk [tilespmem:v62+s25+$0x0], $0xffff;
	v59 =	vor.u32 $0xD, v33;
	v60 =	vmul.f32 v61, v40;
	v36 =	vadd.f32 v56, v36  }
0x3db: {  	v62 =	vor.u32 $0xE, v35;
	v61 =	vld.idx.msk [tilespmem:v63+s26+$0x0], $0xffff  }
0x3dc: {  	v43 =	vld.idx.msk [tilespmem:v54+s25+$0x0], $0xffff;
	v63 =	vor.u32 $0xE, v33;
	v52 =	vmul.f32 v53, v42;
	v36 =	vadd.f32 v60, v36  }
0x3dd: {  	v54 =	vor.u32 $0xF, v35;
	v53 =	vld.idx.msk [tilespmem:v55+s26+$0x0], $0xffff  }
0x3de: {  	v45 =	vld.idx.msk [tilespmem:v58+s25+$0x0], $0xffff;
	v55 =	vor.u32 $0xF, v33;
	v56 =	vmul.f32 v57, v44;
	v36 =	vadd.f32 v52, v36  }
0x3df: {  	v58 =	vor.u32 $0x10, v35;
	v57 =	vld.idx.msk [tilespmem:v59+s26+$0x0], $0xffff  }
0x3e0: {  	v40 =	vld.idx.msk [tilespmem:v62+s25+$0x0], $0xffff;
	v59 =	vor.u32 $0x10, v33;
	v60 =	vmul.f32 v61, v46;
	v36 =	vadd.f32 v56, v36  }
0x3e1: {  	v62 =	vor.u32 $0x11, v35;
	v61 =	vld.idx.msk [tilespmem:v63+s26+$0x0], $0xffff  }
0x3e2: {  	v42 =	vld.idx.msk [tilespmem:v54+s25+$0x0], $0xffff;
	v63 =	vor.u32 $0x11, v33;
	v52 =	vmul.f32 v53, v43;
	v36 =	vadd.f32 v60, v36  }
0x3e3: {  	v54 =	vor.u32 $0x12, v35;
	v53 =	vld.idx.msk [tilespmem:v55+s26+$0x0], $0xffff  }
0x3e4: {  	v44 =	vld.idx.msk [tilespmem:v58+s25+$0x0], $0xffff;
	v55 =	vor.u32 $0x12, v33;
	v56 =	vmul.f32 v57, v45;
	v36 =	vadd.f32 v52, v36  }
0x3e5: {  	v58 =	vor.u32 $0x13, v35;
	v57 =	vld.idx.msk [tilespmem:v59+s26+$0x0], $0xffff  }
0x3e6: {  	v46 =	vld.idx.msk [tilespmem:v62+s25+$0x0], $0xffff;
	v59 =	vor.u32 $0x13, v33;
	v60 =	vmul.f32 v61, v40;
	v36 =	vadd.f32 v56, v36  }
0x3e7: {  	v62 =	vor.u32 $0x14, v35;
	v61 =	vld.idx.msk [tilespmem:v63+s26+$0x0], $0xffff  }
0x3e8: {  	v43 =	vld.idx.msk [tilespmem:v54+s25+$0x0], $0xffff;
	v63 =	vor.u32 $0x14, v33;
	v52 =	vmul.f32 v53, v42;
	v36 =	vadd.f32 v60, v36  }
0x3e9: {  	v54 =	vor.u32 $0x15, v35;
	v53 =	vld.idx.msk [tilespmem:v55+s26+$0x0], $0xffff  }
0x3ea: {  	v45 =	vld.idx.msk [tilespmem:v58+s25+$0x0], $0xffff;
	v55 =	vor.u32 $0x15, v33;
	v56 =	vmul.f32 v57, v44;
	v36 =	vadd.f32 v52, v36  }
0x3eb: {  	v58 =	vor.u32 $0x16, v35;
	v57 =	vld.idx.msk [tilespmem:v59+s26+$0x0], $0xffff  }
0x3ec: {  	v40 =	vld.idx.msk [tilespmem:v62+s25+$0x0], $0xffff;
	v59 =	vor.u32 $0x16, v33;
	v60 =	vmul.f32 v61, v46;
	v36 =	vadd.f32 v56, v36  }
0x3ed: {  	v62 =	vor.u32 $0x17, v35;
	v61 =	vld.idx.msk [tilespmem:v63+s26+$0x0], $0xffff  }
0x3ee: {  	v42 =	vld.idx.msk [tilespmem:v54+s25+$0x0], $0xffff;
	v63 =	vor.u32 $0x17, v33;
	v52 =	vmul.f32 v53, v43;
	v36 =	vadd.f32 v60, v36  }
0x3ef: {  	v54 =	vor.u32 $0x18, v35;
	v53 =	vld.idx.msk [tilespmem:v55+s26+$0x0], $0xffff  }
0x3f0: {  	v44 =	vld.idx.msk [tilespmem:v58+s25+$0x0], $0xffff;
	v55 =	vor.u32 $0x18, v33;
	v56 =	vmul.f32 v57, v45;
	v36 =	vadd.f32 v52, v36  }
0x3f1: {  	v58 =	vor.u32 $0x19, v35;
	v57 =	vld.idx.msk [tilespmem:v59+s26+$0x0], $0xffff  }
0x3f2: {  	v46 =	vld.idx.msk [tilespmem:v62+s25+$0x0], $0xffff;
	v59 =	vor.u32 $0x19, v33;
	v60 =	vmul.f32 v61, v40;
	v36 =	vadd.f32 v56, v36  }
0x3f3: {  	v62 =	vor.u32 $0x1A, v35;
	v61 =	vld.idx.msk [tilespmem:v63+s26+$0x0], $0xffff  }
0x3f4: {  	v43 =	vld.idx.msk [tilespmem:v54+s25+$0x0], $0xffff;
	v63 =	vor.u32 $0x1A, v33;
	v52 =	vmul.f32 v53, v42;
	v36 =	vadd.f32 v60, v36  }
0x3f5: {  	v54 =	vor.u32 $0x1B, v35;
	v53 =	vld.idx.msk [tilespmem:v55+s26+$0x0], $0xffff  }
0x3f6: {  	v45 =	vld.idx.msk [tilespmem:v58+s25+$0x0], $0xffff;
	v55 =	vor.u32 $0x1B, v33;
	v56 =	vmul.f32 v57, v44;
	v36 =	vadd.f32 v52, v36  }
0x3f7: {  	v58 =	vor.u32 $0x1C, v35;
	v57 =	vld.idx.msk [tilespmem:v59+s26+$0x0], $0xffff  }
0x3f8: {  	v40 =	vld.idx.msk [tilespmem:v62+s25+$0x0], $0xffff;
	v59 =	vor.u32 $0x1C, v33;
	v60 =	vmul.f32 v61, v46;
	v36 =	vadd.f32 v56, v36  }
0x3f9: {  	v62 =	vor.u32 $0x1D, v35;
	v61 =	vld.idx.msk [tilespmem:v63+s26+$0x0], $0xffff  }
0x3fa: {  	v42 =	vld.idx.msk [tilespmem:v54+s25+$0x0], $0xffff;
	v63 =	vor.u32 $0x1D, v33;
	v52 =	vmul.f32 v53, v43;
	v36 =	vadd.f32 v60, v36  }
0x3fb: {  	v54 =	vor.u32 $0x1E, v35;
	v53 =	vld.idx.msk [tilespmem:v55+s26+$0x0], $0xffff  }
0x3fc: {  	v44 =	vld.idx.msk [tilespmem:v58+s25+$0x0], $0xffff;
	v55 =	vor.u32 $0x1E, v33;
	v56 =	vmul.f32 v57, v45;
	v36 =	vadd.f32 v52, v36  }
0x3fd: {  	v35 =	vor.u32 $0x1F, v35;
	v57 =	vld.idx.msk [tilespmem:v59+s26+$0x0], $0xffff  }
0x3fe: {  	v58 =	vld.idx.msk [tilespmem:v62+s25+$0x0], $0xffff;
	v33 =	vor.u32 $0x1F, v33;
	v59 =	vmul.f32 v61, v40;
	v36 =	vadd.f32 v56, v36  }
0x3ff: {  	v60 =	vld.idx.msk [tilespmem:v63+s26+$0x0], $0xffff  }
0x400: {  	v61 =	vld.idx.msk [tilespmem:v54+s25+$0x0], $0xffff;
	v62 =	vmul.f32 v53, v42;
	v36 =	vadd.f32 v59, v36  }
0x401: {  	v63 =	vld.idx.msk [tilespmem:v55+s26+$0x0], $0xffff  }
0x402: {  	v35 =	vld.idx.msk [tilespmem:v35+s25+$0x0], $0xffff;
	v44 =	vmul.f32 v57, v44;
	v36 =	vadd.f32 v62, v36  }
0x403: {  	v33 =	vld.idx.msk [tilespmem:v33+s26+$0x0], $0xffff  }
0x404: {  	v46 =	vmul.f32 v60, v58;
	v36 =	vadd.f32 v44, v36;
	_ =	sdelay $0x1  }
0x405: {  	v47 =	vmul.f32 v63, v61;
	v36 =	vadd.f32 v46, v36;
	_ =	sdelay $0x1  }
0x406: {  	v33 =	vmul.f32 v33, v35;
	v36 =	vadd.f32 v47, v36;
	_ =	sdelay $0x1  }
0x407: {  	v33 =	vadd.f32 v33, v36;
	_ =	sdelay $0x1  }
0x408: {  	[tilespmem:v34+s17+$0x0] =	vst.idx.msk $0xffff, v33  }
0x409: {  	s28 =	simm.s32 $0x0;
	_ =	swait.ge [sflag:s20], $0x4000  }
0x40a: {  	v33 =	vor.u32 s28, v24;
	[sflag:s20] =	ssyncset.done $0x0  }
0x40b: {  	[sflag:s20] =	ssyncadd.s32 $0xFFFFC000  }
0x40c: {  	_ =	swait.ge [sflag:s21], $0x4000  }
0x40d: {  	[sflag:s21] =	ssyncset.done $0x0  }
0x40e: {  	[sflag:s21] =	ssyncadd.s32 $0xFFFFC000  }
0x40f: {  	v48 =	vld.idx.msk [tilespmem:v33+s2+$0x0], $0xffff  }
0x410: {  	v49 =	vld.idx.msk [tilespmem:v33+s15+$0x0], $0xffff;
	_ =	sdelay $0x2  }
0x411: {  	v50 =	vmov s28  }
0x412: {  	v36 =	vshll.u32 v50, $0x7;
	v34 =	vshrl.u32 v48, $0x8  }
0x413: {  	v36 =	vor.u32 v32, v36;
	v35 =	vshrl.u32 v49, $0x8;
	v34 =	vand.u32 $0x60, v34  }
0x414: {  	v51 =	vand.u32 $0x60, v35;
	v35 =	vor.u32 v36, v34  }
0x415: {  	v34 =	vor.u32 v36, v51  }
0x416: {  	v52 =	vor.u32 $0x1, v35  }
0x417: {  	v37 =	vor.u32 $0x1, v34  }
0x418: {  	v53 =	vor.u32 $0x2, v35  }
0x419: {  	v55 =	vor.u32 $0x2, v34;
	v54 =	vld.idx.msk [tilespmem:v35+s29+$0x0], $0xffff  }
0x41a: {  	v57 =	vor.u32 $0x3, v35;
	v56 =	vld.idx.msk [tilespmem:v34+s31+$0x0], $0xffff  }
0x41b: {  	v58 =	vor.u32 $0x3, v34;
	v36 =	vld.idx.msk [tilespmem:v52+s29+$0x0], $0xffff  }
0x41c: {  	v59 =	vor.u32 $0x4, v35;
	v37 =	vld.idx.msk [tilespmem:v37+s31+$0x0], $0xffff  }
0x41d: {  	v60 =	vor.u32 $0x4, v34;
	v38 =	vld.idx.msk [tilespmem:v53+s29+$0x0], $0xffff  }
0x41e: {  	v61 =	vor.u32 $0x5, v35;
	v40 =	vld.idx.msk [tilespmem:v55+s31+$0x0], $0xffff  }
0x41f: {  	v62 =	vor.u32 $0x5, v34;
	v42 =	vld.idx.msk [tilespmem:v57+s29+$0x0], $0xffff;
	v39 =	vmul.f32 v56, v54  }
0x420: {  	v63 =	vld.idx.msk [tilespmem:v58+s31+$0x0], $0xffff;
	v52 =	vor.u32 $0x6, v35  }
0x421: {  	v44 =	vld.idx.msk [tilespmem:v59+s29+$0x0], $0xffff;
	v53 =	vor.u32 $0x6, v34;
	v36 =	vmul.f32 v37, v36;
	v39 =	vadd.f32 $0.0e+00, v39  }
0x422: {  	v55 =	vor.u32 $0x7, v35;
	v54 =	vld.idx.msk [tilespmem:v60+s31+$0x0], $0xffff  }
0x423: {  	v46 =	vld.idx.msk [tilespmem:v61+s29+$0x0], $0xffff;
	v56 =	vor.u32 $0x7, v34;
	v38 =	vmul.f32 v40, v38;
	v36 =	vadd.f32 v36, v39  }
0x424: {  	v57 =	vld.idx.msk [tilespmem:v62+s31+$0x0], $0xffff;
	v58 =	vor.u32 $0x8, v35  }
0x425: {  	v59 =	vor.u32 $0x8, v34;
	v43 =	vld.idx.msk [tilespmem:v52+s29+$0x0], $0xffff;
	v60 =	vmul.f32 v63, v42;
	v36 =	vadd.f32 v38, v36  }
0x426: {  	v62 =	vor.u32 $0x9, v35;
	v61 =	vld.idx.msk [tilespmem:v53+s31+$0x0], $0xffff  }
0x427: {  	v45 =	vld.idx.msk [tilespmem:v55+s29+$0x0], $0xffff;
	v63 =	vor.u32 $0x9, v34;
	v37 =	vmul.f32 v54, v44;
	v36 =	vadd.f32 v60, v36  }
0x428: {  	v53 =	vor.u32 $0xA, v35;
	v52 =	vld.idx.msk [tilespmem:v56+s31+$0x0], $0xffff  }
0x429: {  	v40 =	vld.idx.msk [tilespmem:v58+s29+$0x0], $0xffff;
	v55 =	vmul.f32 v57, v46;
	v54 =	vor.u32 $0xA, v34;
	v36 =	vadd.f32 v37, v36  }
0x42a: {  	v57 =	vor.u32 $0xB, v35;
	v56 =	vld.idx.msk [tilespmem:v59+s31+$0x0], $0xffff  }
0x42b: {  	v42 =	vld.idx.msk [tilespmem:v62+s29+$0x0], $0xffff;
	v58 =	vor.u32 $0xB, v34;
	v59 =	vmul.f32 v61, v43;
	v36 =	vadd.f32 v55, v36  }
0x42c: {  	v61 =	vor.u32 $0xC, v35;
	v60 =	vld.idx.msk [tilespmem:v63+s31+$0x0], $0xffff  }
0x42d: {  	v62 =	vor.u32 $0xC, v34;
	v44 =	vld.idx.msk [tilespmem:v53+s29+$0x0], $0xffff;
	v63 =	vmul.f32 v52, v45;
	v36 =	vadd.f32 v59, v36  }
0x42e: {  	v53 =	vor.u32 $0xD, v35;
	v52 =	vld.idx.msk [tilespmem:v54+s31+$0x0], $0xffff  }
0x42f: {  	v46 =	vld.idx.msk [tilespmem:v57+s29+$0x0], $0xffff;
	v54 =	vor.u32 $0xD, v34;
	v55 =	vmul.f32 v56, v40;
	v36 =	vadd.f32 v63, v36  }
0x430: {  	v57 =	vor.u32 $0xE, v35;
	v56 =	vld.idx.msk [tilespmem:v58+s31+$0x0], $0xffff  }
0x431: {  	v43 =	vld.idx.msk [tilespmem:v61+s29+$0x0], $0xffff;
	v58 =	vor.u32 $0xE, v34;
	v59 =	vmul.f32 v60, v42;
	v36 =	vadd.f32 v55, v36  }
0x432: {  	v61 =	vor.u32 $0xF, v35;
	v60 =	vld.idx.msk [tilespmem:v62+s31+$0x0], $0xffff  }
0x433: {  	v45 =	vld.idx.msk [tilespmem:v53+s29+$0x0], $0xffff;
	v62 =	vor.u32 $0xF, v34;
	v63 =	vmul.f32 v52, v44;
	v36 =	vadd.f32 v59, v36  }
0x434: {  	v53 =	vor.u32 $0x10, v35;
	v52 =	vld.idx.msk [tilespmem:v54+s31+$0x0], $0xffff  }
0x435: {  	v40 =	vld.idx.msk [tilespmem:v57+s29+$0x0], $0xffff;
	v54 =	vor.u32 $0x10, v34;
	v55 =	vmul.f32 v56, v46;
	v36 =	vadd.f32 v63, v36  }
0x436: {  	v57 =	vor.u32 $0x11, v35;
	v56 =	vld.idx.msk [tilespmem:v58+s31+$0x0], $0xffff  }
0x437: {  	v42 =	vld.idx.msk [tilespmem:v61+s29+$0x0], $0xffff;
	v58 =	vor.u32 $0x11, v34;
	v59 =	vmul.f32 v60, v43;
	v36 =	vadd.f32 v55, v36  }
0x438: {  	v61 =	vor.u32 $0x12, v35;
	v60 =	vld.idx.msk [tilespmem:v62+s31+$0x0], $0xffff  }
0x439: {  	v44 =	vld.idx.msk [tilespmem:v53+s29+$0x0], $0xffff;
	v62 =	vor.u32 $0x12, v34;
	v63 =	vmul.f32 v52, v45;
	v36 =	vadd.f32 v59, v36  }
0x43a: {  	v53 =	vor.u32 $0x13, v35;
	v52 =	vld.idx.msk [tilespmem:v54+s31+$0x0], $0xffff  }
0x43b: {  	v46 =	vld.idx.msk [tilespmem:v57+s29+$0x0], $0xffff;
	v54 =	vor.u32 $0x13, v34;
	v55 =	vmul.f32 v56, v40;
	v36 =	vadd.f32 v63, v36  }
0x43c: {  	v57 =	vor.u32 $0x14, v35;
	v56 =	vld.idx.msk [tilespmem:v58+s31+$0x0], $0xffff  }
0x43d: {  	v43 =	vld.idx.msk [tilespmem:v61+s29+$0x0], $0xffff;
	v58 =	vor.u32 $0x14, v34;
	v59 =	vmul.f32 v60, v42;
	v36 =	vadd.f32 v55, v36  }
0x43e: {  	v61 =	vor.u32 $0x15, v35;
	v60 =	vld.idx.msk [tilespmem:v62+s31+$0x0], $0xffff  }
0x43f: {  	v45 =	vld.idx.msk [tilespmem:v53+s29+$0x0], $0xffff;
	v62 =	vor.u32 $0x15, v34;
	v63 =	vmul.f32 v52, v44;
	v36 =	vadd.f32 v59, v36  }
0x440: {  	v53 =	vor.u32 $0x16, v35;
	v52 =	vld.idx.msk [tilespmem:v54+s31+$0x0], $0xffff  }
0x441: {  	v40 =	vld.idx.msk [tilespmem:v57+s29+$0x0], $0xffff;
	v54 =	vor.u32 $0x16, v34;
	v55 =	vmul.f32 v56, v46;
	v36 =	vadd.f32 v63, v36  }
0x442: {  	v57 =	vor.u32 $0x17, v35;
	v56 =	vld.idx.msk [tilespmem:v58+s31+$0x0], $0xffff  }
0x443: {  	v42 =	vld.idx.msk [tilespmem:v61+s29+$0x0], $0xffff;
	v58 =	vor.u32 $0x17, v34;
	v59 =	vmul.f32 v60, v43;
	v36 =	vadd.f32 v55, v36  }
0x444: {  	v61 =	vor.u32 $0x18, v35;
	v60 =	vld.idx.msk [tilespmem:v62+s31+$0x0], $0xffff  }
0x445: {  	v44 =	vld.idx.msk [tilespmem:v53+s29+$0x0], $0xffff;
	v62 =	vor.u32 $0x18, v34;
	v63 =	vmul.f32 v52, v45;
	v36 =	vadd.f32 v59, v36  }
0x446: {  	v53 =	vor.u32 $0x19, v35;
	v52 =	vld.idx.msk [tilespmem:v54+s31+$0x0], $0xffff  }
0x447: {  	v46 =	vld.idx.msk [tilespmem:v57+s29+$0x0], $0xffff;
	v54 =	vor.u32 $0x19, v34;
	v55 =	vmul.f32 v56, v40;
	v36 =	vadd.f32 v63, v36  }
0x448: {  	v57 =	vor.u32 $0x1A, v35;
	v56 =	vld.idx.msk [tilespmem:v58+s31+$0x0], $0xffff  }
0x449: {  	v43 =	vld.idx.msk [tilespmem:v61+s29+$0x0], $0xffff;
	v58 =	vor.u32 $0x1A, v34;
	v59 =	vmul.f32 v60, v42;
	v36 =	vadd.f32 v55, v36  }
0x44a: {  	v61 =	vor.u32 $0x1B, v35;
	v60 =	vld.idx.msk [tilespmem:v62+s31+$0x0], $0xffff  }
0x44b: {  	v45 =	vld.idx.msk [tilespmem:v53+s29+$0x0], $0xffff;
	v62 =	vor.u32 $0x1B, v34;
	v63 =	vmul.f32 v52, v44;
	v36 =	vadd.f32 v59, v36  }
0x44c: {  	v53 =	vor.u32 $0x1C, v35;
	v52 =	vld.idx.msk [tilespmem:v54+s31+$0x0], $0xffff  }
0x44d: {  	v40 =	vld.idx.msk [tilespmem:v57+s29+$0x0], $0xffff;
	v54 =	vor.u32 $0x1C, v34;
	v55 =	vmul.f32 v56, v46;
	v36 =	vadd.f32 v63, v36  }
0x44e: {  	v57 =	vor.u32 $0x1D, v35;
	v56 =	vld.idx.msk [tilespmem:v58+s31+$0x0], $0xffff  }
0x44f: {  	v42 =	vld.idx.msk [tilespmem:v61+s29+$0x0], $0xffff;
	v58 =	vor.u32 $0x1D, v34;
	v59 =	vmul.f32 v60, v43;
	v36 =	vadd.f32 v55, v36  }
0x450: {  	v61 =	vor.u32 $0x1E, v35;
	v60 =	vld.idx.msk [tilespmem:v62+s31+$0x0], $0xffff  }
0x451: {  	v44 =	vld.idx.msk [tilespmem:v53+s29+$0x0], $0xffff;
	v62 =	vor.u32 $0x1E, v34;
	v63 =	vmul.f32 v52, v45;
	v36 =	vadd.f32 v59, v36  }
0x452: {  	v35 =	vor.u32 $0x1F, v35;
	v50 =	vld.idx.msk [tilespmem:v54+s31+$0x0], $0xffff  }
0x453: {  	v51 =	vld.idx.msk [tilespmem:v57+s29+$0x0], $0xffff;
	v34 =	vor.u32 $0x1F, v34;
	v52 =	vmul.f32 v56, v40;
	v36 =	vadd.f32 v63, v36  }
0x454: {  	v53 =	vld.idx.msk [tilespmem:v58+s31+$0x0], $0xffff  }
0x455: {  	v54 =	vld.idx.msk [tilespmem:v61+s29+$0x0], $0xffff;
	v55 =	vmul.f32 v60, v42;
	v36 =	vadd.f32 v52, v36  }
0x456: {  	v56 =	vld.idx.msk [tilespmem:v62+s31+$0x0], $0xffff  }
0x457: {  	v57 =	vld.idx.msk [tilespmem:v35+s29+$0x0], $0xffff;
	v59 =	vmul.f32 v50, v44;
	v58 =	vadd.f32 v55, v36  }
0x458: {  	v60 =	vld.idx.msk [tilespmem:v34+s31+$0x0], $0xffff  }
0x459: {  	v62 =	vmul.f32 v53, v51;
	v61 =	vadd.f32 v59, v58;
	_ =	sdelay $0x1  }
0x45a: {  	v63 =	vmul.f32 v56, v54;
	v35 =	vadd.f32 v62, v61;
	_ =	sdelay $0x1  }
0x45b: {  	s28 =	simm.s32 $0x10;
	v36 =	vmul.f32 v60, v57;
	v35 =	vadd.f32 v63, v35  }
0x45c: {  	s30 =	simm.s32 $0x20;
	v34 =	vor.u32 s28, v24  }
.LBB2_8:
0x45d: {  	p0 =	sne.s32 s30, $0x70;
	v35 =	vadd.f32 v36, v35;
	_ =	sdelay $0x1  }
0x45e: {  	[tilespmem:v33+s17+$0x0] =	vst.idx.msk $0xffff, v35;
	v33 =	vmov v34  }
0x45f: {  	v35 =	vld.idx.msk [tilespmem:v34+s2+$0x0], $0xffff  }
0x460: {  	v34 =	vld.idx.msk [tilespmem:v34+s15+$0x0], $0xffff;
	_ =	sdelay $0x3  }
0x461: {  	v36 =	vmov s28;
	s28 =	smov.u32 s30  }
0x462: {  	v36 =	vshll.u32 v36, $0x7;
	v35 =	vshrl.u32 v35, $0x8  }
0x463: {  	v36 =	vor.u32 v32, v36;
	v35 =	vand.u32 $0x60, v35;
	v34 =	vshrl.u32 v34, $0x8  }
0x464: {  	v34 =	vand.u32 $0x60, v34;
	v35 =	vor.u32 v36, v35  }
0x465: {  	v34 =	vor.u32 v36, v34  }
0x466: {  	v36 =	vor.u32 $0x1, v35  }
0x467: {  	v37 =	vor.u32 $0x1, v34  }
0x468: {  	v38 =	vor.u32 $0x2, v35  }
0x469: {  	v40 =	vor.u32 $0x2, v34;
	v39 =	vld.idx.msk [tilespmem:v35+s29+$0x0], $0xffff  }
0x46a: {  	v42 =	vor.u32 $0x3, v35;
	v41 =	vld.idx.msk [tilespmem:v34+s31+$0x0], $0xffff  }
0x46b: {  	v43 =	vor.u32 $0x3, v34;
	v36 =	vld.idx.msk [tilespmem:v36+s29+$0x0], $0xffff  }
0x46c: {  	v44 =	vor.u32 $0x4, v35;
	v37 =	vld.idx.msk [tilespmem:v37+s31+$0x0], $0xffff  }
0x46d: {  	v45 =	vor.u32 $0x4, v34;
	v38 =	vld.idx.msk [tilespmem:v38+s29+$0x0], $0xffff  }
0x46e: {  	v46 =	vor.u32 $0x5, v35;
	v40 =	vld.idx.msk [tilespmem:v40+s31+$0x0], $0xffff  }
0x46f: {  	v47 =	vor.u32 $0x5, v34;
	v42 =	vld.idx.msk [tilespmem:v42+s29+$0x0], $0xffff  }
0x470: {  	v39 =	vmul.f32 v41, v39;
	v41 =	vld.idx.msk [tilespmem:v43+s31+$0x0], $0xffff;
	v43 =	vor.u32 $0x6, v35  }
0x471: {  	v48 =	vor.u32 $0x6, v34;
	v44 =	vld.idx.msk [tilespmem:v44+s29+$0x0], $0xffff  }
0x472: {  	v39 =	vadd.f32 $0.0e+00, v39;
	v36 =	vmul.f32 v37, v36;
	v37 =	vld.idx.msk [tilespmem:v45+s31+$0x0], $0xffff;
	v45 =	vor.u32 $0x7, v35  }
0x473: {  	v49 =	vor.u32 $0x7, v34;
	v46 =	vld.idx.msk [tilespmem:v46+s29+$0x0], $0xffff  }
0x474: {  	v36 =	vadd.f32 v36, v39;
	v38 =	vmul.f32 v40, v38;
	v40 =	vor.u32 $0x8, v35;
	v39 =	vld.idx.msk [tilespmem:v47+s31+$0x0], $0xffff  }
0x475: {  	v47 =	vor.u32 $0x8, v34;
	v43 =	vld.idx.msk [tilespmem:v43+s29+$0x0], $0xffff  }
0x476: {  	v36 =	vadd.f32 v38, v36;
	v38 =	vmul.f32 v41, v42;
	v42 =	vor.u32 $0x9, v35;
	v41 =	vld.idx.msk [tilespmem:v48+s31+$0x0], $0xffff  }
0x477: {  	v48 =	vor.u32 $0x9, v34;
	v45 =	vld.idx.msk [tilespmem:v45+s29+$0x0], $0xffff  }
0x478: {  	v36 =	vadd.f32 v38, v36;
	v37 =	vmul.f32 v37, v44;
	v44 =	vor.u32 $0xA, v35;
	v38 =	vld.idx.msk [tilespmem:v49+s31+$0x0], $0xffff  }
0x479: {  	v49 =	vor.u32 $0xA, v34;
	v40 =	vld.idx.msk [tilespmem:v40+s29+$0x0], $0xffff  }
0x47a: {  	v36 =	vadd.f32 v37, v36;
	v37 =	vmul.f32 v39, v46;
	v46 =	vor.u32 $0xB, v35;
	v39 =	vld.idx.msk [tilespmem:v47+s31+$0x0], $0xffff  }
0x47b: {  	v47 =	vor.u32 $0xB, v34;
	v42 =	vld.idx.msk [tilespmem:v42+s29+$0x0], $0xffff  }
0x47c: {  	v36 =	vadd.f32 v37, v36;
	v37 =	vmul.f32 v41, v43;
	v43 =	vor.u32 $0xC, v35;
	v41 =	vld.idx.msk [tilespmem:v48+s31+$0x0], $0xffff  }
0x47d: {  	v48 =	vor.u32 $0xC, v34;
	v44 =	vld.idx.msk [tilespmem:v44+s29+$0x0], $0xffff  }
0x47e: {  	v36 =	vadd.f32 v37, v36;
	v37 =	vmul.f32 v38, v45;
	v45 =	vor.u32 $0xD, v35;
	v38 =	vld.idx.msk [tilespmem:v49+s31+$0x0], $0xffff  }
0x47f: {  	v49 =	vor.u32 $0xD, v34;
	v46 =	vld.idx.msk [tilespmem:v46+s29+$0x0], $0xffff  }
0x480: {  	v36 =	vadd.f32 v37, v36;
	v37 =	vmul.f32 v39, v40;
	v40 =	vor.u32 $0xE, v35;
	v39 =	vld.idx.msk [tilespmem:v47+s31+$0x0], $0xffff  }
0x481: {  	v47 =	vor.u32 $0xE, v34;
	v43 =	vld.idx.msk [tilespmem:v43+s29+$0x0], $0xffff  }
0x482: {  	v36 =	vadd.f32 v37, v36;
	v37 =	vmul.f32 v41, v42;
	v42 =	vor.u32 $0xF, v35;
	v41 =	vld.idx.msk [tilespmem:v48+s31+$0x0], $0xffff  }
0x483: {  	v48 =	vor.u32 $0xF, v34;
	v45 =	vld.idx.msk [tilespmem:v45+s29+$0x0], $0xffff  }
0x484: {  	v36 =	vadd.f32 v37, v36;
	v37 =	vmul.f32 v38, v44;
	v44 =	vor.u32 $0x10, v35;
	v38 =	vld.idx.msk [tilespmem:v49+s31+$0x0], $0xffff  }
0x485: {  	v49 =	vor.u32 $0x10, v34;
	v40 =	vld.idx.msk [tilespmem:v40+s29+$0x0], $0xffff  }
0x486: {  	v36 =	vadd.f32 v37, v36;
	v37 =	vmul.f32 v39, v46;
	v46 =	vor.u32 $0x11, v35;
	v39 =	vld.idx.msk [tilespmem:v47+s31+$0x0], $0xffff  }
0x487: {  	v47 =	vor.u32 $0x11, v34;
	v42 =	vld.idx.msk [tilespmem:v42+s29+$0x0], $0xffff  }
0x488: {  	v36 =	vadd.f32 v37, v36;
	v37 =	vmul.f32 v41, v43;
	v43 =	vor.u32 $0x12, v35;
	v41 =	vld.idx.msk [tilespmem:v48+s31+$0x0], $0xffff  }
0x489: {  	v48 =	vor.u32 $0x12, v34;
	v44 =	vld.idx.msk [tilespmem:v44+s29+$0x0], $0xffff  }
0x48a: {  	v36 =	vadd.f32 v37, v36;
	v37 =	vmul.f32 v38, v45;
	v45 =	vor.u32 $0x13, v35;
	v38 =	vld.idx.msk [tilespmem:v49+s31+$0x0], $0xffff  }
0x48b: {  	v49 =	vor.u32 $0x13, v34;
	v46 =	vld.idx.msk [tilespmem:v46+s29+$0x0], $0xffff  }
0x48c: {  	v36 =	vadd.f32 v37, v36;
	v37 =	vmul.f32 v39, v40;
	v40 =	vor.u32 $0x14, v35;
	v39 =	vld.idx.msk [tilespmem:v47+s31+$0x0], $0xffff  }
0x48d: {  	v47 =	vor.u32 $0x14, v34;
	v43 =	vld.idx.msk [tilespmem:v43+s29+$0x0], $0xffff  }
0x48e: {  	v36 =	vadd.f32 v37, v36;
	v37 =	vmul.f32 v41, v42;
	v42 =	vor.u32 $0x15, v35;
	v41 =	vld.idx.msk [tilespmem:v48+s31+$0x0], $0xffff  }
0x48f: {  	v48 =	vor.u32 $0x15, v34;
	v45 =	vld.idx.msk [tilespmem:v45+s29+$0x0], $0xffff  }
0x490: {  	v36 =	vadd.f32 v37, v36;
	v37 =	vmul.f32 v38, v44;
	v44 =	vor.u32 $0x16, v35;
	v38 =	vld.idx.msk [tilespmem:v49+s31+$0x0], $0xffff  }
0x491: {  	v49 =	vor.u32 $0x16, v34;
	v40 =	vld.idx.msk [tilespmem:v40+s29+$0x0], $0xffff  }
0x492: {  	v36 =	vadd.f32 v37, v36;
	v37 =	vmul.f32 v39, v46;
	v46 =	vor.u32 $0x17, v35;
	v39 =	vld.idx.msk [tilespmem:v47+s31+$0x0], $0xffff  }
0x493: {  	v47 =	vor.u32 $0x17, v34;
	v42 =	vld.idx.msk [tilespmem:v42+s29+$0x0], $0xffff  }
0x494: {  	v36 =	vadd.f32 v37, v36;
	v37 =	vmul.f32 v41, v43;
	v43 =	vor.u32 $0x18, v35;
	v41 =	vld.idx.msk [tilespmem:v48+s31+$0x0], $0xffff  }
0x495: {  	v48 =	vor.u32 $0x18, v34;
	v44 =	vld.idx.msk [tilespmem:v44+s29+$0x0], $0xffff  }
0x496: {  	v36 =	vadd.f32 v37, v36;
	v37 =	vmul.f32 v38, v45;
	v45 =	vor.u32 $0x19, v35;
	v38 =	vld.idx.msk [tilespmem:v49+s31+$0x0], $0xffff  }
0x497: {  	v49 =	vor.u32 $0x19, v34;
	v46 =	vld.idx.msk [tilespmem:v46+s29+$0x0], $0xffff  }
0x498: {  	v36 =	vadd.f32 v37, v36;
	v37 =	vmul.f32 v39, v40;
	v40 =	vor.u32 $0x1A, v35;
	v39 =	vld.idx.msk [tilespmem:v47+s31+$0x0], $0xffff  }
0x499: {  	v47 =	vor.u32 $0x1A, v34;
	v43 =	vld.idx.msk [tilespmem:v43+s29+$0x0], $0xffff  }
0x49a: {  	v36 =	vadd.f32 v37, v36;
	v37 =	vmul.f32 v41, v42;
	v42 =	vor.u32 $0x1B, v35;
	v41 =	vld.idx.msk [tilespmem:v48+s31+$0x0], $0xffff  }
0x49b: {  	v48 =	vor.u32 $0x1B, v34;
	v45 =	vld.idx.msk [tilespmem:v45+s29+$0x0], $0xffff  }
0x49c: {  	v36 =	vadd.f32 v37, v36;
	v37 =	vmul.f32 v38, v44;
	v44 =	vor.u32 $0x1C, v35;
	v38 =	vld.idx.msk [tilespmem:v49+s31+$0x0], $0xffff  }
0x49d: {  	v49 =	vor.u32 $0x1C, v34;
	v40 =	vld.idx.msk [tilespmem:v40+s29+$0x0], $0xffff  }
0x49e: {  	v36 =	vadd.f32 v37, v36;
	v37 =	vmul.f32 v39, v46;
	v46 =	vor.u32 $0x1D, v35;
	v39 =	vld.idx.msk [tilespmem:v47+s31+$0x0], $0xffff  }
0x49f: {  	v47 =	vor.u32 $0x1D, v34;
	v42 =	vld.idx.msk [tilespmem:v42+s29+$0x0], $0xffff  }
0x4a0: {  	v36 =	vadd.f32 v37, v36;
	v37 =	vmul.f32 v41, v43;
	v43 =	vor.u32 $0x1E, v35;
	v41 =	vld.idx.msk [tilespmem:v48+s31+$0x0], $0xffff  }
0x4a1: {  	v48 =	vor.u32 $0x1E, v34;
	v44 =	vld.idx.msk [tilespmem:v44+s29+$0x0], $0xffff  }
0x4a2: {  	v35 =	vor.u32 $0x1F, v35;
	v36 =	vadd.f32 v37, v36;
	v37 =	vmul.f32 v38, v45;
	v38 =	vld.idx.msk [tilespmem:v49+s31+$0x0], $0xffff  }
0x4a3: {  	v34 =	vor.u32 $0x1F, v34;
	v45 =	vld.idx.msk [tilespmem:v46+s29+$0x0], $0xffff  }
0x4a4: {  	v36 =	vadd.f32 v37, v36;
	v37 =	vmul.f32 v39, v40;
	v39 =	vld.idx.msk [tilespmem:v47+s31+$0x0], $0xffff  }
0x4a5: {  	v40 =	vld.idx.msk [tilespmem:v43+s29+$0x0], $0xffff  }
0x4a6: {  	v36 =	vadd.f32 v37, v36;
	v37 =	vmul.f32 v41, v42;
	v41 =	vld.idx.msk [tilespmem:v48+s31+$0x0], $0xffff  }
0x4a7: {  	v42 =	vld.idx.msk [tilespmem:v35+s29+$0x0], $0xffff  }
0x4a8: {  	v35 =	vadd.f32 v37, v36;
	v36 =	vmul.f32 v38, v44;
	v37 =	vld.idx.msk [tilespmem:v34+s31+$0x0], $0xffff;
	_ =	sdelay $0x1  }
0x4a9: {  	v34 =	vadd.f32 v36, v35;
	v35 =	vmul.f32 v39, v45  }
.Ltmp3:
0x4aa: {  	(pc) =	sbr.rel @p0 .LBB2_8-.Ltmp3, $3  }
0x4ab: {  	v35 =	vadd.f32 v35, v34;
	v36 =	vmul.f32 v41, v40;
	_ =	sdelay $0x1  }
0x4ac: {  	v34 =	vor.u32 s30, v24;
	v35 =	vadd.f32 v36, v35;
	v36 =	vmul.f32 v37, v42  }
0x4ad: {  	s30 =	sadd.s32 $0x10, s30  }
0x4ae: {  	_ =	sdelay $0x1  }
0x4af: {  	v35 =	vadd.f32 v36, v35;
	_ =	sdelay $0x1  }
0x4b0: {  	[tilespmem:v33+s17+$0x0] =	vst.idx.msk $0xffff, v35  }
0x4b1: {  	v33 =	vld.idx.msk [tilespmem:v34+s2+$0x0], $0xffff  }
0x4b2: {  	v35 =	vld.idx.msk [tilespmem:v34+s15+$0x0], $0xffff;
	_ =	sdelay $0x2  }
0x4b3: {  	v56 =	vmov s28  }
0x4b4: {  	v36 =	vshll.u32 v56, $0x7;
	v33 =	vshrl.u32 v33, $0x8  }
0x4b5: {  	v32 =	vor.u32 v32, v36;
	v35 =	vshrl.u32 v35, $0x8;
	v33 =	vand.u32 $0x60, v33  }
0x4b6: {  	v35 =	vand.u32 $0x60, v35;
	v33 =	vor.u32 v32, v33  }
0x4b7: {  	v32 =	vor.u32 v32, v35  }
0x4b8: {  	v57 =	vor.u32 $0x1, v33  }
0x4b9: {  	v58 =	vor.u32 $0x1, v32  }
0x4ba: {  	v37 =	vor.u32 $0x2, v33  }
0x4bb: {  	v39 =	vor.u32 $0x2, v32;
	v38 =	vld.idx.msk [tilespmem:v33+s29+$0x0], $0xffff  }
0x4bc: {  	v41 =	vor.u32 $0x3, v33;
	v40 =	vld.idx.msk [tilespmem:v32+s31+$0x0], $0xffff  }
0x4bd: {  	v42 =	vor.u32 $0x3, v32;
	v35 =	vld.idx.msk [tilespmem:v57+s29+$0x0], $0xffff  }
0x4be: {  	v43 =	vor.u32 $0x4, v33;
	v36 =	vld.idx.msk [tilespmem:v58+s31+$0x0], $0xffff  }
0x4bf: {  	v44 =	vor.u32 $0x4, v32;
	v37 =	vld.idx.msk [tilespmem:v37+s29+$0x0], $0xffff  }
0x4c0: {  	v45 =	vor.u32 $0x5, v33;
	v39 =	vld.idx.msk [tilespmem:v39+s31+$0x0], $0xffff  }
0x4c1: {  	v46 =	vor.u32 $0x5, v32;
	v41 =	vld.idx.msk [tilespmem:v41+s29+$0x0], $0xffff;
	v38 =	vmul.f32 v40, v38  }
0x4c2: {  	v60 =	vor.u32 $0x6, v33;
	v59 =	vld.idx.msk [tilespmem:v42+s31+$0x0], $0xffff  }
0x4c3: {  	v47 =	vor.u32 $0x6, v32;
	v43 =	vld.idx.msk [tilespmem:v43+s29+$0x0], $0xffff;
	v35 =	vmul.f32 v36, v35;
	v38 =	vadd.f32 $0.0e+00, v38  }
0x4c4: {  	v62 =	vor.u32 $0x7, v33;
	v61 =	vld.idx.msk [tilespmem:v44+s31+$0x0], $0xffff  }
0x4c5: {  	v48 =	vor.u32 $0x7, v32;
	v45 =	vld.idx.msk [tilespmem:v45+s29+$0x0], $0xffff;
	v37 =	vmul.f32 v39, v37;
	v35 =	vadd.f32 v35, v38  }
0x4c6: {  	v51 =	vor.u32 $0x8, v33;
	v63 =	vld.idx.msk [tilespmem:v46+s31+$0x0], $0xffff  }
0x4c7: {  	v52 =	vor.u32 $0x8, v32;
	v42 =	vld.idx.msk [tilespmem:v60+s29+$0x0], $0xffff;
	v53 =	vmul.f32 v59, v41;
	v35 =	vadd.f32 v37, v35  }
0x4c8: {  	v55 =	vor.u32 $0x9, v33;
	v54 =	vld.idx.msk [tilespmem:v47+s31+$0x0], $0xffff  }
0x4c9: {  	v56 =	vor.u32 $0x9, v32;
	v44 =	vld.idx.msk [tilespmem:v62+s29+$0x0], $0xffff;
	v36 =	vmul.f32 v61, v43;
	v35 =	vadd.f32 v53, v35  }
0x4ca: {  	v57 =	vld.idx.msk [tilespmem:v48+s31+$0x0], $0xffff;
	v58 =	vor.u32 $0xA, v33  }
0x4cb: {  	v39 =	vld.idx.msk [tilespmem:v51+s29+$0x0], $0xffff;
	v59 =	vor.u32 $0xA, v32;
	v60 =	vmul.f32 v63, v45;
	v35 =	vadd.f32 v36, v35  }
0x4cc: {  	v62 =	vor.u32 $0xB, v33;
	v61 =	vld.idx.msk [tilespmem:v52+s31+$0x0], $0xffff  }
0x4cd: {  	v41 =	vld.idx.msk [tilespmem:v55+s29+$0x0], $0xffff;
	v63 =	vor.u32 $0xB, v32;
	v52 =	vmul.f32 v54, v42;
	v35 =	vadd.f32 v60, v35  }
0x4ce: {  	v54 =	vor.u32 $0xC, v33;
	v53 =	vld.idx.msk [tilespmem:v56+s31+$0x0], $0xffff  }
0x4cf: {  	v43 =	vld.idx.msk [tilespmem:v58+s29+$0x0], $0xffff;
	v55 =	vor.u32 $0xC, v32;
	v56 =	vmul.f32 v57, v44;
	v35 =	vadd.f32 v52, v35  }
0x4d0: {  	v58 =	vor.u32 $0xD, v33;
	v57 =	vld.idx.msk [tilespmem:v59+s31+$0x0], $0xffff  }
0x4d1: {  	v45 =	vld.idx.msk [tilespmem:v62+s29+$0x0], $0xffff;
	v59 =	vor.u32 $0xD, v32;
	v60 =	vmul.f32 v61, v39;
	v35 =	vadd.f32 v56, v35  }
0x4d2: {  	v62 =	vor.u32 $0xE, v33;
	v61 =	vld.idx.msk [tilespmem:v63+s31+$0x0], $0xffff  }
0x4d3: {  	v42 =	vld.idx.msk [tilespmem:v54+s29+$0x0], $0xffff;
	v63 =	vor.u32 $0xE, v32;
	v52 =	vmul.f32 v53, v41;
	v35 =	vadd.f32 v60, v35  }
0x4d4: {  	v54 =	vor.u32 $0xF, v33;
	v53 =	vld.idx.msk [tilespmem:v55+s31+$0x0], $0xffff  }
0x4d5: {  	v44 =	vld.idx.msk [tilespmem:v58+s29+$0x0], $0xffff;
	v55 =	vor.u32 $0xF, v32;
	v56 =	vmul.f32 v57, v43;
	v35 =	vadd.f32 v52, v35  }
0x4d6: {  	v58 =	vor.u32 $0x10, v33;
	v57 =	vld.idx.msk [tilespmem:v59+s31+$0x0], $0xffff  }
0x4d7: {  	v39 =	vld.idx.msk [tilespmem:v62+s29+$0x0], $0xffff;
	v59 =	vor.u32 $0x10, v32;
	v60 =	vmul.f32 v61, v45;
	v35 =	vadd.f32 v56, v35  }
0x4d8: {  	v62 =	vor.u32 $0x11, v33;
	v61 =	vld.idx.msk [tilespmem:v63+s31+$0x0], $0xffff  }
0x4d9: {  	v41 =	vld.idx.msk [tilespmem:v54+s29+$0x0], $0xffff;
	v63 =	vor.u32 $0x11, v32;
	v52 =	vmul.f32 v53, v42;
	v35 =	vadd.f32 v60, v35  }
0x4da: {  	v54 =	vor.u32 $0x12, v33;
	v53 =	vld.idx.msk [tilespmem:v55+s31+$0x0], $0xffff  }
0x4db: {  	v43 =	vld.idx.msk [tilespmem:v58+s29+$0x0], $0xffff;
	v55 =	vor.u32 $0x12, v32;
	v56 =	vmul.f32 v57, v44;
	v35 =	vadd.f32 v52, v35  }
0x4dc: {  	v58 =	vor.u32 $0x13, v33;
	v57 =	vld.idx.msk [tilespmem:v59+s31+$0x0], $0xffff  }
0x4dd: {  	v45 =	vld.idx.msk [tilespmem:v62+s29+$0x0], $0xffff;
	v59 =	vor.u32 $0x13, v32;
	v60 =	vmul.f32 v61, v39;
	v35 =	vadd.f32 v56, v35  }
0x4de: {  	v62 =	vor.u32 $0x14, v33;
	v61 =	vld.idx.msk [tilespmem:v63+s31+$0x0], $0xffff  }
0x4df: {  	v42 =	vld.idx.msk [tilespmem:v54+s29+$0x0], $0xffff;
	v63 =	vor.u32 $0x14, v32;
	v52 =	vmul.f32 v53, v41;
	v35 =	vadd.f32 v60, v35  }
0x4e0: {  	v54 =	vor.u32 $0x15, v33;
	v53 =	vld.idx.msk [tilespmem:v55+s31+$0x0], $0xffff  }
0x4e1: {  	v44 =	vld.idx.msk [tilespmem:v58+s29+$0x0], $0xffff;
	v55 =	vor.u32 $0x15, v32;
	v56 =	vmul.f32 v57, v43;
	v35 =	vadd.f32 v52, v35  }
0x4e2: {  	v58 =	vor.u32 $0x16, v33;
	v57 =	vld.idx.msk [tilespmem:v59+s31+$0x0], $0xffff  }
0x4e3: {  	v39 =	vld.idx.msk [tilespmem:v62+s29+$0x0], $0xffff;
	v59 =	vor.u32 $0x16, v32;
	v60 =	vmul.f32 v61, v45;
	v35 =	vadd.f32 v56, v35  }
0x4e4: {  	v62 =	vor.u32 $0x17, v33;
	v61 =	vld.idx.msk [tilespmem:v63+s31+$0x0], $0xffff  }
0x4e5: {  	v41 =	vld.idx.msk [tilespmem:v54+s29+$0x0], $0xffff;
	v63 =	vor.u32 $0x17, v32;
	v52 =	vmul.f32 v53, v42;
	v35 =	vadd.f32 v60, v35  }
0x4e6: {  	v54 =	vor.u32 $0x18, v33;
	v53 =	vld.idx.msk [tilespmem:v55+s31+$0x0], $0xffff  }
0x4e7: {  	v43 =	vld.idx.msk [tilespmem:v58+s29+$0x0], $0xffff;
	v55 =	vor.u32 $0x18, v32;
	v56 =	vmul.f32 v57, v44;
	v35 =	vadd.f32 v52, v35  }
0x4e8: {  	v58 =	vor.u32 $0x19, v33;
	v57 =	vld.idx.msk [tilespmem:v59+s31+$0x0], $0xffff  }
0x4e9: {  	v45 =	vld.idx.msk [tilespmem:v62+s29+$0x0], $0xffff;
	v59 =	vor.u32 $0x19, v32;
	v60 =	vmul.f32 v61, v39;
	v35 =	vadd.f32 v56, v35  }
0x4ea: {  	v62 =	vor.u32 $0x1A, v33;
	v61 =	vld.idx.msk [tilespmem:v63+s31+$0x0], $0xffff  }
0x4eb: {  	v42 =	vld.idx.msk [tilespmem:v54+s29+$0x0], $0xffff;
	v63 =	vor.u32 $0x1A, v32;
	v52 =	vmul.f32 v53, v41;
	v35 =	vadd.f32 v60, v35  }
0x4ec: {  	v54 =	vor.u32 $0x1B, v33;
	v53 =	vld.idx.msk [tilespmem:v55+s31+$0x0], $0xffff  }
0x4ed: {  	v44 =	vld.idx.msk [tilespmem:v58+s29+$0x0], $0xffff;
	v55 =	vor.u32 $0x1B, v32;
	v56 =	vmul.f32 v57, v43;
	v35 =	vadd.f32 v52, v35  }
0x4ee: {  	v58 =	vor.u32 $0x1C, v33;
	v57 =	vld.idx.msk [tilespmem:v59+s31+$0x0], $0xffff  }
0x4ef: {  	v39 =	vld.idx.msk [tilespmem:v62+s29+$0x0], $0xffff;
	v59 =	vor.u32 $0x1C, v32;
	v60 =	vmul.f32 v61, v45;
	v35 =	vadd.f32 v56, v35  }
0x4f0: {  	v62 =	vor.u32 $0x1D, v33;
	v61 =	vld.idx.msk [tilespmem:v63+s31+$0x0], $0xffff  }
0x4f1: {  	v41 =	vld.idx.msk [tilespmem:v54+s29+$0x0], $0xffff;
	v63 =	vor.u32 $0x1D, v32;
	v49 =	vmul.f32 v53, v42;
	v35 =	vadd.f32 v60, v35  }
0x4f2: {  	v51 =	vor.u32 $0x1E, v33;
	v50 =	vld.idx.msk [tilespmem:v55+s31+$0x0], $0xffff  }
0x4f3: {  	v43 =	vld.idx.msk [tilespmem:v58+s29+$0x0], $0xffff;
	v52 =	vor.u32 $0x1E, v32;
	v53 =	vmul.f32 v57, v44;
	v35 =	vadd.f32 v49, v35  }
0x4f4: {  	v33 =	vor.u32 $0x1F, v33;
	v54 =	vld.idx.msk [tilespmem:v59+s31+$0x0], $0xffff  }
0x4f5: {  	v55 =	vld.idx.msk [tilespmem:v62+s29+$0x0], $0xffff;
	v32 =	vor.u32 $0x1F, v32;
	v56 =	vmul.f32 v61, v39;
	v35 =	vadd.f32 v53, v35  }
0x4f6: {  	v57 =	vld.idx.msk [tilespmem:v63+s31+$0x0], $0xffff  }
0x4f7: {  	v58 =	vld.idx.msk [tilespmem:v51+s29+$0x0], $0xffff;
	v59 =	vmul.f32 v50, v41;
	v35 =	vadd.f32 v56, v35  }
0x4f8: {  	v60 =	vld.idx.msk [tilespmem:v52+s31+$0x0], $0xffff  }
0x4f9: {  	v33 =	vld.idx.msk [tilespmem:v33+s29+$0x0], $0xffff;
	v61 =	vmul.f32 v54, v43;
	v35 =	vadd.f32 v59, v35  }
0x4fa: {  	v32 =	vld.idx.msk [tilespmem:v32+s31+$0x0], $0xffff  }
0x4fb: {  	v62 =	vmul.f32 v57, v55;
	v35 =	vadd.f32 v61, v35;
	_ =	sdelay $0x1  }
0x4fc: {  	v63 =	vmul.f32 v60, v58;
	v35 =	vadd.f32 v62, v35;
	_ =	sdelay $0x1  }
0x4fd: {  	v32 =	vmul.f32 v32, v33;
	v35 =	vadd.f32 v63, v35;
	_ =	sdelay $0x1  }
0x4fe: {  	s19 =	sadd.s32 $0x1, s19;
	v32 =	vadd.f32 v32, v35  }
0x4ff: {  	p0 =	sne.s32 s19, s14  }
.Ltmp4:
0x500: {  	[tilespmem:v34+s17+$0x0] =	vst.idx.msk $0xffff, v32;
	(pc) =	sbr.rel @p0 .LBB2_1-.Ltmp4, $4  }
0x501: {  	[hbm4b:s13+s2] =	stream.linear.scatter [tilespmem:s17], [sflag:$0x6], $0x200, $0x38;
	[tilespmem:$0x10A00] =	vst v63  }
0x502: {  	_ =	swait.ge [sflag:s18], $0x200  }
0x503: {  	[sflag:s18] =	ssyncset.done $0x0  }
0x504: {  	[sflag:s18] =	ssyncadd.s32 $0xFFFFFE00  }
0x505: {  	_ =	sfence.sel $0x180000  }
0x506: {  	[bflag:$0x0] =	sbarrier.arrive $0xFFFF  }
0x507: {  	_ =	strace $0x90000047  }
0x508: {  	s0 =	stileid.u32;
	[bflag:$0x2] =	sbarrier.arrive $0xFFFF  }
0x509: {  	p0 =	sne.s32 s0, $0x0;
	s0 =	rddreg [dreg:$0x4]  }
0x50a: {  	s0 =	sadd.s32 @!p0 $0x100000, s0  }
0x50b: {  	[sflag:s0] =	ssyncadd.tile.s32 @!p0 $0x1;
	_ =	shalt  }
.Lfunc_end2:
_tile_overlayer_lowered:
.L_overlay_start_2:
0x50c: {  	(tag) =	ssettag $0x2  }
0x50d: {  	s0 =	rddreg [dreg:$0x0];
	s2 =	stileid.u32  }
0x50e: {  	s1 =	rddreg [dreg:$0x1];
	p0 =	sne.s32 s2, $0x0  }
0x50f: {  	s3 =	rddreg [dreg:$0x2];
	[bflag:$0x3] =	sbarrier.arrive $0xFFFF;
	s2 =	simm.s32 @!p0 $0x1C06  }
0x510: {  	[timem:s3], [sflag:s2] =	dma.local @!p0 [hbm:s0], s1  }
0x511: {  	s0 =	simm.s32 @!p0 $0x6  }
0x512: {  	_ =	swait.ge @!p0 [sflag:s0], s1  }
0x513: {  	s1 =	ssub.s32 @!p0 $0x0, s1;
	[sflag:s0] =	ssyncset.done @!p0 $0x0  }
0x514: {  	[sflag:s0] =	ssyncadd.s32 @!p0 s1  }
0x515: {  	[bflag:$0x3] =	sbarrier.arrive $0xFFFF  }
0x516: {  	_ =	shalt  }

</sc_bundles>
